<compile_context>
chip_gen: v7x
topology: tpu7x:2x2x1
jax: 0.10.2.dev20260603
libtpu: 0.0.44.dev20260713+nightly
codegen_flags: <defaults>
</compile_context>

<pallas_src>
import jax
import jax.numpy as jnp
from jax import lax
from jax.experimental import pallas as pl
from jax.experimental.pallas import tpu as pltpu
from jax.experimental.pallas import tpu_sc as plsc

_DIM = 1024
_B = 4
_L = 2048
_NW = 32
_PPW = _L // _NW
_CH = 16
_NJ = _PPW // _CH
_NSTEP = _NJ * _B
_NB = 5
_LANES = 16


def _emb_body(ids_hbm, tok_hbm, pos_hbm, out_hbm, idx_v, pos_v, rows_v,
              gsem, osem, psem, isem):
    nc = 2
    wid = lax.axis_index("s") * nc + lax.axis_index("c")
    p0 = wid * _PPW

    idx_d = [
        pltpu.async_copy(ids_hbm.at[bb, pl.ds(p0, _PPW)], idx_v.at[bb], isem)
        for bb in range(_B)
    ]
    pos_d = [None] * _NJ
    for j in range(2):
        pos_d[j] = pltpu.async_copy(
            pos_hbm.at[pl.ds(p0 + j * _CH, _CH)], pos_v.at[j % 2],
            psem.at[j % 2])

    def start_gather(s):
        j, bb = divmod(s, _B)
        rb = s % _NB
        return pltpu.async_copy(
            tok_hbm.at[idx_v.at[bb, pl.ds(j * _CH, _CH)]],
            rows_v.at[rb], gsem.at[rb])

    def start_out(s):
        j, bb = divmod(s, _B)
        rb = s % _NB
        return pltpu.async_copy(
            rows_v.at[rb],
            out_hbm.at[bb, pl.ds(p0 + j * _CH, _CH)], osem.at[rb])

    gat_d = [None] * _NSTEP
    out_d = [None] * _NSTEP
    for s in range(_NB - 1):
        if s < _B:
            idx_d[s].wait()
        gat_d[s] = start_gather(s)

    for s in range(_NSTEP):
        j, bb = divmod(s, _B)
        rb = s % _NB
        if bb == 0:
            pos_d[j].wait()
        gat_d[s].wait()

        pb = j % 2

        @plsc.parallel_loop(0, _CH)
        def _(r):
            @plsc.parallel_loop(0, _DIM, step=_LANES, unroll=4)
            def _(co):
                sl = pl.ds(co, _LANES)
                plsc.addupdate(rows_v.at[rb, r, sl], pos_v[pb, r, sl])

        if bb == _B - 1 and j + 2 < _NJ:
            pos_d[j + 2] = pltpu.async_copy(
                pos_hbm.at[pl.ds(p0 + (j + 2) * _CH, _CH)],
                pos_v.at[j % 2], psem.at[j % 2])
        out_d[s] = start_out(s)
        if s + _NB - 1 < _NSTEP:
            if s >= 1:
                out_d[s - 1].wait()
            gat_d[s + _NB - 1] = start_gather(s + _NB - 1)

    for s in range(_NSTEP - _NB, _NSTEP):
        out_d[s].wait()


@jax.jit
def _emb(token_ids, tok_table, pos_table):
    mesh = plsc.VectorSubcoreMesh(core_axis_name="c", subcore_axis_name="s")
    return pl.kernel(
        _emb_body,
        out_type=jax.ShapeDtypeStruct((_B, _L, _DIM), jnp.float32),
        mesh=mesh,
        scratch_types=[
            pltpu.VMEM((_B, _PPW), jnp.int32),
            pltpu.VMEM((2, _CH, _DIM), jnp.float32),
            pltpu.VMEM((_NB, _CH, _DIM), jnp.float32),
            pltpu.SemaphoreType.DMA((_NB,)),
            pltpu.SemaphoreType.DMA((_NB,)),
            pltpu.SemaphoreType.DMA((2,)),
            pltpu.SemaphoreType.DMA,
        ],
    )(token_ids, tok_table, pos_table)


def kernel(token_ids, tok_table, pos_table):
    return _emb(token_ids.astype(jnp.int32), tok_table, pos_table)

# --- scband reference (transcript-rebuilt; emitter-appended) ---
"""Pipeline reference for scband-learned-14903536517711 (READ-ONLY COPY).

The authoritative reference and input builder live on the scoring server;
editing this copy changes nothing except your own understanding.
"""

import jax, jax.numpy as jnp
import numpy as np

VOCAB = 100000
CTX = 2048
DIM = 1024
B = 4
L = 2048

def setup_inputs(seed: int = 0) -> dict:
    key = jax.random.key(seed)
    k1, k2, k3 = jax.random.split(key, 3)
    token_ids = jax.random.randint(k1, (B, L), 0, VOCAB, dtype=jnp.int64 if jax.config.jax_enable_x64 else jnp.int32)
    tok_table = jax.random.normal(k2, (VOCAB, DIM), dtype=jnp.float32) * 0.02
    pos_table = jax.random.normal(k3, (CTX, DIM), dtype=jnp.float32) * 0.02
    return {"token_ids": token_ids, "tok_table": tok_table, "pos_table": pos_table}

def reference(token_ids, tok_table, pos_table):
    # tok embedding lookup (gather)
    tok_emb = jnp.take(tok_table, token_ids, axis=0)          # [B, L, DIM]
    # learned positional embedding
    Lcur = token_ids.shape[1]
    posns = jnp.arange(0, Lcur, dtype=jnp.int32)
    pos_emb = jnp.take(pos_table, posns, axis=0)[None, :, :]  # [1, L, DIM]
    x = tok_emb + pos_emb
    # dropout deterministic (train=False) -> identity
    return x

if __name__ == "__main__":
    import jax
    _d = setup_inputs()
    print(jax.jit(kernel)(*tuple(_d.values())))

</pallas_src>

<mosaic_0001>
#map = affine_map<(d0, d1) -> (0, 0)>
#map1 = affine_map<(d0, d1) -> (0, 0, 0)>
module attributes {stable_mosaic.version = 14 : i64} {
  func.func @_emb_body(%arg0: i32, %arg1: i32, %arg2: memref<4x2048xi32, #tpu.memory_space<hbm>>, %arg3: memref<100000x1024xf32, #tpu.memory_space<hbm>>, %arg4: memref<2048x1024xf32, #tpu.memory_space<hbm>>, %arg5: memref<4x2048x1024xf32, #tpu.memory_space<hbm>>, %arg6: memref<4x64xi32, #tpu.memory_space<vmem>>, %arg7: memref<2x16x1024xf32, #tpu.memory_space<vmem>>, %arg8: memref<5x16x1024xf32, #tpu.memory_space<vmem>>, %arg9: memref<5x!tpu.dma_semaphore, #tpu.memory_space<semaphore_mem>>, %arg10: memref<5x!tpu.dma_semaphore, #tpu.memory_space<semaphore_mem>>, %arg11: memref<2x!tpu.dma_semaphore, #tpu.memory_space<semaphore_mem>>, %arg12: memref<!tpu.dma_semaphore, #tpu.memory_space<semaphore_mem>>) attributes {dimension_semantics = [#tpu.dimension_semantics<core_parallel>, #tpu.dimension_semantics<subcore_parallel>], iteration_bounds = array<i64: 2, 16>, scalar_prefetch = 0 : i64, scratch_operands = 7 : i64, tpu.core_type = #tpu.core_type<sc_vector_subcore>, window_params = [{transform_indices = #map}, {transform_indices = #map}, {transform_indices = #map}, {transform_indices = #map1}]} {
    %mul3A = arith.constant 2 : i32
    %mul3A_0 = arith.muli %arg1, %mul3A : i32
    %add3A = arith.addi %mul3A_0, %arg0 : i32
    %mul3A_1 = arith.constant 64 : i32
    %mul3A_2 = arith.muli %add3A, %mul3A_1 : i32
    %dma_start3A = arith.constant 0 : i32
    %dma_start3A_3 = arith.constant 0 : i32
    %dma_start3A_4 = arith.constant 0 : i32
    %dma_start3A_5 = tpu.memref_slice %arg6[%dma_start3A_3, %dma_start3A_4] : memref<4x64xi32, #tpu.memory_space<vmem>> -> memref<1x64xi32, #tpu.memory_space<vmem>>
    %dma_start3A_6 = tpu.memref_squeeze %dma_start3A_5 : memref<1x64xi32, #tpu.memory_space<vmem>> -> memref<64xi32, #tpu.memory_space<vmem>>
    %dma_start3A_7 = tpu.memref_slice %arg2[%dma_start3A, %mul3A_2] : memref<4x2048xi32, #tpu.memory_space<hbm>> -> memref<1x64xi32, #tpu.memory_space<hbm>>
    %dma_start3A_8 = tpu.memref_squeeze %dma_start3A_7 : memref<1x64xi32, #tpu.memory_space<hbm>> -> memref<64xi32, #tpu.memory_space<hbm>>
    %dma_start3A_9 = arith.constant 0 : i32
    %dma_start3A_10 = tpu.memref_slice %arg6[%dma_start3A_3, %dma_start3A_9] : memref<4x64xi32, #tpu.memory_space<vmem>> -> memref<1x64xi32, #tpu.memory_space<vmem>>
    %dma_start3A_11 = tpu.memref_squeeze %dma_start3A_10 : memref<1x64xi32, #tpu.memory_space<vmem>> -> memref<64xi32, #tpu.memory_space<vmem>>
    %dma_start3A_12 = tpu.memref_slice %arg2[%dma_start3A, %mul3A_2] : memref<4x2048xi32, #tpu.memory_space<hbm>> -> memref<1x64xi32, #tpu.memory_space<hbm>>
    %dma_start3A_13 = tpu.memref_squeeze %dma_start3A_12 : memref<1x64xi32, #tpu.memory_space<hbm>> -> memref<64xi32, #tpu.memory_space<hbm>>
    tpu.enqueue_dma source(%dma_start3A_13 : memref<64xi32, #tpu.memory_space<hbm>>) target(%dma_start3A_11 : memref<64xi32, #tpu.memory_space<vmem>>) target_semaphore(%arg12 : memref<!tpu.dma_semaphore, #tpu.memory_space<semaphore_mem>>)
    %dma_start3A_14 = arith.constant 1 : i32
    %dma_start3A_15 = arith.constant 1 : i32
    %dma_start3A_16 = arith.constant 0 : i32
    %dma_start3A_17 = tpu.memref_slice %arg6[%dma_start3A_15, %dma_start3A_16] : memref<4x64xi32, #tpu.memory_space<vmem>> -> memref<1x64xi32, #tpu.memory_space<vmem>>
    %dma_start3A_18 = tpu.memref_squeeze %dma_start3A_17 : memref<1x64xi32, #tpu.memory_space<vmem>> -> memref<64xi32, #tpu.memory_space<vmem>>
    %dma_start3A_19 = tpu.memref_slice %arg2[%dma_start3A_14, %mul3A_2] : memref<4x2048xi32, #tpu.memory_space<hbm>> -> memref<1x64xi32, #tpu.memory_space<hbm>>
    %dma_start3A_20 = tpu.memref_squeeze %dma_start3A_19 : memref<1x64xi32, #tpu.memory_space<hbm>> -> memref<64xi32, #tpu.memory_space<hbm>>
    %dma_start3A_21 = arith.constant 0 : i32
    %dma_start3A_22 = tpu.memref_slice %arg6[%dma_start3A_15, %dma_start3A_21] : memref<4x64xi32, #tpu.memory_space<vmem>> -> memref<1x64xi32, #tpu.memory_space<vmem>>
    %dma_start3A_23 = tpu.memref_squeeze %dma_start3A_22 : memref<1x64xi32, #tpu.memory_space<vmem>> -> memref<64xi32, #tpu.memory_space<vmem>>
    %dma_start3A_24 = tpu.memref_slice %arg2[%dma_start3A_14, %mul3A_2] : memref<4x2048xi32, #tpu.memory_space<hbm>> -> memref<1x64xi32, #tpu.memory_space<hbm>>
    %dma_start3A_25 = tpu.memref_squeeze %dma_start3A_24 : memref<1x64xi32, #tpu.memory_space<hbm>> -> memref<64xi32, #tpu.memory_space<hbm>>
    tpu.enqueue_dma source(%dma_start3A_25 : memref<64xi32, #tpu.memory_space<hbm>>) target(%dma_start3A_23 : memref<64xi32, #tpu.memory_space<vmem>>) target_semaphore(%arg12 : memref<!tpu.dma_semaphore, #tpu.memory_space<semaphore_mem>>)
    %dma_start3A_26 = arith.constant 2 : i32
    %dma_start3A_27 = arith.constant 2 : i32
    %dma_start3A_28 = arith.constant 0 : i32
    %dma_start3A_29 = tpu.memref_slice %arg6[%dma_start3A_27, %dma_start3A_28] : memref<4x64xi32, #tpu.memory_space<vmem>> -> memref<1x64xi32, #tpu.memory_space<vmem>>
    %dma_start3A_30 = tpu.memref_squeeze %dma_start3A_29 : memref<1x64xi32, #tpu.memory_space<vmem>> -> memref<64xi32, #tpu.memory_space<vmem>>
    %dma_start3A_31 = tpu.memref_slice %arg2[%dma_start3A_26, %mul3A_2] : memref<4x2048xi32, #tpu.memory_space<hbm>> -> memref<1x64xi32, #tpu.memory_space<hbm>>
    %dma_start3A_32 = tpu.memref_squeeze %dma_start3A_31 : memref<1x64xi32, #tpu.memory_space<hbm>> -> memref<64xi32, #tpu.memory_space<hbm>>
    %dma_start3A_33 = arith.constant 0 : i32
    %dma_start3A_34 = tpu.memref_slice %arg6[%dma_start3A_27, %dma_start3A_33] : memref<4x64xi32, #tpu.memory_space<vmem>> -> memref<1x64xi32, #tpu.memory_space<vmem>>
    %dma_start3A_35 = tpu.memref_squeeze %dma_start3A_34 : memref<1x64xi32, #tpu.memory_space<vmem>> -> memref<64xi32, #tpu.memory_space<vmem>>
    %dma_start3A_36 = tpu.memref_slice %arg2[%dma_start3A_26, %mul3A_2] : memref<4x2048xi32, #tpu.memory_space<hbm>> -> memref<1x64xi32, #tpu.memory_space<hbm>>
    %dma_start3A_37 = tpu.memref_squeeze %dma_start3A_36 : memref<1x64xi32, #tpu.memory_space<hbm>> -> memref<64xi32, #tpu.memory_space<hbm>>
    tpu.enqueue_dma source(%dma_start3A_37 : memref<64xi32, #tpu.memory_space<hbm>>) target(%dma_start3A_35 : memref<64xi32, #tpu.memory_space<vmem>>) target_semaphore(%arg12 : memref<!tpu.dma_semaphore, #tpu.memory_space<semaphore_mem>>)
    %dma_start3A_38 = arith.constant 3 : i32
    %dma_start3A_39 = arith.constant 3 : i32
    %dma_start3A_40 = arith.constant 0 : i32
    %dma_start3A_41 = tpu.memref_slice %arg6[%dma_start3A_39, %dma_start3A_40] : memref<4x64xi32, #tpu.memory_space<vmem>> -> memref<1x64xi32, #tpu.memory_space<vmem>>
    %dma_start3A_42 = tpu.memref_squeeze %dma_start3A_41 : memref<1x64xi32, #tpu.memory_space<vmem>> -> memref<64xi32, #tpu.memory_space<vmem>>
    %dma_start3A_43 = tpu.memref_slice %arg2[%dma_start3A_38, %mul3A_2] : memref<4x2048xi32, #tpu.memory_space<hbm>> -> memref<1x64xi32, #tpu.memory_space<hbm>>
    %dma_start3A_44 = tpu.memref_squeeze %dma_start3A_43 : memref<1x64xi32, #tpu.memory_space<hbm>> -> memref<64xi32, #tpu.memory_space<hbm>>
    %dma_start3A_45 = arith.constant 0 : i32
    %dma_start3A_46 = tpu.memref_slice %arg6[%dma_start3A_39, %dma_start3A_45] : memref<4x64xi32, #tpu.memory_space<vmem>> -> memref<1x64xi32, #tpu.memory_space<vmem>>
    %dma_start3A_47 = tpu.memref_squeeze %dma_start3A_46 : memref<1x64xi32, #tpu.memory_space<vmem>> -> memref<64xi32, #tpu.memory_space<vmem>>
    %dma_start3A_48 = tpu.memref_slice %arg2[%dma_start3A_38, %mul3A_2] : memref<4x2048xi32, #tpu.memory_space<hbm>> -> memref<1x64xi32, #tpu.memory_space<hbm>>
    %dma_start3A_49 = tpu.memref_squeeze %dma_start3A_48 : memref<1x64xi32, #tpu.memory_space<hbm>> -> memref<64xi32, #tpu.memory_space<hbm>>
    tpu.enqueue_dma source(%dma_start3A_49 : memref<64xi32, #tpu.memory_space<hbm>>) target(%dma_start3A_47 : memref<64xi32, #tpu.memory_space<vmem>>) target_semaphore(%arg12 : memref<!tpu.dma_semaphore, #tpu.memory_space<semaphore_mem>>)
    %add3A_50 = arith.constant 0 : i32
    %add3A_51 = arith.addi %mul3A_2, %add3A_50 : i32
    %dma_start3A_52 = arith.constant 0 : i32
    %dma_start3A_53 = arith.constant 0 : i32
    %dma_start3A_54 = arith.constant 0 : i32
    %dma_start3A_55 = arith.constant 0 : i32
    %dma_start3A_56 = tpu.memref_slice %arg7[%dma_start3A_52, %dma_start3A_54, %dma_start3A_55] : memref<2x16x1024xf32, #tpu.memory_space<vmem>> -> memref<1x16x1024xf32, #tpu.memory_space<vmem>>
    %dma_start3A_57 = tpu.memref_squeeze %dma_start3A_56 : memref<1x16x1024xf32, #tpu.memory_space<vmem>> -> memref<16x1024xf32, #tpu.memory_space<vmem>>
    %dma_start3A_58 = arith.constant 0 : i32
    %dma_start3A_59 = tpu.memref_slice %arg4[%add3A_51, %dma_start3A_58] : memref<2048x1024xf32, #tpu.memory_space<hbm>> -> memref<16x1024xf32, #tpu.memory_space<hbm>>
    %dma_start3A_60 = tpu.memref_slice %arg11[%dma_start3A_53] : memref<2x!tpu.dma_semaphore, #tpu.memory_space<semaphore_mem>> -> memref<1x!tpu.dma_semaphore, #tpu.memory_space<semaphore_mem>>
    %dma_start3A_61 = tpu.memref_squeeze %dma_start3A_60 : memref<1x!tpu.dma_semaphore, #tpu.memory_space<semaphore_mem>> -> memref<!tpu.dma_semaphore, #tpu.memory_space<semaphore_mem>>
    %dma_start3A_62 = arith.constant 0 : i32
    %dma_start3A_63 = arith.constant 0 : i32
    %dma_start3A_64 = tpu.memref_slice %arg7[%dma_start3A_52, %dma_start3A_62, %dma_start3A_63] : memref<2x16x1024xf32, #tpu.memory_space<vmem>> -> memref<1x16x1024xf32, #tpu.memory_space<vmem>>
    %dma_start3A_65 = tpu.memref_squeeze %dma_start3A_64 : memref<1x16x1024xf32, #tpu.memory_space<vmem>> -> memref<16x1024xf32, #tpu.memory_space<vmem>>
    %dma_start3A_66 = arith.constant 0 : i32
    %dma_start3A_67 = tpu.memref_slice %arg4[%add3A_51, %dma_start3A_66] : memref<2048x1024xf32, #tpu.memory_space<hbm>> -> memref<16x1024xf32, #tpu.memory_space<hbm>>
    tpu.enqueue_dma source(%dma_start3A_67 : memref<16x1024xf32, #tpu.memory_space<hbm>>) target(%dma_start3A_65 : memref<16x1024xf32, #tpu.memory_space<vmem>>) target_semaphore(%dma_start3A_61 : memref<!tpu.dma_semaphore, #tpu.memory_space<semaphore_mem>>)
    %add3A_68 = arith.constant 16 : i32
    %add3A_69 = arith.addi %mul3A_2, %add3A_68 : i32
    %dma_start3A_70 = arith.constant 1 : i32
    %dma_start3A_71 = arith.constant 1 : i32
    %dma_start3A_72 = arith.constant 0 : i32
    %dma_start3A_73 = arith.constant 0 : i32
    %dma_start3A_74 = tpu.memref_slice %arg7[%dma_start3A_70, %dma_start3A_72, %dma_start3A_73] : memref<2x16x1024xf32, #tpu.memory_space<vmem>> -> memref<1x16x1024xf32, #tpu.memory_space<vmem>>
    %dma_start3A_75 = tpu.memref_squeeze %dma_start3A_74 : memref<1x16x1024xf32, #tpu.memory_space<vmem>> -> memref<16x1024xf32, #tpu.memory_space<vmem>>
    %dma_start3A_76 = arith.constant 0 : i32
    %dma_start3A_77 = tpu.memref_slice %arg4[%add3A_69, %dma_start3A_76] : memref<2048x1024xf32, #tpu.memory_space<hbm>> -> memref<16x1024xf32, #tpu.memory_space<hbm>>
    %dma_start3A_78 = tpu.memref_slice %arg11[%dma_start3A_71] : memref<2x!tpu.dma_semaphore, #tpu.memory_space<semaphore_mem>> -> memref<1x!tpu.dma_semaphore, #tpu.memory_space<semaphore_mem>>
    %dma_start3A_79 = tpu.memref_squeeze %dma_start3A_78 : memref<1x!tpu.dma_semaphore, #tpu.memory_space<semaphore_mem>> -> memref<!tpu.dma_semaphore, #tpu.memory_space<semaphore_mem>>
    %dma_start3A_80 = arith.constant 0 : i32
    %dma_start3A_81 = arith.constant 0 : i32
    %dma_start3A_82 = tpu.memref_slice %arg7[%dma_start3A_70, %dma_start3A_80, %dma_start3A_81] : memref<2x16x1024xf32, #tpu.memory_space<vmem>> -> memref<1x16x1024xf32, #tpu.memory_space<vmem>>
    %dma_start3A_83 = tpu.memref_squeeze %dma_start3A_82 : memref<1x16x1024xf32, #tpu.memory_space<vmem>> -> memref<16x1024xf32, #tpu.memory_space<vmem>>
    %dma_start3A_84 = arith.constant 0 : i32
    %dma_start3A_85 = tpu.memref_slice %arg4[%add3A_69, %dma_start3A_84] : memref<2048x1024xf32, #tpu.memory_space<hbm>> -> memref<16x1024xf32, #tpu.memory_space<hbm>>
    tpu.enqueue_dma source(%dma_start3A_85 : memref<16x1024xf32, #tpu.memory_space<hbm>>) target(%dma_start3A_83 : memref<16x1024xf32, #tpu.memory_space<vmem>>) target_semaphore(%dma_start3A_79 : memref<!tpu.dma_semaphore, #tpu.memory_space<semaphore_mem>>)
    %dma_wait3A = arith.constant 0 : i32
    %dma_wait3A_86 = arith.constant 0 : i32
    %dma_wait3A_87 = arith.constant 0 : i32
    %dma_wait3A_88 = tpu.memref_slice %arg6[%dma_wait3A_86, %dma_wait3A_87] : memref<4x64xi32, #tpu.memory_space<vmem>> -> memref<1x64xi32, #tpu.memory_space<vmem>>
    %dma_wait3A_89 = tpu.memref_squeeze %dma_wait3A_88 : memref<1x64xi32, #tpu.memory_space<vmem>> -> memref<64xi32, #tpu.memory_space<vmem>>
    %dma_wait3A_90 = tpu.memref_slice %arg2[%dma_wait3A, %mul3A_2] : memref<4x2048xi32, #tpu.memory_space<hbm>> -> memref<1x64xi32, #tpu.memory_space<hbm>>
    %dma_wait3A_91 = tpu.memref_squeeze %dma_wait3A_90 : memref<1x64xi32, #tpu.memory_space<hbm>> -> memref<64xi32, #tpu.memory_space<hbm>>
    %dma_wait3A_92 = arith.constant 0 : i32
    %dma_wait3A_93 = tpu.memref_slice %arg6[%dma_wait3A_86, %dma_wait3A_92] : memref<4x64xi32, #tpu.memory_space<vmem>> -> memref<1x64xi32, #tpu.memory_space<vmem>>
    %dma_wait3A_94 = tpu.memref_squeeze %dma_wait3A_93 : memref<1x64xi32, #tpu.memory_space<vmem>> -> memref<64xi32, #tpu.memory_space<vmem>>
    %dma_wait3A_95 = tpu.memref_slice %arg2[%dma_wait3A, %mul3A_2] : memref<4x2048xi32, #tpu.memory_space<hbm>> -> memref<1x64xi32, #tpu.memory_space<hbm>>
    %dma_wait3A_96 = tpu.memref_squeeze %dma_wait3A_95 : memref<1x64xi32, #tpu.memory_space<hbm>> -> memref<64xi32, #tpu.memory_space<hbm>>
    tpu.wait_dma2 semaphore(%arg12 : memref<!tpu.dma_semaphore, #tpu.memory_space<semaphore_mem>>) src(%dma_wait3A_96 : memref<64xi32, #tpu.memory_space<hbm>>) dst(%dma_wait3A_94 : memref<64xi32, #tpu.memory_space<vmem>>)
    %dma_start3A_97 = arith.constant 0 : i32
    %dma_start3A_98 = arith.constant 0 : i32
    %dma_start3A_99 = arith.constant 0 : i32
    %dma_start3A_100 = arith.constant 0 : i32
    %dma_start3A_101 = arith.constant 0 : i32
    %dma_start3A_102 = tpu.memref_slice %arg8[%dma_start3A_98, %dma_start3A_100, %dma_start3A_101] : memref<5x16x1024xf32, #tpu.memory_space<vmem>> -> memref<1x16x1024xf32, #tpu.memory_space<vmem>>
    %dma_start3A_103 = tpu.memref_squeeze %dma_start3A_102 : memref<1x16x1024xf32, #tpu.memory_space<vmem>> -> memref<16x1024xf32, #tpu.memory_space<vmem>>
    %dma_start3A_104 = arith.constant 0 : i32
    %dma_start3A_105 = tpu.memref_slice %arg6[%dma_start3A_97, %dma_start3A_104] : memref<4x64xi32, #tpu.memory_space<vmem>> -> memref<1x16xi32, #tpu.memory_space<vmem>>
    %dma_start3A_106 = tpu.memref_squeeze %dma_start3A_105 : memref<1x16xi32, #tpu.memory_space<vmem>> -> memref<16xi32, #tpu.memory_space<vmem>>
    %dma_start3A_107 = arith.constant 0 : i32
    %dma_start3A_108 = arith.constant 0 : i32
    %dma_start3A_109 = tpu.memref_slice %arg3[%dma_start3A_107, %dma_start3A_108] : memref<100000x1024xf32, #tpu.memory_space<hbm>> -> memref<100000x1024xf32, #tpu.memory_space<hbm>>
    %dma_start3A_110 = tpu.memref_slice %arg9[%dma_start3A_99] : memref<5x!tpu.dma_semaphore, #tpu.memory_space<semaphore_mem>> -> memref<1x!tpu.dma_semaphore, #tpu.memory_space<semaphore_mem>>
    %dma_start3A_111 = tpu.memref_squeeze %dma_start3A_110 : memref<1x!tpu.dma_semaphore, #tpu.memory_space<semaphore_mem>> -> memref<!tpu.dma_semaphore, #tpu.memory_space<semaphore_mem>>
    tpu.enqueue_indirect_dma source(%dma_start3A_109 : memref<100000x1024xf32, #tpu.memory_space<hbm>>) target(%dma_start3A_103 : memref<16x1024xf32, #tpu.memory_space<vmem>>) offsets(%dma_start3A_106 : memref<16xi32, #tpu.memory_space<vmem>>) semaphore(%dma_start3A_111 : memref<!tpu.dma_semaphore, #tpu.memory_space<semaphore_mem>>)
    %dma_wait3A_112 = arith.constant 1 : i32
    %dma_wait3A_113 = arith.constant 1 : i32
    %dma_wait3A_114 = arith.constant 0 : i32
    %dma_wait3A_115 = tpu.memref_slice %arg6[%dma_wait3A_113, %dma_wait3A_114] : memref<4x64xi32, #tpu.memory_space<vmem>> -> memref<1x64xi32, #tpu.memory_space<vmem>>
    %dma_wait3A_116 = tpu.memref_squeeze %dma_wait3A_115 : memref<1x64xi32, #tpu.memory_space<vmem>> -> memref<64xi32, #tpu.memory_space<vmem>>
    %dma_wait3A_117 = tpu.memref_slice %arg2[%dma_wait3A_112, %mul3A_2] : memref<4x2048xi32, #tpu.memory_space<hbm>> -> memref<1x64xi32, #tpu.memory_space<hbm>>
    %dma_wait3A_118 = tpu.memref_squeeze %dma_wait3A_117 : memref<1x64xi32, #tpu.memory_space<hbm>> -> memref<64xi32, #tpu.memory_space<hbm>>
    %dma_wait3A_119 = arith.constant 0 : i32
    %dma_wait3A_120 = tpu.memref_slice %arg6[%dma_wait3A_113, %dma_wait3A_119] : memref<4x64xi32, #tpu.memory_space<vmem>> -> memref<1x64xi32, #tpu.memory_space<vmem>>
    %dma_wait3A_121 = tpu.memref_squeeze %dma_wait3A_120 : memref<1x64xi32, #tpu.memory_space<vmem>> -> memref<64xi32, #tpu.memory_space<vmem>>
    %dma_wait3A_122 = tpu.memref_slice %arg2[%dma_wait3A_112, %mul3A_2] : memref<4x2048xi32, #tpu.memory_space<hbm>> -> memref<1x64xi32, #tpu.memory_space<hbm>>
    %dma_wait3A_123 = tpu.memref_squeeze %dma_wait3A_122 : memref<1x64xi32, #tpu.memory_space<hbm>> -> memref<64xi32, #tpu.memory_space<hbm>>
    tpu.wait_dma2 semaphore(%arg12 : memref<!tpu.dma_semaphore, #tpu.memory_space<semaphore_mem>>) src(%dma_wait3A_123 : memref<64xi32, #tpu.memory_space<hbm>>) dst(%dma_wait3A_121 : memref<64xi32, #tpu.memory_space<vmem>>)
    %dma_start3A_124 = arith.constant 1 : i32
    %dma_start3A_125 = arith.constant 1 : i32
    %dma_start3A_126 = arith.constant 1 : i32
    %dma_start3A_127 = arith.constant 0 : i32
    %dma_start3A_128 = arith.constant 0 : i32
    %dma_start3A_129 = tpu.memref_slice %arg8[%dma_start3A_125, %dma_start3A_127, %dma_start3A_128] : memref<5x16x1024xf32, #tpu.memory_space<vmem>> -> memref<1x16x1024xf32, #tpu.memory_space<vmem>>
    %dma_start3A_130 = tpu.memref_squeeze %dma_start3A_129 : memref<1x16x1024xf32, #tpu.memory_space<vmem>> -> memref<16x1024xf32, #tpu.memory_space<vmem>>
    %dma_start3A_131 = arith.constant 0 : i32
    %dma_start3A_132 = tpu.memref_slice %arg6[%dma_start3A_124, %dma_start3A_131] : memref<4x64xi32, #tpu.memory_space<vmem>> -> memref<1x16xi32, #tpu.memory_space<vmem>>
    %dma_start3A_133 = tpu.memref_squeeze %dma_start3A_132 : memref<1x16xi32, #tpu.memory_space<vmem>> -> memref<16xi32, #tpu.memory_space<vmem>>
    %dma_start3A_134 = arith.constant 0 : i32
    %dma_start3A_135 = arith.constant 0 : i32
    %dma_start3A_136 = tpu.memref_slice %arg3[%dma_start3A_134, %dma_start3A_135] : memref<100000x1024xf32, #tpu.memory_space<hbm>> -> memref<100000x1024xf32, #tpu.memory_space<hbm>>
    %dma_start3A_137 = tpu.memref_slice %arg9[%dma_start3A_126] : memref<5x!tpu.dma_semaphore, #tpu.memory_space<semaphore_mem>> -> memref<1x!tpu.dma_semaphore, #tpu.memory_space<semaphore_mem>>
    %dma_start3A_138 = tpu.memref_squeeze %dma_start3A_137 : memref<1x!tpu.dma_semaphore, #tpu.memory_space<semaphore_mem>> -> memref<!tpu.dma_semaphore, #tpu.memory_space<semaphore_mem>>
    tpu.enqueue_indirect_dma source(%dma_start3A_136 : memref<100000x1024xf32, #tpu.memory_space<hbm>>) target(%dma_start3A_130 : memref<16x1024xf32, #tpu.memory_space<vmem>>) offsets(%dma_start3A_133 : memref<16xi32, #tpu.memory_space<vmem>>) semaphore(%dma_start3A_138 : memref<!tpu.dma_semaphore, #tpu.memory_space<semaphore_mem>>)
    %dma_wait3A_139 = arith.constant 2 : i32
    %dma_wait3A_140 = arith.constant 2 : i32
    %dma_wait3A_141 = arith.constant 0 : i32
    %dma_wait3A_142 = tpu.memref_slice %arg6[%dma_wait3A_140, %dma_wait3A_141] : memref<4x64xi32, #tpu.memory_space<vmem>> -> memref<1x64xi32, #tpu.memory_space<vmem>>
    %dma_wait3A_143 = tpu.memref_squeeze %dma_wait3A_142 : memref<1x64xi32, #tpu.memory_space<vmem>> -> memref<64xi32, #tpu.memory_space<vmem>>
    %dma_wait3A_144 = tpu.memref_slice %arg2[%dma_wait3A_139, %mul3A_2] : memref<4x2048xi32, #tpu.memory_space<hbm>> -> memref<1x64xi32, #tpu.memory_space<hbm>>
    %dma_wait3A_145 = tpu.memref_squeeze %dma_wait3A_144 : memref<1x64xi32, #tpu.memory_space<hbm>> -> memref<64xi32, #tpu.memory_space<hbm>>
    %dma_wait3A_146 = arith.constant 0 : i32
    %dma_wait3A_147 = tpu.memref_slice %arg6[%dma_wait3A_140, %dma_wait3A_146] : memref<4x64xi32, #tpu.memory_space<vmem>> -> memref<1x64xi32, #tpu.memory_space<vmem>>
    %dma_wait3A_148 = tpu.memref_squeeze %dma_wait3A_147 : memref<1x64xi32, #tpu.memory_space<vmem>> -> memref<64xi32, #tpu.memory_space<vmem>>
    %dma_wait3A_149 = tpu.memref_slice %arg2[%dma_wait3A_139, %mul3A_2] : memref<4x2048xi32, #tpu.memory_space<hbm>> -> memref<1x64xi32, #tpu.memory_space<hbm>>
    %dma_wait3A_150 = tpu.memref_squeeze %dma_wait3A_149 : memref<1x64xi32, #tpu.memory_space<hbm>> -> memref<64xi32, #tpu.memory_space<hbm>>
    tpu.wait_dma2 semaphore(%arg12 : memref<!tpu.dma_semaphore, #tpu.memory_space<semaphore_mem>>) src(%dma_wait3A_150 : memref<64xi32, #tpu.memory_space<hbm>>) dst(%dma_wait3A_148 : memref<64xi32, #tpu.memory_space<vmem>>)
    %dma_start3A_151 = arith.constant 2 : i32
    %dma_start3A_152 = arith.constant 2 : i32
    %dma_start3A_153 = arith.constant 2 : i32
    %dma_start3A_154 = arith.constant 0 : i32
    %dma_start3A_155 = arith.constant 0 : i32
    %dma_start3A_156 = tpu.memref_slice %arg8[%dma_start3A_152, %dma_start3A_154, %dma_start3A_155] : memref<5x16x1024xf32, #tpu.memory_space<vmem>> -> memref<1x16x1024xf32, #tpu.memory_space<vmem>>
    %dma_start3A_157 = tpu.memref_squeeze %dma_start3A_156 : memref<1x16x1024xf32, #tpu.memory_space<vmem>> -> memref<16x1024xf32, #tpu.memory_space<vmem>>
    %dma_start3A_158 = arith.constant 0 : i32
    %dma_start3A_159 = tpu.memref_slice %arg6[%dma_start3A_151, %dma_start3A_158] : memref<4x64xi32, #tpu.memory_space<vmem>> -> memref<1x16xi32, #tpu.memory_space<vmem>>
    %dma_start3A_160 = tpu.memref_squeeze %dma_start3A_159 : memref<1x16xi32, #tpu.memory_space<vmem>> -> memref<16xi32, #tpu.memory_space<vmem>>
    %dma_start3A_161 = arith.constant 0 : i32
    %dma_start3A_162 = arith.constant 0 : i32
    %dma_start3A_163 = tpu.memref_slice %arg3[%dma_start3A_161, %dma_start3A_162] : memref<100000x1024xf32, #tpu.memory_space<hbm>> -> memref<100000x1024xf32, #tpu.memory_space<hbm>>
    %dma_start3A_164 = tpu.memref_slice %arg9[%dma_start3A_153] : memref<5x!tpu.dma_semaphore, #tpu.memory_space<semaphore_mem>> -> memref<1x!tpu.dma_semaphore, #tpu.memory_space<semaphore_mem>>
    %dma_start3A_165 = tpu.memref_squeeze %dma_start3A_164 : memref<1x!tpu.dma_semaphore, #tpu.memory_space<semaphore_mem>> -> memref<!tpu.dma_semaphore, #tpu.memory_space<semaphore_mem>>
    tpu.enqueue_indirect_dma source(%dma_start3A_163 : memref<100000x1024xf32, #tpu.memory_space<hbm>>) target(%dma_start3A_157 : memref<16x1024xf32, #tpu.memory_space<vmem>>) offsets(%dma_start3A_160 : memref<16xi32, #tpu.memory_space<vmem>>) semaphore(%dma_start3A_165 : memref<!tpu.dma_semaphore, #tpu.memory_space<semaphore_mem>>)
    %dma_wait3A_166 = arith.constant 3 : i32
    %dma_wait3A_167 = arith.constant 3 : i32
    %dma_wait3A_168 = arith.constant 0 : i32
    %dma_wait3A_169 = tpu.memref_slice %arg6[%dma_wait3A_167, %dma_wait3A_168] : memref<4x64xi32, #tpu.memory_space<vmem>> -> memref<1x64xi32, #tpu.memory_space<vmem>>
    %dma_wait3A_170 = tpu.memref_squeeze %dma_wait3A_169 : memref<1x64xi32, #tpu.memory_space<vmem>> -> memref<64xi32, #tpu.memory_space<vmem>>
    %dma_wait3A_171 = tpu.memref_slice %arg2[%dma_wait3A_166, %mul3A_2] : memref<4x2048xi32, #tpu.memory_space<hbm>> -> memref<1x64xi32, #tpu.memory_space<hbm>>
    %dma_wait3A_172 = tpu.memref_squeeze %dma_wait3A_171 : memref<1x64xi32, #tpu.memory_space<hbm>> -> memref<64xi32, #tpu.memory_space<hbm>>
    %dma_wait3A_173 = arith.constant 0 : i32
    %dma_wait3A_174 = tpu.memref_slice %arg6[%dma_wait3A_167, %dma_wait3A_173] : memref<4x64xi32, #tpu.memory_space<vmem>> -> memref<1x64xi32, #tpu.memory_space<vmem>>
    %dma_wait3A_175 = tpu.memref_squeeze %dma_wait3A_174 : memref<1x64xi32, #tpu.memory_space<vmem>> -> memref<64xi32, #tpu.memory_space<vmem>>
    %dma_wait3A_176 = tpu.memref_slice %arg2[%dma_wait3A_166, %mul3A_2] : memref<4x2048xi32, #tpu.memory_space<hbm>> -> memref<1x64xi32, #tpu.memory_space<hbm>>
    %dma_wait3A_177 = tpu.memref_squeeze %dma_wait3A_176 : memref<1x64xi32, #tpu.memory_space<hbm>> -> memref<64xi32, #tpu.memory_space<hbm>>
    tpu.wait_dma2 semaphore(%arg12 : memref<!tpu.dma_semaphore, #tpu.memory_space<semaphore_mem>>) src(%dma_wait3A_177 : memref<64xi32, #tpu.memory_space<hbm>>) dst(%dma_wait3A_175 : memref<64xi32, #tpu.memory_space<vmem>>)
    %dma_start3A_178 = arith.constant 3 : i32
    %dma_start3A_179 = arith.constant 3 : i32
    %dma_start3A_180 = arith.constant 3 : i32
    %dma_start3A_181 = arith.constant 0 : i32
    %dma_start3A_182 = arith.constant 0 : i32
    %dma_start3A_183 = tpu.memref_slice %arg8[%dma_start3A_179, %dma_start3A_181, %dma_start3A_182] : memref<5x16x1024xf32, #tpu.memory_space<vmem>> -> memref<1x16x1024xf32, #tpu.memory_space<vmem>>
    %dma_start3A_184 = tpu.memref_squeeze %dma_start3A_183 : memref<1x16x1024xf32, #tpu.memory_space<vmem>> -> memref<16x1024xf32, #tpu.memory_space<vmem>>
    %dma_start3A_185 = arith.constant 0 : i32
    %dma_start3A_186 = tpu.memref_slice %arg6[%dma_start3A_178, %dma_start3A_185] : memref<4x64xi32, #tpu.memory_space<vmem>> -> memref<1x16xi32, #tpu.memory_space<vmem>>
    %dma_start3A_187 = tpu.memref_squeeze %dma_start3A_186 : memref<1x16xi32, #tpu.memory_space<vmem>> -> memref<16xi32, #tpu.memory_space<vmem>>
    %dma_start3A_188 = arith.constant 0 : i32
    %dma_start3A_189 = arith.constant 0 : i32
    %dma_start3A_190 = tpu.memref_slice %arg3[%dma_start3A_188, %dma_start3A_189] : memref<100000x1024xf32, #tpu.memory_space<hbm>> -> memref<100000x1024xf32, #tpu.memory_space<hbm>>
    %dma_start3A_191 = tpu.memref_slice %arg9[%dma_start3A_180] : memref<5x!tpu.dma_semaphore, #tpu.memory_space<semaphore_mem>> -> memref<1x!tpu.dma_semaphore, #tpu.memory_space<semaphore_mem>>
    %dma_start3A_192 = tpu.memref_squeeze %dma_start3A_191 : memref<1x!tpu.dma_semaphore, #tpu.memory_space<semaphore_mem>> -> memref<!tpu.dma_semaphore, #tpu.memory_space<semaphore_mem>>
    tpu.enqueue_indirect_dma source(%dma_start3A_190 : memref<100000x1024xf32, #tpu.memory_space<hbm>>) target(%dma_start3A_184 : memref<16x1024xf32, #tpu.memory_space<vmem>>) offsets(%dma_start3A_187 : memref<16xi32, #tpu.memory_space<vmem>>) semaphore(%dma_start3A_192 : memref<!tpu.dma_semaphore, #tpu.memory_space<semaphore_mem>>)
    %dma_wait3A_193 = arith.constant 0 : i32
    %dma_wait3A_194 = arith.constant 0 : i32
    %dma_wait3A_195 = arith.constant 0 : i32
    %dma_wait3A_196 = arith.constant 0 : i32
    %dma_wait3A_197 = tpu.memref_slice %arg7[%dma_wait3A_193, %dma_wait3A_195, %dma_wait3A_196] : memref<2x16x1024xf32, #tpu.memory_space<vmem>> -> memref<1x16x1024xf32, #tpu.memory_space<vmem>>
    %dma_wait3A_198 = tpu.memref_squeeze %dma_wait3A_197 : memref<1x16x1024xf32, #tpu.memory_space<vmem>> -> memref<16x1024xf32, #tpu.memory_space<vmem>>
    %dma_wait3A_199 = arith.constant 0 : i32
    %dma_wait3A_200 = tpu.memref_slice %arg4[%add3A_51, %dma_wait3A_199] : memref<2048x1024xf32, #tpu.memory_space<hbm>> -> memref<16x1024xf32, #tpu.memory_space<hbm>>
    %dma_wait3A_201 = tpu.memref_slice %arg11[%dma_wait3A_194] : memref<2x!tpu.dma_semaphore, #tpu.memory_space<semaphore_mem>> -> memref<1x!tpu.dma_semaphore, #tpu.memory_space<semaphore_mem>>
    %dma_wait3A_202 = tpu.memref_squeeze %dma_wait3A_201 : memref<1x!tpu.dma_semaphore, #tpu.memory_space<semaphore_mem>> -> memref<!tpu.dma_semaphore, #tpu.memory_space<semaphore_mem>>
    %dma_wait3A_203 = arith.constant 0 : i32
    %dma_wait3A_204 = arith.constant 0 : i32
    %dma_wait3A_205 = tpu.memref_slice %arg7[%dma_wait3A_193, %dma_wait3A_203, %dma_wait3A_204] : memref<2x16x1024xf32, #tpu.memory_space<vmem>> -> memref<1x16x1024xf32, #tpu.memory_space<vmem>>
    %dma_wait3A_206 = tpu.memref_squeeze %dma_wait3A_205 : memref<1x16x1024xf32, #tpu.memory_space<vmem>> -> memref<16x1024xf32, #tpu.memory_space<vmem>>
    %dma_wait3A_207 = arith.constant 0 : i32
    %dma_wait3A_208 = tpu.memref_slice %arg4[%add3A_51, %dma_wait3A_207] : memref<2048x1024xf32, #tpu.memory_space<hbm>> -> memref<16x1024xf32, #tpu.memory_space<hbm>>
    tpu.wait_dma2 semaphore(%dma_wait3A_202 : memref<!tpu.dma_semaphore, #tpu.memory_space<semaphore_mem>>) src(%dma_wait3A_208 : memref<16x1024xf32, #tpu.memory_space<hbm>>) dst(%dma_wait3A_206 : memref<16x1024xf32, #tpu.memory_space<vmem>>)
    %dma_wait3A_209 = arith.constant 0 : i32
    %dma_wait3A_210 = arith.constant 0 : i32
    %dma_wait3A_211 = arith.constant 0 : i32
    %dma_wait3A_212 = arith.constant 0 : i32
    %dma_wait3A_213 = arith.constant 0 : i32
    %dma_wait3A_214 = tpu.memref_slice %arg8[%dma_wait3A_210, %dma_wait3A_212, %dma_wait3A_213] : memref<5x16x1024xf32, #tpu.memory_space<vmem>> -> memref<1x16x1024xf32, #tpu.memory_space<vmem>>
    %dma_wait3A_215 = tpu.memref_squeeze %dma_wait3A_214 : memref<1x16x1024xf32, #tpu.memory_space<vmem>> -> memref<16x1024xf32, #tpu.memory_space<vmem>>
    %dma_wait3A_216 = arith.constant 0 : i32
    %dma_wait3A_217 = tpu.memref_slice %arg6[%dma_wait3A_209, %dma_wait3A_216] : memref<4x64xi32, #tpu.memory_space<vmem>> -> memref<1x16xi32, #tpu.memory_space<vmem>>
    %dma_wait3A_218 = tpu.memref_squeeze %dma_wait3A_217 : memref<1x16xi32, #tpu.memory_space<vmem>> -> memref<16xi32, #tpu.memory_space<vmem>>
    %dma_wait3A_219 = arith.constant 0 : i32
    %dma_wait3A_220 = arith.constant 0 : i32
    %dma_wait3A_221 = tpu.memref_slice %arg3[%dma_wait3A_219, %dma_wait3A_220] : memref<100000x1024xf32, #tpu.memory_space<hbm>> -> memref<100000x1024xf32, #tpu.memory_space<hbm>>
    %dma_wait3A_222 = tpu.memref_slice %arg9[%dma_wait3A_211] : memref<5x!tpu.dma_semaphore, #tpu.memory_space<semaphore_mem>> -> memref<1x!tpu.dma_semaphore, #tpu.memory_space<semaphore_mem>>
    %dma_wait3A_223 = tpu.memref_squeeze %dma_wait3A_222 : memref<1x!tpu.dma_semaphore, #tpu.memory_space<semaphore_mem>> -> memref<!tpu.dma_semaphore, #tpu.memory_space<semaphore_mem>>
    tpu.wait_indirect_dma semaphore(%dma_wait3A_223 : memref<!tpu.dma_semaphore, #tpu.memory_space<semaphore_mem>>) src(%dma_wait3A_221 : memref<100000x1024xf32, #tpu.memory_space<hbm>>) dst(%dma_wait3A_215 : memref<16x1024xf32, #tpu.memory_space<vmem>>)
    %parallel_loop3A = arith.constant 0 : i32
    %parallel_loop3A_224 = arith.constant 16 : i32
    %parallel_loop3A_225 = arith.constant 1 : i32
    scf.for %parallel_loop3A_1400 = %parallel_loop3A to %parallel_loop3A_224 step %parallel_loop3A_225  : i32 {
      %parallel_loop3A_1401 = arith.constant 0 : i32
      %parallel_loop3A_1402 = arith.constant 1024 : i32
      %parallel_loop3A_1403 = arith.constant 16 : i32
      scf.for %parallel_loop3A_1404 = %parallel_loop3A_1401 to %parallel_loop3A_1402 step %parallel_loop3A_1403  : i32 {
        %parallel_loop3A_1405 = arith.constant 0 : i32
        %parallel_loop3A_1406 = arith.index_cast %parallel_loop3A_1405 : i32 to index
        %parallel_loop3A_1407 = arith.index_cast %parallel_loop3A_1400 : i32 to index
        %parallel_loop3A_1408 = arith.index_cast %parallel_loop3A_1404 : i32 to index
        %parallel_loop3A_1409 = tpu.vector_load %arg7[%parallel_loop3A_1406, %parallel_loop3A_1407, %parallel_loop3A_1408] {strides = array<i32>} : memref<2x16x1024xf32, #tpu.memory_space<vmem>>, vector<1x1x16xf32>,
        %parallel_loop3A_1410 = vector.shape_cast %parallel_loop3A_1409 : vector<1x1x16xf32> to vector<16xf32>
        %parallel_loop3A_1411 = arith.constant 0 : i32
        %parallel_loop3A_1412 = arith.index_cast %parallel_loop3A_1411 : i32 to index
        %parallel_loop3A_1413 = arith.index_cast %parallel_loop3A_1400 : i32 to index
        %parallel_loop3A_1414 = arith.index_cast %parallel_loop3A_1404 : i32 to index
        %parallel_loop3A_1415 = tpu.vector_load %arg8[%parallel_loop3A_1412, %parallel_loop3A_1413, %parallel_loop3A_1414] {strides = array<i32>} : memref<5x16x1024xf32, #tpu.memory_space<vmem>>, vector<1x1x16xf32>,
        %parallel_loop3A_1416 = vector.shape_cast %parallel_loop3A_1415 : vector<1x1x16xf32> to vector<16xf32>
        %parallel_loop3A_1417 = vector.shape_cast %parallel_loop3A_1410 : vector<16xf32> to vector<1x1x16xf32>
        tpu.vector_store %arg8[%parallel_loop3A_1412, %parallel_loop3A_1413, %parallel_loop3A_1414], %parallel_loop3A_1417 {add = true, strides = array<i32>} : memref<5x16x1024xf32, #tpu.memory_space<vmem>>, vector<1x1x16xf32>,
      } {sc.loop_unroll_factor = 4 : i64, sc.parallel_access}
    } {sc.loop_unroll_factor = 1 : i64, sc.parallel_access}
    %add3A_226 = arith.constant 0 : i32
    %add3A_227 = arith.addi %mul3A_2, %add3A_226 : i32
    %dma_start3A_228 = arith.constant 0 : i32
    %dma_start3A_229 = arith.constant 0 : i32
    %dma_start3A_230 = arith.constant 0 : i32
    %dma_start3A_231 = arith.constant 0 : i32
    %dma_start3A_232 = arith.constant 0 : i32
    %dma_start3A_233 = tpu.memref_slice %arg8[%dma_start3A_228, %dma_start3A_231, %dma_start3A_232] : memref<5x16x1024xf32, #tpu.memory_space<vmem>> -> memref<1x16x1024xf32, #tpu.memory_space<vmem>>
    %dma_start3A_234 = tpu.memref_squeeze %dma_start3A_233 : memref<1x16x1024xf32, #tpu.memory_space<vmem>> -> memref<16x1024xf32, #tpu.memory_space<vmem>>
    %dma_start3A_235 = arith.constant 0 : i32
    %dma_start3A_236 = tpu.memref_slice %arg5[%dma_start3A_229, %add3A_227, %dma_start3A_235] : memref<4x2048x1024xf32, #tpu.memory_space<hbm>> -> memref<1x16x1024xf32, #tpu.memory_space<hbm>>
    %dma_start3A_237 = tpu.memref_squeeze %dma_start3A_236 : memref<1x16x1024xf32, #tpu.memory_space<hbm>> -> memref<16x1024xf32, #tpu.memory_space<hbm>>
    %dma_start3A_238 = tpu.memref_slice %arg10[%dma_start3A_230] : memref<5x!tpu.dma_semaphore, #tpu.memory_space<semaphore_mem>> -> memref<1x!tpu.dma_semaphore, #tpu.memory_space<semaphore_mem>>
    %dma_start3A_239 = tpu.memref_squeeze %dma_start3A_238 : memref<1x!tpu.dma_semaphore, #tpu.memory_space<semaphore_mem>> -> memref<!tpu.dma_semaphore, #tpu.memory_space<semaphore_mem>>
    %dma_start3A_240 = arith.constant 0 : i32
    %dma_start3A_241 = tpu.memref_slice %arg5[%dma_start3A_229, %add3A_227, %dma_start3A_240] : memref<4x2048x1024xf32, #tpu.memory_space<hbm>> -> memref<1x16x1024xf32, #tpu.memory_space<hbm>>
    %dma_start3A_242 = tpu.memref_squeeze %dma_start3A_241 : memref<1x16x1024xf32, #tpu.memory_space<hbm>> -> memref<16x1024xf32, #tpu.memory_space<hbm>>
    %dma_start3A_243 = arith.constant 0 : i32
    %dma_start3A_244 = arith.constant 0 : i32
    %dma_start3A_245 = tpu.memref_slice %arg8[%dma_start3A_228, %dma_start3A_243, %dma_start3A_244] : memref<5x16x1024xf32, #tpu.memory_space<vmem>> -> memref<1x16x1024xf32, #tpu.memory_space<vmem>>
    %dma_start3A_246 = tpu.memref_squeeze %dma_start3A_245 : memref<1x16x1024xf32, #tpu.memory_space<vmem>> -> memref<16x1024xf32, #tpu.memory_space<vmem>>
    tpu.enqueue_dma source(%dma_start3A_246 : memref<16x1024xf32, #tpu.memory_space<vmem>>) target(%dma_start3A_242 : memref<16x1024xf32, #tpu.memory_space<hbm>>) target_semaphore(%dma_start3A_239 : memref<!tpu.dma_semaphore, #tpu.memory_space<semaphore_mem>>)
    %dma_start3A_247 = arith.constant 0 : i32
    %dma_start3A_248 = arith.constant 4 : i32
    %dma_start3A_249 = arith.constant 4 : i32
    %dma_start3A_250 = arith.constant 0 : i32
    %dma_start3A_251 = arith.constant 0 : i32
    %dma_start3A_252 = tpu.memref_slice %arg8[%dma_start3A_248, %dma_start3A_250, %dma_start3A_251] : memref<5x16x1024xf32, #tpu.memory_space<vmem>> -> memref<1x16x1024xf32, #tpu.memory_space<vmem>>
    %dma_start3A_253 = tpu.memref_squeeze %dma_start3A_252 : memref<1x16x1024xf32, #tpu.memory_space<vmem>> -> memref<16x1024xf32, #tpu.memory_space<vmem>>
    %dma_start3A_254 = arith.constant 16 : i32
    %dma_start3A_255 = tpu.memref_slice %arg6[%dma_start3A_247, %dma_start3A_254] : memref<4x64xi32, #tpu.memory_space<vmem>> -> memref<1x16xi32, #tpu.memory_space<vmem>>
    %dma_start3A_256 = tpu.memref_squeeze %dma_start3A_255 : memref<1x16xi32, #tpu.memory_space<vmem>> -> memref<16xi32, #tpu.memory_space<vmem>>
    %dma_start3A_257 = arith.constant 0 : i32
    %dma_start3A_258 = arith.constant 0 : i32
    %dma_start3A_259 = tpu.memref_slice %arg3[%dma_start3A_257, %dma_start3A_258] : memref<100000x1024xf32, #tpu.memory_space<hbm>> -> memref<100000x1024xf32, #tpu.memory_space<hbm>>
    %dma_start3A_260 = tpu.memref_slice %arg9[%dma_start3A_249] : memref<5x!tpu.dma_semaphore, #tpu.memory_space<semaphore_mem>> -> memref<1x!tpu.dma_semaphore, #tpu.memory_space<semaphore_mem>>
    %dma_start3A_261 = tpu.memref_squeeze %dma_start3A_260 : memref<1x!tpu.dma_semaphore, #tpu.memory_space<semaphore_mem>> -> memref<!tpu.dma_semaphore, #tpu.memory_space<semaphore_mem>>
    tpu.enqueue_indirect_dma source(%dma_start3A_259 : memref<100000x1024xf32, #tpu.memory_space<hbm>>) target(%dma_start3A_253 : memref<16x1024xf32, #tpu.memory_space<vmem>>) offsets(%dma_start3A_256 : memref<16xi32, #tpu.memory_space<vmem>>) semaphore(%dma_start3A_261 : memref<!tpu.dma_semaphore, #tpu.memory_space<semaphore_mem>>)
    %dma_wait3A_262 = arith.constant 1 : i32
    %dma_wait3A_263 = arith.constant 1 : i32
    %dma_wait3A_264 = arith.constant 1 : i32
    %dma_wait3A_265 = arith.constant 0 : i32
    %dma_wait3A_266 = arith.constant 0 : i32
    %dma_wait3A_267 = tpu.memref_slice %arg8[%dma_wait3A_263, %dma_wait3A_265, %dma_wait3A_266] : memref<5x16x1024xf32, #tpu.memory_space<vmem>> -> memref<1x16x1024xf32, #tpu.memory_space<vmem>>
    %dma_wait3A_268 = tpu.memref_squeeze %dma_wait3A_267 : memref<1x16x1024xf32, #tpu.memory_space<vmem>> -> memref<16x1024xf32, #tpu.memory_space<vmem>>
    %dma_wait3A_269 = arith.constant 0 : i32
    %dma_wait3A_270 = tpu.memref_slice %arg6[%dma_wait3A_262, %dma_wait3A_269] : memref<4x64xi32, #tpu.memory_space<vmem>> -> memref<1x16xi32, #tpu.memory_space<vmem>>
    %dma_wait3A_271 = tpu.memref_squeeze %dma_wait3A_270 : memref<1x16xi32, #tpu.memory_space<vmem>> -> memref<16xi32, #tpu.memory_space<vmem>>
    %dma_wait3A_272 = arith.constant 0 : i32
    %dma_wait3A_273 = arith.constant 0 : i32
    %dma_wait3A_274 = tpu.memref_slice %arg3[%dma_wait3A_272, %dma_wait3A_273] : memref<100000x1024xf32, #tpu.memory_space<hbm>> -> memref<100000x1024xf32, #tpu.memory_space<hbm>>
    %dma_wait3A_275 = tpu.memref_slice %arg9[%dma_wait3A_264] : memref<5x!tpu.dma_semaphore, #tpu.memory_space<semaphore_mem>> -> memref<1x!tpu.dma_semaphore, #tpu.memory_space<semaphore_mem>>
    %dma_wait3A_276 = tpu.memref_squeeze %dma_wait3A_275 : memref<1x!tpu.dma_semaphore, #tpu.memory_space<semaphore_mem>> -> memref<!tpu.dma_semaphore, #tpu.memory_space<semaphore_mem>>
    tpu.wait_indirect_dma semaphore(%dma_wait3A_276 : memref<!tpu.dma_semaphore, #tpu.memory_space<semaphore_mem>>) src(%dma_wait3A_274 : memref<100000x1024xf32, #tpu.memory_space<hbm>>) dst(%dma_wait3A_268 : memref<16x1024xf32, #tpu.memory_space<vmem>>)
    %parallel_loop3A_277 = arith.constant 0 : i32
    %parallel_loop3A_278 = arith.constant 16 : i32
    %parallel_loop3A_279 = arith.constant 1 : i32
    scf.for %parallel_loop3A_1400 = %parallel_loop3A_277 to %parallel_loop3A_278 step %parallel_loop3A_279  : i32 {
      %parallel_loop3A_1401 = arith.constant 0 : i32
      %parallel_loop3A_1402 = arith.constant 1024 : i32
      %parallel_loop3A_1403 = arith.constant 16 : i32
      scf.for %parallel_loop3A_1404 = %parallel_loop3A_1401 to %parallel_loop3A_1402 step %parallel_loop3A_1403  : i32 {
        %parallel_loop3A_1405 = arith.constant 0 : i32
        %parallel_loop3A_1406 = arith.index_cast %parallel_loop3A_1405 : i32 to index
        %parallel_loop3A_1407 = arith.index_cast %parallel_loop3A_1400 : i32 to index
        %parallel_loop3A_1408 = arith.index_cast %parallel_loop3A_1404 : i32 to index
        %parallel_loop3A_1409 = tpu.vector_load %arg7[%parallel_loop3A_1406, %parallel_loop3A_1407, %parallel_loop3A_1408] {strides = array<i32>} : memref<2x16x1024xf32, #tpu.memory_space<vmem>>, vector<1x1x16xf32>,
        %parallel_loop3A_1410 = vector.shape_cast %parallel_loop3A_1409 : vector<1x1x16xf32> to vector<16xf32>
        %parallel_loop3A_1411 = arith.constant 1 : i32
        %parallel_loop3A_1412 = arith.index_cast %parallel_loop3A_1411 : i32 to index
        %parallel_loop3A_1413 = arith.index_cast %parallel_loop3A_1400 : i32 to index
        %parallel_loop3A_1414 = arith.index_cast %parallel_loop3A_1404 : i32 to index
        %parallel_loop3A_1415 = tpu.vector_load %arg8[%parallel_loop3A_1412, %parallel_loop3A_1413, %parallel_loop3A_1414] {strides = array<i32>} : memref<5x16x1024xf32, #tpu.memory_space<vmem>>, vector<1x1x16xf32>,
        %parallel_loop3A_1416 = vector.shape_cast %parallel_loop3A_1415 : vector<1x1x16xf32> to vector<16xf32>
        %parallel_loop3A_1417 = vector.shape_cast %parallel_loop3A_1410 : vector<16xf32> to vector<1x1x16xf32>
        tpu.vector_store %arg8[%parallel_loop3A_1412, %parallel_loop3A_1413, %parallel_loop3A_1414], %parallel_loop3A_1417 {add = true, strides = array<i32>} : memref<5x16x1024xf32, #tpu.memory_space<vmem>>, vector<1x1x16xf32>,
      } {sc.loop_unroll_factor = 4 : i64, sc.parallel_access}
    } {sc.loop_unroll_factor = 1 : i64, sc.parallel_access}
    %add3A_280 = arith.constant 0 : i32
    %add3A_281 = arith.addi %mul3A_2, %add3A_280 : i32
    %dma_start3A_282 = arith.constant 1 : i32
    %dma_start3A_283 = arith.constant 1 : i32
    %dma_start3A_284 = arith.constant 1 : i32
    %dma_start3A_285 = arith.constant 0 : i32
    %dma_start3A_286 = arith.constant 0 : i32
    %dma_start3A_287 = tpu.memref_slice %arg8[%dma_start3A_282, %dma_start3A_285, %dma_start3A_286] : memref<5x16x1024xf32, #tpu.memory_space<vmem>> -> memref<1x16x1024xf32, #tpu.memory_space<vmem>>
    %dma_start3A_288 = tpu.memref_squeeze %dma_start3A_287 : memref<1x16x1024xf32, #tpu.memory_space<vmem>> -> memref<16x1024xf32, #tpu.memory_space<vmem>>
    %dma_start3A_289 = arith.constant 0 : i32
    %dma_start3A_290 = tpu.memref_slice %arg5[%dma_start3A_283, %add3A_281, %dma_start3A_289] : memref<4x2048x1024xf32, #tpu.memory_space<hbm>> -> memref<1x16x1024xf32, #tpu.memory_space<hbm>>
    %dma_start3A_291 = tpu.memref_squeeze %dma_start3A_290 : memref<1x16x1024xf32, #tpu.memory_space<hbm>> -> memref<16x1024xf32, #tpu.memory_space<hbm>>
    %dma_start3A_292 = tpu.memref_slice %arg10[%dma_start3A_284] : memref<5x!tpu.dma_semaphore, #tpu.memory_space<semaphore_mem>> -> memref<1x!tpu.dma_semaphore, #tpu.memory_space<semaphore_mem>>
    %dma_start3A_293 = tpu.memref_squeeze %dma_start3A_292 : memref<1x!tpu.dma_semaphore, #tpu.memory_space<semaphore_mem>> -> memref<!tpu.dma_semaphore, #tpu.memory_space<semaphore_mem>>
    %dma_start3A_294 = arith.constant 0 : i32
    %dma_start3A_295 = tpu.memref_slice %arg5[%dma_start3A_283, %add3A_281, %dma_start3A_294] : memref<4x2048x1024xf32, #tpu.memory_space<hbm>> -> memref<1x16x1024xf32, #tpu.memory_space<hbm>>
    %dma_start3A_296 = tpu.memref_squeeze %dma_start3A_295 : memref<1x16x1024xf32, #tpu.memory_space<hbm>> -> memref<16x1024xf32, #tpu.memory_space<hbm>>
    %dma_start3A_297 = arith.constant 0 : i32
    %dma_start3A_298 = arith.constant 0 : i32
    %dma_start3A_299 = tpu.memref_slice %arg8[%dma_start3A_282, %dma_start3A_297, %dma_start3A_298] : memref<5x16x1024xf32, #tpu.memory_space<vmem>> -> memref<1x16x1024xf32, #tpu.memory_space<vmem>>
    %dma_start3A_300 = tpu.memref_squeeze %dma_start3A_299 : memref<1x16x1024xf32, #tpu.memory_space<vmem>> -> memref<16x1024xf32, #tpu.memory_space<vmem>>
    tpu.enqueue_dma source(%dma_start3A_300 : memref<16x1024xf32, #tpu.memory_space<vmem>>) target(%dma_start3A_296 : memref<16x1024xf32, #tpu.memory_space<hbm>>) target_semaphore(%dma_start3A_293 : memref<!tpu.dma_semaphore, #tpu.memory_space<semaphore_mem>>)
    %dma_wait3A_301 = arith.constant 0 : i32
    %dma_wait3A_302 = arith.constant 0 : i32
    %dma_wait3A_303 = arith.constant 0 : i32
    %dma_wait3A_304 = arith.constant 0 : i32
    %dma_wait3A_305 = arith.constant 0 : i32
    %dma_wait3A_306 = tpu.memref_slice %arg8[%dma_wait3A_301, %dma_wait3A_304, %dma_wait3A_305] : memref<5x16x1024xf32, #tpu.memory_space<vmem>> -> memref<1x16x1024xf32, #tpu.memory_space<vmem>>
    %dma_wait3A_307 = tpu.memref_squeeze %dma_wait3A_306 : memref<1x16x1024xf32, #tpu.memory_space<vmem>> -> memref<16x1024xf32, #tpu.memory_space<vmem>>
    %dma_wait3A_308 = arith.constant 0 : i32
    %dma_wait3A_309 = tpu.memref_slice %arg5[%dma_wait3A_302, %add3A_227, %dma_wait3A_308] : memref<4x2048x1024xf32, #tpu.memory_space<hbm>> -> memref<1x16x1024xf32, #tpu.memory_space<hbm>>
    %dma_wait3A_310 = tpu.memref_squeeze %dma_wait3A_309 : memref<1x16x1024xf32, #tpu.memory_space<hbm>> -> memref<16x1024xf32, #tpu.memory_space<hbm>>
    %dma_wait3A_311 = tpu.memref_slice %arg10[%dma_wait3A_303] : memref<5x!tpu.dma_semaphore, #tpu.memory_space<semaphore_mem>> -> memref<1x!tpu.dma_semaphore, #tpu.memory_space<semaphore_mem>>
    %dma_wait3A_312 = tpu.memref_squeeze %dma_wait3A_311 : memref<1x!tpu.dma_semaphore, #tpu.memory_space<semaphore_mem>> -> memref<!tpu.dma_semaphore, #tpu.memory_space<semaphore_mem>>
    %dma_wait3A_313 = arith.constant 0 : i32
    %dma_wait3A_314 = tpu.memref_slice %arg5[%dma_wait3A_302, %add3A_227, %dma_wait3A_313] : memref<4x2048x1024xf32, #tpu.memory_space<hbm>> -> memref<1x16x1024xf32, #tpu.memory_space<hbm>>
    %dma_wait3A_315 = tpu.memref_squeeze %dma_wait3A_314 : memref<1x16x1024xf32, #tpu.memory_space<hbm>> -> memref<16x1024xf32, #tpu.memory_space<hbm>>
    %dma_wait3A_316 = arith.constant 0 : i32
    %dma_wait3A_317 = arith.constant 0 : i32
    %dma_wait3A_318 = tpu.memref_slice %arg8[%dma_wait3A_301, %dma_wait3A_316, %dma_wait3A_317] : memref<5x16x1024xf32, #tpu.memory_space<vmem>> -> memref<1x16x1024xf32, #tpu.memory_space<vmem>>
    %dma_wait3A_319 = tpu.memref_squeeze %dma_wait3A_318 : memref<1x16x1024xf32, #tpu.memory_space<vmem>> -> memref<16x1024xf32, #tpu.memory_space<vmem>>
    tpu.wait_dma2 semaphore(%dma_wait3A_312 : memref<!tpu.dma_semaphore, #tpu.memory_space<semaphore_mem>>) src(%dma_wait3A_319 : memref<16x1024xf32, #tpu.memory_space<vmem>>) dst(%dma_wait3A_315 : memref<16x1024xf32, #tpu.memory_space<hbm>>)
    %dma_start3A_320 = arith.constant 1 : i32
    %dma_start3A_321 = arith.constant 0 : i32
    %dma_start3A_322 = arith.constant 0 : i32
    %dma_start3A_323 = arith.constant 0 : i32
    %dma_start3A_324 = arith.constant 0 : i32
    %dma_start3A_325 = tpu.memref_slice %arg8[%dma_start3A_321, %dma_start3A_323, %dma_start3A_324] : memref<5x16x1024xf32, #tpu.memory_space<vmem>> -> memref<1x16x1024xf32, #tpu.memory_space<vmem>>
    %dma_start3A_326 = tpu.memref_squeeze %dma_start3A_325 : memref<1x16x1024xf32, #tpu.memory_space<vmem>> -> memref<16x1024xf32, #tpu.memory_space<vmem>>
    %dma_start3A_327 = arith.constant 16 : i32
    %dma_start3A_328 = tpu.memref_slice %arg6[%dma_start3A_320, %dma_start3A_327] : memref<4x64xi32, #tpu.memory_space<vmem>> -> memref<1x16xi32, #tpu.memory_space<vmem>>
    %dma_start3A_329 = tpu.memref_squeeze %dma_start3A_328 : memref<1x16xi32, #tpu.memory_space<vmem>> -> memref<16xi32, #tpu.memory_space<vmem>>
    %dma_start3A_330 = arith.constant 0 : i32
    %dma_start3A_331 = arith.constant 0 : i32
    %dma_start3A_332 = tpu.memref_slice %arg3[%dma_start3A_330, %dma_start3A_331] : memref<100000x1024xf32, #tpu.memory_space<hbm>> -> memref<100000x1024xf32, #tpu.memory_space<hbm>>
    %dma_start3A_333 = tpu.memref_slice %arg9[%dma_start3A_322] : memref<5x!tpu.dma_semaphore, #tpu.memory_space<semaphore_mem>> -> memref<1x!tpu.dma_semaphore, #tpu.memory_space<semaphore_mem>>
    %dma_start3A_334 = tpu.memref_squeeze %dma_start3A_333 : memref<1x!tpu.dma_semaphore, #tpu.memory_space<semaphore_mem>> -> memref<!tpu.dma_semaphore, #tpu.memory_space<semaphore_mem>>
    tpu.enqueue_indirect_dma source(%dma_start3A_332 : memref<100000x1024xf32, #tpu.memory_space<hbm>>) target(%dma_start3A_326 : memref<16x1024xf32, #tpu.memory_space<vmem>>) offsets(%dma_start3A_329 : memref<16xi32, #tpu.memory_space<vmem>>) semaphore(%dma_start3A_334 : memref<!tpu.dma_semaphore, #tpu.memory_space<semaphore_mem>>)
    %dma_wait3A_335 = arith.constant 2 : i32
    %dma_wait3A_336 = arith.constant 2 : i32
    %dma_wait3A_337 = arith.constant 2 : i32
    %dma_wait3A_338 = arith.constant 0 : i32
    %dma_wait3A_339 = arith.constant 0 : i32
    %dma_wait3A_340 = tpu.memref_slice %arg8[%dma_wait3A_336, %dma_wait3A_338, %dma_wait3A_339] : memref<5x16x1024xf32, #tpu.memory_space<vmem>> -> memref<1x16x1024xf32, #tpu.memory_space<vmem>>
    %dma_wait3A_341 = tpu.memref_squeeze %dma_wait3A_340 : memref<1x16x1024xf32, #tpu.memory_space<vmem>> -> memref<16x1024xf32, #tpu.memory_space<vmem>>
    %dma_wait3A_342 = arith.constant 0 : i32
    %dma_wait3A_343 = tpu.memref_slice %arg6[%dma_wait3A_335, %dma_wait3A_342] : memref<4x64xi32, #tpu.memory_space<vmem>> -> memref<1x16xi32, #tpu.memory_space<vmem>>
    %dma_wait3A_344 = tpu.memref_squeeze %dma_wait3A_343 : memref<1x16xi32, #tpu.memory_space<vmem>> -> memref<16xi32, #tpu.memory_space<vmem>>
    %dma_wait3A_345 = arith.constant 0 : i32
    %dma_wait3A_346 = arith.constant 0 : i32
    %dma_wait3A_347 = tpu.memref_slice %arg3[%dma_wait3A_345, %dma_wait3A_346] : memref<100000x1024xf32, #tpu.memory_space<hbm>> -> memref<100000x1024xf32, #tpu.memory_space<hbm>>
    %dma_wait3A_348 = tpu.memref_slice %arg9[%dma_wait3A_337] : memref<5x!tpu.dma_semaphore, #tpu.memory_space<semaphore_mem>> -> memref<1x!tpu.dma_semaphore, #tpu.memory_space<semaphore_mem>>
    %dma_wait3A_349 = tpu.memref_squeeze %dma_wait3A_348 : memref<1x!tpu.dma_semaphore, #tpu.memory_space<semaphore_mem>> -> memref<!tpu.dma_semaphore, #tpu.memory_space<semaphore_mem>>
    tpu.wait_indirect_dma semaphore(%dma_wait3A_349 : memref<!tpu.dma_semaphore, #tpu.memory_space<semaphore_mem>>) src(%dma_wait3A_347 : memref<100000x1024xf32, #tpu.memory_space<hbm>>) dst(%dma_wait3A_341 : memref<16x1024xf32, #tpu.memory_space<vmem>>)
    %parallel_loop3A_350 = arith.constant 0 : i32
    %parallel_loop3A_351 = arith.constant 16 : i32
    %parallel_loop3A_352 = arith.constant 1 : i32
    scf.for %parallel_loop3A_1400 = %parallel_loop3A_350 to %parallel_loop3A_351 step %parallel_loop3A_352  : i32 {
      %parallel_loop3A_1401 = arith.constant 0 : i32
      %parallel_loop3A_1402 = arith.constant 1024 : i32
      %parallel_loop3A_1403 = arith.constant 16 : i32
      scf.for %parallel_loop3A_1404 = %parallel_loop3A_1401 to %parallel_loop3A_1402 step %parallel_loop3A_1403  : i32 {
        %parallel_loop3A_1405 = arith.constant 0 : i32
        %parallel_loop3A_1406 = arith.index_cast %parallel_loop3A_1405 : i32 to index
        %parallel_loop3A_1407 = arith.index_cast %parallel_loop3A_1400 : i32 to index
        %parallel_loop3A_1408 = arith.index_cast %parallel_loop3A_1404 : i32 to index
        %parallel_loop3A_1409 = tpu.vector_load %arg7[%parallel_loop3A_1406, %parallel_loop3A_1407, %parallel_loop3A_1408] {strides = array<i32>} : memref<2x16x1024xf32, #tpu.memory_space<vmem>>, vector<1x1x16xf32>,
        %parallel_loop3A_1410 = vector.shape_cast %parallel_loop3A_1409 : vector<1x1x16xf32> to vector<16xf32>
        %parallel_loop3A_1411 = arith.constant 2 : i32
        %parallel_loop3A_1412 = arith.index_cast %parallel_loop3A_1411 : i32 to index
        %parallel_loop3A_1413 = arith.index_cast %parallel_loop3A_1400 : i32 to index
        %parallel_loop3A_1414 = arith.index_cast %parallel_loop3A_1404 : i32 to index
        %parallel_loop3A_1415 = tpu.vector_load %arg8[%parallel_loop3A_1412, %parallel_loop3A_1413, %parallel_loop3A_1414] {strides = array<i32>} : memref<5x16x1024xf32, #tpu.memory_space<vmem>>, vector<1x1x16xf32>,
        %parallel_loop3A_1416 = vector.shape_cast %parallel_loop3A_1415 : vector<1x1x16xf32> to vector<16xf32>
        %parallel_loop3A_1417 = vector.shape_cast %parallel_loop3A_1410 : vector<16xf32> to vector<1x1x16xf32>
        tpu.vector_store %arg8[%parallel_loop3A_1412, %parallel_loop3A_1413, %parallel_loop3A_1414], %parallel_loop3A_1417 {add = true, strides = array<i32>} : memref<5x16x1024xf32, #tpu.memory_space<vmem>>, vector<1x1x16xf32>,
      } {sc.loop_unroll_factor = 4 : i64, sc.parallel_access}
    } {sc.loop_unroll_factor = 1 : i64, sc.parallel_access}
    %add3A_353 = arith.constant 0 : i32
    %add3A_354 = arith.addi %mul3A_2, %add3A_353 : i32
    %dma_start3A_355 = arith.constant 2 : i32
    %dma_start3A_356 = arith.constant 2 : i32
    %dma_start3A_357 = arith.constant 2 : i32
    %dma_start3A_358 = arith.constant 0 : i32
    %dma_start3A_359 = arith.constant 0 : i32
    %dma_start3A_360 = tpu.memref_slice %arg8[%dma_start3A_355, %dma_start3A_358, %dma_start3A_359] : memref<5x16x1024xf32, #tpu.memory_space<vmem>> -> memref<1x16x1024xf32, #tpu.memory_space<vmem>>
    %dma_start3A_361 = tpu.memref_squeeze %dma_start3A_360 : memref<1x16x1024xf32, #tpu.memory_space<vmem>> -> memref<16x1024xf32, #tpu.memory_space<vmem>>
    %dma_start3A_362 = arith.constant 0 : i32
    %dma_start3A_363 = tpu.memref_slice %arg5[%dma_start3A_356, %add3A_354, %dma_start3A_362] : memref<4x2048x1024xf32, #tpu.memory_space<hbm>> -> memref<1x16x1024xf32, #tpu.memory_space<hbm>>
    %dma_start3A_364 = tpu.memref_squeeze %dma_start3A_363 : memref<1x16x1024xf32, #tpu.memory_space<hbm>> -> memref<16x1024xf32, #tpu.memory_space<hbm>>
    %dma_start3A_365 = tpu.memref_slice %arg10[%dma_start3A_357] : memref<5x!tpu.dma_semaphore, #tpu.memory_space<semaphore_mem>> -> memref<1x!tpu.dma_semaphore, #tpu.memory_space<semaphore_mem>>
    %dma_start3A_366 = tpu.memref_squeeze %dma_start3A_365 : memref<1x!tpu.dma_semaphore, #tpu.memory_space<semaphore_mem>> -> memref<!tpu.dma_semaphore, #tpu.memory_space<semaphore_mem>>
    %dma_start3A_367 = arith.constant 0 : i32
    %dma_start3A_368 = tpu.memref_slice %arg5[%dma_start3A_356, %add3A_354, %dma_start3A_367] : memref<4x2048x1024xf32, #tpu.memory_space<hbm>> -> memref<1x16x1024xf32, #tpu.memory_space<hbm>>
    %dma_start3A_369 = tpu.memref_squeeze %dma_start3A_368 : memref<1x16x1024xf32, #tpu.memory_space<hbm>> -> memref<16x1024xf32, #tpu.memory_space<hbm>>
    %dma_start3A_370 = arith.constant 0 : i32
    %dma_start3A_371 = arith.constant 0 : i32
    %dma_start3A_372 = tpu.memref_slice %arg8[%dma_start3A_355, %dma_start3A_370, %dma_start3A_371] : memref<5x16x1024xf32, #tpu.memory_space<vmem>> -> memref<1x16x1024xf32, #tpu.memory_space<vmem>>
    %dma_start3A_373 = tpu.memref_squeeze %dma_start3A_372 : memref<1x16x1024xf32, #tpu.memory_space<vmem>> -> memref<16x1024xf32, #tpu.memory_space<vmem>>
    tpu.enqueue_dma source(%dma_start3A_373 : memref<16x1024xf32, #tpu.memory_space<vmem>>) target(%dma_start3A_369 : memref<16x1024xf32, #tpu.memory_space<hbm>>) target_semaphore(%dma_start3A_366 : memref<!tpu.dma_semaphore, #tpu.memory_space<semaphore_mem>>)
    %dma_wait3A_374 = arith.constant 1 : i32
    %dma_wait3A_375 = arith.constant 1 : i32
    %dma_wait3A_376 = arith.constant 1 : i32
    %dma_wait3A_377 = arith.constant 0 : i32
    %dma_wait3A_378 = arith.constant 0 : i32
    %dma_wait3A_379 = tpu.memref_slice %arg8[%dma_wait3A_374, %dma_wait3A_377, %dma_wait3A_378] : memref<5x16x1024xf32, #tpu.memory_space<vmem>> -> memref<1x16x1024xf32, #tpu.memory_space<vmem>>
    %dma_wait3A_380 = tpu.memref_squeeze %dma_wait3A_379 : memref<1x16x1024xf32, #tpu.memory_space<vmem>> -> memref<16x1024xf32, #tpu.memory_space<vmem>>
    %dma_wait3A_381 = arith.constant 0 : i32
    %dma_wait3A_382 = tpu.memref_slice %arg5[%dma_wait3A_375, %add3A_281, %dma_wait3A_381] : memref<4x2048x1024xf32, #tpu.memory_space<hbm>> -> memref<1x16x1024xf32, #tpu.memory_space<hbm>>
    %dma_wait3A_383 = tpu.memref_squeeze %dma_wait3A_382 : memref<1x16x1024xf32, #tpu.memory_space<hbm>> -> memref<16x1024xf32, #tpu.memory_space<hbm>>
    %dma_wait3A_384 = tpu.memref_slice %arg10[%dma_wait3A_376] : memref<5x!tpu.dma_semaphore, #tpu.memory_space<semaphore_mem>> -> memref<1x!tpu.dma_semaphore, #tpu.memory_space<semaphore_mem>>
    %dma_wait3A_385 = tpu.memref_squeeze %dma_wait3A_384 : memref<1x!tpu.dma_semaphore, #tpu.memory_space<semaphore_mem>> -> memref<!tpu.dma_semaphore, #tpu.memory_space<semaphore_mem>>
    %dma_wait3A_386 = arith.constant 0 : i32
    %dma_wait3A_387 = tpu.memref_slice %arg5[%dma_wait3A_375, %add3A_281, %dma_wait3A_386] : memref<4x2048x1024xf32, #tpu.memory_space<hbm>> -> memref<1x16x1024xf32, #tpu.memory_space<hbm>>
    %dma_wait3A_388 = tpu.memref_squeeze %dma_wait3A_387 : memref<1x16x1024xf32, #tpu.memory_space<hbm>> -> memref<16x1024xf32, #tpu.memory_space<hbm>>
    %dma_wait3A_389 = arith.constant 0 : i32
    %dma_wait3A_390 = arith.constant 0 : i32
    %dma_wait3A_391 = tpu.memref_slice %arg8[%dma_wait3A_374, %dma_wait3A_389, %dma_wait3A_390] : memref<5x16x1024xf32, #tpu.memory_space<vmem>> -> memref<1x16x1024xf32, #tpu.memory_space<vmem>>
    %dma_wait3A_392 = tpu.memref_squeeze %dma_wait3A_391 : memref<1x16x1024xf32, #tpu.memory_space<vmem>> -> memref<16x1024xf32, #tpu.memory_space<vmem>>
    tpu.wait_dma2 semaphore(%dma_wait3A_385 : memref<!tpu.dma_semaphore, #tpu.memory_space<semaphore_mem>>) src(%dma_wait3A_392 : memref<16x1024xf32, #tpu.memory_space<vmem>>) dst(%dma_wait3A_388 : memref<16x1024xf32, #tpu.memory_space<hbm>>)
    %dma_start3A_393 = arith.constant 2 : i32
    %dma_start3A_394 = arith.constant 1 : i32
    %dma_start3A_395 = arith.constant 1 : i32
    %dma_start3A_396 = arith.constant 0 : i32
    %dma_start3A_397 = arith.constant 0 : i32
    %dma_start3A_398 = tpu.memref_slice %arg8[%dma_start3A_394, %dma_start3A_396, %dma_start3A_397] : memref<5x16x1024xf32, #tpu.memory_space<vmem>> -> memref<1x16x1024xf32, #tpu.memory_space<vmem>>
    %dma_start3A_399 = tpu.memref_squeeze %dma_start3A_398 : memref<1x16x1024xf32, #tpu.memory_space<vmem>> -> memref<16x1024xf32, #tpu.memory_space<vmem>>
    %dma_start3A_400 = arith.constant 16 : i32
    %dma_start3A_401 = tpu.memref_slice %arg6[%dma_start3A_393, %dma_start3A_400] : memref<4x64xi32, #tpu.memory_space<vmem>> -> memref<1x16xi32, #tpu.memory_space<vmem>>
    %dma_start3A_402 = tpu.memref_squeeze %dma_start3A_401 : memref<1x16xi32, #tpu.memory_space<vmem>> -> memref<16xi32, #tpu.memory_space<vmem>>
    %dma_start3A_403 = arith.constant 0 : i32
    %dma_start3A_404 = arith.constant 0 : i32
    %dma_start3A_405 = tpu.memref_slice %arg3[%dma_start3A_403, %dma_start3A_404] : memref<100000x1024xf32, #tpu.memory_space<hbm>> -> memref<100000x1024xf32, #tpu.memory_space<hbm>>
    %dma_start3A_406 = tpu.memref_slice %arg9[%dma_start3A_395] : memref<5x!tpu.dma_semaphore, #tpu.memory_space<semaphore_mem>> -> memref<1x!tpu.dma_semaphore, #tpu.memory_space<semaphore_mem>>
    %dma_start3A_407 = tpu.memref_squeeze %dma_start3A_406 : memref<1x!tpu.dma_semaphore, #tpu.memory_space<semaphore_mem>> -> memref<!tpu.dma_semaphore, #tpu.memory_space<semaphore_mem>>
    tpu.enqueue_indirect_dma source(%dma_start3A_405 : memref<100000x1024xf32, #tpu.memory_space<hbm>>) target(%dma_start3A_399 : memref<16x1024xf32, #tpu.memory_space<vmem>>) offsets(%dma_start3A_402 : memref<16xi32, #tpu.memory_space<vmem>>) semaphore(%dma_start3A_407 : memref<!tpu.dma_semaphore, #tpu.memory_space<semaphore_mem>>)
    %dma_wait3A_408 = arith.constant 3 : i32
    %dma_wait3A_409 = arith.constant 3 : i32
    %dma_wait3A_410 = arith.constant 3 : i32
    %dma_wait3A_411 = arith.constant 0 : i32
    %dma_wait3A_412 = arith.constant 0 : i32
    %dma_wait3A_413 = tpu.memref_slice %arg8[%dma_wait3A_409, %dma_wait3A_411, %dma_wait3A_412] : memref<5x16x1024xf32, #tpu.memory_space<vmem>> -> memref<1x16x1024xf32, #tpu.memory_space<vmem>>
    %dma_wait3A_414 = tpu.memref_squeeze %dma_wait3A_413 : memref<1x16x1024xf32, #tpu.memory_space<vmem>> -> memref<16x1024xf32, #tpu.memory_space<vmem>>
    %dma_wait3A_415 = arith.constant 0 : i32
    %dma_wait3A_416 = tpu.memref_slice %arg6[%dma_wait3A_408, %dma_wait3A_415] : memref<4x64xi32, #tpu.memory_space<vmem>> -> memref<1x16xi32, #tpu.memory_space<vmem>>
    %dma_wait3A_417 = tpu.memref_squeeze %dma_wait3A_416 : memref<1x16xi32, #tpu.memory_space<vmem>> -> memref<16xi32, #tpu.memory_space<vmem>>
    %dma_wait3A_418 = arith.constant 0 : i32
    %dma_wait3A_419 = arith.constant 0 : i32
    %dma_wait3A_420 = tpu.memref_slice %arg3[%dma_wait3A_418, %dma_wait3A_419] : memref<100000x1024xf32, #tpu.memory_space<hbm>> -> memref<100000x1024xf32, #tpu.memory_space<hbm>>
    %dma_wait3A_421 = tpu.memref_slice %arg9[%dma_wait3A_410] : memref<5x!tpu.dma_semaphore, #tpu.memory_space<semaphore_mem>> -> memref<1x!tpu.dma_semaphore, #tpu.memory_space<semaphore_mem>>
    %dma_wait3A_422 = tpu.memref_squeeze %dma_wait3A_421 : memref<1x!tpu.dma_semaphore, #tpu.memory_space<semaphore_mem>> -> memref<!tpu.dma_semaphore, #tpu.memory_space<semaphore_mem>>
    tpu.wait_indirect_dma semaphore(%dma_wait3A_422 : memref<!tpu.dma_semaphore, #tpu.memory_space<semaphore_mem>>) src(%dma_wait3A_420 : memref<100000x1024xf32, #tpu.memory_space<hbm>>) dst(%dma_wait3A_414 : memref<16x1024xf32, #tpu.memory_space<vmem>>)
    %parallel_loop3A_423 = arith.constant 0 : i32
    %parallel_loop3A_424 = arith.constant 16 : i32
    %parallel_loop3A_425 = arith.constant 1 : i32
    scf.for %parallel_loop3A_1400 = %parallel_loop3A_423 to %parallel_loop3A_424 step %parallel_loop3A_425  : i32 {
      %parallel_loop3A_1401 = arith.constant 0 : i32
      %parallel_loop3A_1402 = arith.constant 1024 : i32
      %parallel_loop3A_1403 = arith.constant 16 : i32
      scf.for %parallel_loop3A_1404 = %parallel_loop3A_1401 to %parallel_loop3A_1402 step %parallel_loop3A_1403  : i32 {
        %parallel_loop3A_1405 = arith.constant 0 : i32
        %parallel_loop3A_1406 = arith.index_cast %parallel_loop3A_1405 : i32 to index
        %parallel_loop3A_1407 = arith.index_cast %parallel_loop3A_1400 : i32 to index
        %parallel_loop3A_1408 = arith.index_cast %parallel_loop3A_1404 : i32 to index
        %parallel_loop3A_1409 = tpu.vector_load %arg7[%parallel_loop3A_1406, %parallel_loop3A_1407, %parallel_loop3A_1408] {strides = array<i32>} : memref<2x16x1024xf32, #tpu.memory_space<vmem>>, vector<1x1x16xf32>,
        %parallel_loop3A_1410 = vector.shape_cast %parallel_loop3A_1409 : vector<1x1x16xf32> to vector<16xf32>
        %parallel_loop3A_1411 = arith.constant 3 : i32
        %parallel_loop3A_1412 = arith.index_cast %parallel_loop3A_1411 : i32 to index
        %parallel_loop3A_1413 = arith.index_cast %parallel_loop3A_1400 : i32 to index
        %parallel_loop3A_1414 = arith.index_cast %parallel_loop3A_1404 : i32 to index
        %parallel_loop3A_1415 = tpu.vector_load %arg8[%parallel_loop3A_1412, %parallel_loop3A_1413, %parallel_loop3A_1414] {strides = array<i32>} : memref<5x16x1024xf32, #tpu.memory_space<vmem>>, vector<1x1x16xf32>,
        %parallel_loop3A_1416 = vector.shape_cast %parallel_loop3A_1415 : vector<1x1x16xf32> to vector<16xf32>
        %parallel_loop3A_1417 = vector.shape_cast %parallel_loop3A_1410 : vector<16xf32> to vector<1x1x16xf32>
        tpu.vector_store %arg8[%parallel_loop3A_1412, %parallel_loop3A_1413, %parallel_loop3A_1414], %parallel_loop3A_1417 {add = true, strides = array<i32>} : memref<5x16x1024xf32, #tpu.memory_space<vmem>>, vector<1x1x16xf32>,
      } {sc.loop_unroll_factor = 4 : i64, sc.parallel_access}
    } {sc.loop_unroll_factor = 1 : i64, sc.parallel_access}
    %add3A_426 = arith.constant 32 : i32
    %add3A_427 = arith.addi %mul3A_2, %add3A_426 : i32
    %dma_start3A_428 = arith.constant 0 : i32
    %dma_start3A_429 = arith.constant 0 : i32
    %dma_start3A_430 = arith.constant 0 : i32
    %dma_start3A_431 = arith.constant 0 : i32
    %dma_start3A_432 = tpu.memref_slice %arg7[%dma_start3A_428, %dma_start3A_430, %dma_start3A_431] : memref<2x16x1024xf32, #tpu.memory_space<vmem>> -> memref<1x16x1024xf32, #tpu.memory_space<vmem>>
    %dma_start3A_433 = tpu.memref_squeeze %dma_start3A_432 : memref<1x16x1024xf32, #tpu.memory_space<vmem>> -> memref<16x1024xf32, #tpu.memory_space<vmem>>
    %dma_start3A_434 = arith.constant 0 : i32
    %dma_start3A_435 = tpu.memref_slice %arg4[%add3A_427, %dma_start3A_434] : memref<2048x1024xf32, #tpu.memory_space<hbm>> -> memref<16x1024xf32, #tpu.memory_space<hbm>>
    %dma_start3A_436 = tpu.memref_slice %arg11[%dma_start3A_429] : memref<2x!tpu.dma_semaphore, #tpu.memory_space<semaphore_mem>> -> memref<1x!tpu.dma_semaphore, #tpu.memory_space<semaphore_mem>>
    %dma_start3A_437 = tpu.memref_squeeze %dma_start3A_436 : memref<1x!tpu.dma_semaphore, #tpu.memory_space<semaphore_mem>> -> memref<!tpu.dma_semaphore, #tpu.memory_space<semaphore_mem>>
    %dma_start3A_438 = arith.constant 0 : i32
    %dma_start3A_439 = arith.constant 0 : i32
    %dma_start3A_440 = tpu.memref_slice %arg7[%dma_start3A_428, %dma_start3A_438, %dma_start3A_439] : memref<2x16x1024xf32, #tpu.memory_space<vmem>> -> memref<1x16x1024xf32, #tpu.memory_space<vmem>>
    %dma_start3A_441 = tpu.memref_squeeze %dma_start3A_440 : memref<1x16x1024xf32, #tpu.memory_space<vmem>> -> memref<16x1024xf32, #tpu.memory_space<vmem>>
    %dma_start3A_442 = arith.constant 0 : i32
    %dma_start3A_443 = tpu.memref_slice %arg4[%add3A_427, %dma_start3A_442] : memref<2048x1024xf32, #tpu.memory_space<hbm>> -> memref<16x1024xf32, #tpu.memory_space<hbm>>
    tpu.enqueue_dma source(%dma_start3A_443 : memref<16x1024xf32, #tpu.memory_space<hbm>>) target(%dma_start3A_441 : memref<16x1024xf32, #tpu.memory_space<vmem>>) target_semaphore(%dma_start3A_437 : memref<!tpu.dma_semaphore, #tpu.memory_space<semaphore_mem>>)
    %add3A_444 = arith.constant 0 : i32
    %add3A_445 = arith.addi %mul3A_2, %add3A_444 : i32
    %dma_start3A_446 = arith.constant 3 : i32
    %dma_start3A_447 = arith.constant 3 : i32
    %dma_start3A_448 = arith.constant 3 : i32
    %dma_start3A_449 = arith.constant 0 : i32
    %dma_start3A_450 = arith.constant 0 : i32
    %dma_start3A_451 = tpu.memref_slice %arg8[%dma_start3A_446, %dma_start3A_449, %dma_start3A_450] : memref<5x16x1024xf32, #tpu.memory_space<vmem>> -> memref<1x16x1024xf32, #tpu.memory_space<vmem>>
    %dma_start3A_452 = tpu.memref_squeeze %dma_start3A_451 : memref<1x16x1024xf32, #tpu.memory_space<vmem>> -> memref<16x1024xf32, #tpu.memory_space<vmem>>
    %dma_start3A_453 = arith.constant 0 : i32
    %dma_start3A_454 = tpu.memref_slice %arg5[%dma_start3A_447, %add3A_445, %dma_start3A_453] : memref<4x2048x1024xf32, #tpu.memory_space<hbm>> -> memref<1x16x1024xf32, #tpu.memory_space<hbm>>
    %dma_start3A_455 = tpu.memref_squeeze %dma_start3A_454 : memref<1x16x1024xf32, #tpu.memory_space<hbm>> -> memref<16x1024xf32, #tpu.memory_space<hbm>>
    %dma_start3A_456 = tpu.memref_slice %arg10[%dma_start3A_448] : memref<5x!tpu.dma_semaphore, #tpu.memory_space<semaphore_mem>> -> memref<1x!tpu.dma_semaphore, #tpu.memory_space<semaphore_mem>>
    %dma_start3A_457 = tpu.memref_squeeze %dma_start3A_456 : memref<1x!tpu.dma_semaphore, #tpu.memory_space<semaphore_mem>> -> memref<!tpu.dma_semaphore, #tpu.memory_space<semaphore_mem>>
    %dma_start3A_458 = arith.constant 0 : i32
    %dma_start3A_459 = tpu.memref_slice %arg5[%dma_start3A_447, %add3A_445, %dma_start3A_458] : memref<4x2048x1024xf32, #tpu.memory_space<hbm>> -> memref<1x16x1024xf32, #tpu.memory_space<hbm>>
    %dma_start3A_460 = tpu.memref_squeeze %dma_start3A_459 : memref<1x16x1024xf32, #tpu.memory_space<hbm>> -> memref<16x1024xf32, #tpu.memory_space<hbm>>
    %dma_start3A_461 = arith.constant 0 : i32
    %dma_start3A_462 = arith.constant 0 : i32
    %dma_start3A_463 = tpu.memref_slice %arg8[%dma_start3A_446, %dma_start3A_461, %dma_start3A_462] : memref<5x16x1024xf32, #tpu.memory_space<vmem>> -> memref<1x16x1024xf32, #tpu.memory_space<vmem>>
    %dma_start3A_464 = tpu.memref_squeeze %dma_start3A_463 : memref<1x16x1024xf32, #tpu.memory_space<vmem>> -> memref<16x1024xf32, #tpu.memory_space<vmem>>
    tpu.enqueue_dma source(%dma_start3A_464 : memref<16x1024xf32, #tpu.memory_space<vmem>>) target(%dma_start3A_460 : memref<16x1024xf32, #tpu.memory_space<hbm>>) target_semaphore(%dma_start3A_457 : memref<!tpu.dma_semaphore, #tpu.memory_space<semaphore_mem>>)
    %dma_wait3A_465 = arith.constant 2 : i32
    %dma_wait3A_466 = arith.constant 2 : i32
    %dma_wait3A_467 = arith.constant 2 : i32
    %dma_wait3A_468 = arith.constant 0 : i32
    %dma_wait3A_469 = arith.constant 0 : i32
    %dma_wait3A_470 = tpu.memref_slice %arg8[%dma_wait3A_465, %dma_wait3A_468, %dma_wait3A_469] : memref<5x16x1024xf32, #tpu.memory_space<vmem>> -> memref<1x16x1024xf32, #tpu.memory_space<vmem>>
    %dma_wait3A_471 = tpu.memref_squeeze %dma_wait3A_470 : memref<1x16x1024xf32, #tpu.memory_space<vmem>> -> memref<16x1024xf32, #tpu.memory_space<vmem>>
    %dma_wait3A_472 = arith.constant 0 : i32
    %dma_wait3A_473 = tpu.memref_slice %arg5[%dma_wait3A_466, %add3A_354, %dma_wait3A_472] : memref<4x2048x1024xf32, #tpu.memory_space<hbm>> -> memref<1x16x1024xf32, #tpu.memory_space<hbm>>
    %dma_wait3A_474 = tpu.memref_squeeze %dma_wait3A_473 : memref<1x16x1024xf32, #tpu.memory_space<hbm>> -> memref<16x1024xf32, #tpu.memory_space<hbm>>
    %dma_wait3A_475 = tpu.memref_slice %arg10[%dma_wait3A_467] : memref<5x!tpu.dma_semaphore, #tpu.memory_space<semaphore_mem>> -> memref<1x!tpu.dma_semaphore, #tpu.memory_space<semaphore_mem>>
    %dma_wait3A_476 = tpu.memref_squeeze %dma_wait3A_475 : memref<1x!tpu.dma_semaphore, #tpu.memory_space<semaphore_mem>> -> memref<!tpu.dma_semaphore, #tpu.memory_space<semaphore_mem>>
    %dma_wait3A_477 = arith.constant 0 : i32
    %dma_wait3A_478 = tpu.memref_slice %arg5[%dma_wait3A_466, %add3A_354, %dma_wait3A_477] : memref<4x2048x1024xf32, #tpu.memory_space<hbm>> -> memref<1x16x1024xf32, #tpu.memory_space<hbm>>
    %dma_wait3A_479 = tpu.memref_squeeze %dma_wait3A_478 : memref<1x16x1024xf32, #tpu.memory_space<hbm>> -> memref<16x1024xf32, #tpu.memory_space<hbm>>
    %dma_wait3A_480 = arith.constant 0 : i32
    %dma_wait3A_481 = arith.constant 0 : i32
    %dma_wait3A_482 = tpu.memref_slice %arg8[%dma_wait3A_465, %dma_wait3A_480, %dma_wait3A_481] : memref<5x16x1024xf32, #tpu.memory_space<vmem>> -> memref<1x16x1024xf32, #tpu.memory_space<vmem>>
    %dma_wait3A_483 = tpu.memref_squeeze %dma_wait3A_482 : memref<1x16x1024xf32, #tpu.memory_space<vmem>> -> memref<16x1024xf32, #tpu.memory_space<vmem>>
    tpu.wait_dma2 semaphore(%dma_wait3A_476 : memref<!tpu.dma_semaphore, #tpu.memory_space<semaphore_mem>>) src(%dma_wait3A_483 : memref<16x1024xf32, #tpu.memory_space<vmem>>) dst(%dma_wait3A_479 : memref<16x1024xf32, #tpu.memory_space<hbm>>)
    %dma_start3A_484 = arith.constant 3 : i32
    %dma_start3A_485 = arith.constant 2 : i32
    %dma_start3A_486 = arith.constant 2 : i32
    %dma_start3A_487 = arith.constant 0 : i32
    %dma_start3A_488 = arith.constant 0 : i32
    %dma_start3A_489 = tpu.memref_slice %arg8[%dma_start3A_485, %dma_start3A_487, %dma_start3A_488] : memref<5x16x1024xf32, #tpu.memory_space<vmem>> -> memref<1x16x1024xf32, #tpu.memory_space<vmem>>
    %dma_start3A_490 = tpu.memref_squeeze %dma_start3A_489 : memref<1x16x1024xf32, #tpu.memory_space<vmem>> -> memref<16x1024xf32, #tpu.memory_space<vmem>>
    %dma_start3A_491 = arith.constant 16 : i32
    %dma_start3A_492 = tpu.memref_slice %arg6[%dma_start3A_484, %dma_start3A_491] : memref<4x64xi32, #tpu.memory_space<vmem>> -> memref<1x16xi32, #tpu.memory_space<vmem>>
    %dma_start3A_493 = tpu.memref_squeeze %dma_start3A_492 : memref<1x16xi32, #tpu.memory_space<vmem>> -> memref<16xi32, #tpu.memory_space<vmem>>
    %dma_start3A_494 = arith.constant 0 : i32
    %dma_start3A_495 = arith.constant 0 : i32
    %dma_start3A_496 = tpu.memref_slice %arg3[%dma_start3A_494, %dma_start3A_495] : memref<100000x1024xf32, #tpu.memory_space<hbm>> -> memref<100000x1024xf32, #tpu.memory_space<hbm>>
    %dma_start3A_497 = tpu.memref_slice %arg9[%dma_start3A_486] : memref<5x!tpu.dma_semaphore, #tpu.memory_space<semaphore_mem>> -> memref<1x!tpu.dma_semaphore, #tpu.memory_space<semaphore_mem>>
    %dma_start3A_498 = tpu.memref_squeeze %dma_start3A_497 : memref<1x!tpu.dma_semaphore, #tpu.memory_space<semaphore_mem>> -> memref<!tpu.dma_semaphore, #tpu.memory_space<semaphore_mem>>
    tpu.enqueue_indirect_dma source(%dma_start3A_496 : memref<100000x1024xf32, #tpu.memory_space<hbm>>) target(%dma_start3A_490 : memref<16x1024xf32, #tpu.memory_space<vmem>>) offsets(%dma_start3A_493 : memref<16xi32, #tpu.memory_space<vmem>>) semaphore(%dma_start3A_498 : memref<!tpu.dma_semaphore, #tpu.memory_space<semaphore_mem>>)
    %dma_wait3A_499 = arith.constant 1 : i32
    %dma_wait3A_500 = arith.constant 1 : i32
    %dma_wait3A_501 = arith.constant 0 : i32
    %dma_wait3A_502 = arith.constant 0 : i32
    %dma_wait3A_503 = tpu.memref_slice %arg7[%dma_wait3A_499, %dma_wait3A_501, %dma_wait3A_502] : memref<2x16x1024xf32, #tpu.memory_space<vmem>> -> memref<1x16x1024xf32, #tpu.memory_space<vmem>>
    %dma_wait3A_504 = tpu.memref_squeeze %dma_wait3A_503 : memref<1x16x1024xf32, #tpu.memory_space<vmem>> -> memref<16x1024xf32, #tpu.memory_space<vmem>>
    %dma_wait3A_505 = arith.constant 0 : i32
    %dma_wait3A_506 = tpu.memref_slice %arg4[%add3A_69, %dma_wait3A_505] : memref<2048x1024xf32, #tpu.memory_space<hbm>> -> memref<16x1024xf32, #tpu.memory_space<hbm>>
    %dma_wait3A_507 = tpu.memref_slice %arg11[%dma_wait3A_500] : memref<2x!tpu.dma_semaphore, #tpu.memory_space<semaphore_mem>> -> memref<1x!tpu.dma_semaphore, #tpu.memory_space<semaphore_mem>>
    %dma_wait3A_508 = tpu.memref_squeeze %dma_wait3A_507 : memref<1x!tpu.dma_semaphore, #tpu.memory_space<semaphore_mem>> -> memref<!tpu.dma_semaphore, #tpu.memory_space<semaphore_mem>>
    %dma_wait3A_509 = arith.constant 0 : i32
    %dma_wait3A_510 = arith.constant 0 : i32
    %dma_wait3A_511 = tpu.memref_slice %arg7[%dma_wait3A_499, %dma_wait3A_509, %dma_wait3A_510] : memref<2x16x1024xf32, #tpu.memory_space<vmem>> -> memref<1x16x1024xf32, #tpu.memory_space<vmem>>
    %dma_wait3A_512 = tpu.memref_squeeze %dma_wait3A_511 : memref<1x16x1024xf32, #tpu.memory_space<vmem>> -> memref<16x1024xf32, #tpu.memory_space<vmem>>
    %dma_wait3A_513 = arith.constant 0 : i32
    %dma_wait3A_514 = tpu.memref_slice %arg4[%add3A_69, %dma_wait3A_513] : memref<2048x1024xf32, #tpu.memory_space<hbm>> -> memref<16x1024xf32, #tpu.memory_space<hbm>>
    tpu.wait_dma2 semaphore(%dma_wait3A_508 : memref<!tpu.dma_semaphore, #tpu.memory_space<semaphore_mem>>) src(%dma_wait3A_514 : memref<16x1024xf32, #tpu.memory_space<hbm>>) dst(%dma_wait3A_512 : memref<16x1024xf32, #tpu.memory_space<vmem>>)
    %dma_wait3A_515 = arith.constant 0 : i32
    %dma_wait3A_516 = arith.constant 4 : i32
    %dma_wait3A_517 = arith.constant 4 : i32
    %dma_wait3A_518 = arith.constant 0 : i32
    %dma_wait3A_519 = arith.constant 0 : i32
    %dma_wait3A_520 = tpu.memref_slice %arg8[%dma_wait3A_516, %dma_wait3A_518, %dma_wait3A_519] : memref<5x16x1024xf32, #tpu.memory_space<vmem>> -> memref<1x16x1024xf32, #tpu.memory_space<vmem>>
    %dma_wait3A_521 = tpu.memref_squeeze %dma_wait3A_520 : memref<1x16x1024xf32, #tpu.memory_space<vmem>> -> memref<16x1024xf32, #tpu.memory_space<vmem>>
    %dma_wait3A_522 = arith.constant 16 : i32
    %dma_wait3A_523 = tpu.memref_slice %arg6[%dma_wait3A_515, %dma_wait3A_522] : memref<4x64xi32, #tpu.memory_space<vmem>> -> memref<1x16xi32, #tpu.memory_space<vmem>>
    %dma_wait3A_524 = tpu.memref_squeeze %dma_wait3A_523 : memref<1x16xi32, #tpu.memory_space<vmem>> -> memref<16xi32, #tpu.memory_space<vmem>>
    %dma_wait3A_525 = arith.constant 0 : i32
    %dma_wait3A_526 = arith.constant 0 : i32
    %dma_wait3A_527 = tpu.memref_slice %arg3[%dma_wait3A_525, %dma_wait3A_526] : memref<100000x1024xf32, #tpu.memory_space<hbm>> -> memref<100000x1024xf32, #tpu.memory_space<hbm>>
    %dma_wait3A_528 = tpu.memref_slice %arg9[%dma_wait3A_517] : memref<5x!tpu.dma_semaphore, #tpu.memory_space<semaphore_mem>> -> memref<1x!tpu.dma_semaphore, #tpu.memory_space<semaphore_mem>>
    %dma_wait3A_529 = tpu.memref_squeeze %dma_wait3A_528 : memref<1x!tpu.dma_semaphore, #tpu.memory_space<semaphore_mem>> -> memref<!tpu.dma_semaphore, #tpu.memory_space<semaphore_mem>>
    tpu.wait_indirect_dma semaphore(%dma_wait3A_529 : memref<!tpu.dma_semaphore, #tpu.memory_space<semaphore_mem>>) src(%dma_wait3A_527 : memref<100000x1024xf32, #tpu.memory_space<hbm>>) dst(%dma_wait3A_521 : memref<16x1024xf32, #tpu.memory_space<vmem>>)
    %parallel_loop3A_530 = arith.constant 0 : i32
    %parallel_loop3A_531 = arith.constant 16 : i32
    %parallel_loop3A_532 = arith.constant 1 : i32
    scf.for %parallel_loop3A_1400 = %parallel_loop3A_530 to %parallel_loop3A_531 step %parallel_loop3A_532  : i32 {
      %parallel_loop3A_1401 = arith.constant 0 : i32
      %parallel_loop3A_1402 = arith.constant 1024 : i32
      %parallel_loop3A_1403 = arith.constant 16 : i32
      scf.for %parallel_loop3A_1404 = %parallel_loop3A_1401 to %parallel_loop3A_1402 step %parallel_loop3A_1403  : i32 {
        %parallel_loop3A_1405 = arith.constant 1 : i32
        %parallel_loop3A_1406 = arith.index_cast %parallel_loop3A_1405 : i32 to index
        %parallel_loop3A_1407 = arith.index_cast %parallel_loop3A_1400 : i32 to index
        %parallel_loop3A_1408 = arith.index_cast %parallel_loop3A_1404 : i32 to index
        %parallel_loop3A_1409 = tpu.vector_load %arg7[%parallel_loop3A_1406, %parallel_loop3A_1407, %parallel_loop3A_1408] {strides = array<i32>} : memref<2x16x1024xf32, #tpu.memory_space<vmem>>, vector<1x1x16xf32>,
        %parallel_loop3A_1410 = vector.shape_cast %parallel_loop3A_1409 : vector<1x1x16xf32> to vector<16xf32>
        %parallel_loop3A_1411 = arith.constant 4 : i32
        %parallel_loop3A_1412 = arith.index_cast %parallel_loop3A_1411 : i32 to index
        %parallel_loop3A_1413 = arith.index_cast %parallel_loop3A_1400 : i32 to index
        %parallel_loop3A_1414 = arith.index_cast %parallel_loop3A_1404 : i32 to index
        %parallel_loop3A_1415 = tpu.vector_load %arg8[%parallel_loop3A_1412, %parallel_loop3A_1413, %parallel_loop3A_1414] {strides = array<i32>} : memref<5x16x1024xf32, #tpu.memory_space<vmem>>, vector<1x1x16xf32>,
        %parallel_loop3A_1416 = vector.shape_cast %parallel_loop3A_1415 : vector<1x1x16xf32> to vector<16xf32>
        %parallel_loop3A_1417 = vector.shape_cast %parallel_loop3A_1410 : vector<16xf32> to vector<1x1x16xf32>
        tpu.vector_store %arg8[%parallel_loop3A_1412, %parallel_loop3A_1413, %parallel_loop3A_1414], %parallel_loop3A_1417 {add = true, strides = array<i32>} : memref<5x16x1024xf32, #tpu.memory_space<vmem>>, vector<1x1x16xf32>,
      } {sc.loop_unroll_factor = 4 : i64, sc.parallel_access}
    } {sc.loop_unroll_factor = 1 : i64, sc.parallel_access}
    %add3A_533 = arith.constant 16 : i32
    %add3A_534 = arith.addi %mul3A_2, %add3A_533 : i32
    %dma_start3A_535 = arith.constant 4 : i32
    %dma_start3A_536 = arith.constant 0 : i32
    %dma_start3A_537 = arith.constant 4 : i32
    %dma_start3A_538 = arith.constant 0 : i32
    %dma_start3A_539 = arith.constant 0 : i32
    %dma_start3A_540 = tpu.memref_slice %arg8[%dma_start3A_535, %dma_start3A_538, %dma_start3A_539] : memref<5x16x1024xf32, #tpu.memory_space<vmem>> -> memref<1x16x1024xf32, #tpu.memory_space<vmem>>
    %dma_start3A_541 = tpu.memref_squeeze %dma_start3A_540 : memref<1x16x1024xf32, #tpu.memory_space<vmem>> -> memref<16x1024xf32, #tpu.memory_space<vmem>>
    %dma_start3A_542 = arith.constant 0 : i32
    %dma_start3A_543 = tpu.memref_slice %arg5[%dma_start3A_536, %add3A_534, %dma_start3A_542] : memref<4x2048x1024xf32, #tpu.memory_space<hbm>> -> memref<1x16x1024xf32, #tpu.memory_space<hbm>>
    %dma_start3A_544 = tpu.memref_squeeze %dma_start3A_543 : memref<1x16x1024xf32, #tpu.memory_space<hbm>> -> memref<16x1024xf32, #tpu.memory_space<hbm>>
    %dma_start3A_545 = tpu.memref_slice %arg10[%dma_start3A_537] : memref<5x!tpu.dma_semaphore, #tpu.memory_space<semaphore_mem>> -> memref<1x!tpu.dma_semaphore, #tpu.memory_space<semaphore_mem>>
    %dma_start3A_546 = tpu.memref_squeeze %dma_start3A_545 : memref<1x!tpu.dma_semaphore, #tpu.memory_space<semaphore_mem>> -> memref<!tpu.dma_semaphore, #tpu.memory_space<semaphore_mem>>
    %dma_start3A_547 = arith.constant 0 : i32
    %dma_start3A_548 = tpu.memref_slice %arg5[%dma_start3A_536, %add3A_534, %dma_start3A_547] : memref<4x2048x1024xf32, #tpu.memory_space<hbm>> -> memref<1x16x1024xf32, #tpu.memory_space<hbm>>
    %dma_start3A_549 = tpu.memref_squeeze %dma_start3A_548 : memref<1x16x1024xf32, #tpu.memory_space<hbm>> -> memref<16x1024xf32, #tpu.memory_space<hbm>>
    %dma_start3A_550 = arith.constant 0 : i32
    %dma_start3A_551 = arith.constant 0 : i32
    %dma_start3A_552 = tpu.memref_slice %arg8[%dma_start3A_535, %dma_start3A_550, %dma_start3A_551] : memref<5x16x1024xf32, #tpu.memory_space<vmem>> -> memref<1x16x1024xf32, #tpu.memory_space<vmem>>
    %dma_start3A_553 = tpu.memref_squeeze %dma_start3A_552 : memref<1x16x1024xf32, #tpu.memory_space<vmem>> -> memref<16x1024xf32, #tpu.memory_space<vmem>>
    tpu.enqueue_dma source(%dma_start3A_553 : memref<16x1024xf32, #tpu.memory_space<vmem>>) target(%dma_start3A_549 : memref<16x1024xf32, #tpu.memory_space<hbm>>) target_semaphore(%dma_start3A_546 : memref<!tpu.dma_semaphore, #tpu.memory_space<semaphore_mem>>)
    %dma_wait3A_554 = arith.constant 3 : i32
    %dma_wait3A_555 = arith.constant 3 : i32
    %dma_wait3A_556 = arith.constant 3 : i32
    %dma_wait3A_557 = arith.constant 0 : i32
    %dma_wait3A_558 = arith.constant 0 : i32
    %dma_wait3A_559 = tpu.memref_slice %arg8[%dma_wait3A_554, %dma_wait3A_557, %dma_wait3A_558] : memref<5x16x1024xf32, #tpu.memory_space<vmem>> -> memref<1x16x1024xf32, #tpu.memory_space<vmem>>
    %dma_wait3A_560 = tpu.memref_squeeze %dma_wait3A_559 : memref<1x16x1024xf32, #tpu.memory_space<vmem>> -> memref<16x1024xf32, #tpu.memory_space<vmem>>
    %dma_wait3A_561 = arith.constant 0 : i32
    %dma_wait3A_562 = tpu.memref_slice %arg5[%dma_wait3A_555, %add3A_445, %dma_wait3A_561] : memref<4x2048x1024xf32, #tpu.memory_space<hbm>> -> memref<1x16x1024xf32, #tpu.memory_space<hbm>>
    %dma_wait3A_563 = tpu.memref_squeeze %dma_wait3A_562 : memref<1x16x1024xf32, #tpu.memory_space<hbm>> -> memref<16x1024xf32, #tpu.memory_space<hbm>>
    %dma_wait3A_564 = tpu.memref_slice %arg10[%dma_wait3A_556] : memref<5x!tpu.dma_semaphore, #tpu.memory_space<semaphore_mem>> -> memref<1x!tpu.dma_semaphore, #tpu.memory_space<semaphore_mem>>
    %dma_wait3A_565 = tpu.memref_squeeze %dma_wait3A_564 : memref<1x!tpu.dma_semaphore, #tpu.memory_space<semaphore_mem>> -> memref<!tpu.dma_semaphore, #tpu.memory_space<semaphore_mem>>
    %dma_wait3A_566 = arith.constant 0 : i32
    %dma_wait3A_567 = tpu.memref_slice %arg5[%dma_wait3A_555, %add3A_445, %dma_wait3A_566] : memref<4x2048x1024xf32, #tpu.memory_space<hbm>> -> memref<1x16x1024xf32, #tpu.memory_space<hbm>>
    %dma_wait3A_568 = tpu.memref_squeeze %dma_wait3A_567 : memref<1x16x1024xf32, #tpu.memory_space<hbm>> -> memref<16x1024xf32, #tpu.memory_space<hbm>>
    %dma_wait3A_569 = arith.constant 0 : i32
    %dma_wait3A_570 = arith.constant 0 : i32
    %dma_wait3A_571 = tpu.memref_slice %arg8[%dma_wait3A_554, %dma_wait3A_569, %dma_wait3A_570] : memref<5x16x1024xf32, #tpu.memory_space<vmem>> -> memref<1x16x1024xf32, #tpu.memory_space<vmem>>
    %dma_wait3A_572 = tpu.memref_squeeze %dma_wait3A_571 : memref<1x16x1024xf32, #tpu.memory_space<vmem>> -> memref<16x1024xf32, #tpu.memory_space<vmem>>
    tpu.wait_dma2 semaphore(%dma_wait3A_565 : memref<!tpu.dma_semaphore, #tpu.memory_space<semaphore_mem>>) src(%dma_wait3A_572 : memref<16x1024xf32, #tpu.memory_space<vmem>>) dst(%dma_wait3A_568 : memref<16x1024xf32, #tpu.memory_space<hbm>>)
    %dma_start3A_573 = arith.constant 0 : i32
    %dma_start3A_574 = arith.constant 3 : i32
    %dma_start3A_575 = arith.constant 3 : i32
    %dma_start3A_576 = arith.constant 0 : i32
    %dma_start3A_577 = arith.constant 0 : i32
    %dma_start3A_578 = tpu.memref_slice %arg8[%dma_start3A_574, %dma_start3A_576, %dma_start3A_577] : memref<5x16x1024xf32, #tpu.memory_space<vmem>> -> memref<1x16x1024xf32, #tpu.memory_space<vmem>>
    %dma_start3A_579 = tpu.memref_squeeze %dma_start3A_578 : memref<1x16x1024xf32, #tpu.memory_space<vmem>> -> memref<16x1024xf32, #tpu.memory_space<vmem>>
    %dma_start3A_580 = arith.constant 32 : i32
    %dma_start3A_581 = tpu.memref_slice %arg6[%dma_start3A_573, %dma_start3A_580] : memref<4x64xi32, #tpu.memory_space<vmem>> -> memref<1x16xi32, #tpu.memory_space<vmem>>
    %dma_start3A_582 = tpu.memref_squeeze %dma_start3A_581 : memref<1x16xi32, #tpu.memory_space<vmem>> -> memref<16xi32, #tpu.memory_space<vmem>>
    %dma_start3A_583 = arith.constant 0 : i32
    %dma_start3A_584 = arith.constant 0 : i32
    %dma_start3A_585 = tpu.memref_slice %arg3[%dma_start3A_583, %dma_start3A_584] : memref<100000x1024xf32, #tpu.memory_space<hbm>> -> memref<100000x1024xf32, #tpu.memory_space<hbm>>
    %dma_start3A_586 = tpu.memref_slice %arg9[%dma_start3A_575] : memref<5x!tpu.dma_semaphore, #tpu.memory_space<semaphore_mem>> -> memref<1x!tpu.dma_semaphore, #tpu.memory_space<semaphore_mem>>
    %dma_start3A_587 = tpu.memref_squeeze %dma_start3A_586 : memref<1x!tpu.dma_semaphore, #tpu.memory_space<semaphore_mem>> -> memref<!tpu.dma_semaphore, #tpu.memory_space<semaphore_mem>>
    tpu.enqueue_indirect_dma source(%dma_start3A_585 : memref<100000x1024xf32, #tpu.memory_space<hbm>>) target(%dma_start3A_579 : memref<16x1024xf32, #tpu.memory_space<vmem>>) offsets(%dma_start3A_582 : memref<16xi32, #tpu.memory_space<vmem>>) semaphore(%dma_start3A_587 : memref<!tpu.dma_semaphore, #tpu.memory_space<semaphore_mem>>)
    %dma_wait3A_588 = arith.constant 1 : i32
    %dma_wait3A_589 = arith.constant 0 : i32
    %dma_wait3A_590 = arith.constant 0 : i32
    %dma_wait3A_591 = arith.constant 0 : i32
    %dma_wait3A_592 = arith.constant 0 : i32
    %dma_wait3A_593 = tpu.memref_slice %arg8[%dma_wait3A_589, %dma_wait3A_591, %dma_wait3A_592] : memref<5x16x1024xf32, #tpu.memory_space<vmem>> -> memref<1x16x1024xf32, #tpu.memory_space<vmem>>
    %dma_wait3A_594 = tpu.memref_squeeze %dma_wait3A_593 : memref<1x16x1024xf32, #tpu.memory_space<vmem>> -> memref<16x1024xf32, #tpu.memory_space<vmem>>
    %dma_wait3A_595 = arith.constant 16 : i32
    %dma_wait3A_596 = tpu.memref_slice %arg6[%dma_wait3A_588, %dma_wait3A_595] : memref<4x64xi32, #tpu.memory_space<vmem>> -> memref<1x16xi32, #tpu.memory_space<vmem>>
    %dma_wait3A_597 = tpu.memref_squeeze %dma_wait3A_596 : memref<1x16xi32, #tpu.memory_space<vmem>> -> memref<16xi32, #tpu.memory_space<vmem>>
    %dma_wait3A_598 = arith.constant 0 : i32
    %dma_wait3A_599 = arith.constant 0 : i32
    %dma_wait3A_600 = tpu.memref_slice %arg3[%dma_wait3A_598, %dma_wait3A_599] : memref<100000x1024xf32, #tpu.memory_space<hbm>> -> memref<100000x1024xf32, #tpu.memory_space<hbm>>
    %dma_wait3A_601 = tpu.memref_slice %arg9[%dma_wait3A_590] : memref<5x!tpu.dma_semaphore, #tpu.memory_space<semaphore_mem>> -> memref<1x!tpu.dma_semaphore, #tpu.memory_space<semaphore_mem>>
    %dma_wait3A_602 = tpu.memref_squeeze %dma_wait3A_601 : memref<1x!tpu.dma_semaphore, #tpu.memory_space<semaphore_mem>> -> memref<!tpu.dma_semaphore, #tpu.memory_space<semaphore_mem>>
    tpu.wait_indirect_dma semaphore(%dma_wait3A_602 : memref<!tpu.dma_semaphore, #tpu.memory_space<semaphore_mem>>) src(%dma_wait3A_600 : memref<100000x1024xf32, #tpu.memory_space<hbm>>) dst(%dma_wait3A_594 : memref<16x1024xf32, #tpu.memory_space<vmem>>)
    %parallel_loop3A_603 = arith.constant 0 : i32
    %parallel_loop3A_604 = arith.constant 16 : i32
    %parallel_loop3A_605 = arith.constant 1 : i32
    scf.for %parallel_loop3A_1400 = %parallel_loop3A_603 to %parallel_loop3A_604 step %parallel_loop3A_605  : i32 {
      %parallel_loop3A_1401 = arith.constant 0 : i32
      %parallel_loop3A_1402 = arith.constant 1024 : i32
      %parallel_loop3A_1403 = arith.constant 16 : i32
      scf.for %parallel_loop3A_1404 = %parallel_loop3A_1401 to %parallel_loop3A_1402 step %parallel_loop3A_1403  : i32 {
        %parallel_loop3A_1405 = arith.constant 1 : i32
        %parallel_loop3A_1406 = arith.index_cast %parallel_loop3A_1405 : i32 to index
        %parallel_loop3A_1407 = arith.index_cast %parallel_loop3A_1400 : i32 to index
        %parallel_loop3A_1408 = arith.index_cast %parallel_loop3A_1404 : i32 to index
        %parallel_loop3A_1409 = tpu.vector_load %arg7[%parallel_loop3A_1406, %parallel_loop3A_1407, %parallel_loop3A_1408] {strides = array<i32>} : memref<2x16x1024xf32, #tpu.memory_space<vmem>>, vector<1x1x16xf32>,
        %parallel_loop3A_1410 = vector.shape_cast %parallel_loop3A_1409 : vector<1x1x16xf32> to vector<16xf32>
        %parallel_loop3A_1411 = arith.constant 0 : i32
        %parallel_loop3A_1412 = arith.index_cast %parallel_loop3A_1411 : i32 to index
        %parallel_loop3A_1413 = arith.index_cast %parallel_loop3A_1400 : i32 to index
        %parallel_loop3A_1414 = arith.index_cast %parallel_loop3A_1404 : i32 to index
        %parallel_loop3A_1415 = tpu.vector_load %arg8[%parallel_loop3A_1412, %parallel_loop3A_1413, %parallel_loop3A_1414] {strides = array<i32>} : memref<5x16x1024xf32, #tpu.memory_space<vmem>>, vector<1x1x16xf32>,
        %parallel_loop3A_1416 = vector.shape_cast %parallel_loop3A_1415 : vector<1x1x16xf32> to vector<16xf32>
        %parallel_loop3A_1417 = vector.shape_cast %parallel_loop3A_1410 : vector<16xf32> to vector<1x1x16xf32>
        tpu.vector_store %arg8[%parallel_loop3A_1412, %parallel_loop3A_1413, %parallel_loop3A_1414], %parallel_loop3A_1417 {add = true, strides = array<i32>} : memref<5x16x1024xf32, #tpu.memory_space<vmem>>, vector<1x1x16xf32>,
      } {sc.loop_unroll_factor = 4 : i64, sc.parallel_access}
    } {sc.loop_unroll_factor = 1 : i64, sc.parallel_access}
    %add3A_606 = arith.constant 16 : i32
    %add3A_607 = arith.addi %mul3A_2, %add3A_606 : i32
    %dma_start3A_608 = arith.constant 0 : i32
    %dma_start3A_609 = arith.constant 1 : i32
    %dma_start3A_610 = arith.constant 0 : i32
    %dma_start3A_611 = arith.constant 0 : i32
    %dma_start3A_612 = arith.constant 0 : i32
    %dma_start3A_613 = tpu.memref_slice %arg8[%dma_start3A_608, %dma_start3A_611, %dma_start3A_612] : memref<5x16x1024xf32, #tpu.memory_space<vmem>> -> memref<1x16x1024xf32, #tpu.memory_space<vmem>>
    %dma_start3A_614 = tpu.memref_squeeze %dma_start3A_613 : memref<1x16x1024xf32, #tpu.memory_space<vmem>> -> memref<16x1024xf32, #tpu.memory_space<vmem>>
    %dma_start3A_615 = arith.constant 0 : i32
    %dma_start3A_616 = tpu.memref_slice %arg5[%dma_start3A_609, %add3A_607, %dma_start3A_615] : memref<4x2048x1024xf32, #tpu.memory_space<hbm>> -> memref<1x16x1024xf32, #tpu.memory_space<hbm>>
    %dma_start3A_617 = tpu.memref_squeeze %dma_start3A_616 : memref<1x16x1024xf32, #tpu.memory_space<hbm>> -> memref<16x1024xf32, #tpu.memory_space<hbm>>
    %dma_start3A_618 = tpu.memref_slice %arg10[%dma_start3A_610] : memref<5x!tpu.dma_semaphore, #tpu.memory_space<semaphore_mem>> -> memref<1x!tpu.dma_semaphore, #tpu.memory_space<semaphore_mem>>
    %dma_start3A_619 = tpu.memref_squeeze %dma_start3A_618 : memref<1x!tpu.dma_semaphore, #tpu.memory_space<semaphore_mem>> -> memref<!tpu.dma_semaphore, #tpu.memory_space<semaphore_mem>>
    %dma_start3A_620 = arith.constant 0 : i32
    %dma_start3A_621 = tpu.memref_slice %arg5[%dma_start3A_609, %add3A_607, %dma_start3A_620] : memref<4x2048x1024xf32, #tpu.memory_space<hbm>> -> memref<1x16x1024xf32, #tpu.memory_space<hbm>>
    %dma_start3A_622 = tpu.memref_squeeze %dma_start3A_621 : memref<1x16x1024xf32, #tpu.memory_space<hbm>> -> memref<16x1024xf32, #tpu.memory_space<hbm>>
    %dma_start3A_623 = arith.constant 0 : i32
    %dma_start3A_624 = arith.constant 0 : i32
    %dma_start3A_625 = tpu.memref_slice %arg8[%dma_start3A_608, %dma_start3A_623, %dma_start3A_624] : memref<5x16x1024xf32, #tpu.memory_space<vmem>> -> memref<1x16x1024xf32, #tpu.memory_space<vmem>>
    %dma_start3A_626 = tpu.memref_squeeze %dma_start3A_625 : memref<1x16x1024xf32, #tpu.memory_space<vmem>> -> memref<16x1024xf32, #tpu.memory_space<vmem>>
    tpu.enqueue_dma source(%dma_start3A_626 : memref<16x1024xf32, #tpu.memory_space<vmem>>) target(%dma_start3A_622 : memref<16x1024xf32, #tpu.memory_space<hbm>>) target_semaphore(%dma_start3A_619 : memref<!tpu.dma_semaphore, #tpu.memory_space<semaphore_mem>>)
    %dma_wait3A_627 = arith.constant 4 : i32
    %dma_wait3A_628 = arith.constant 0 : i32
    %dma_wait3A_629 = arith.constant 4 : i32
    %dma_wait3A_630 = arith.constant 0 : i32
    %dma_wait3A_631 = arith.constant 0 : i32
    %dma_wait3A_632 = tpu.memref_slice %arg8[%dma_wait3A_627, %dma_wait3A_630, %dma_wait3A_631] : memref<5x16x1024xf32, #tpu.memory_space<vmem>> -> memref<1x16x1024xf32, #tpu.memory_space<vmem>>
    %dma_wait3A_633 = tpu.memref_squeeze %dma_wait3A_632 : memref<1x16x1024xf32, #tpu.memory_space<vmem>> -> memref<16x1024xf32, #tpu.memory_space<vmem>>
    %dma_wait3A_634 = arith.constant 0 : i32
    %dma_wait3A_635 = tpu.memref_slice %arg5[%dma_wait3A_628, %add3A_534, %dma_wait3A_634] : memref<4x2048x1024xf32, #tpu.memory_space<hbm>> -> memref<1x16x1024xf32, #tpu.memory_space<hbm>>
    %dma_wait3A_636 = tpu.memref_squeeze %dma_wait3A_635 : memref<1x16x1024xf32, #tpu.memory_space<hbm>> -> memref<16x1024xf32, #tpu.memory_space<hbm>>
    %dma_wait3A_637 = tpu.memref_slice %arg10[%dma_wait3A_629] : memref<5x!tpu.dma_semaphore, #tpu.memory_space<semaphore_mem>> -> memref<1x!tpu.dma_semaphore, #tpu.memory_space<semaphore_mem>>
    %dma_wait3A_638 = tpu.memref_squeeze %dma_wait3A_637 : memref<1x!tpu.dma_semaphore, #tpu.memory_space<semaphore_mem>> -> memref<!tpu.dma_semaphore, #tpu.memory_space<semaphore_mem>>
    %dma_wait3A_639 = arith.constant 0 : i32
    %dma_wait3A_640 = tpu.memref_slice %arg5[%dma_wait3A_628, %add3A_534, %dma_wait3A_639] : memref<4x2048x1024xf32, #tpu.memory_space<hbm>> -> memref<1x16x1024xf32, #tpu.memory_space<hbm>>
    %dma_wait3A_641 = tpu.memref_squeeze %dma_wait3A_640 : memref<1x16x1024xf32, #tpu.memory_space<hbm>> -> memref<16x1024xf32, #tpu.memory_space<hbm>>
    %dma_wait3A_642 = arith.constant 0 : i32
    %dma_wait3A_643 = arith.constant 0 : i32
    %dma_wait3A_644 = tpu.memref_slice %arg8[%dma_wait3A_627, %dma_wait3A_642, %dma_wait3A_643] : memref<5x16x1024xf32, #tpu.memory_space<vmem>> -> memref<1x16x1024xf32, #tpu.memory_space<vmem>>
    %dma_wait3A_645 = tpu.memref_squeeze %dma_wait3A_644 : memref<1x16x1024xf32, #tpu.memory_space<vmem>> -> memref<16x1024xf32, #tpu.memory_space<vmem>>
    tpu.wait_dma2 semaphore(%dma_wait3A_638 : memref<!tpu.dma_semaphore, #tpu.memory_space<semaphore_mem>>) src(%dma_wait3A_645 : memref<16x1024xf32, #tpu.memory_space<vmem>>) dst(%dma_wait3A_641 : memref<16x1024xf32, #tpu.memory_space<hbm>>)
    %dma_start3A_646 = arith.constant 1 : i32
    %dma_start3A_647 = arith.constant 4 : i32
    %dma_start3A_648 = arith.constant 4 : i32
    %dma_start3A_649 = arith.constant 0 : i32
    %dma_start3A_650 = arith.constant 0 : i32
    %dma_start3A_651 = tpu.memref_slice %arg8[%dma_start3A_647, %dma_start3A_649, %dma_start3A_650] : memref<5x16x1024xf32, #tpu.memory_space<vmem>> -> memref<1x16x1024xf32, #tpu.memory_space<vmem>>
    %dma_start3A_652 = tpu.memref_squeeze %dma_start3A_651 : memref<1x16x1024xf32, #tpu.memory_space<vmem>> -> memref<16x1024xf32, #tpu.memory_space<vmem>>
    %dma_start3A_653 = arith.constant 32 : i32
    %dma_start3A_654 = tpu.memref_slice %arg6[%dma_start3A_646, %dma_start3A_653] : memref<4x64xi32, #tpu.memory_space<vmem>> -> memref<1x16xi32, #tpu.memory_space<vmem>>
    %dma_start3A_655 = tpu.memref_squeeze %dma_start3A_654 : memref<1x16xi32, #tpu.memory_space<vmem>> -> memref<16xi32, #tpu.memory_space<vmem>>
    %dma_start3A_656 = arith.constant 0 : i32
    %dma_start3A_657 = arith.constant 0 : i32
    %dma_start3A_658 = tpu.memref_slice %arg3[%dma_start3A_656, %dma_start3A_657] : memref<100000x1024xf32, #tpu.memory_space<hbm>> -> memref<100000x1024xf32, #tpu.memory_space<hbm>>
    %dma_start3A_659 = tpu.memref_slice %arg9[%dma_start3A_648] : memref<5x!tpu.dma_semaphore, #tpu.memory_space<semaphore_mem>> -> memref<1x!tpu.dma_semaphore, #tpu.memory_space<semaphore_mem>>
    %dma_start3A_660 = tpu.memref_squeeze %dma_start3A_659 : memref<1x!tpu.dma_semaphore, #tpu.memory_space<semaphore_mem>> -> memref<!tpu.dma_semaphore, #tpu.memory_space<semaphore_mem>>
    tpu.enqueue_indirect_dma source(%dma_start3A_658 : memref<100000x1024xf32, #tpu.memory_space<hbm>>) target(%dma_start3A_652 : memref<16x1024xf32, #tpu.memory_space<vmem>>) offsets(%dma_start3A_655 : memref<16xi32, #tpu.memory_space<vmem>>) semaphore(%dma_start3A_660 : memref<!tpu.dma_semaphore, #tpu.memory_space<semaphore_mem>>)
    %dma_wait3A_661 = arith.constant 2 : i32
    %dma_wait3A_662 = arith.constant 1 : i32
    %dma_wait3A_663 = arith.constant 1 : i32
    %dma_wait3A_664 = arith.constant 0 : i32
    %dma_wait3A_665 = arith.constant 0 : i32
    %dma_wait3A_666 = tpu.memref_slice %arg8[%dma_wait3A_662, %dma_wait3A_664, %dma_wait3A_665] : memref<5x16x1024xf32, #tpu.memory_space<vmem>> -> memref<1x16x1024xf32, #tpu.memory_space<vmem>>
    %dma_wait3A_667 = tpu.memref_squeeze %dma_wait3A_666 : memref<1x16x1024xf32, #tpu.memory_space<vmem>> -> memref<16x1024xf32, #tpu.memory_space<vmem>>
    %dma_wait3A_668 = arith.constant 16 : i32
    %dma_wait3A_669 = tpu.memref_slice %arg6[%dma_wait3A_661, %dma_wait3A_668] : memref<4x64xi32, #tpu.memory_space<vmem>> -> memref<1x16xi32, #tpu.memory_space<vmem>>
    %dma_wait3A_670 = tpu.memref_squeeze %dma_wait3A_669 : memref<1x16xi32, #tpu.memory_space<vmem>> -> memref<16xi32, #tpu.memory_space<vmem>>
    %dma_wait3A_671 = arith.constant 0 : i32
    %dma_wait3A_672 = arith.constant 0 : i32
    %dma_wait3A_673 = tpu.memref_slice %arg3[%dma_wait3A_671, %dma_wait3A_672] : memref<100000x1024xf32, #tpu.memory_space<hbm>> -> memref<100000x1024xf32, #tpu.memory_space<hbm>>
    %dma_wait3A_674 = tpu.memref_slice %arg9[%dma_wait3A_663] : memref<5x!tpu.dma_semaphore, #tpu.memory_space<semaphore_mem>> -> memref<1x!tpu.dma_semaphore, #tpu.memory_space<semaphore_mem>>
    %dma_wait3A_675 = tpu.memref_squeeze %dma_wait3A_674 : memref<1x!tpu.dma_semaphore, #tpu.memory_space<semaphore_mem>> -> memref<!tpu.dma_semaphore, #tpu.memory_space<semaphore_mem>>
    tpu.wait_indirect_dma semaphore(%dma_wait3A_675 : memref<!tpu.dma_semaphore, #tpu.memory_space<semaphore_mem>>) src(%dma_wait3A_673 : memref<100000x1024xf32, #tpu.memory_space<hbm>>) dst(%dma_wait3A_667 : memref<16x1024xf32, #tpu.memory_space<vmem>>)
    %parallel_loop3A_676 = arith.constant 0 : i32
    %parallel_loop3A_677 = arith.constant 16 : i32
    %parallel_loop3A_678 = arith.constant 1 : i32
    scf.for %parallel_loop3A_1400 = %parallel_loop3A_676 to %parallel_loop3A_677 step %parallel_loop3A_678  : i32 {
      %parallel_loop3A_1401 = arith.constant 0 : i32
      %parallel_loop3A_1402 = arith.constant 1024 : i32
      %parallel_loop3A_1403 = arith.constant 16 : i32
      scf.for %parallel_loop3A_1404 = %parallel_loop3A_1401 to %parallel_loop3A_1402 step %parallel_loop3A_1403  : i32 {
        %parallel_loop3A_1405 = arith.constant 1 : i32
        %parallel_loop3A_1406 = arith.index_cast %parallel_loop3A_1405 : i32 to index
        %parallel_loop3A_1407 = arith.index_cast %parallel_loop3A_1400 : i32 to index
        %parallel_loop3A_1408 = arith.index_cast %parallel_loop3A_1404 : i32 to index
        %parallel_loop3A_1409 = tpu.vector_load %arg7[%parallel_loop3A_1406, %parallel_loop3A_1407, %parallel_loop3A_1408] {strides = array<i32>} : memref<2x16x1024xf32, #tpu.memory_space<vmem>>, vector<1x1x16xf32>,
        %parallel_loop3A_1410 = vector.shape_cast %parallel_loop3A_1409 : vector<1x1x16xf32> to vector<16xf32>
        %parallel_loop3A_1411 = arith.constant 1 : i32
        %parallel_loop3A_1412 = arith.index_cast %parallel_loop3A_1411 : i32 to index
        %parallel_loop3A_1413 = arith.index_cast %parallel_loop3A_1400 : i32 to index
        %parallel_loop3A_1414 = arith.index_cast %parallel_loop3A_1404 : i32 to index
        %parallel_loop3A_1415 = tpu.vector_load %arg8[%parallel_loop3A_1412, %parallel_loop3A_1413, %parallel_loop3A_1414] {strides = array<i32>} : memref<5x16x1024xf32, #tpu.memory_space<vmem>>, vector<1x1x16xf32>,
        %parallel_loop3A_1416 = vector.shape_cast %parallel_loop3A_1415 : vector<1x1x16xf32> to vector<16xf32>
        %parallel_loop3A_1417 = vector.shape_cast %parallel_loop3A_1410 : vector<16xf32> to vector<1x1x16xf32>
        tpu.vector_store %arg8[%parallel_loop3A_1412, %parallel_loop3A_1413, %parallel_loop3A_1414], %parallel_loop3A_1417 {add = true, strides = array<i32>} : memref<5x16x1024xf32, #tpu.memory_space<vmem>>, vector<1x1x16xf32>,
      } {sc.loop_unroll_factor = 4 : i64, sc.parallel_access}
    } {sc.loop_unroll_factor = 1 : i64, sc.parallel_access}
    %add3A_679 = arith.constant 16 : i32
    %add3A_680 = arith.addi %mul3A_2, %add3A_679 : i32
    %dma_start3A_681 = arith.constant 1 : i32
    %dma_start3A_682 = arith.constant 2 : i32
    %dma_start3A_683 = arith.constant 1 : i32
    %dma_start3A_684 = arith.constant 0 : i32
    %dma_start3A_685 = arith.constant 0 : i32
    %dma_start3A_686 = tpu.memref_slice %arg8[%dma_start3A_681, %dma_start3A_684, %dma_start3A_685] : memref<5x16x1024xf32, #tpu.memory_space<vmem>> -> memref<1x16x1024xf32, #tpu.memory_space<vmem>>
    %dma_start3A_687 = tpu.memref_squeeze %dma_start3A_686 : memref<1x16x1024xf32, #tpu.memory_space<vmem>> -> memref<16x1024xf32, #tpu.memory_space<vmem>>
    %dma_start3A_688 = arith.constant 0 : i32
    %dma_start3A_689 = tpu.memref_slice %arg5[%dma_start3A_682, %add3A_680, %dma_start3A_688] : memref<4x2048x1024xf32, #tpu.memory_space<hbm>> -> memref<1x16x1024xf32, #tpu.memory_space<hbm>>
    %dma_start3A_690 = tpu.memref_squeeze %dma_start3A_689 : memref<1x16x1024xf32, #tpu.memory_space<hbm>> -> memref<16x1024xf32, #tpu.memory_space<hbm>>
    %dma_start3A_691 = tpu.memref_slice %arg10[%dma_start3A_683] : memref<5x!tpu.dma_semaphore, #tpu.memory_space<semaphore_mem>> -> memref<1x!tpu.dma_semaphore, #tpu.memory_space<semaphore_mem>>
    %dma_start3A_692 = tpu.memref_squeeze %dma_start3A_691 : memref<1x!tpu.dma_semaphore, #tpu.memory_space<semaphore_mem>> -> memref<!tpu.dma_semaphore, #tpu.memory_space<semaphore_mem>>
    %dma_start3A_693 = arith.constant 0 : i32
    %dma_start3A_694 = tpu.memref_slice %arg5[%dma_start3A_682, %add3A_680, %dma_start3A_693] : memref<4x2048x1024xf32, #tpu.memory_space<hbm>> -> memref<1x16x1024xf32, #tpu.memory_space<hbm>>
    %dma_start3A_695 = tpu.memref_squeeze %dma_start3A_694 : memref<1x16x1024xf32, #tpu.memory_space<hbm>> -> memref<16x1024xf32, #tpu.memory_space<hbm>>
    %dma_start3A_696 = arith.constant 0 : i32
    %dma_start3A_697 = arith.constant 0 : i32
    %dma_start3A_698 = tpu.memref_slice %arg8[%dma_start3A_681, %dma_start3A_696, %dma_start3A_697] : memref<5x16x1024xf32, #tpu.memory_space<vmem>> -> memref<1x16x1024xf32, #tpu.memory_space<vmem>>
    %dma_start3A_699 = tpu.memref_squeeze %dma_start3A_698 : memref<1x16x1024xf32, #tpu.memory_space<vmem>> -> memref<16x1024xf32, #tpu.memory_space<vmem>>
    tpu.enqueue_dma source(%dma_start3A_699 : memref<16x1024xf32, #tpu.memory_space<vmem>>) target(%dma_start3A_695 : memref<16x1024xf32, #tpu.memory_space<hbm>>) target_semaphore(%dma_start3A_692 : memref<!tpu.dma_semaphore, #tpu.memory_space<semaphore_mem>>)
    %dma_wait3A_700 = arith.constant 0 : i32
    %dma_wait3A_701 = arith.constant 1 : i32
    %dma_wait3A_702 = arith.constant 0 : i32
    %dma_wait3A_703 = arith.constant 0 : i32
    %dma_wait3A_704 = arith.constant 0 : i32
    %dma_wait3A_705 = tpu.memref_slice %arg8[%dma_wait3A_700, %dma_wait3A_703, %dma_wait3A_704] : memref<5x16x1024xf32, #tpu.memory_space<vmem>> -> memref<1x16x1024xf32, #tpu.memory_space<vmem>>
    %dma_wait3A_706 = tpu.memref_squeeze %dma_wait3A_705 : memref<1x16x1024xf32, #tpu.memory_space<vmem>> -> memref<16x1024xf32, #tpu.memory_space<vmem>>
    %dma_wait3A_707 = arith.constant 0 : i32
    %dma_wait3A_708 = tpu.memref_slice %arg5[%dma_wait3A_701, %add3A_607, %dma_wait3A_707] : memref<4x2048x1024xf32, #tpu.memory_space<hbm>> -> memref<1x16x1024xf32, #tpu.memory_space<hbm>>
    %dma_wait3A_709 = tpu.memref_squeeze %dma_wait3A_708 : memref<1x16x1024xf32, #tpu.memory_space<hbm>> -> memref<16x1024xf32, #tpu.memory_space<hbm>>
    %dma_wait3A_710 = tpu.memref_slice %arg10[%dma_wait3A_702] : memref<5x!tpu.dma_semaphore, #tpu.memory_space<semaphore_mem>> -> memref<1x!tpu.dma_semaphore, #tpu.memory_space<semaphore_mem>>
    %dma_wait3A_711 = tpu.memref_squeeze %dma_wait3A_710 : memref<1x!tpu.dma_semaphore, #tpu.memory_space<semaphore_mem>> -> memref<!tpu.dma_semaphore, #tpu.memory_space<semaphore_mem>>
    %dma_wait3A_712 = arith.constant 0 : i32
    %dma_wait3A_713 = tpu.memref_slice %arg5[%dma_wait3A_701, %add3A_607, %dma_wait3A_712] : memref<4x2048x1024xf32, #tpu.memory_space<hbm>> -> memref<1x16x1024xf32, #tpu.memory_space<hbm>>
    %dma_wait3A_714 = tpu.memref_squeeze %dma_wait3A_713 : memref<1x16x1024xf32, #tpu.memory_space<hbm>> -> memref<16x1024xf32, #tpu.memory_space<hbm>>
    %dma_wait3A_715 = arith.constant 0 : i32
    %dma_wait3A_716 = arith.constant 0 : i32
    %dma_wait3A_717 = tpu.memref_slice %arg8[%dma_wait3A_700, %dma_wait3A_715, %dma_wait3A_716] : memref<5x16x1024xf32, #tpu.memory_space<vmem>> -> memref<1x16x1024xf32, #tpu.memory_space<vmem>>
    %dma_wait3A_718 = tpu.memref_squeeze %dma_wait3A_717 : memref<1x16x1024xf32, #tpu.memory_space<vmem>> -> memref<16x1024xf32, #tpu.memory_space<vmem>>
    tpu.wait_dma2 semaphore(%dma_wait3A_711 : memref<!tpu.dma_semaphore, #tpu.memory_space<semaphore_mem>>) src(%dma_wait3A_718 : memref<16x1024xf32, #tpu.memory_space<vmem>>) dst(%dma_wait3A_714 : memref<16x1024xf32, #tpu.memory_space<hbm>>)
    %dma_start3A_719 = arith.constant 2 : i32
    %dma_start3A_720 = arith.constant 0 : i32
    %dma_start3A_721 = arith.constant 0 : i32
    %dma_start3A_722 = arith.constant 0 : i32
    %dma_start3A_723 = arith.constant 0 : i32
    %dma_start3A_724 = tpu.memref_slice %arg8[%dma_start3A_720, %dma_start3A_722, %dma_start3A_723] : memref<5x16x1024xf32, #tpu.memory_space<vmem>> -> memref<1x16x1024xf32, #tpu.memory_space<vmem>>
    %dma_start3A_725 = tpu.memref_squeeze %dma_start3A_724 : memref<1x16x1024xf32, #tpu.memory_space<vmem>> -> memref<16x1024xf32, #tpu.memory_space<vmem>>
    %dma_start3A_726 = arith.constant 32 : i32
    %dma_start3A_727 = tpu.memref_slice %arg6[%dma_start3A_719, %dma_start3A_726] : memref<4x64xi32, #tpu.memory_space<vmem>> -> memref<1x16xi32, #tpu.memory_space<vmem>>
    %dma_start3A_728 = tpu.memref_squeeze %dma_start3A_727 : memref<1x16xi32, #tpu.memory_space<vmem>> -> memref<16xi32, #tpu.memory_space<vmem>>
    %dma_start3A_729 = arith.constant 0 : i32
    %dma_start3A_730 = arith.constant 0 : i32
    %dma_start3A_731 = tpu.memref_slice %arg3[%dma_start3A_729, %dma_start3A_730] : memref<100000x1024xf32, #tpu.memory_space<hbm>> -> memref<100000x1024xf32, #tpu.memory_space<hbm>>
    %dma_start3A_732 = tpu.memref_slice %arg9[%dma_start3A_721] : memref<5x!tpu.dma_semaphore, #tpu.memory_space<semaphore_mem>> -> memref<1x!tpu.dma_semaphore, #tpu.memory_space<semaphore_mem>>
    %dma_start3A_733 = tpu.memref_squeeze %dma_start3A_732 : memref<1x!tpu.dma_semaphore, #tpu.memory_space<semaphore_mem>> -> memref<!tpu.dma_semaphore, #tpu.memory_space<semaphore_mem>>
    tpu.enqueue_indirect_dma source(%dma_start3A_731 : memref<100000x1024xf32, #tpu.memory_space<hbm>>) target(%dma_start3A_725 : memref<16x1024xf32, #tpu.memory_space<vmem>>) offsets(%dma_start3A_728 : memref<16xi32, #tpu.memory_space<vmem>>) semaphore(%dma_start3A_733 : memref<!tpu.dma_semaphore, #tpu.memory_space<semaphore_mem>>)
    %dma_wait3A_734 = arith.constant 3 : i32
    %dma_wait3A_735 = arith.constant 2 : i32
    %dma_wait3A_736 = arith.constant 2 : i32
    %dma_wait3A_737 = arith.constant 0 : i32
    %dma_wait3A_738 = arith.constant 0 : i32
    %dma_wait3A_739 = tpu.memref_slice %arg8[%dma_wait3A_735, %dma_wait3A_737, %dma_wait3A_738] : memref<5x16x1024xf32, #tpu.memory_space<vmem>> -> memref<1x16x1024xf32, #tpu.memory_space<vmem>>
    %dma_wait3A_740 = tpu.memref_squeeze %dma_wait3A_739 : memref<1x16x1024xf32, #tpu.memory_space<vmem>> -> memref<16x1024xf32, #tpu.memory_space<vmem>>
    %dma_wait3A_741 = arith.constant 16 : i32
    %dma_wait3A_742 = tpu.memref_slice %arg6[%dma_wait3A_734, %dma_wait3A_741] : memref<4x64xi32, #tpu.memory_space<vmem>> -> memref<1x16xi32, #tpu.memory_space<vmem>>
    %dma_wait3A_743 = tpu.memref_squeeze %dma_wait3A_742 : memref<1x16xi32, #tpu.memory_space<vmem>> -> memref<16xi32, #tpu.memory_space<vmem>>
    %dma_wait3A_744 = arith.constant 0 : i32
    %dma_wait3A_745 = arith.constant 0 : i32
    %dma_wait3A_746 = tpu.memref_slice %arg3[%dma_wait3A_744, %dma_wait3A_745] : memref<100000x1024xf32, #tpu.memory_space<hbm>> -> memref<100000x1024xf32, #tpu.memory_space<hbm>>
    %dma_wait3A_747 = tpu.memref_slice %arg9[%dma_wait3A_736] : memref<5x!tpu.dma_semaphore, #tpu.memory_space<semaphore_mem>> -> memref<1x!tpu.dma_semaphore, #tpu.memory_space<semaphore_mem>>
    %dma_wait3A_748 = tpu.memref_squeeze %dma_wait3A_747 : memref<1x!tpu.dma_semaphore, #tpu.memory_space<semaphore_mem>> -> memref<!tpu.dma_semaphore, #tpu.memory_space<semaphore_mem>>
    tpu.wait_indirect_dma semaphore(%dma_wait3A_748 : memref<!tpu.dma_semaphore, #tpu.memory_space<semaphore_mem>>) src(%dma_wait3A_746 : memref<100000x1024xf32, #tpu.memory_space<hbm>>) dst(%dma_wait3A_740 : memref<16x1024xf32, #tpu.memory_space<vmem>>)
    %parallel_loop3A_749 = arith.constant 0 : i32
    %parallel_loop3A_750 = arith.constant 16 : i32
    %parallel_loop3A_751 = arith.constant 1 : i32
    scf.for %parallel_loop3A_1400 = %parallel_loop3A_749 to %parallel_loop3A_750 step %parallel_loop3A_751  : i32 {
      %parallel_loop3A_1401 = arith.constant 0 : i32
      %parallel_loop3A_1402 = arith.constant 1024 : i32
      %parallel_loop3A_1403 = arith.constant 16 : i32
      scf.for %parallel_loop3A_1404 = %parallel_loop3A_1401 to %parallel_loop3A_1402 step %parallel_loop3A_1403  : i32 {
        %parallel_loop3A_1405 = arith.constant 1 : i32
        %parallel_loop3A_1406 = arith.index_cast %parallel_loop3A_1405 : i32 to index
        %parallel_loop3A_1407 = arith.index_cast %parallel_loop3A_1400 : i32 to index
        %parallel_loop3A_1408 = arith.index_cast %parallel_loop3A_1404 : i32 to index
        %parallel_loop3A_1409 = tpu.vector_load %arg7[%parallel_loop3A_1406, %parallel_loop3A_1407, %parallel_loop3A_1408] {strides = array<i32>} : memref<2x16x1024xf32, #tpu.memory_space<vmem>>, vector<1x1x16xf32>,
        %parallel_loop3A_1410 = vector.shape_cast %parallel_loop3A_1409 : vector<1x1x16xf32> to vector<16xf32>
        %parallel_loop3A_1411 = arith.constant 2 : i32
        %parallel_loop3A_1412 = arith.index_cast %parallel_loop3A_1411 : i32 to index
        %parallel_loop3A_1413 = arith.index_cast %parallel_loop3A_1400 : i32 to index
        %parallel_loop3A_1414 = arith.index_cast %parallel_loop3A_1404 : i32 to index
        %parallel_loop3A_1415 = tpu.vector_load %arg8[%parallel_loop3A_1412, %parallel_loop3A_1413, %parallel_loop3A_1414] {strides = array<i32>} : memref<5x16x1024xf32, #tpu.memory_space<vmem>>, vector<1x1x16xf32>,
        %parallel_loop3A_1416 = vector.shape_cast %parallel_loop3A_1415 : vector<1x1x16xf32> to vector<16xf32>
        %parallel_loop3A_1417 = vector.shape_cast %parallel_loop3A_1410 : vector<16xf32> to vector<1x1x16xf32>
        tpu.vector_store %arg8[%parallel_loop3A_1412, %parallel_loop3A_1413, %parallel_loop3A_1414], %parallel_loop3A_1417 {add = true, strides = array<i32>} : memref<5x16x1024xf32, #tpu.memory_space<vmem>>, vector<1x1x16xf32>,
      } {sc.loop_unroll_factor = 4 : i64, sc.parallel_access}
    } {sc.loop_unroll_factor = 1 : i64, sc.parallel_access}
    %add3A_752 = arith.constant 48 : i32
    %add3A_753 = arith.addi %mul3A_2, %add3A_752 : i32
    %dma_start3A_754 = arith.constant 1 : i32
    %dma_start3A_755 = arith.constant 1 : i32
    %dma_start3A_756 = arith.constant 0 : i32
    %dma_start3A_757 = arith.constant 0 : i32
    %dma_start3A_758 = tpu.memref_slice %arg7[%dma_start3A_754, %dma_start3A_756, %dma_start3A_757] : memref<2x16x1024xf32, #tpu.memory_space<vmem>> -> memref<1x16x1024xf32, #tpu.memory_space<vmem>>
    %dma_start3A_759 = tpu.memref_squeeze %dma_start3A_758 : memref<1x16x1024xf32, #tpu.memory_space<vmem>> -> memref<16x1024xf32, #tpu.memory_space<vmem>>
    %dma_start3A_760 = arith.constant 0 : i32
    %dma_start3A_761 = tpu.memref_slice %arg4[%add3A_753, %dma_start3A_760] : memref<2048x1024xf32, #tpu.memory_space<hbm>> -> memref<16x1024xf32, #tpu.memory_space<hbm>>
    %dma_start3A_762 = tpu.memref_slice %arg11[%dma_start3A_755] : memref<2x!tpu.dma_semaphore, #tpu.memory_space<semaphore_mem>> -> memref<1x!tpu.dma_semaphore, #tpu.memory_space<semaphore_mem>>
    %dma_start3A_763 = tpu.memref_squeeze %dma_start3A_762 : memref<1x!tpu.dma_semaphore, #tpu.memory_space<semaphore_mem>> -> memref<!tpu.dma_semaphore, #tpu.memory_space<semaphore_mem>>
    %dma_start3A_764 = arith.constant 0 : i32
    %dma_start3A_765 = arith.constant 0 : i32
    %dma_start3A_766 = tpu.memref_slice %arg7[%dma_start3A_754, %dma_start3A_764, %dma_start3A_765] : memref<2x16x1024xf32, #tpu.memory_space<vmem>> -> memref<1x16x1024xf32, #tpu.memory_space<vmem>>
    %dma_start3A_767 = tpu.memref_squeeze %dma_start3A_766 : memref<1x16x1024xf32, #tpu.memory_space<vmem>> -> memref<16x1024xf32, #tpu.memory_space<vmem>>
    %dma_start3A_768 = arith.constant 0 : i32
    %dma_start3A_769 = tpu.memref_slice %arg4[%add3A_753, %dma_start3A_768] : memref<2048x1024xf32, #tpu.memory_space<hbm>> -> memref<16x1024xf32, #tpu.memory_space<hbm>>
    tpu.enqueue_dma source(%dma_start3A_769 : memref<16x1024xf32, #tpu.memory_space<hbm>>) target(%dma_start3A_767 : memref<16x1024xf32, #tpu.memory_space<vmem>>) target_semaphore(%dma_start3A_763 : memref<!tpu.dma_semaphore, #tpu.memory_space<semaphore_mem>>)
    %add3A_770 = arith.constant 16 : i32
    %add3A_771 = arith.addi %mul3A_2, %add3A_770 : i32
    %dma_start3A_772 = arith.constant 2 : i32
    %dma_start3A_773 = arith.constant 3 : i32
    %dma_start3A_774 = arith.constant 2 : i32
    %dma_start3A_775 = arith.constant 0 : i32
    %dma_start3A_776 = arith.constant 0 : i32
    %dma_start3A_777 = tpu.memref_slice %arg8[%dma_start3A_772, %dma_start3A_775, %dma_start3A_776] : memref<5x16x1024xf32, #tpu.memory_space<vmem>> -> memref<1x16x1024xf32, #tpu.memory_space<vmem>>
    %dma_start3A_778 = tpu.memref_squeeze %dma_start3A_777 : memref<1x16x1024xf32, #tpu.memory_space<vmem>> -> memref<16x1024xf32, #tpu.memory_space<vmem>>
    %dma_start3A_779 = arith.constant 0 : i32
    %dma_start3A_780 = tpu.memref_slice %arg5[%dma_start3A_773, %add3A_771, %dma_start3A_779] : memref<4x2048x1024xf32, #tpu.memory_space<hbm>> -> memref<1x16x1024xf32, #tpu.memory_space<hbm>>
    %dma_start3A_781 = tpu.memref_squeeze %dma_start3A_780 : memref<1x16x1024xf32, #tpu.memory_space<hbm>> -> memref<16x1024xf32, #tpu.memory_space<hbm>>
    %dma_start3A_782 = tpu.memref_slice %arg10[%dma_start3A_774] : memref<5x!tpu.dma_semaphore, #tpu.memory_space<semaphore_mem>> -> memref<1x!tpu.dma_semaphore, #tpu.memory_space<semaphore_mem>>
    %dma_start3A_783 = tpu.memref_squeeze %dma_start3A_782 : memref<1x!tpu.dma_semaphore, #tpu.memory_space<semaphore_mem>> -> memref<!tpu.dma_semaphore, #tpu.memory_space<semaphore_mem>>
    %dma_start3A_784 = arith.constant 0 : i32
    %dma_start3A_785 = tpu.memref_slice %arg5[%dma_start3A_773, %add3A_771, %dma_start3A_784] : memref<4x2048x1024xf32, #tpu.memory_space<hbm>> -> memref<1x16x1024xf32, #tpu.memory_space<hbm>>
    %dma_start3A_786 = tpu.memref_squeeze %dma_start3A_785 : memref<1x16x1024xf32, #tpu.memory_space<hbm>> -> memref<16x1024xf32, #tpu.memory_space<hbm>>
    %dma_start3A_787 = arith.constant 0 : i32
    %dma_start3A_788 = arith.constant 0 : i32
    %dma_start3A_789 = tpu.memref_slice %arg8[%dma_start3A_772, %dma_start3A_787, %dma_start3A_788] : memref<5x16x1024xf32, #tpu.memory_space<vmem>> -> memref<1x16x1024xf32, #tpu.memory_space<vmem>>
    %dma_start3A_790 = tpu.memref_squeeze %dma_start3A_789 : memref<1x16x1024xf32, #tpu.memory_space<vmem>> -> memref<16x1024xf32, #tpu.memory_space<vmem>>
    tpu.enqueue_dma source(%dma_start3A_790 : memref<16x1024xf32, #tpu.memory_space<vmem>>) target(%dma_start3A_786 : memref<16x1024xf32, #tpu.memory_space<hbm>>) target_semaphore(%dma_start3A_783 : memref<!tpu.dma_semaphore, #tpu.memory_space<semaphore_mem>>)
    %dma_wait3A_791 = arith.constant 1 : i32
    %dma_wait3A_792 = arith.constant 2 : i32
    %dma_wait3A_793 = arith.constant 1 : i32
    %dma_wait3A_794 = arith.constant 0 : i32
    %dma_wait3A_795 = arith.constant 0 : i32
    %dma_wait3A_796 = tpu.memref_slice %arg8[%dma_wait3A_791, %dma_wait3A_794, %dma_wait3A_795] : memref<5x16x1024xf32, #tpu.memory_space<vmem>> -> memref<1x16x1024xf32, #tpu.memory_space<vmem>>
    %dma_wait3A_797 = tpu.memref_squeeze %dma_wait3A_796 : memref<1x16x1024xf32, #tpu.memory_space<vmem>> -> memref<16x1024xf32, #tpu.memory_space<vmem>>
    %dma_wait3A_798 = arith.constant 0 : i32
    %dma_wait3A_799 = tpu.memref_slice %arg5[%dma_wait3A_792, %add3A_680, %dma_wait3A_798] : memref<4x2048x1024xf32, #tpu.memory_space<hbm>> -> memref<1x16x1024xf32, #tpu.memory_space<hbm>>
    %dma_wait3A_800 = tpu.memref_squeeze %dma_wait3A_799 : memref<1x16x1024xf32, #tpu.memory_space<hbm>> -> memref<16x1024xf32, #tpu.memory_space<hbm>>
    %dma_wait3A_801 = tpu.memref_slice %arg10[%dma_wait3A_793] : memref<5x!tpu.dma_semaphore, #tpu.memory_space<semaphore_mem>> -> memref<1x!tpu.dma_semaphore, #tpu.memory_space<semaphore_mem>>
    %dma_wait3A_802 = tpu.memref_squeeze %dma_wait3A_801 : memref<1x!tpu.dma_semaphore, #tpu.memory_space<semaphore_mem>> -> memref<!tpu.dma_semaphore, #tpu.memory_space<semaphore_mem>>
    %dma_wait3A_803 = arith.constant 0 : i32
    %dma_wait3A_804 = tpu.memref_slice %arg5[%dma_wait3A_792, %add3A_680, %dma_wait3A_803] : memref<4x2048x1024xf32, #tpu.memory_space<hbm>> -> memref<1x16x1024xf32, #tpu.memory_space<hbm>>
    %dma_wait3A_805 = tpu.memref_squeeze %dma_wait3A_804 : memref<1x16x1024xf32, #tpu.memory_space<hbm>> -> memref<16x1024xf32, #tpu.memory_space<hbm>>
    %dma_wait3A_806 = arith.constant 0 : i32
    %dma_wait3A_807 = arith.constant 0 : i32
    %dma_wait3A_808 = tpu.memref_slice %arg8[%dma_wait3A_791, %dma_wait3A_806, %dma_wait3A_807] : memref<5x16x1024xf32, #tpu.memory_space<vmem>> -> memref<1x16x1024xf32, #tpu.memory_space<vmem>>
    %dma_wait3A_809 = tpu.memref_squeeze %dma_wait3A_808 : memref<1x16x1024xf32, #tpu.memory_space<vmem>> -> memref<16x1024xf32, #tpu.memory_space<vmem>>
    tpu.wait_dma2 semaphore(%dma_wait3A_802 : memref<!tpu.dma_semaphore, #tpu.memory_space<semaphore_mem>>) src(%dma_wait3A_809 : memref<16x1024xf32, #tpu.memory_space<vmem>>) dst(%dma_wait3A_805 : memref<16x1024xf32, #tpu.memory_space<hbm>>)
    %dma_start3A_810 = arith.constant 3 : i32
    %dma_start3A_811 = arith.constant 1 : i32
    %dma_start3A_812 = arith.constant 1 : i32
    %dma_start3A_813 = arith.constant 0 : i32
    %dma_start3A_814 = arith.constant 0 : i32
    %dma_start3A_815 = tpu.memref_slice %arg8[%dma_start3A_811, %dma_start3A_813, %dma_start3A_814] : memref<5x16x1024xf32, #tpu.memory_space<vmem>> -> memref<1x16x1024xf32, #tpu.memory_space<vmem>>
    %dma_start3A_816 = tpu.memref_squeeze %dma_start3A_815 : memref<1x16x1024xf32, #tpu.memory_space<vmem>> -> memref<16x1024xf32, #tpu.memory_space<vmem>>
    %dma_start3A_817 = arith.constant 32 : i32
    %dma_start3A_818 = tpu.memref_slice %arg6[%dma_start3A_810, %dma_start3A_817] : memref<4x64xi32, #tpu.memory_space<vmem>> -> memref<1x16xi32, #tpu.memory_space<vmem>>
    %dma_start3A_819 = tpu.memref_squeeze %dma_start3A_818 : memref<1x16xi32, #tpu.memory_space<vmem>> -> memref<16xi32, #tpu.memory_space<vmem>>
    %dma_start3A_820 = arith.constant 0 : i32
    %dma_start3A_821 = arith.constant 0 : i32
    %dma_start3A_822 = tpu.memref_slice %arg3[%dma_start3A_820, %dma_start3A_821] : memref<100000x1024xf32, #tpu.memory_space<hbm>> -> memref<100000x1024xf32, #tpu.memory_space<hbm>>
    %dma_start3A_823 = tpu.memref_slice %arg9[%dma_start3A_812] : memref<5x!tpu.dma_semaphore, #tpu.memory_space<semaphore_mem>> -> memref<1x!tpu.dma_semaphore, #tpu.memory_space<semaphore_mem>>
    %dma_start3A_824 = tpu.memref_squeeze %dma_start3A_823 : memref<1x!tpu.dma_semaphore, #tpu.memory_space<semaphore_mem>> -> memref<!tpu.dma_semaphore, #tpu.memory_space<semaphore_mem>>
    tpu.enqueue_indirect_dma source(%dma_start3A_822 : memref<100000x1024xf32, #tpu.memory_space<hbm>>) target(%dma_start3A_816 : memref<16x1024xf32, #tpu.memory_space<vmem>>) offsets(%dma_start3A_819 : memref<16xi32, #tpu.memory_space<vmem>>) semaphore(%dma_start3A_824 : memref<!tpu.dma_semaphore, #tpu.memory_space<semaphore_mem>>)
    %dma_wait3A_825 = arith.constant 0 : i32
    %dma_wait3A_826 = arith.constant 0 : i32
    %dma_wait3A_827 = arith.constant 0 : i32
    %dma_wait3A_828 = arith.constant 0 : i32
    %dma_wait3A_829 = tpu.memref_slice %arg7[%dma_wait3A_825, %dma_wait3A_827, %dma_wait3A_828] : memref<2x16x1024xf32, #tpu.memory_space<vmem>> -> memref<1x16x1024xf32, #tpu.memory_space<vmem>>
    %dma_wait3A_830 = tpu.memref_squeeze %dma_wait3A_829 : memref<1x16x1024xf32, #tpu.memory_space<vmem>> -> memref<16x1024xf32, #tpu.memory_space<vmem>>
    %dma_wait3A_831 = arith.constant 0 : i32
    %dma_wait3A_832 = tpu.memref_slice %arg4[%add3A_427, %dma_wait3A_831] : memref<2048x1024xf32, #tpu.memory_space<hbm>> -> memref<16x1024xf32, #tpu.memory_space<hbm>>
    %dma_wait3A_833 = tpu.memref_slice %arg11[%dma_wait3A_826] : memref<2x!tpu.dma_semaphore, #tpu.memory_space<semaphore_mem>> -> memref<1x!tpu.dma_semaphore, #tpu.memory_space<semaphore_mem>>
    %dma_wait3A_834 = tpu.memref_squeeze %dma_wait3A_833 : memref<1x!tpu.dma_semaphore, #tpu.memory_space<semaphore_mem>> -> memref<!tpu.dma_semaphore, #tpu.memory_space<semaphore_mem>>
    %dma_wait3A_835 = arith.constant 0 : i32
    %dma_wait3A_836 = arith.constant 0 : i32
    %dma_wait3A_837 = tpu.memref_slice %arg7[%dma_wait3A_825, %dma_wait3A_835, %dma_wait3A_836] : memref<2x16x1024xf32, #tpu.memory_space<vmem>> -> memref<1x16x1024xf32, #tpu.memory_space<vmem>>
    %dma_wait3A_838 = tpu.memref_squeeze %dma_wait3A_837 : memref<1x16x1024xf32, #tpu.memory_space<vmem>> -> memref<16x1024xf32, #tpu.memory_space<vmem>>
    %dma_wait3A_839 = arith.constant 0 : i32
    %dma_wait3A_840 = tpu.memref_slice %arg4[%add3A_427, %dma_wait3A_839] : memref<2048x1024xf32, #tpu.memory_space<hbm>> -> memref<16x1024xf32, #tpu.memory_space<hbm>>
    tpu.wait_dma2 semaphore(%dma_wait3A_834 : memref<!tpu.dma_semaphore, #tpu.memory_space<semaphore_mem>>) src(%dma_wait3A_840 : memref<16x1024xf32, #tpu.memory_space<hbm>>) dst(%dma_wait3A_838 : memref<16x1024xf32, #tpu.memory_space<vmem>>)
    %dma_wait3A_841 = arith.constant 0 : i32
    %dma_wait3A_842 = arith.constant 3 : i32
    %dma_wait3A_843 = arith.constant 3 : i32
    %dma_wait3A_844 = arith.constant 0 : i32
    %dma_wait3A_845 = arith.constant 0 : i32
    %dma_wait3A_846 = tpu.memref_slice %arg8[%dma_wait3A_842, %dma_wait3A_844, %dma_wait3A_845] : memref<5x16x1024xf32, #tpu.memory_space<vmem>> -> memref<1x16x1024xf32, #tpu.memory_space<vmem>>
    %dma_wait3A_847 = tpu.memref_squeeze %dma_wait3A_846 : memref<1x16x1024xf32, #tpu.memory_space<vmem>> -> memref<16x1024xf32, #tpu.memory_space<vmem>>
    %dma_wait3A_848 = arith.constant 32 : i32
    %dma_wait3A_849 = tpu.memref_slice %arg6[%dma_wait3A_841, %dma_wait3A_848] : memref<4x64xi32, #tpu.memory_space<vmem>> -> memref<1x16xi32, #tpu.memory_space<vmem>>
    %dma_wait3A_850 = tpu.memref_squeeze %dma_wait3A_849 : memref<1x16xi32, #tpu.memory_space<vmem>> -> memref<16xi32, #tpu.memory_space<vmem>>
    %dma_wait3A_851 = arith.constant 0 : i32
    %dma_wait3A_852 = arith.constant 0 : i32
    %dma_wait3A_853 = tpu.memref_slice %arg3[%dma_wait3A_851, %dma_wait3A_852] : memref<100000x1024xf32, #tpu.memory_space<hbm>> -> memref<100000x1024xf32, #tpu.memory_space<hbm>>
    %dma_wait3A_854 = tpu.memref_slice %arg9[%dma_wait3A_843] : memref<5x!tpu.dma_semaphore, #tpu.memory_space<semaphore_mem>> -> memref<1x!tpu.dma_semaphore, #tpu.memory_space<semaphore_mem>>
    %dma_wait3A_855 = tpu.memref_squeeze %dma_wait3A_854 : memref<1x!tpu.dma_semaphore, #tpu.memory_space<semaphore_mem>> -> memref<!tpu.dma_semaphore, #tpu.memory_space<semaphore_mem>>
    tpu.wait_indirect_dma semaphore(%dma_wait3A_855 : memref<!tpu.dma_semaphore, #tpu.memory_space<semaphore_mem>>) src(%dma_wait3A_853 : memref<100000x1024xf32, #tpu.memory_space<hbm>>) dst(%dma_wait3A_847 : memref<16x1024xf32, #tpu.memory_space<vmem>>)
    %parallel_loop3A_856 = arith.constant 0 : i32
    %parallel_loop3A_857 = arith.constant 16 : i32
    %parallel_loop3A_858 = arith.constant 1 : i32
    scf.for %parallel_loop3A_1400 = %parallel_loop3A_856 to %parallel_loop3A_857 step %parallel_loop3A_858  : i32 {
      %parallel_loop3A_1401 = arith.constant 0 : i32
      %parallel_loop3A_1402 = arith.constant 1024 : i32
      %parallel_loop3A_1403 = arith.constant 16 : i32
      scf.for %parallel_loop3A_1404 = %parallel_loop3A_1401 to %parallel_loop3A_1402 step %parallel_loop3A_1403  : i32 {
        %parallel_loop3A_1405 = arith.constant 0 : i32
        %parallel_loop3A_1406 = arith.index_cast %parallel_loop3A_1405 : i32 to index
        %parallel_loop3A_1407 = arith.index_cast %parallel_loop3A_1400 : i32 to index
        %parallel_loop3A_1408 = arith.index_cast %parallel_loop3A_1404 : i32 to index
        %parallel_loop3A_1409 = tpu.vector_load %arg7[%parallel_loop3A_1406, %parallel_loop3A_1407, %parallel_loop3A_1408] {strides = array<i32>} : memref<2x16x1024xf32, #tpu.memory_space<vmem>>, vector<1x1x16xf32>,
        %parallel_loop3A_1410 = vector.shape_cast %parallel_loop3A_1409 : vector<1x1x16xf32> to vector<16xf32>
        %parallel_loop3A_1411 = arith.constant 3 : i32
        %parallel_loop3A_1412 = arith.index_cast %parallel_loop3A_1411 : i32 to index
        %parallel_loop3A_1413 = arith.index_cast %parallel_loop3A_1400 : i32 to index
        %parallel_loop3A_1414 = arith.index_cast %parallel_loop3A_1404 : i32 to index
        %parallel_loop3A_1415 = tpu.vector_load %arg8[%parallel_loop3A_1412, %parallel_loop3A_1413, %parallel_loop3A_1414] {strides = array<i32>} : memref<5x16x1024xf32, #tpu.memory_space<vmem>>, vector<1x1x16xf32>,
        %parallel_loop3A_1416 = vector.shape_cast %parallel_loop3A_1415 : vector<1x1x16xf32> to vector<16xf32>
        %parallel_loop3A_1417 = vector.shape_cast %parallel_loop3A_1410 : vector<16xf32> to vector<1x1x16xf32>
        tpu.vector_store %arg8[%parallel_loop3A_1412, %parallel_loop3A_1413, %parallel_loop3A_1414], %parallel_loop3A_1417 {add = true, strides = array<i32>} : memref<5x16x1024xf32, #tpu.memory_space<vmem>>, vector<1x1x16xf32>,
      } {sc.loop_unroll_factor = 4 : i64, sc.parallel_access}
    } {sc.loop_unroll_factor = 1 : i64, sc.parallel_access}
    %add3A_859 = arith.constant 32 : i32
    %add3A_860 = arith.addi %mul3A_2, %add3A_859 : i32
    %dma_start3A_861 = arith.constant 3 : i32
    %dma_start3A_862 = arith.constant 0 : i32
    %dma_start3A_863 = arith.constant 3 : i32
    %dma_start3A_864 = arith.constant 0 : i32
    %dma_start3A_865 = arith.constant 0 : i32
    %dma_start3A_866 = tpu.memref_slice %arg8[%dma_start3A_861, %dma_start3A_864, %dma_start3A_865] : memref<5x16x1024xf32, #tpu.memory_space<vmem>> -> memref<1x16x1024xf32, #tpu.memory_space<vmem>>
    %dma_start3A_867 = tpu.memref_squeeze %dma_start3A_866 : memref<1x16x1024xf32, #tpu.memory_space<vmem>> -> memref<16x1024xf32, #tpu.memory_space<vmem>>
    %dma_start3A_868 = arith.constant 0 : i32
    %dma_start3A_869 = tpu.memref_slice %arg5[%dma_start3A_862, %add3A_860, %dma_start3A_868] : memref<4x2048x1024xf32, #tpu.memory_space<hbm>> -> memref<1x16x1024xf32, #tpu.memory_space<hbm>>
    %dma_start3A_870 = tpu.memref_squeeze %dma_start3A_869 : memref<1x16x1024xf32, #tpu.memory_space<hbm>> -> memref<16x1024xf32, #tpu.memory_space<hbm>>
    %dma_start3A_871 = tpu.memref_slice %arg10[%dma_start3A_863] : memref<5x!tpu.dma_semaphore, #tpu.memory_space<semaphore_mem>> -> memref<1x!tpu.dma_semaphore, #tpu.memory_space<semaphore_mem>>
    %dma_start3A_872 = tpu.memref_squeeze %dma_start3A_871 : memref<1x!tpu.dma_semaphore, #tpu.memory_space<semaphore_mem>> -> memref<!tpu.dma_semaphore, #tpu.memory_space<semaphore_mem>>
    %dma_start3A_873 = arith.constant 0 : i32
    %dma_start3A_874 = tpu.memref_slice %arg5[%dma_start3A_862, %add3A_860, %dma_start3A_873] : memref<4x2048x1024xf32, #tpu.memory_space<hbm>> -> memref<1x16x1024xf32, #tpu.memory_space<hbm>>
    %dma_start3A_875 = tpu.memref_squeeze %dma_start3A_874 : memref<1x16x1024xf32, #tpu.memory_space<hbm>> -> memref<16x1024xf32, #tpu.memory_space<hbm>>
    %dma_start3A_876 = arith.constant 0 : i32
    %dma_start3A_877 = arith.constant 0 : i32
    %dma_start3A_878 = tpu.memref_slice %arg8[%dma_start3A_861, %dma_start3A_876, %dma_start3A_877] : memref<5x16x1024xf32, #tpu.memory_space<vmem>> -> memref<1x16x1024xf32, #tpu.memory_space<vmem>>
    %dma_start3A_879 = tpu.memref_squeeze %dma_start3A_878 : memref<1x16x1024xf32, #tpu.memory_space<vmem>> -> memref<16x1024xf32, #tpu.memory_space<vmem>>
    tpu.enqueue_dma source(%dma_start3A_879 : memref<16x1024xf32, #tpu.memory_space<vmem>>) target(%dma_start3A_875 : memref<16x1024xf32, #tpu.memory_space<hbm>>) target_semaphore(%dma_start3A_872 : memref<!tpu.dma_semaphore, #tpu.memory_space<semaphore_mem>>)
    %dma_wait3A_880 = arith.constant 2 : i32
    %dma_wait3A_881 = arith.constant 3 : i32
    %dma_wait3A_882 = arith.constant 2 : i32
    %dma_wait3A_883 = arith.constant 0 : i32
    %dma_wait3A_884 = arith.constant 0 : i32
    %dma_wait3A_885 = tpu.memref_slice %arg8[%dma_wait3A_880, %dma_wait3A_883, %dma_wait3A_884] : memref<5x16x1024xf32, #tpu.memory_space<vmem>> -> memref<1x16x1024xf32, #tpu.memory_space<vmem>>
    %dma_wait3A_886 = tpu.memref_squeeze %dma_wait3A_885 : memref<1x16x1024xf32, #tpu.memory_space<vmem>> -> memref<16x1024xf32, #tpu.memory_space<vmem>>
    %dma_wait3A_887 = arith.constant 0 : i32
    %dma_wait3A_888 = tpu.memref_slice %arg5[%dma_wait3A_881, %add3A_771, %dma_wait3A_887] : memref<4x2048x1024xf32, #tpu.memory_space<hbm>> -> memref<1x16x1024xf32, #tpu.memory_space<hbm>>
    %dma_wait3A_889 = tpu.memref_squeeze %dma_wait3A_888 : memref<1x16x1024xf32, #tpu.memory_space<hbm>> -> memref<16x1024xf32, #tpu.memory_space<hbm>>
    %dma_wait3A_890 = tpu.memref_slice %arg10[%dma_wait3A_882] : memref<5x!tpu.dma_semaphore, #tpu.memory_space<semaphore_mem>> -> memref<1x!tpu.dma_semaphore, #tpu.memory_space<semaphore_mem>>
    %dma_wait3A_891 = tpu.memref_squeeze %dma_wait3A_890 : memref<1x!tpu.dma_semaphore, #tpu.memory_space<semaphore_mem>> -> memref<!tpu.dma_semaphore, #tpu.memory_space<semaphore_mem>>
    %dma_wait3A_892 = arith.constant 0 : i32
    %dma_wait3A_893 = tpu.memref_slice %arg5[%dma_wait3A_881, %add3A_771, %dma_wait3A_892] : memref<4x2048x1024xf32, #tpu.memory_space<hbm>> -> memref<1x16x1024xf32, #tpu.memory_space<hbm>>
    %dma_wait3A_894 = tpu.memref_squeeze %dma_wait3A_893 : memref<1x16x1024xf32, #tpu.memory_space<hbm>> -> memref<16x1024xf32, #tpu.memory_space<hbm>>
    %dma_wait3A_895 = arith.constant 0 : i32
    %dma_wait3A_896 = arith.constant 0 : i32
    %dma_wait3A_897 = tpu.memref_slice %arg8[%dma_wait3A_880, %dma_wait3A_895, %dma_wait3A_896] : memref<5x16x1024xf32, #tpu.memory_space<vmem>> -> memref<1x16x1024xf32, #tpu.memory_space<vmem>>
    %dma_wait3A_898 = tpu.memref_squeeze %dma_wait3A_897 : memref<1x16x1024xf32, #tpu.memory_space<vmem>> -> memref<16x1024xf32, #tpu.memory_space<vmem>>
    tpu.wait_dma2 semaphore(%dma_wait3A_891 : memref<!tpu.dma_semaphore, #tpu.memory_space<semaphore_mem>>) src(%dma_wait3A_898 : memref<16x1024xf32, #tpu.memory_space<vmem>>) dst(%dma_wait3A_894 : memref<16x1024xf32, #tpu.memory_space<hbm>>)
    %dma_start3A_899 = arith.constant 0 : i32
    %dma_start3A_900 = arith.constant 2 : i32
    %dma_start3A_901 = arith.constant 2 : i32
    %dma_start3A_902 = arith.constant 0 : i32
    %dma_start3A_903 = arith.constant 0 : i32
    %dma_start3A_904 = tpu.memref_slice %arg8[%dma_start3A_900, %dma_start3A_902, %dma_start3A_903] : memref<5x16x1024xf32, #tpu.memory_space<vmem>> -> memref<1x16x1024xf32, #tpu.memory_space<vmem>>
    %dma_start3A_905 = tpu.memref_squeeze %dma_start3A_904 : memref<1x16x1024xf32, #tpu.memory_space<vmem>> -> memref<16x1024xf32, #tpu.memory_space<vmem>>
    %dma_start3A_906 = arith.constant 48 : i32
    %dma_start3A_907 = tpu.memref_slice %arg6[%dma_start3A_899, %dma_start3A_906] : memref<4x64xi32, #tpu.memory_space<vmem>> -> memref<1x16xi32, #tpu.memory_space<vmem>>
    %dma_start3A_908 = tpu.memref_squeeze %dma_start3A_907 : memref<1x16xi32, #tpu.memory_space<vmem>> -> memref<16xi32, #tpu.memory_space<vmem>>
    %dma_start3A_909 = arith.constant 0 : i32
    %dma_start3A_910 = arith.constant 0 : i32
    %dma_start3A_911 = tpu.memref_slice %arg3[%dma_start3A_909, %dma_start3A_910] : memref<100000x1024xf32, #tpu.memory_space<hbm>> -> memref<100000x1024xf32, #tpu.memory_space<hbm>>
    %dma_start3A_912 = tpu.memref_slice %arg9[%dma_start3A_901] : memref<5x!tpu.dma_semaphore, #tpu.memory_space<semaphore_mem>> -> memref<1x!tpu.dma_semaphore, #tpu.memory_space<semaphore_mem>>
    %dma_start3A_913 = tpu.memref_squeeze %dma_start3A_912 : memref<1x!tpu.dma_semaphore, #tpu.memory_space<semaphore_mem>> -> memref<!tpu.dma_semaphore, #tpu.memory_space<semaphore_mem>>
    tpu.enqueue_indirect_dma source(%dma_start3A_911 : memref<100000x1024xf32, #tpu.memory_space<hbm>>) target(%dma_start3A_905 : memref<16x1024xf32, #tpu.memory_space<vmem>>) offsets(%dma_start3A_908 : memref<16xi32, #tpu.memory_space<vmem>>) semaphore(%dma_start3A_913 : memref<!tpu.dma_semaphore, #tpu.memory_space<semaphore_mem>>)
    %dma_wait3A_914 = arith.constant 1 : i32
    %dma_wait3A_915 = arith.constant 4 : i32
    %dma_wait3A_916 = arith.constant 4 : i32
    %dma_wait3A_917 = arith.constant 0 : i32
    %dma_wait3A_918 = arith.constant 0 : i32
    %dma_wait3A_919 = tpu.memref_slice %arg8[%dma_wait3A_915, %dma_wait3A_917, %dma_wait3A_918] : memref<5x16x1024xf32, #tpu.memory_space<vmem>> -> memref<1x16x1024xf32, #tpu.memory_space<vmem>>
    %dma_wait3A_920 = tpu.memref_squeeze %dma_wait3A_919 : memref<1x16x1024xf32, #tpu.memory_space<vmem>> -> memref<16x1024xf32, #tpu.memory_space<vmem>>
    %dma_wait3A_921 = arith.constant 32 : i32
    %dma_wait3A_922 = tpu.memref_slice %arg6[%dma_wait3A_914, %dma_wait3A_921] : memref<4x64xi32, #tpu.memory_space<vmem>> -> memref<1x16xi32, #tpu.memory_space<vmem>>
    %dma_wait3A_923 = tpu.memref_squeeze %dma_wait3A_922 : memref<1x16xi32, #tpu.memory_space<vmem>> -> memref<16xi32, #tpu.memory_space<vmem>>
    %dma_wait3A_924 = arith.constant 0 : i32
    %dma_wait3A_925 = arith.constant 0 : i32
    %dma_wait3A_926 = tpu.memref_slice %arg3[%dma_wait3A_924, %dma_wait3A_925] : memref<100000x1024xf32, #tpu.memory_space<hbm>> -> memref<100000x1024xf32, #tpu.memory_space<hbm>>
    %dma_wait3A_927 = tpu.memref_slice %arg9[%dma_wait3A_916] : memref<5x!tpu.dma_semaphore, #tpu.memory_space<semaphore_mem>> -> memref<1x!tpu.dma_semaphore, #tpu.memory_space<semaphore_mem>>
    %dma_wait3A_928 = tpu.memref_squeeze %dma_wait3A_927 : memref<1x!tpu.dma_semaphore, #tpu.memory_space<semaphore_mem>> -> memref<!tpu.dma_semaphore, #tpu.memory_space<semaphore_mem>>
    tpu.wait_indirect_dma semaphore(%dma_wait3A_928 : memref<!tpu.dma_semaphore, #tpu.memory_space<semaphore_mem>>) src(%dma_wait3A_926 : memref<100000x1024xf32, #tpu.memory_space<hbm>>) dst(%dma_wait3A_920 : memref<16x1024xf32, #tpu.memory_space<vmem>>)
    %parallel_loop3A_929 = arith.constant 0 : i32
    %parallel_loop3A_930 = arith.constant 16 : i32
    %parallel_loop3A_931 = arith.constant 1 : i32
    scf.for %parallel_loop3A_1400 = %parallel_loop3A_929 to %parallel_loop3A_930 step %parallel_loop3A_931  : i32 {
      %parallel_loop3A_1401 = arith.constant 0 : i32
      %parallel_loop3A_1402 = arith.constant 1024 : i32
      %parallel_loop3A_1403 = arith.constant 16 : i32
      scf.for %parallel_loop3A_1404 = %parallel_loop3A_1401 to %parallel_loop3A_1402 step %parallel_loop3A_1403  : i32 {
        %parallel_loop3A_1405 = arith.constant 0 : i32
        %parallel_loop3A_1406 = arith.index_cast %parallel_loop3A_1405 : i32 to index
        %parallel_loop3A_1407 = arith.index_cast %parallel_loop3A_1400 : i32 to index
        %parallel_loop3A_1408 = arith.index_cast %parallel_loop3A_1404 : i32 to index
        %parallel_loop3A_1409 = tpu.vector_load %arg7[%parallel_loop3A_1406, %parallel_loop3A_1407, %parallel_loop3A_1408] {strides = array<i32>} : memref<2x16x1024xf32, #tpu.memory_space<vmem>>, vector<1x1x16xf32>,
        %parallel_loop3A_1410 = vector.shape_cast %parallel_loop3A_1409 : vector<1x1x16xf32> to vector<16xf32>
        %parallel_loop3A_1411 = arith.constant 4 : i32
        %parallel_loop3A_1412 = arith.index_cast %parallel_loop3A_1411 : i32 to index
        %parallel_loop3A_1413 = arith.index_cast %parallel_loop3A_1400 : i32 to index
        %parallel_loop3A_1414 = arith.index_cast %parallel_loop3A_1404 : i32 to index
        %parallel_loop3A_1415 = tpu.vector_load %arg8[%parallel_loop3A_1412, %parallel_loop3A_1413, %parallel_loop3A_1414] {strides = array<i32>} : memref<5x16x1024xf32, #tpu.memory_space<vmem>>, vector<1x1x16xf32>,
        %parallel_loop3A_1416 = vector.shape_cast %parallel_loop3A_1415 : vector<1x1x16xf32> to vector<16xf32>
        %parallel_loop3A_1417 = vector.shape_cast %parallel_loop3A_1410 : vector<16xf32> to vector<1x1x16xf32>
        tpu.vector_store %arg8[%parallel_loop3A_1412, %parallel_loop3A_1413, %parallel_loop3A_1414], %parallel_loop3A_1417 {add = true, strides = array<i32>} : memref<5x16x1024xf32, #tpu.memory_space<vmem>>, vector<1x1x16xf32>,
      } {sc.loop_unroll_factor = 4 : i64, sc.parallel_access}
    } {sc.loop_unroll_factor = 1 : i64, sc.parallel_access}
    %add3A_932 = arith.constant 32 : i32
    %add3A_933 = arith.addi %mul3A_2, %add3A_932 : i32
    %dma_start3A_934 = arith.constant 4 : i32
    %dma_start3A_935 = arith.constant 1 : i32
    %dma_start3A_936 = arith.constant 4 : i32
    %dma_start3A_937 = arith.constant 0 : i32
    %dma_start3A_938 = arith.constant 0 : i32
    %dma_start3A_939 = tpu.memref_slice %arg8[%dma_start3A_934, %dma_start3A_937, %dma_start3A_938] : memref<5x16x1024xf32, #tpu.memory_space<vmem>> -> memref<1x16x1024xf32, #tpu.memory_space<vmem>>
    %dma_start3A_940 = tpu.memref_squeeze %dma_start3A_939 : memref<1x16x1024xf32, #tpu.memory_space<vmem>> -> memref<16x1024xf32, #tpu.memory_space<vmem>>
    %dma_start3A_941 = arith.constant 0 : i32
    %dma_start3A_942 = tpu.memref_slice %arg5[%dma_start3A_935, %add3A_933, %dma_start3A_941] : memref<4x2048x1024xf32, #tpu.memory_space<hbm>> -> memref<1x16x1024xf32, #tpu.memory_space<hbm>>
    %dma_start3A_943 = tpu.memref_squeeze %dma_start3A_942 : memref<1x16x1024xf32, #tpu.memory_space<hbm>> -> memref<16x1024xf32, #tpu.memory_space<hbm>>
    %dma_start3A_944 = tpu.memref_slice %arg10[%dma_start3A_936] : memref<5x!tpu.dma_semaphore, #tpu.memory_space<semaphore_mem>> -> memref<1x!tpu.dma_semaphore, #tpu.memory_space<semaphore_mem>>
    %dma_start3A_945 = tpu.memref_squeeze %dma_start3A_944 : memref<1x!tpu.dma_semaphore, #tpu.memory_space<semaphore_mem>> -> memref<!tpu.dma_semaphore, #tpu.memory_space<semaphore_mem>>
    %dma_start3A_946 = arith.constant 0 : i32
    %dma_start3A_947 = tpu.memref_slice %arg5[%dma_start3A_935, %add3A_933, %dma_start3A_946] : memref<4x2048x1024xf32, #tpu.memory_space<hbm>> -> memref<1x16x1024xf32, #tpu.memory_space<hbm>>
    %dma_start3A_948 = tpu.memref_squeeze %dma_start3A_947 : memref<1x16x1024xf32, #tpu.memory_space<hbm>> -> memref<16x1024xf32, #tpu.memory_space<hbm>>
    %dma_start3A_949 = arith.constant 0 : i32
    %dma_start3A_950 = arith.constant 0 : i32
    %dma_start3A_951 = tpu.memref_slice %arg8[%dma_start3A_934, %dma_start3A_949, %dma_start3A_950] : memref<5x16x1024xf32, #tpu.memory_space<vmem>> -> memref<1x16x1024xf32, #tpu.memory_space<vmem>>
    %dma_start3A_952 = tpu.memref_squeeze %dma_start3A_951 : memref<1x16x1024xf32, #tpu.memory_space<vmem>> -> memref<16x1024xf32, #tpu.memory_space<vmem>>
    tpu.enqueue_dma source(%dma_start3A_952 : memref<16x1024xf32, #tpu.memory_space<vmem>>) target(%dma_start3A_948 : memref<16x1024xf32, #tpu.memory_space<hbm>>) target_semaphore(%dma_start3A_945 : memref<!tpu.dma_semaphore, #tpu.memory_space<semaphore_mem>>)
    %dma_wait3A_953 = arith.constant 3 : i32
    %dma_wait3A_954 = arith.constant 0 : i32
    %dma_wait3A_955 = arith.constant 3 : i32
    %dma_wait3A_956 = arith.constant 0 : i32
    %dma_wait3A_957 = arith.constant 0 : i32
    %dma_wait3A_958 = tpu.memref_slice %arg8[%dma_wait3A_953, %dma_wait3A_956, %dma_wait3A_957] : memref<5x16x1024xf32, #tpu.memory_space<vmem>> -> memref<1x16x1024xf32, #tpu.memory_space<vmem>>
    %dma_wait3A_959 = tpu.memref_squeeze %dma_wait3A_958 : memref<1x16x1024xf32, #tpu.memory_space<vmem>> -> memref<16x1024xf32, #tpu.memory_space<vmem>>
    %dma_wait3A_960 = arith.constant 0 : i32
    %dma_wait3A_961 = tpu.memref_slice %arg5[%dma_wait3A_954, %add3A_860, %dma_wait3A_960] : memref<4x2048x1024xf32, #tpu.memory_space<hbm>> -> memref<1x16x1024xf32, #tpu.memory_space<hbm>>
    %dma_wait3A_962 = tpu.memref_squeeze %dma_wait3A_961 : memref<1x16x1024xf32, #tpu.memory_space<hbm>> -> memref<16x1024xf32, #tpu.memory_space<hbm>>
    %dma_wait3A_963 = tpu.memref_slice %arg10[%dma_wait3A_955] : memref<5x!tpu.dma_semaphore, #tpu.memory_space<semaphore_mem>> -> memref<1x!tpu.dma_semaphore, #tpu.memory_space<semaphore_mem>>
    %dma_wait3A_964 = tpu.memref_squeeze %dma_wait3A_963 : memref<1x!tpu.dma_semaphore, #tpu.memory_space<semaphore_mem>> -> memref<!tpu.dma_semaphore, #tpu.memory_space<semaphore_mem>>
    %dma_wait3A_965 = arith.constant 0 : i32
    %dma_wait3A_966 = tpu.memref_slice %arg5[%dma_wait3A_954, %add3A_860, %dma_wait3A_965] : memref<4x2048x1024xf32, #tpu.memory_space<hbm>> -> memref<1x16x1024xf32, #tpu.memory_space<hbm>>
    %dma_wait3A_967 = tpu.memref_squeeze %dma_wait3A_966 : memref<1x16x1024xf32, #tpu.memory_space<hbm>> -> memref<16x1024xf32, #tpu.memory_space<hbm>>
    %dma_wait3A_968 = arith.constant 0 : i32
    %dma_wait3A_969 = arith.constant 0 : i32
    %dma_wait3A_970 = tpu.memref_slice %arg8[%dma_wait3A_953, %dma_wait3A_968, %dma_wait3A_969] : memref<5x16x1024xf32, #tpu.memory_space<vmem>> -> memref<1x16x1024xf32, #tpu.memory_space<vmem>>
    %dma_wait3A_971 = tpu.memref_squeeze %dma_wait3A_970 : memref<1x16x1024xf32, #tpu.memory_space<vmem>> -> memref<16x1024xf32, #tpu.memory_space<vmem>>
    tpu.wait_dma2 semaphore(%dma_wait3A_964 : memref<!tpu.dma_semaphore, #tpu.memory_space<semaphore_mem>>) src(%dma_wait3A_971 : memref<16x1024xf32, #tpu.memory_space<vmem>>) dst(%dma_wait3A_967 : memref<16x1024xf32, #tpu.memory_space<hbm>>)
    %dma_start3A_972 = arith.constant 1 : i32
    %dma_start3A_973 = arith.constant 3 : i32
    %dma_start3A_974 = arith.constant 3 : i32
    %dma_start3A_975 = arith.constant 0 : i32
    %dma_start3A_976 = arith.constant 0 : i32
    %dma_start3A_977 = tpu.memref_slice %arg8[%dma_start3A_973, %dma_start3A_975, %dma_start3A_976] : memref<5x16x1024xf32, #tpu.memory_space<vmem>> -> memref<1x16x1024xf32, #tpu.memory_space<vmem>>
    %dma_start3A_978 = tpu.memref_squeeze %dma_start3A_977 : memref<1x16x1024xf32, #tpu.memory_space<vmem>> -> memref<16x1024xf32, #tpu.memory_space<vmem>>
    %dma_start3A_979 = arith.constant 48 : i32
    %dma_start3A_980 = tpu.memref_slice %arg6[%dma_start3A_972, %dma_start3A_979] : memref<4x64xi32, #tpu.memory_space<vmem>> -> memref<1x16xi32, #tpu.memory_space<vmem>>
    %dma_start3A_981 = tpu.memref_squeeze %dma_start3A_980 : memref<1x16xi32, #tpu.memory_space<vmem>> -> memref<16xi32, #tpu.memory_space<vmem>>
    %dma_start3A_982 = arith.constant 0 : i32
    %dma_start3A_983 = arith.constant 0 : i32
    %dma_start3A_984 = tpu.memref_slice %arg3[%dma_start3A_982, %dma_start3A_983] : memref<100000x1024xf32, #tpu.memory_space<hbm>> -> memref<100000x1024xf32, #tpu.memory_space<hbm>>
    %dma_start3A_985 = tpu.memref_slice %arg9[%dma_start3A_974] : memref<5x!tpu.dma_semaphore, #tpu.memory_space<semaphore_mem>> -> memref<1x!tpu.dma_semaphore, #tpu.memory_space<semaphore_mem>>
    %dma_start3A_986 = tpu.memref_squeeze %dma_start3A_985 : memref<1x!tpu.dma_semaphore, #tpu.memory_space<semaphore_mem>> -> memref<!tpu.dma_semaphore, #tpu.memory_space<semaphore_mem>>
    tpu.enqueue_indirect_dma source(%dma_start3A_984 : memref<100000x1024xf32, #tpu.memory_space<hbm>>) target(%dma_start3A_978 : memref<16x1024xf32, #tpu.memory_space<vmem>>) offsets(%dma_start3A_981 : memref<16xi32, #tpu.memory_space<vmem>>) semaphore(%dma_start3A_986 : memref<!tpu.dma_semaphore, #tpu.memory_space<semaphore_mem>>)
    %dma_wait3A_987 = arith.constant 2 : i32
    %dma_wait3A_988 = arith.constant 0 : i32
    %dma_wait3A_989 = arith.constant 0 : i32
    %dma_wait3A_990 = arith.constant 0 : i32
    %dma_wait3A_991 = arith.constant 0 : i32
    %dma_wait3A_992 = tpu.memref_slice %arg8[%dma_wait3A_988, %dma_wait3A_990, %dma_wait3A_991] : memref<5x16x1024xf32, #tpu.memory_space<vmem>> -> memref<1x16x1024xf32, #tpu.memory_space<vmem>>
    %dma_wait3A_993 = tpu.memref_squeeze %dma_wait3A_992 : memref<1x16x1024xf32, #tpu.memory_space<vmem>> -> memref<16x1024xf32, #tpu.memory_space<vmem>>
    %dma_wait3A_994 = arith.constant 32 : i32
    %dma_wait3A_995 = tpu.memref_slice %arg6[%dma_wait3A_987, %dma_wait3A_994] : memref<4x64xi32, #tpu.memory_space<vmem>> -> memref<1x16xi32, #tpu.memory_space<vmem>>
    %dma_wait3A_996 = tpu.memref_squeeze %dma_wait3A_995 : memref<1x16xi32, #tpu.memory_space<vmem>> -> memref<16xi32, #tpu.memory_space<vmem>>
    %dma_wait3A_997 = arith.constant 0 : i32
    %dma_wait3A_998 = arith.constant 0 : i32
    %dma_wait3A_999 = tpu.memref_slice %arg3[%dma_wait3A_997, %dma_wait3A_998] : memref<100000x1024xf32, #tpu.memory_space<hbm>> -> memref<100000x1024xf32, #tpu.memory_space<hbm>>
    %dma_wait3A_1000 = tpu.memref_slice %arg9[%dma_wait3A_989] : memref<5x!tpu.dma_semaphore, #tpu.memory_space<semaphore_mem>> -> memref<1x!tpu.dma_semaphore, #tpu.memory_space<semaphore_mem>>
    %dma_wait3A_1001 = tpu.memref_squeeze %dma_wait3A_1000 : memref<1x!tpu.dma_semaphore, #tpu.memory_space<semaphore_mem>> -> memref<!tpu.dma_semaphore, #tpu.memory_space<semaphore_mem>>
    tpu.wait_indirect_dma semaphore(%dma_wait3A_1001 : memref<!tpu.dma_semaphore, #tpu.memory_space<semaphore_mem>>) src(%dma_wait3A_999 : memref<100000x1024xf32, #tpu.memory_space<hbm>>) dst(%dma_wait3A_993 : memref<16x1024xf32, #tpu.memory_space<vmem>>)
    %parallel_loop3A_1002 = arith.constant 0 : i32
    %parallel_loop3A_1003 = arith.constant 16 : i32
    %parallel_loop3A_1004 = arith.constant 1 : i32
    scf.for %parallel_loop3A_1400 = %parallel_loop3A_1002 to %parallel_loop3A_1003 step %parallel_loop3A_1004  : i32 {
      %parallel_loop3A_1401 = arith.constant 0 : i32
      %parallel_loop3A_1402 = arith.constant 1024 : i32
      %parallel_loop3A_1403 = arith.constant 16 : i32
      scf.for %parallel_loop3A_1404 = %parallel_loop3A_1401 to %parallel_loop3A_1402 step %parallel_loop3A_1403  : i32 {
        %parallel_loop3A_1405 = arith.constant 0 : i32
        %parallel_loop3A_1406 = arith.index_cast %parallel_loop3A_1405 : i32 to index
        %parallel_loop3A_1407 = arith.index_cast %parallel_loop3A_1400 : i32 to index
        %parallel_loop3A_1408 = arith.index_cast %parallel_loop3A_1404 : i32 to index
        %parallel_loop3A_1409 = tpu.vector_load %arg7[%parallel_loop3A_1406, %parallel_loop3A_1407, %parallel_loop3A_1408] {strides = array<i32>} : memref<2x16x1024xf32, #tpu.memory_space<vmem>>, vector<1x1x16xf32>,
        %parallel_loop3A_1410 = vector.shape_cast %parallel_loop3A_1409 : vector<1x1x16xf32> to vector<16xf32>
        %parallel_loop3A_1411 = arith.constant 0 : i32
        %parallel_loop3A_1412 = arith.index_cast %parallel_loop3A_1411 : i32 to index
        %parallel_loop3A_1413 = arith.index_cast %parallel_loop3A_1400 : i32 to index
        %parallel_loop3A_1414 = arith.index_cast %parallel_loop3A_1404 : i32 to index
        %parallel_loop3A_1415 = tpu.vector_load %arg8[%parallel_loop3A_1412, %parallel_loop3A_1413, %parallel_loop3A_1414] {strides = array<i32>} : memref<5x16x1024xf32, #tpu.memory_space<vmem>>, vector<1x1x16xf32>,
        %parallel_loop3A_1416 = vector.shape_cast %parallel_loop3A_1415 : vector<1x1x16xf32> to vector<16xf32>
        %parallel_loop3A_1417 = vector.shape_cast %parallel_loop3A_1410 : vector<16xf32> to vector<1x1x16xf32>
        tpu.vector_store %arg8[%parallel_loop3A_1412, %parallel_loop3A_1413, %parallel_loop3A_1414], %parallel_loop3A_1417 {add = true, strides = array<i32>} : memref<5x16x1024xf32, #tpu.memory_space<vmem>>, vector<1x1x16xf32>,
      } {sc.loop_unroll_factor = 4 : i64, sc.parallel_access}
    } {sc.loop_unroll_factor = 1 : i64, sc.parallel_access}
    %add3A_1005 = arith.constant 32 : i32
    %add3A_1006 = arith.addi %mul3A_2, %add3A_1005 : i32
    %dma_start3A_1007 = arith.constant 0 : i32
    %dma_start3A_1008 = arith.constant 2 : i32
    %dma_start3A_1009 = arith.constant 0 : i32
    %dma_start3A_1010 = arith.constant 0 : i32
    %dma_start3A_1011 = arith.constant 0 : i32
    %dma_start3A_1012 = tpu.memref_slice %arg8[%dma_start3A_1007, %dma_start3A_1010, %dma_start3A_1011] : memref<5x16x1024xf32, #tpu.memory_space<vmem>> -> memref<1x16x1024xf32, #tpu.memory_space<vmem>>
    %dma_start3A_1013 = tpu.memref_squeeze %dma_start3A_1012 : memref<1x16x1024xf32, #tpu.memory_space<vmem>> -> memref<16x1024xf32, #tpu.memory_space<vmem>>
    %dma_start3A_1014 = arith.constant 0 : i32
    %dma_start3A_1015 = tpu.memref_slice %arg5[%dma_start3A_1008, %add3A_1006, %dma_start3A_1014] : memref<4x2048x1024xf32, #tpu.memory_space<hbm>> -> memref<1x16x1024xf32, #tpu.memory_space<hbm>>
    %dma_start3A_1016 = tpu.memref_squeeze %dma_start3A_1015 : memref<1x16x1024xf32, #tpu.memory_space<hbm>> -> memref<16x1024xf32, #tpu.memory_space<hbm>>
    %dma_start3A_1017 = tpu.memref_slice %arg10[%dma_start3A_1009] : memref<5x!tpu.dma_semaphore, #tpu.memory_space<semaphore_mem>> -> memref<1x!tpu.dma_semaphore, #tpu.memory_space<semaphore_mem>>
    %dma_start3A_1018 = tpu.memref_squeeze %dma_start3A_1017 : memref<1x!tpu.dma_semaphore, #tpu.memory_space<semaphore_mem>> -> memref<!tpu.dma_semaphore, #tpu.memory_space<semaphore_mem>>
    %dma_start3A_1019 = arith.constant 0 : i32
    %dma_start3A_1020 = tpu.memref_slice %arg5[%dma_start3A_1008, %add3A_1006, %dma_start3A_1019] : memref<4x2048x1024xf32, #tpu.memory_space<hbm>> -> memref<1x16x1024xf32, #tpu.memory_space<hbm>>
    %dma_start3A_1021 = tpu.memref_squeeze %dma_start3A_1020 : memref<1x16x1024xf32, #tpu.memory_space<hbm>> -> memref<16x1024xf32, #tpu.memory_space<hbm>>
    %dma_start3A_1022 = arith.constant 0 : i32
    %dma_start3A_1023 = arith.constant 0 : i32
    %dma_start3A_1024 = tpu.memref_slice %arg8[%dma_start3A_1007, %dma_start3A_1022, %dma_start3A_1023] : memref<5x16x1024xf32, #tpu.memory_space<vmem>> -> memref<1x16x1024xf32, #tpu.memory_space<vmem>>
    %dma_start3A_1025 = tpu.memref_squeeze %dma_start3A_1024 : memref<1x16x1024xf32, #tpu.memory_space<vmem>> -> memref<16x1024xf32, #tpu.memory_space<vmem>>
    tpu.enqueue_dma source(%dma_start3A_1025 : memref<16x1024xf32, #tpu.memory_space<vmem>>) target(%dma_start3A_1021 : memref<16x1024xf32, #tpu.memory_space<hbm>>) target_semaphore(%dma_start3A_1018 : memref<!tpu.dma_semaphore, #tpu.memory_space<semaphore_mem>>)
    %dma_wait3A_1026 = arith.constant 4 : i32
    %dma_wait3A_1027 = arith.constant 1 : i32
    %dma_wait3A_1028 = arith.constant 4 : i32
    %dma_wait3A_1029 = arith.constant 0 : i32
    %dma_wait3A_1030 = arith.constant 0 : i32
    %dma_wait3A_1031 = tpu.memref_slice %arg8[%dma_wait3A_1026, %dma_wait3A_1029, %dma_wait3A_1030] : memref<5x16x1024xf32, #tpu.memory_space<vmem>> -> memref<1x16x1024xf32, #tpu.memory_space<vmem>>
    %dma_wait3A_1032 = tpu.memref_squeeze %dma_wait3A_1031 : memref<1x16x1024xf32, #tpu.memory_space<vmem>> -> memref<16x1024xf32, #tpu.memory_space<vmem>>
    %dma_wait3A_1033 = arith.constant 0 : i32
    %dma_wait3A_1034 = tpu.memref_slice %arg5[%dma_wait3A_1027, %add3A_933, %dma_wait3A_1033] : memref<4x2048x1024xf32, #tpu.memory_space<hbm>> -> memref<1x16x1024xf32, #tpu.memory_space<hbm>>
    %dma_wait3A_1035 = tpu.memref_squeeze %dma_wait3A_1034 : memref<1x16x1024xf32, #tpu.memory_space<hbm>> -> memref<16x1024xf32, #tpu.memory_space<hbm>>
    %dma_wait3A_1036 = tpu.memref_slice %arg10[%dma_wait3A_1028] : memref<5x!tpu.dma_semaphore, #tpu.memory_space<semaphore_mem>> -> memref<1x!tpu.dma_semaphore, #tpu.memory_space<semaphore_mem>>
    %dma_wait3A_1037 = tpu.memref_squeeze %dma_wait3A_1036 : memref<1x!tpu.dma_semaphore, #tpu.memory_space<semaphore_mem>> -> memref<!tpu.dma_semaphore, #tpu.memory_space<semaphore_mem>>
    %dma_wait3A_1038 = arith.constant 0 : i32
    %dma_wait3A_1039 = tpu.memref_slice %arg5[%dma_wait3A_1027, %add3A_933, %dma_wait3A_1038] : memref<4x2048x1024xf32, #tpu.memory_space<hbm>> -> memref<1x16x1024xf32, #tpu.memory_space<hbm>>
    %dma_wait3A_1040 = tpu.memref_squeeze %dma_wait3A_1039 : memref<1x16x1024xf32, #tpu.memory_space<hbm>> -> memref<16x1024xf32, #tpu.memory_space<hbm>>
    %dma_wait3A_1041 = arith.constant 0 : i32
    %dma_wait3A_1042 = arith.constant 0 : i32
    %dma_wait3A_1043 = tpu.memref_slice %arg8[%dma_wait3A_1026, %dma_wait3A_1041, %dma_wait3A_1042] : memref<5x16x1024xf32, #tpu.memory_space<vmem>> -> memref<1x16x1024xf32, #tpu.memory_space<vmem>>
    %dma_wait3A_1044 = tpu.memref_squeeze %dma_wait3A_1043 : memref<1x16x1024xf32, #tpu.memory_space<vmem>> -> memref<16x1024xf32, #tpu.memory_space<vmem>>
    tpu.wait_dma2 semaphore(%dma_wait3A_1037 : memref<!tpu.dma_semaphore, #tpu.memory_space<semaphore_mem>>) src(%dma_wait3A_1044 : memref<16x1024xf32, #tpu.memory_space<vmem>>) dst(%dma_wait3A_1040 : memref<16x1024xf32, #tpu.memory_space<hbm>>)
    %dma_start3A_1045 = arith.constant 2 : i32
    %dma_start3A_1046 = arith.constant 4 : i32
    %dma_start3A_1047 = arith.constant 4 : i32
    %dma_start3A_1048 = arith.constant 0 : i32
    %dma_start3A_1049 = arith.constant 0 : i32
    %dma_start3A_1050 = tpu.memref_slice %arg8[%dma_start3A_1046, %dma_start3A_1048, %dma_start3A_1049] : memref<5x16x1024xf32, #tpu.memory_space<vmem>> -> memref<1x16x1024xf32, #tpu.memory_space<vmem>>
    %dma_start3A_1051 = tpu.memref_squeeze %dma_start3A_1050 : memref<1x16x1024xf32, #tpu.memory_space<vmem>> -> memref<16x1024xf32, #tpu.memory_space<vmem>>
    %dma_start3A_1052 = arith.constant 48 : i32
    %dma_start3A_1053 = tpu.memref_slice %arg6[%dma_start3A_1045, %dma_start3A_1052] : memref<4x64xi32, #tpu.memory_space<vmem>> -> memref<1x16xi32, #tpu.memory_space<vmem>>
    %dma_start3A_1054 = tpu.memref_squeeze %dma_start3A_1053 : memref<1x16xi32, #tpu.memory_space<vmem>> -> memref<16xi32, #tpu.memory_space<vmem>>
    %dma_start3A_1055 = arith.constant 0 : i32
    %dma_start3A_1056 = arith.constant 0 : i32
    %dma_start3A_1057 = tpu.memref_slice %arg3[%dma_start3A_1055, %dma_start3A_1056] : memref<100000x1024xf32, #tpu.memory_space<hbm>> -> memref<100000x1024xf32, #tpu.memory_space<hbm>>
    %dma_start3A_1058 = tpu.memref_slice %arg9[%dma_start3A_1047] : memref<5x!tpu.dma_semaphore, #tpu.memory_space<semaphore_mem>> -> memref<1x!tpu.dma_semaphore, #tpu.memory_space<semaphore_mem>>
    %dma_start3A_1059 = tpu.memref_squeeze %dma_start3A_1058 : memref<1x!tpu.dma_semaphore, #tpu.memory_space<semaphore_mem>> -> memref<!tpu.dma_semaphore, #tpu.memory_space<semaphore_mem>>
    tpu.enqueue_indirect_dma source(%dma_start3A_1057 : memref<100000x1024xf32, #tpu.memory_space<hbm>>) target(%dma_start3A_1051 : memref<16x1024xf32, #tpu.memory_space<vmem>>) offsets(%dma_start3A_1054 : memref<16xi32, #tpu.memory_space<vmem>>) semaphore(%dma_start3A_1059 : memref<!tpu.dma_semaphore, #tpu.memory_space<semaphore_mem>>)
    %dma_wait3A_1060 = arith.constant 3 : i32
    %dma_wait3A_1061 = arith.constant 1 : i32
    %dma_wait3A_1062 = arith.constant 1 : i32
    %dma_wait3A_1063 = arith.constant 0 : i32
    %dma_wait3A_1064 = arith.constant 0 : i32
    %dma_wait3A_1065 = tpu.memref_slice %arg8[%dma_wait3A_1061, %dma_wait3A_1063, %dma_wait3A_1064] : memref<5x16x1024xf32, #tpu.memory_space<vmem>> -> memref<1x16x1024xf32, #tpu.memory_space<vmem>>
    %dma_wait3A_1066 = tpu.memref_squeeze %dma_wait3A_1065 : memref<1x16x1024xf32, #tpu.memory_space<vmem>> -> memref<16x1024xf32, #tpu.memory_space<vmem>>
    %dma_wait3A_1067 = arith.constant 32 : i32
    %dma_wait3A_1068 = tpu.memref_slice %arg6[%dma_wait3A_1060, %dma_wait3A_1067] : memref<4x64xi32, #tpu.memory_space<vmem>> -> memref<1x16xi32, #tpu.memory_space<vmem>>
    %dma_wait3A_1069 = tpu.memref_squeeze %dma_wait3A_1068 : memref<1x16xi32, #tpu.memory_space<vmem>> -> memref<16xi32, #tpu.memory_space<vmem>>
    %dma_wait3A_1070 = arith.constant 0 : i32
    %dma_wait3A_1071 = arith.constant 0 : i32
    %dma_wait3A_1072 = tpu.memref_slice %arg3[%dma_wait3A_1070, %dma_wait3A_1071] : memref<100000x1024xf32, #tpu.memory_space<hbm>> -> memref<100000x1024xf32, #tpu.memory_space<hbm>>
    %dma_wait3A_1073 = tpu.memref_slice %arg9[%dma_wait3A_1062] : memref<5x!tpu.dma_semaphore, #tpu.memory_space<semaphore_mem>> -> memref<1x!tpu.dma_semaphore, #tpu.memory_space<semaphore_mem>>
    %dma_wait3A_1074 = tpu.memref_squeeze %dma_wait3A_1073 : memref<1x!tpu.dma_semaphore, #tpu.memory_space<semaphore_mem>> -> memref<!tpu.dma_semaphore, #tpu.memory_space<semaphore_mem>>
    tpu.wait_indirect_dma semaphore(%dma_wait3A_1074 : memref<!tpu.dma_semaphore, #tpu.memory_space<semaphore_mem>>) src(%dma_wait3A_1072 : memref<100000x1024xf32, #tpu.memory_space<hbm>>) dst(%dma_wait3A_1066 : memref<16x1024xf32, #tpu.memory_space<vmem>>)
    %parallel_loop3A_1075 = arith.constant 0 : i32
    %parallel_loop3A_1076 = arith.constant 16 : i32
    %parallel_loop3A_1077 = arith.constant 1 : i32
    scf.for %parallel_loop3A_1400 = %parallel_loop3A_1075 to %parallel_loop3A_1076 step %parallel_loop3A_1077  : i32 {
      %parallel_loop3A_1401 = arith.constant 0 : i32
      %parallel_loop3A_1402 = arith.constant 1024 : i32
      %parallel_loop3A_1403 = arith.constant 16 : i32
      scf.for %parallel_loop3A_1404 = %parallel_loop3A_1401 to %parallel_loop3A_1402 step %parallel_loop3A_1403  : i32 {
        %parallel_loop3A_1405 = arith.constant 0 : i32
        %parallel_loop3A_1406 = arith.index_cast %parallel_loop3A_1405 : i32 to index
        %parallel_loop3A_1407 = arith.index_cast %parallel_loop3A_1400 : i32 to index
        %parallel_loop3A_1408 = arith.index_cast %parallel_loop3A_1404 : i32 to index
        %parallel_loop3A_1409 = tpu.vector_load %arg7[%parallel_loop3A_1406, %parallel_loop3A_1407, %parallel_loop3A_1408] {strides = array<i32>} : memref<2x16x1024xf32, #tpu.memory_space<vmem>>, vector<1x1x16xf32>,
        %parallel_loop3A_1410 = vector.shape_cast %parallel_loop3A_1409 : vector<1x1x16xf32> to vector<16xf32>
        %parallel_loop3A_1411 = arith.constant 1 : i32
        %parallel_loop3A_1412 = arith.index_cast %parallel_loop3A_1411 : i32 to index
        %parallel_loop3A_1413 = arith.index_cast %parallel_loop3A_1400 : i32 to index
        %parallel_loop3A_1414 = arith.index_cast %parallel_loop3A_1404 : i32 to index
        %parallel_loop3A_1415 = tpu.vector_load %arg8[%parallel_loop3A_1412, %parallel_loop3A_1413, %parallel_loop3A_1414] {strides = array<i32>} : memref<5x16x1024xf32, #tpu.memory_space<vmem>>, vector<1x1x16xf32>,
        %parallel_loop3A_1416 = vector.shape_cast %parallel_loop3A_1415 : vector<1x1x16xf32> to vector<16xf32>
        %parallel_loop3A_1417 = vector.shape_cast %parallel_loop3A_1410 : vector<16xf32> to vector<1x1x16xf32>
        tpu.vector_store %arg8[%parallel_loop3A_1412, %parallel_loop3A_1413, %parallel_loop3A_1414], %parallel_loop3A_1417 {add = true, strides = array<i32>} : memref<5x16x1024xf32, #tpu.memory_space<vmem>>, vector<1x1x16xf32>,
      } {sc.loop_unroll_factor = 4 : i64, sc.parallel_access}
    } {sc.loop_unroll_factor = 1 : i64, sc.parallel_access}
    %add3A_1078 = arith.constant 32 : i32
    %add3A_1079 = arith.addi %mul3A_2, %add3A_1078 : i32
    %dma_start3A_1080 = arith.constant 1 : i32
    %dma_start3A_1081 = arith.constant 3 : i32
    %dma_start3A_1082 = arith.constant 1 : i32
    %dma_start3A_1083 = arith.constant 0 : i32
    %dma_start3A_1084 = arith.constant 0 : i32
    %dma_start3A_1085 = tpu.memref_slice %arg8[%dma_start3A_1080, %dma_start3A_1083, %dma_start3A_1084] : memref<5x16x1024xf32, #tpu.memory_space<vmem>> -> memref<1x16x1024xf32, #tpu.memory_space<vmem>>
    %dma_start3A_1086 = tpu.memref_squeeze %dma_start3A_1085 : memref<1x16x1024xf32, #tpu.memory_space<vmem>> -> memref<16x1024xf32, #tpu.memory_space<vmem>>
    %dma_start3A_1087 = arith.constant 0 : i32
    %dma_start3A_1088 = tpu.memref_slice %arg5[%dma_start3A_1081, %add3A_1079, %dma_start3A_1087] : memref<4x2048x1024xf32, #tpu.memory_space<hbm>> -> memref<1x16x1024xf32, #tpu.memory_space<hbm>>
    %dma_start3A_1089 = tpu.memref_squeeze %dma_start3A_1088 : memref<1x16x1024xf32, #tpu.memory_space<hbm>> -> memref<16x1024xf32, #tpu.memory_space<hbm>>
    %dma_start3A_1090 = tpu.memref_slice %arg10[%dma_start3A_1082] : memref<5x!tpu.dma_semaphore, #tpu.memory_space<semaphore_mem>> -> memref<1x!tpu.dma_semaphore, #tpu.memory_space<semaphore_mem>>
    %dma_start3A_1091 = tpu.memref_squeeze %dma_start3A_1090 : memref<1x!tpu.dma_semaphore, #tpu.memory_space<semaphore_mem>> -> memref<!tpu.dma_semaphore, #tpu.memory_space<semaphore_mem>>
    %dma_start3A_1092 = arith.constant 0 : i32
    %dma_start3A_1093 = tpu.memref_slice %arg5[%dma_start3A_1081, %add3A_1079, %dma_start3A_1092] : memref<4x2048x1024xf32, #tpu.memory_space<hbm>> -> memref<1x16x1024xf32, #tpu.memory_space<hbm>>
    %dma_start3A_1094 = tpu.memref_squeeze %dma_start3A_1093 : memref<1x16x1024xf32, #tpu.memory_space<hbm>> -> memref<16x1024xf32, #tpu.memory_space<hbm>>
    %dma_start3A_1095 = arith.constant 0 : i32
    %dma_start3A_1096 = arith.constant 0 : i32
    %dma_start3A_1097 = tpu.memref_slice %arg8[%dma_start3A_1080, %dma_start3A_1095, %dma_start3A_1096] : memref<5x16x1024xf32, #tpu.memory_space<vmem>> -> memref<1x16x1024xf32, #tpu.memory_space<vmem>>
    %dma_start3A_1098 = tpu.memref_squeeze %dma_start3A_1097 : memref<1x16x1024xf32, #tpu.memory_space<vmem>> -> memref<16x1024xf32, #tpu.memory_space<vmem>>
    tpu.enqueue_dma source(%dma_start3A_1098 : memref<16x1024xf32, #tpu.memory_space<vmem>>) target(%dma_start3A_1094 : memref<16x1024xf32, #tpu.memory_space<hbm>>) target_semaphore(%dma_start3A_1091 : memref<!tpu.dma_semaphore, #tpu.memory_space<semaphore_mem>>)
    %dma_wait3A_1099 = arith.constant 0 : i32
    %dma_wait3A_1100 = arith.constant 2 : i32
    %dma_wait3A_1101 = arith.constant 0 : i32
    %dma_wait3A_1102 = arith.constant 0 : i32
    %dma_wait3A_1103 = arith.constant 0 : i32
    %dma_wait3A_1104 = tpu.memref_slice %arg8[%dma_wait3A_1099, %dma_wait3A_1102, %dma_wait3A_1103] : memref<5x16x1024xf32, #tpu.memory_space<vmem>> -> memref<1x16x1024xf32, #tpu.memory_space<vmem>>
    %dma_wait3A_1105 = tpu.memref_squeeze %dma_wait3A_1104 : memref<1x16x1024xf32, #tpu.memory_space<vmem>> -> memref<16x1024xf32, #tpu.memory_space<vmem>>
    %dma_wait3A_1106 = arith.constant 0 : i32
    %dma_wait3A_1107 = tpu.memref_slice %arg5[%dma_wait3A_1100, %add3A_1006, %dma_wait3A_1106] : memref<4x2048x1024xf32, #tpu.memory_space<hbm>> -> memref<1x16x1024xf32, #tpu.memory_space<hbm>>
    %dma_wait3A_1108 = tpu.memref_squeeze %dma_wait3A_1107 : memref<1x16x1024xf32, #tpu.memory_space<hbm>> -> memref<16x1024xf32, #tpu.memory_space<hbm>>
    %dma_wait3A_1109 = tpu.memref_slice %arg10[%dma_wait3A_1101] : memref<5x!tpu.dma_semaphore, #tpu.memory_space<semaphore_mem>> -> memref<1x!tpu.dma_semaphore, #tpu.memory_space<semaphore_mem>>
    %dma_wait3A_1110 = tpu.memref_squeeze %dma_wait3A_1109 : memref<1x!tpu.dma_semaphore, #tpu.memory_space<semaphore_mem>> -> memref<!tpu.dma_semaphore, #tpu.memory_space<semaphore_mem>>
    %dma_wait3A_1111 = arith.constant 0 : i32
    %dma_wait3A_1112 = tpu.memref_slice %arg5[%dma_wait3A_1100, %add3A_1006, %dma_wait3A_1111] : memref<4x2048x1024xf32, #tpu.memory_space<hbm>> -> memref<1x16x1024xf32, #tpu.memory_space<hbm>>
    %dma_wait3A_1113 = tpu.memref_squeeze %dma_wait3A_1112 : memref<1x16x1024xf32, #tpu.memory_space<hbm>> -> memref<16x1024xf32, #tpu.memory_space<hbm>>
    %dma_wait3A_1114 = arith.constant 0 : i32
    %dma_wait3A_1115 = arith.constant 0 : i32
    %dma_wait3A_1116 = tpu.memref_slice %arg8[%dma_wait3A_1099, %dma_wait3A_1114, %dma_wait3A_1115] : memref<5x16x1024xf32, #tpu.memory_space<vmem>> -> memref<1x16x1024xf32, #tpu.memory_space<vmem>>
    %dma_wait3A_1117 = tpu.memref_squeeze %dma_wait3A_1116 : memref<1x16x1024xf32, #tpu.memory_space<vmem>> -> memref<16x1024xf32, #tpu.memory_space<vmem>>
    tpu.wait_dma2 semaphore(%dma_wait3A_1110 : memref<!tpu.dma_semaphore, #tpu.memory_space<semaphore_mem>>) src(%dma_wait3A_1117 : memref<16x1024xf32, #tpu.memory_space<vmem>>) dst(%dma_wait3A_1113 : memref<16x1024xf32, #tpu.memory_space<hbm>>)
    %dma_start3A_1118 = arith.constant 3 : i32
    %dma_start3A_1119 = arith.constant 0 : i32
    %dma_start3A_1120 = arith.constant 0 : i32
    %dma_start3A_1121 = arith.constant 0 : i32
    %dma_start3A_1122 = arith.constant 0 : i32
    %dma_start3A_1123 = tpu.memref_slice %arg8[%dma_start3A_1119, %dma_start3A_1121, %dma_start3A_1122] : memref<5x16x1024xf32, #tpu.memory_space<vmem>> -> memref<1x16x1024xf32, #tpu.memory_space<vmem>>
    %dma_start3A_1124 = tpu.memref_squeeze %dma_start3A_1123 : memref<1x16x1024xf32, #tpu.memory_space<vmem>> -> memref<16x1024xf32, #tpu.memory_space<vmem>>
    %dma_start3A_1125 = arith.constant 48 : i32
    %dma_start3A_1126 = tpu.memref_slice %arg6[%dma_start3A_1118, %dma_start3A_1125] : memref<4x64xi32, #tpu.memory_space<vmem>> -> memref<1x16xi32, #tpu.memory_space<vmem>>
    %dma_start3A_1127 = tpu.memref_squeeze %dma_start3A_1126 : memref<1x16xi32, #tpu.memory_space<vmem>> -> memref<16xi32, #tpu.memory_space<vmem>>
    %dma_start3A_1128 = arith.constant 0 : i32
    %dma_start3A_1129 = arith.constant 0 : i32
    %dma_start3A_1130 = tpu.memref_slice %arg3[%dma_start3A_1128, %dma_start3A_1129] : memref<100000x1024xf32, #tpu.memory_space<hbm>> -> memref<100000x1024xf32, #tpu.memory_space<hbm>>
    %dma_start3A_1131 = tpu.memref_slice %arg9[%dma_start3A_1120] : memref<5x!tpu.dma_semaphore, #tpu.memory_space<semaphore_mem>> -> memref<1x!tpu.dma_semaphore, #tpu.memory_space<semaphore_mem>>
    %dma_start3A_1132 = tpu.memref_squeeze %dma_start3A_1131 : memref<1x!tpu.dma_semaphore, #tpu.memory_space<semaphore_mem>> -> memref<!tpu.dma_semaphore, #tpu.memory_space<semaphore_mem>>
    tpu.enqueue_indirect_dma source(%dma_start3A_1130 : memref<100000x1024xf32, #tpu.memory_space<hbm>>) target(%dma_start3A_1124 : memref<16x1024xf32, #tpu.memory_space<vmem>>) offsets(%dma_start3A_1127 : memref<16xi32, #tpu.memory_space<vmem>>) semaphore(%dma_start3A_1132 : memref<!tpu.dma_semaphore, #tpu.memory_space<semaphore_mem>>)
    %dma_wait3A_1133 = arith.constant 1 : i32
    %dma_wait3A_1134 = arith.constant 1 : i32
    %dma_wait3A_1135 = arith.constant 0 : i32
    %dma_wait3A_1136 = arith.constant 0 : i32
    %dma_wait3A_1137 = tpu.memref_slice %arg7[%dma_wait3A_1133, %dma_wait3A_1135, %dma_wait3A_1136] : memref<2x16x1024xf32, #tpu.memory_space<vmem>> -> memref<1x16x1024xf32, #tpu.memory_space<vmem>>
    %dma_wait3A_1138 = tpu.memref_squeeze %dma_wait3A_1137 : memref<1x16x1024xf32, #tpu.memory_space<vmem>> -> memref<16x1024xf32, #tpu.memory_space<vmem>>
    %dma_wait3A_1139 = arith.constant 0 : i32
    %dma_wait3A_1140 = tpu.memref_slice %arg4[%add3A_753, %dma_wait3A_1139] : memref<2048x1024xf32, #tpu.memory_space<hbm>> -> memref<16x1024xf32, #tpu.memory_space<hbm>>
    %dma_wait3A_1141 = tpu.memref_slice %arg11[%dma_wait3A_1134] : memref<2x!tpu.dma_semaphore, #tpu.memory_space<semaphore_mem>> -> memref<1x!tpu.dma_semaphore, #tpu.memory_space<semaphore_mem>>
    %dma_wait3A_1142 = tpu.memref_squeeze %dma_wait3A_1141 : memref<1x!tpu.dma_semaphore, #tpu.memory_space<semaphore_mem>> -> memref<!tpu.dma_semaphore, #tpu.memory_space<semaphore_mem>>
    %dma_wait3A_1143 = arith.constant 0 : i32
    %dma_wait3A_1144 = arith.constant 0 : i32
    %dma_wait3A_1145 = tpu.memref_slice %arg7[%dma_wait3A_1133, %dma_wait3A_1143, %dma_wait3A_1144] : memref<2x16x1024xf32, #tpu.memory_space<vmem>> -> memref<1x16x1024xf32, #tpu.memory_space<vmem>>
    %dma_wait3A_1146 = tpu.memref_squeeze %dma_wait3A_1145 : memref<1x16x1024xf32, #tpu.memory_space<vmem>> -> memref<16x1024xf32, #tpu.memory_space<vmem>>
    %dma_wait3A_1147 = arith.constant 0 : i32
    %dma_wait3A_1148 = tpu.memref_slice %arg4[%add3A_753, %dma_wait3A_1147] : memref<2048x1024xf32, #tpu.memory_space<hbm>> -> memref<16x1024xf32, #tpu.memory_space<hbm>>
    tpu.wait_dma2 semaphore(%dma_wait3A_1142 : memref<!tpu.dma_semaphore, #tpu.memory_space<semaphore_mem>>) src(%dma_wait3A_1148 : memref<16x1024xf32, #tpu.memory_space<hbm>>) dst(%dma_wait3A_1146 : memref<16x1024xf32, #tpu.memory_space<vmem>>)
    %dma_wait3A_1149 = arith.constant 0 : i32
    %dma_wait3A_1150 = arith.constant 2 : i32
    %dma_wait3A_1151 = arith.constant 2 : i32
    %dma_wait3A_1152 = arith.constant 0 : i32
    %dma_wait3A_1153 = arith.constant 0 : i32
    %dma_wait3A_1154 = tpu.memref_slice %arg8[%dma_wait3A_1150, %dma_wait3A_1152, %dma_wait3A_1153] : memref<5x16x1024xf32, #tpu.memory_space<vmem>> -> memref<1x16x1024xf32, #tpu.memory_space<vmem>>
    %dma_wait3A_1155 = tpu.memref_squeeze %dma_wait3A_1154 : memref<1x16x1024xf32, #tpu.memory_space<vmem>> -> memref<16x1024xf32, #tpu.memory_space<vmem>>
    %dma_wait3A_1156 = arith.constant 48 : i32
    %dma_wait3A_1157 = tpu.memref_slice %arg6[%dma_wait3A_1149, %dma_wait3A_1156] : memref<4x64xi32, #tpu.memory_space<vmem>> -> memref<1x16xi32, #tpu.memory_space<vmem>>
    %dma_wait3A_1158 = tpu.memref_squeeze %dma_wait3A_1157 : memref<1x16xi32, #tpu.memory_space<vmem>> -> memref<16xi32, #tpu.memory_space<vmem>>
    %dma_wait3A_1159 = arith.constant 0 : i32
    %dma_wait3A_1160 = arith.constant 0 : i32
    %dma_wait3A_1161 = tpu.memref_slice %arg3[%dma_wait3A_1159, %dma_wait3A_1160] : memref<100000x1024xf32, #tpu.memory_space<hbm>> -> memref<100000x1024xf32, #tpu.memory_space<hbm>>
    %dma_wait3A_1162 = tpu.memref_slice %arg9[%dma_wait3A_1151] : memref<5x!tpu.dma_semaphore, #tpu.memory_space<semaphore_mem>> -> memref<1x!tpu.dma_semaphore, #tpu.memory_space<semaphore_mem>>
    %dma_wait3A_1163 = tpu.memref_squeeze %dma_wait3A_1162 : memref<1x!tpu.dma_semaphore, #tpu.memory_space<semaphore_mem>> -> memref<!tpu.dma_semaphore, #tpu.memory_space<semaphore_mem>>
    tpu.wait_indirect_dma semaphore(%dma_wait3A_1163 : memref<!tpu.dma_semaphore, #tpu.memory_space<semaphore_mem>>) src(%dma_wait3A_1161 : memref<100000x1024xf32, #tpu.memory_space<hbm>>) dst(%dma_wait3A_1155 : memref<16x1024xf32, #tpu.memory_space<vmem>>)
    %parallel_loop3A_1164 = arith.constant 0 : i32
    %parallel_loop3A_1165 = arith.constant 16 : i32
    %parallel_loop3A_1166 = arith.constant 1 : i32
    scf.for %parallel_loop3A_1400 = %parallel_loop3A_1164 to %parallel_loop3A_1165 step %parallel_loop3A_1166  : i32 {
      %parallel_loop3A_1401 = arith.constant 0 : i32
      %parallel_loop3A_1402 = arith.constant 1024 : i32
      %parallel_loop3A_1403 = arith.constant 16 : i32
      scf.for %parallel_loop3A_1404 = %parallel_loop3A_1401 to %parallel_loop3A_1402 step %parallel_loop3A_1403  : i32 {
        %parallel_loop3A_1405 = arith.constant 1 : i32
        %parallel_loop3A_1406 = arith.index_cast %parallel_loop3A_1405 : i32 to index
        %parallel_loop3A_1407 = arith.index_cast %parallel_loop3A_1400 : i32 to index
        %parallel_loop3A_1408 = arith.index_cast %parallel_loop3A_1404 : i32 to index
        %parallel_loop3A_1409 = tpu.vector_load %arg7[%parallel_loop3A_1406, %parallel_loop3A_1407, %parallel_loop3A_1408] {strides = array<i32>} : memref<2x16x1024xf32, #tpu.memory_space<vmem>>, vector<1x1x16xf32>,
        %parallel_loop3A_1410 = vector.shape_cast %parallel_loop3A_1409 : vector<1x1x16xf32> to vector<16xf32>
        %parallel_loop3A_1411 = arith.constant 2 : i32
        %parallel_loop3A_1412 = arith.index_cast %parallel_loop3A_1411 : i32 to index
        %parallel_loop3A_1413 = arith.index_cast %parallel_loop3A_1400 : i32 to index
        %parallel_loop3A_1414 = arith.index_cast %parallel_loop3A_1404 : i32 to index
        %parallel_loop3A_1415 = tpu.vector_load %arg8[%parallel_loop3A_1412, %parallel_loop3A_1413, %parallel_loop3A_1414] {strides = array<i32>} : memref<5x16x1024xf32, #tpu.memory_space<vmem>>, vector<1x1x16xf32>,
        %parallel_loop3A_1416 = vector.shape_cast %parallel_loop3A_1415 : vector<1x1x16xf32> to vector<16xf32>
        %parallel_loop3A_1417 = vector.shape_cast %parallel_loop3A_1410 : vector<16xf32> to vector<1x1x16xf32>
        tpu.vector_store %arg8[%parallel_loop3A_1412, %parallel_loop3A_1413, %parallel_loop3A_1414], %parallel_loop3A_1417 {add = true, strides = array<i32>} : memref<5x16x1024xf32, #tpu.memory_space<vmem>>, vector<1x1x16xf32>,
      } {sc.loop_unroll_factor = 4 : i64, sc.parallel_access}
    } {sc.loop_unroll_factor = 1 : i64, sc.parallel_access}
    %add3A_1167 = arith.constant 48 : i32
    %add3A_1168 = arith.addi %mul3A_2, %add3A_1167 : i32
    %dma_start3A_1169 = arith.constant 2 : i32
    %dma_start3A_1170 = arith.constant 0 : i32
    %dma_start3A_1171 = arith.constant 2 : i32
    %dma_start3A_1172 = arith.constant 0 : i32
    %dma_start3A_1173 = arith.constant 0 : i32
    %dma_start3A_1174 = tpu.memref_slice %arg8[%dma_start3A_1169, %dma_start3A_1172, %dma_start3A_1173] : memref<5x16x1024xf32, #tpu.memory_space<vmem>> -> memref<1x16x1024xf32, #tpu.memory_space<vmem>>
    %dma_start3A_1175 = tpu.memref_squeeze %dma_start3A_1174 : memref<1x16x1024xf32, #tpu.memory_space<vmem>> -> memref<16x1024xf32, #tpu.memory_space<vmem>>
    %dma_start3A_1176 = arith.constant 0 : i32
    %dma_start3A_1177 = tpu.memref_slice %arg5[%dma_start3A_1170, %add3A_1168, %dma_start3A_1176] : memref<4x2048x1024xf32, #tpu.memory_space<hbm>> -> memref<1x16x1024xf32, #tpu.memory_space<hbm>>
    %dma_start3A_1178 = tpu.memref_squeeze %dma_start3A_1177 : memref<1x16x1024xf32, #tpu.memory_space<hbm>> -> memref<16x1024xf32, #tpu.memory_space<hbm>>
    %dma_start3A_1179 = tpu.memref_slice %arg10[%dma_start3A_1171] : memref<5x!tpu.dma_semaphore, #tpu.memory_space<semaphore_mem>> -> memref<1x!tpu.dma_semaphore, #tpu.memory_space<semaphore_mem>>
    %dma_start3A_1180 = tpu.memref_squeeze %dma_start3A_1179 : memref<1x!tpu.dma_semaphore, #tpu.memory_space<semaphore_mem>> -> memref<!tpu.dma_semaphore, #tpu.memory_space<semaphore_mem>>
    %dma_start3A_1181 = arith.constant 0 : i32
    %dma_start3A_1182 = tpu.memref_slice %arg5[%dma_start3A_1170, %add3A_1168, %dma_start3A_1181] : memref<4x2048x1024xf32, #tpu.memory_space<hbm>> -> memref<1x16x1024xf32, #tpu.memory_space<hbm>>
    %dma_start3A_1183 = tpu.memref_squeeze %dma_start3A_1182 : memref<1x16x1024xf32, #tpu.memory_space<hbm>> -> memref<16x1024xf32, #tpu.memory_space<hbm>>
    %dma_start3A_1184 = arith.constant 0 : i32
    %dma_start3A_1185 = arith.constant 0 : i32
    %dma_start3A_1186 = tpu.memref_slice %arg8[%dma_start3A_1169, %dma_start3A_1184, %dma_start3A_1185] : memref<5x16x1024xf32, #tpu.memory_space<vmem>> -> memref<1x16x1024xf32, #tpu.memory_space<vmem>>
    %dma_start3A_1187 = tpu.memref_squeeze %dma_start3A_1186 : memref<1x16x1024xf32, #tpu.memory_space<vmem>> -> memref<16x1024xf32, #tpu.memory_space<vmem>>
    tpu.enqueue_dma source(%dma_start3A_1187 : memref<16x1024xf32, #tpu.memory_space<vmem>>) target(%dma_start3A_1183 : memref<16x1024xf32, #tpu.memory_space<hbm>>) target_semaphore(%dma_start3A_1180 : memref<!tpu.dma_semaphore, #tpu.memory_space<semaphore_mem>>)
    %dma_wait3A_1188 = arith.constant 1 : i32
    %dma_wait3A_1189 = arith.constant 3 : i32
    %dma_wait3A_1190 = arith.constant 3 : i32
    %dma_wait3A_1191 = arith.constant 0 : i32
    %dma_wait3A_1192 = arith.constant 0 : i32
    %dma_wait3A_1193 = tpu.memref_slice %arg8[%dma_wait3A_1189, %dma_wait3A_1191, %dma_wait3A_1192] : memref<5x16x1024xf32, #tpu.memory_space<vmem>> -> memref<1x16x1024xf32, #tpu.memory_space<vmem>>
    %dma_wait3A_1194 = tpu.memref_squeeze %dma_wait3A_1193 : memref<1x16x1024xf32, #tpu.memory_space<vmem>> -> memref<16x1024xf32, #tpu.memory_space<vmem>>
    %dma_wait3A_1195 = arith.constant 48 : i32
    %dma_wait3A_1196 = tpu.memref_slice %arg6[%dma_wait3A_1188, %dma_wait3A_1195] : memref<4x64xi32, #tpu.memory_space<vmem>> -> memref<1x16xi32, #tpu.memory_space<vmem>>
    %dma_wait3A_1197 = tpu.memref_squeeze %dma_wait3A_1196 : memref<1x16xi32, #tpu.memory_space<vmem>> -> memref<16xi32, #tpu.memory_space<vmem>>
    %dma_wait3A_1198 = arith.constant 0 : i32
    %dma_wait3A_1199 = arith.constant 0 : i32
    %dma_wait3A_1200 = tpu.memref_slice %arg3[%dma_wait3A_1198, %dma_wait3A_1199] : memref<100000x1024xf32, #tpu.memory_space<hbm>> -> memref<100000x1024xf32, #tpu.memory_space<hbm>>
    %dma_wait3A_1201 = tpu.memref_slice %arg9[%dma_wait3A_1190] : memref<5x!tpu.dma_semaphore, #tpu.memory_space<semaphore_mem>> -> memref<1x!tpu.dma_semaphore, #tpu.memory_space<semaphore_mem>>
    %dma_wait3A_1202 = tpu.memref_squeeze %dma_wait3A_1201 : memref<1x!tpu.dma_semaphore, #tpu.memory_space<semaphore_mem>> -> memref<!tpu.dma_semaphore, #tpu.memory_space<semaphore_mem>>
    tpu.wait_indirect_dma semaphore(%dma_wait3A_1202 : memref<!tpu.dma_semaphore, #tpu.memory_space<semaphore_mem>>) src(%dma_wait3A_1200 : memref<100000x1024xf32, #tpu.memory_space<hbm>>) dst(%dma_wait3A_1194 : memref<16x1024xf32, #tpu.memory_space<vmem>>)
    %parallel_loop3A_1203 = arith.constant 0 : i32
    %parallel_loop3A_1204 = arith.constant 16 : i32
    %parallel_loop3A_1205 = arith.constant 1 : i32
    scf.for %parallel_loop3A_1400 = %parallel_loop3A_1203 to %parallel_loop3A_1204 step %parallel_loop3A_1205  : i32 {
      %parallel_loop3A_1401 = arith.constant 0 : i32
      %parallel_loop3A_1402 = arith.constant 1024 : i32
      %parallel_loop3A_1403 = arith.constant 16 : i32
      scf.for %parallel_loop3A_1404 = %parallel_loop3A_1401 to %parallel_loop3A_1402 step %parallel_loop3A_1403  : i32 {
        %parallel_loop3A_1405 = arith.constant 1 : i32
        %parallel_loop3A_1406 = arith.index_cast %parallel_loop3A_1405 : i32 to index
        %parallel_loop3A_1407 = arith.index_cast %parallel_loop3A_1400 : i32 to index
        %parallel_loop3A_1408 = arith.index_cast %parallel_loop3A_1404 : i32 to index
        %parallel_loop3A_1409 = tpu.vector_load %arg7[%parallel_loop3A_1406, %parallel_loop3A_1407, %parallel_loop3A_1408] {strides = array<i32>} : memref<2x16x1024xf32, #tpu.memory_space<vmem>>, vector<1x1x16xf32>,
        %parallel_loop3A_1410 = vector.shape_cast %parallel_loop3A_1409 : vector<1x1x16xf32> to vector<16xf32>
        %parallel_loop3A_1411 = arith.constant 3 : i32
        %parallel_loop3A_1412 = arith.index_cast %parallel_loop3A_1411 : i32 to index
        %parallel_loop3A_1413 = arith.index_cast %parallel_loop3A_1400 : i32 to index
        %parallel_loop3A_1414 = arith.index_cast %parallel_loop3A_1404 : i32 to index
        %parallel_loop3A_1415 = tpu.vector_load %arg8[%parallel_loop3A_1412, %parallel_loop3A_1413, %parallel_loop3A_1414] {strides = array<i32>} : memref<5x16x1024xf32, #tpu.memory_space<vmem>>, vector<1x1x16xf32>,
        %parallel_loop3A_1416 = vector.shape_cast %parallel_loop3A_1415 : vector<1x1x16xf32> to vector<16xf32>
        %parallel_loop3A_1417 = vector.shape_cast %parallel_loop3A_1410 : vector<16xf32> to vector<1x1x16xf32>
        tpu.vector_store %arg8[%parallel_loop3A_1412, %parallel_loop3A_1413, %parallel_loop3A_1414], %parallel_loop3A_1417 {add = true, strides = array<i32>} : memref<5x16x1024xf32, #tpu.memory_space<vmem>>, vector<1x1x16xf32>,
      } {sc.loop_unroll_factor = 4 : i64, sc.parallel_access}
    } {sc.loop_unroll_factor = 1 : i64, sc.parallel_access}
    %add3A_1206 = arith.constant 48 : i32
    %add3A_1207 = arith.addi %mul3A_2, %add3A_1206 : i32
    %dma_start3A_1208 = arith.constant 3 : i32
    %dma_start3A_1209 = arith.constant 1 : i32
    %dma_start3A_1210 = arith.constant 3 : i32
    %dma_start3A_1211 = arith.constant 0 : i32
    %dma_start3A_1212 = arith.constant 0 : i32
    %dma_start3A_1213 = tpu.memref_slice %arg8[%dma_start3A_1208, %dma_start3A_1211, %dma_start3A_1212] : memref<5x16x1024xf32, #tpu.memory_space<vmem>> -> memref<1x16x1024xf32, #tpu.memory_space<vmem>>
    %dma_start3A_1214 = tpu.memref_squeeze %dma_start3A_1213 : memref<1x16x1024xf32, #tpu.memory_space<vmem>> -> memref<16x1024xf32, #tpu.memory_space<vmem>>
    %dma_start3A_1215 = arith.constant 0 : i32
    %dma_start3A_1216 = tpu.memref_slice %arg5[%dma_start3A_1209, %add3A_1207, %dma_start3A_1215] : memref<4x2048x1024xf32, #tpu.memory_space<hbm>> -> memref<1x16x1024xf32, #tpu.memory_space<hbm>>
    %dma_start3A_1217 = tpu.memref_squeeze %dma_start3A_1216 : memref<1x16x1024xf32, #tpu.memory_space<hbm>> -> memref<16x1024xf32, #tpu.memory_space<hbm>>
    %dma_start3A_1218 = tpu.memref_slice %arg10[%dma_start3A_1210] : memref<5x!tpu.dma_semaphore, #tpu.memory_space<semaphore_mem>> -> memref<1x!tpu.dma_semaphore, #tpu.memory_space<semaphore_mem>>
    %dma_start3A_1219 = tpu.memref_squeeze %dma_start3A_1218 : memref<1x!tpu.dma_semaphore, #tpu.memory_space<semaphore_mem>> -> memref<!tpu.dma_semaphore, #tpu.memory_space<semaphore_mem>>
    %dma_start3A_1220 = arith.constant 0 : i32
    %dma_start3A_1221 = tpu.memref_slice %arg5[%dma_start3A_1209, %add3A_1207, %dma_start3A_1220] : memref<4x2048x1024xf32, #tpu.memory_space<hbm>> -> memref<1x16x1024xf32, #tpu.memory_space<hbm>>
    %dma_start3A_1222 = tpu.memref_squeeze %dma_start3A_1221 : memref<1x16x1024xf32, #tpu.memory_space<hbm>> -> memref<16x1024xf32, #tpu.memory_space<hbm>>
    %dma_start3A_1223 = arith.constant 0 : i32
    %dma_start3A_1224 = arith.constant 0 : i32
    %dma_start3A_1225 = tpu.memref_slice %arg8[%dma_start3A_1208, %dma_start3A_1223, %dma_start3A_1224] : memref<5x16x1024xf32, #tpu.memory_space<vmem>> -> memref<1x16x1024xf32, #tpu.memory_space<vmem>>
    %dma_start3A_1226 = tpu.memref_squeeze %dma_start3A_1225 : memref<1x16x1024xf32, #tpu.memory_space<vmem>> -> memref<16x1024xf32, #tpu.memory_space<vmem>>
    tpu.enqueue_dma source(%dma_start3A_1226 : memref<16x1024xf32, #tpu.memory_space<vmem>>) target(%dma_start3A_1222 : memref<16x1024xf32, #tpu.memory_space<hbm>>) target_semaphore(%dma_start3A_1219 : memref<!tpu.dma_semaphore, #tpu.memory_space<semaphore_mem>>)
    %dma_wait3A_1227 = arith.constant 2 : i32
    %dma_wait3A_1228 = arith.constant 4 : i32
    %dma_wait3A_1229 = arith.constant 4 : i32
    %dma_wait3A_1230 = arith.constant 0 : i32
    %dma_wait3A_1231 = arith.constant 0 : i32
    %dma_wait3A_1232 = tpu.memref_slice %arg8[%dma_wait3A_1228, %dma_wait3A_1230, %dma_wait3A_1231] : memref<5x16x1024xf32, #tpu.memory_space<vmem>> -> memref<1x16x1024xf32, #tpu.memory_space<vmem>>
    %dma_wait3A_1233 = tpu.memref_squeeze %dma_wait3A_1232 : memref<1x16x1024xf32, #tpu.memory_space<vmem>> -> memref<16x1024xf32, #tpu.memory_space<vmem>>
    %dma_wait3A_1234 = arith.constant 48 : i32
    %dma_wait3A_1235 = tpu.memref_slice %arg6[%dma_wait3A_1227, %dma_wait3A_1234] : memref<4x64xi32, #tpu.memory_space<vmem>> -> memref<1x16xi32, #tpu.memory_space<vmem>>
    %dma_wait3A_1236 = tpu.memref_squeeze %dma_wait3A_1235 : memref<1x16xi32, #tpu.memory_space<vmem>> -> memref<16xi32, #tpu.memory_space<vmem>>
    %dma_wait3A_1237 = arith.constant 0 : i32
    %dma_wait3A_1238 = arith.constant 0 : i32
    %dma_wait3A_1239 = tpu.memref_slice %arg3[%dma_wait3A_1237, %dma_wait3A_1238] : memref<100000x1024xf32, #tpu.memory_space<hbm>> -> memref<100000x1024xf32, #tpu.memory_space<hbm>>
    %dma_wait3A_1240 = tpu.memref_slice %arg9[%dma_wait3A_1229] : memref<5x!tpu.dma_semaphore, #tpu.memory_space<semaphore_mem>> -> memref<1x!tpu.dma_semaphore, #tpu.memory_space<semaphore_mem>>
    %dma_wait3A_1241 = tpu.memref_squeeze %dma_wait3A_1240 : memref<1x!tpu.dma_semaphore, #tpu.memory_space<semaphore_mem>> -> memref<!tpu.dma_semaphore, #tpu.memory_space<semaphore_mem>>
    tpu.wait_indirect_dma semaphore(%dma_wait3A_1241 : memref<!tpu.dma_semaphore, #tpu.memory_space<semaphore_mem>>) src(%dma_wait3A_1239 : memref<100000x1024xf32, #tpu.memory_space<hbm>>) dst(%dma_wait3A_1233 : memref<16x1024xf32, #tpu.memory_space<vmem>>)
    %parallel_loop3A_1242 = arith.constant 0 : i32
    %parallel_loop3A_1243 = arith.constant 16 : i32
    %parallel_loop3A_1244 = arith.constant 1 : i32
    scf.for %parallel_loop3A_1400 = %parallel_loop3A_1242 to %parallel_loop3A_1243 step %parallel_loop3A_1244  : i32 {
      %parallel_loop3A_1401 = arith.constant 0 : i32
      %parallel_loop3A_1402 = arith.constant 1024 : i32
      %parallel_loop3A_1403 = arith.constant 16 : i32
      scf.for %parallel_loop3A_1404 = %parallel_loop3A_1401 to %parallel_loop3A_1402 step %parallel_loop3A_1403  : i32 {
        %parallel_loop3A_1405 = arith.constant 1 : i32
        %parallel_loop3A_1406 = arith.index_cast %parallel_loop3A_1405 : i32 to index
        %parallel_loop3A_1407 = arith.index_cast %parallel_loop3A_1400 : i32 to index
        %parallel_loop3A_1408 = arith.index_cast %parallel_loop3A_1404 : i32 to index
        %parallel_loop3A_1409 = tpu.vector_load %arg7[%parallel_loop3A_1406, %parallel_loop3A_1407, %parallel_loop3A_1408] {strides = array<i32>} : memref<2x16x1024xf32, #tpu.memory_space<vmem>>, vector<1x1x16xf32>,
        %parallel_loop3A_1410 = vector.shape_cast %parallel_loop3A_1409 : vector<1x1x16xf32> to vector<16xf32>
        %parallel_loop3A_1411 = arith.constant 4 : i32
        %parallel_loop3A_1412 = arith.index_cast %parallel_loop3A_1411 : i32 to index
        %parallel_loop3A_1413 = arith.index_cast %parallel_loop3A_1400 : i32 to index
        %parallel_loop3A_1414 = arith.index_cast %parallel_loop3A_1404 : i32 to index
        %parallel_loop3A_1415 = tpu.vector_load %arg8[%parallel_loop3A_1412, %parallel_loop3A_1413, %parallel_loop3A_1414] {strides = array<i32>} : memref<5x16x1024xf32, #tpu.memory_space<vmem>>, vector<1x1x16xf32>,
        %parallel_loop3A_1416 = vector.shape_cast %parallel_loop3A_1415 : vector<1x1x16xf32> to vector<16xf32>
        %parallel_loop3A_1417 = vector.shape_cast %parallel_loop3A_1410 : vector<16xf32> to vector<1x1x16xf32>
        tpu.vector_store %arg8[%parallel_loop3A_1412, %parallel_loop3A_1413, %parallel_loop3A_1414], %parallel_loop3A_1417 {add = true, strides = array<i32>} : memref<5x16x1024xf32, #tpu.memory_space<vmem>>, vector<1x1x16xf32>,
      } {sc.loop_unroll_factor = 4 : i64, sc.parallel_access}
    } {sc.loop_unroll_factor = 1 : i64, sc.parallel_access}
    %add3A_1245 = arith.constant 48 : i32
    %add3A_1246 = arith.addi %mul3A_2, %add3A_1245 : i32
    %dma_start3A_1247 = arith.constant 4 : i32
    %dma_start3A_1248 = arith.constant 2 : i32
    %dma_start3A_1249 = arith.constant 4 : i32
    %dma_start3A_1250 = arith.constant 0 : i32
    %dma_start3A_1251 = arith.constant 0 : i32
    %dma_start3A_1252 = tpu.memref_slice %arg8[%dma_start3A_1247, %dma_start3A_1250, %dma_start3A_1251] : memref<5x16x1024xf32, #tpu.memory_space<vmem>> -> memref<1x16x1024xf32, #tpu.memory_space<vmem>>
    %dma_start3A_1253 = tpu.memref_squeeze %dma_start3A_1252 : memref<1x16x1024xf32, #tpu.memory_space<vmem>> -> memref<16x1024xf32, #tpu.memory_space<vmem>>
    %dma_start3A_1254 = arith.constant 0 : i32
    %dma_start3A_1255 = tpu.memref_slice %arg5[%dma_start3A_1248, %add3A_1246, %dma_start3A_1254] : memref<4x2048x1024xf32, #tpu.memory_space<hbm>> -> memref<1x16x1024xf32, #tpu.memory_space<hbm>>
    %dma_start3A_1256 = tpu.memref_squeeze %dma_start3A_1255 : memref<1x16x1024xf32, #tpu.memory_space<hbm>> -> memref<16x1024xf32, #tpu.memory_space<hbm>>
    %dma_start3A_1257 = tpu.memref_slice %arg10[%dma_start3A_1249] : memref<5x!tpu.dma_semaphore, #tpu.memory_space<semaphore_mem>> -> memref<1x!tpu.dma_semaphore, #tpu.memory_space<semaphore_mem>>
    %dma_start3A_1258 = tpu.memref_squeeze %dma_start3A_1257 : memref<1x!tpu.dma_semaphore, #tpu.memory_space<semaphore_mem>> -> memref<!tpu.dma_semaphore, #tpu.memory_space<semaphore_mem>>
    %dma_start3A_1259 = arith.constant 0 : i32
    %dma_start3A_1260 = tpu.memref_slice %arg5[%dma_start3A_1248, %add3A_1246, %dma_start3A_1259] : memref<4x2048x1024xf32, #tpu.memory_space<hbm>> -> memref<1x16x1024xf32, #tpu.memory_space<hbm>>
    %dma_start3A_1261 = tpu.memref_squeeze %dma_start3A_1260 : memref<1x16x1024xf32, #tpu.memory_space<hbm>> -> memref<16x1024xf32, #tpu.memory_space<hbm>>
    %dma_start3A_1262 = arith.constant 0 : i32
    %dma_start3A_1263 = arith.constant 0 : i32
    %dma_start3A_1264 = tpu.memref_slice %arg8[%dma_start3A_1247, %dma_start3A_1262, %dma_start3A_1263] : memref<5x16x1024xf32, #tpu.memory_space<vmem>> -> memref<1x16x1024xf32, #tpu.memory_space<vmem>>
    %dma_start3A_1265 = tpu.memref_squeeze %dma_start3A_1264 : memref<1x16x1024xf32, #tpu.memory_space<vmem>> -> memref<16x1024xf32, #tpu.memory_space<vmem>>
    tpu.enqueue_dma source(%dma_start3A_1265 : memref<16x1024xf32, #tpu.memory_space<vmem>>) target(%dma_start3A_1261 : memref<16x1024xf32, #tpu.memory_space<hbm>>) target_semaphore(%dma_start3A_1258 : memref<!tpu.dma_semaphore, #tpu.memory_space<semaphore_mem>>)
    %dma_wait3A_1266 = arith.constant 3 : i32
    %dma_wait3A_1267 = arith.constant 0 : i32
    %dma_wait3A_1268 = arith.constant 0 : i32
    %dma_wait3A_1269 = arith.constant 0 : i32
    %dma_wait3A_1270 = arith.constant 0 : i32
    %dma_wait3A_1271 = tpu.memref_slice %arg8[%dma_wait3A_1267, %dma_wait3A_1269, %dma_wait3A_1270] : memref<5x16x1024xf32, #tpu.memory_space<vmem>> -> memref<1x16x1024xf32, #tpu.memory_space<vmem>>
    %dma_wait3A_1272 = tpu.memref_squeeze %dma_wait3A_1271 : memref<1x16x1024xf32, #tpu.memory_space<vmem>> -> memref<16x1024xf32, #tpu.memory_space<vmem>>
    %dma_wait3A_1273 = arith.constant 48 : i32
    %dma_wait3A_1274 = tpu.memref_slice %arg6[%dma_wait3A_1266, %dma_wait3A_1273] : memref<4x64xi32, #tpu.memory_space<vmem>> -> memref<1x16xi32, #tpu.memory_space<vmem>>
    %dma_wait3A_1275 = tpu.memref_squeeze %dma_wait3A_1274 : memref<1x16xi32, #tpu.memory_space<vmem>> -> memref<16xi32, #tpu.memory_space<vmem>>
    %dma_wait3A_1276 = arith.constant 0 : i32
    %dma_wait3A_1277 = arith.constant 0 : i32
    %dma_wait3A_1278 = tpu.memref_slice %arg3[%dma_wait3A_1276, %dma_wait3A_1277] : memref<100000x1024xf32, #tpu.memory_space<hbm>> -> memref<100000x1024xf32, #tpu.memory_space<hbm>>
    %dma_wait3A_1279 = tpu.memref_slice %arg9[%dma_wait3A_1268] : memref<5x!tpu.dma_semaphore, #tpu.memory_space<semaphore_mem>> -> memref<1x!tpu.dma_semaphore, #tpu.memory_space<semaphore_mem>>
    %dma_wait3A_1280 = tpu.memref_squeeze %dma_wait3A_1279 : memref<1x!tpu.dma_semaphore, #tpu.memory_space<semaphore_mem>> -> memref<!tpu.dma_semaphore, #tpu.memory_space<semaphore_mem>>
    tpu.wait_indirect_dma semaphore(%dma_wait3A_1280 : memref<!tpu.dma_semaphore, #tpu.memory_space<semaphore_mem>>) src(%dma_wait3A_1278 : memref<100000x1024xf32, #tpu.memory_space<hbm>>) dst(%dma_wait3A_1272 : memref<16x1024xf32, #tpu.memory_space<vmem>>)
    %parallel_loop3A_1281 = arith.constant 0 : i32
    %parallel_loop3A_1282 = arith.constant 16 : i32
    %parallel_loop3A_1283 = arith.constant 1 : i32
    scf.for %parallel_loop3A_1400 = %parallel_loop3A_1281 to %parallel_loop3A_1282 step %parallel_loop3A_1283  : i32 {
      %parallel_loop3A_1401 = arith.constant 0 : i32
      %parallel_loop3A_1402 = arith.constant 1024 : i32
      %parallel_loop3A_1403 = arith.constant 16 : i32
      scf.for %parallel_loop3A_1404 = %parallel_loop3A_1401 to %parallel_loop3A_1402 step %parallel_loop3A_1403  : i32 {
        %parallel_loop3A_1405 = arith.constant 1 : i32
        %parallel_loop3A_1406 = arith.index_cast %parallel_loop3A_1405 : i32 to index
        %parallel_loop3A_1407 = arith.index_cast %parallel_loop3A_1400 : i32 to index
        %parallel_loop3A_1408 = arith.index_cast %parallel_loop3A_1404 : i32 to index
        %parallel_loop3A_1409 = tpu.vector_load %arg7[%parallel_loop3A_1406, %parallel_loop3A_1407, %parallel_loop3A_1408] {strides = array<i32>} : memref<2x16x1024xf32, #tpu.memory_space<vmem>>, vector<1x1x16xf32>,
        %parallel_loop3A_1410 = vector.shape_cast %parallel_loop3A_1409 : vector<1x1x16xf32> to vector<16xf32>
        %parallel_loop3A_1411 = arith.constant 0 : i32
        %parallel_loop3A_1412 = arith.index_cast %parallel_loop3A_1411 : i32 to index
        %parallel_loop3A_1413 = arith.index_cast %parallel_loop3A_1400 : i32 to index
        %parallel_loop3A_1414 = arith.index_cast %parallel_loop3A_1404 : i32 to index
        %parallel_loop3A_1415 = tpu.vector_load %arg8[%parallel_loop3A_1412, %parallel_loop3A_1413, %parallel_loop3A_1414] {strides = array<i32>} : memref<5x16x1024xf32, #tpu.memory_space<vmem>>, vector<1x1x16xf32>,
        %parallel_loop3A_1416 = vector.shape_cast %parallel_loop3A_1415 : vector<1x1x16xf32> to vector<16xf32>
        %parallel_loop3A_1417 = vector.shape_cast %parallel_loop3A_1410 : vector<16xf32> to vector<1x1x16xf32>
        tpu.vector_store %arg8[%parallel_loop3A_1412, %parallel_loop3A_1413, %parallel_loop3A_1414], %parallel_loop3A_1417 {add = true, strides = array<i32>} : memref<5x16x1024xf32, #tpu.memory_space<vmem>>, vector<1x1x16xf32>,
      } {sc.loop_unroll_factor = 4 : i64, sc.parallel_access}
    } {sc.loop_unroll_factor = 1 : i64, sc.parallel_access}
    %add3A_1284 = arith.constant 48 : i32
    %add3A_1285 = arith.addi %mul3A_2, %add3A_1284 : i32
    %dma_start3A_1286 = arith.constant 0 : i32
    %dma_start3A_1287 = arith.constant 3 : i32
    %dma_start3A_1288 = arith.constant 0 : i32
    %dma_start3A_1289 = arith.constant 0 : i32
    %dma_start3A_1290 = arith.constant 0 : i32
    %dma_start3A_1291 = tpu.memref_slice %arg8[%dma_start3A_1286, %dma_start3A_1289, %dma_start3A_1290] : memref<5x16x1024xf32, #tpu.memory_space<vmem>> -> memref<1x16x1024xf32, #tpu.memory_space<vmem>>
    %dma_start3A_1292 = tpu.memref_squeeze %dma_start3A_1291 : memref<1x16x1024xf32, #tpu.memory_space<vmem>> -> memref<16x1024xf32, #tpu.memory_space<vmem>>
    %dma_start3A_1293 = arith.constant 0 : i32
    %dma_start3A_1294 = tpu.memref_slice %arg5[%dma_start3A_1287, %add3A_1285, %dma_start3A_1293] : memref<4x2048x1024xf32, #tpu.memory_space<hbm>> -> memref<1x16x1024xf32, #tpu.memory_space<hbm>>
    %dma_start3A_1295 = tpu.memref_squeeze %dma_start3A_1294 : memref<1x16x1024xf32, #tpu.memory_space<hbm>> -> memref<16x1024xf32, #tpu.memory_space<hbm>>
    %dma_start3A_1296 = tpu.memref_slice %arg10[%dma_start3A_1288] : memref<5x!tpu.dma_semaphore, #tpu.memory_space<semaphore_mem>> -> memref<1x!tpu.dma_semaphore, #tpu.memory_space<semaphore_mem>>
    %dma_start3A_1297 = tpu.memref_squeeze %dma_start3A_1296 : memref<1x!tpu.dma_semaphore, #tpu.memory_space<semaphore_mem>> -> memref<!tpu.dma_semaphore, #tpu.memory_space<semaphore_mem>>
    %dma_start3A_1298 = arith.constant 0 : i32
    %dma_start3A_1299 = tpu.memref_slice %arg5[%dma_start3A_1287, %add3A_1285, %dma_start3A_1298] : memref<4x2048x1024xf32, #tpu.memory_space<hbm>> -> memref<1x16x1024xf32, #tpu.memory_space<hbm>>
    %dma_start3A_1300 = tpu.memref_squeeze %dma_start3A_1299 : memref<1x16x1024xf32, #tpu.memory_space<hbm>> -> memref<16x1024xf32, #tpu.memory_space<hbm>>
    %dma_start3A_1301 = arith.constant 0 : i32
    %dma_start3A_1302 = arith.constant 0 : i32
    %dma_start3A_1303 = tpu.memref_slice %arg8[%dma_start3A_1286, %dma_start3A_1301, %dma_start3A_1302] : memref<5x16x1024xf32, #tpu.memory_space<vmem>> -> memref<1x16x1024xf32, #tpu.memory_space<vmem>>
    %dma_start3A_1304 = tpu.memref_squeeze %dma_start3A_1303 : memref<1x16x1024xf32, #tpu.memory_space<vmem>> -> memref<16x1024xf32, #tpu.memory_space<vmem>>
    tpu.enqueue_dma source(%dma_start3A_1304 : memref<16x1024xf32, #tpu.memory_space<vmem>>) target(%dma_start3A_1300 : memref<16x1024xf32, #tpu.memory_space<hbm>>) target_semaphore(%dma_start3A_1297 : memref<!tpu.dma_semaphore, #tpu.memory_space<semaphore_mem>>)
    %dma_wait3A_1305 = arith.constant 1 : i32
    %dma_wait3A_1306 = arith.constant 3 : i32
    %dma_wait3A_1307 = arith.constant 1 : i32
    %dma_wait3A_1308 = arith.constant 0 : i32
    %dma_wait3A_1309 = arith.constant 0 : i32
    %dma_wait3A_1310 = tpu.memref_slice %arg8[%dma_wait3A_1305, %dma_wait3A_1308, %dma_wait3A_1309] : memref<5x16x1024xf32, #tpu.memory_space<vmem>> -> memref<1x16x1024xf32, #tpu.memory_space<vmem>>
    %dma_wait3A_1311 = tpu.memref_squeeze %dma_wait3A_1310 : memref<1x16x1024xf32, #tpu.memory_space<vmem>> -> memref<16x1024xf32, #tpu.memory_space<vmem>>
    %dma_wait3A_1312 = arith.constant 0 : i32
    %dma_wait3A_1313 = tpu.memref_slice %arg5[%dma_wait3A_1306, %add3A_1079, %dma_wait3A_1312] : memref<4x2048x1024xf32, #tpu.memory_space<hbm>> -> memref<1x16x1024xf32, #tpu.memory_space<hbm>>
    %dma_wait3A_1314 = tpu.memref_squeeze %dma_wait3A_1313 : memref<1x16x1024xf32, #tpu.memory_space<hbm>> -> memref<16x1024xf32, #tpu.memory_space<hbm>>
    %dma_wait3A_1315 = tpu.memref_slice %arg10[%dma_wait3A_1307] : memref<5x!tpu.dma_semaphore, #tpu.memory_space<semaphore_mem>> -> memref<1x!tpu.dma_semaphore, #tpu.memory_space<semaphore_mem>>
    %dma_wait3A_1316 = tpu.memref_squeeze %dma_wait3A_1315 : memref<1x!tpu.dma_semaphore, #tpu.memory_space<semaphore_mem>> -> memref<!tpu.dma_semaphore, #tpu.memory_space<semaphore_mem>>
    %dma_wait3A_1317 = arith.constant 0 : i32
    %dma_wait3A_1318 = tpu.memref_slice %arg5[%dma_wait3A_1306, %add3A_1079, %dma_wait3A_1317] : memref<4x2048x1024xf32, #tpu.memory_space<hbm>> -> memref<1x16x1024xf32, #tpu.memory_space<hbm>>
    %dma_wait3A_1319 = tpu.memref_squeeze %dma_wait3A_1318 : memref<1x16x1024xf32, #tpu.memory_space<hbm>> -> memref<16x1024xf32, #tpu.memory_space<hbm>>
    %dma_wait3A_1320 = arith.constant 0 : i32
    %dma_wait3A_1321 = arith.constant 0 : i32
    %dma_wait3A_1322 = tpu.memref_slice %arg8[%dma_wait3A_1305, %dma_wait3A_1320, %dma_wait3A_1321] : memref<5x16x1024xf32, #tpu.memory_space<vmem>> -> memref<1x16x1024xf32, #tpu.memory_space<vmem>>
    %dma_wait3A_1323 = tpu.memref_squeeze %dma_wait3A_1322 : memref<1x16x1024xf32, #tpu.memory_space<vmem>> -> memref<16x1024xf32, #tpu.memory_space<vmem>>
    tpu.wait_dma2 semaphore(%dma_wait3A_1316 : memref<!tpu.dma_semaphore, #tpu.memory_space<semaphore_mem>>) src(%dma_wait3A_1323 : memref<16x1024xf32, #tpu.memory_space<vmem>>) dst(%dma_wait3A_1319 : memref<16x1024xf32, #tpu.memory_space<hbm>>)
    %dma_wait3A_1324 = arith.constant 2 : i32
    %dma_wait3A_1325 = arith.constant 0 : i32
    %dma_wait3A_1326 = arith.constant 2 : i32
    %dma_wait3A_1327 = arith.constant 0 : i32
    %dma_wait3A_1328 = arith.constant 0 : i32
    %dma_wait3A_1329 = tpu.memref_slice %arg8[%dma_wait3A_1324, %dma_wait3A_1327, %dma_wait3A_1328] : memref<5x16x1024xf32, #tpu.memory_space<vmem>> -> memref<1x16x1024xf32, #tpu.memory_space<vmem>>
    %dma_wait3A_1330 = tpu.memref_squeeze %dma_wait3A_1329 : memref<1x16x1024xf32, #tpu.memory_space<vmem>> -> memref<16x1024xf32, #tpu.memory_space<vmem>>
    %dma_wait3A_1331 = arith.constant 0 : i32
    %dma_wait3A_1332 = tpu.memref_slice %arg5[%dma_wait3A_1325, %add3A_1168, %dma_wait3A_1331] : memref<4x2048x1024xf32, #tpu.memory_space<hbm>> -> memref<1x16x1024xf32, #tpu.memory_space<hbm>>
    %dma_wait3A_1333 = tpu.memref_squeeze %dma_wait3A_1332 : memref<1x16x1024xf32, #tpu.memory_space<hbm>> -> memref<16x1024xf32, #tpu.memory_space<hbm>>
    %dma_wait3A_1334 = tpu.memref_slice %arg10[%dma_wait3A_1326] : memref<5x!tpu.dma_semaphore, #tpu.memory_space<semaphore_mem>> -> memref<1x!tpu.dma_semaphore, #tpu.memory_space<semaphore_mem>>
    %dma_wait3A_1335 = tpu.memref_squeeze %dma_wait3A_1334 : memref<1x!tpu.dma_semaphore, #tpu.memory_space<semaphore_mem>> -> memref<!tpu.dma_semaphore, #tpu.memory_space<semaphore_mem>>
    %dma_wait3A_1336 = arith.constant 0 : i32
    %dma_wait3A_1337 = tpu.memref_slice %arg5[%dma_wait3A_1325, %add3A_1168, %dma_wait3A_1336] : memref<4x2048x1024xf32, #tpu.memory_space<hbm>> -> memref<1x16x1024xf32, #tpu.memory_space<hbm>>
    %dma_wait3A_1338 = tpu.memref_squeeze %dma_wait3A_1337 : memref<1x16x1024xf32, #tpu.memory_space<hbm>> -> memref<16x1024xf32, #tpu.memory_space<hbm>>
    %dma_wait3A_1339 = arith.constant 0 : i32
    %dma_wait3A_1340 = arith.constant 0 : i32
    %dma_wait3A_1341 = tpu.memref_slice %arg8[%dma_wait3A_1324, %dma_wait3A_1339, %dma_wait3A_1340] : memref<5x16x1024xf32, #tpu.memory_space<vmem>> -> memref<1x16x1024xf32, #tpu.memory_space<vmem>>
    %dma_wait3A_1342 = tpu.memref_squeeze %dma_wait3A_1341 : memref<1x16x1024xf32, #tpu.memory_space<vmem>> -> memref<16x1024xf32, #tpu.memory_space<vmem>>
    tpu.wait_dma2 semaphore(%dma_wait3A_1335 : memref<!tpu.dma_semaphore, #tpu.memory_space<semaphore_mem>>) src(%dma_wait3A_1342 : memref<16x1024xf32, #tpu.memory_space<vmem>>) dst(%dma_wait3A_1338 : memref<16x1024xf32, #tpu.memory_space<hbm>>)
    %dma_wait3A_1343 = arith.constant 3 : i32
    %dma_wait3A_1344 = arith.constant 1 : i32
    %dma_wait3A_1345 = arith.constant 3 : i32
    %dma_wait3A_1346 = arith.constant 0 : i32
    %dma_wait3A_1347 = arith.constant 0 : i32
    %dma_wait3A_1348 = tpu.memref_slice %arg8[%dma_wait3A_1343, %dma_wait3A_1346, %dma_wait3A_1347] : memref<5x16x1024xf32, #tpu.memory_space<vmem>> -> memref<1x16x1024xf32, #tpu.memory_space<vmem>>
    %dma_wait3A_1349 = tpu.memref_squeeze %dma_wait3A_1348 : memref<1x16x1024xf32, #tpu.memory_space<vmem>> -> memref<16x1024xf32, #tpu.memory_space<vmem>>
    %dma_wait3A_1350 = arith.constant 0 : i32
    %dma_wait3A_1351 = tpu.memref_slice %arg5[%dma_wait3A_1344, %add3A_1207, %dma_wait3A_1350] : memref<4x2048x1024xf32, #tpu.memory_space<hbm>> -> memref<1x16x1024xf32, #tpu.memory_space<hbm>>
    %dma_wait3A_1352 = tpu.memref_squeeze %dma_wait3A_1351 : memref<1x16x1024xf32, #tpu.memory_space<hbm>> -> memref<16x1024xf32, #tpu.memory_space<hbm>>
    %dma_wait3A_1353 = tpu.memref_slice %arg10[%dma_wait3A_1345] : memref<5x!tpu.dma_semaphore, #tpu.memory_space<semaphore_mem>> -> memref<1x!tpu.dma_semaphore, #tpu.memory_space<semaphore_mem>>
    %dma_wait3A_1354 = tpu.memref_squeeze %dma_wait3A_1353 : memref<1x!tpu.dma_semaphore, #tpu.memory_space<semaphore_mem>> -> memref<!tpu.dma_semaphore, #tpu.memory_space<semaphore_mem>>
    %dma_wait3A_1355 = arith.constant 0 : i32
    %dma_wait3A_1356 = tpu.memref_slice %arg5[%dma_wait3A_1344, %add3A_1207, %dma_wait3A_1355] : memref<4x2048x1024xf32, #tpu.memory_space<hbm>> -> memref<1x16x1024xf32, #tpu.memory_space<hbm>>
    %dma_wait3A_1357 = tpu.memref_squeeze %dma_wait3A_1356 : memref<1x16x1024xf32, #tpu.memory_space<hbm>> -> memref<16x1024xf32, #tpu.memory_space<hbm>>
    %dma_wait3A_1358 = arith.constant 0 : i32
    %dma_wait3A_1359 = arith.constant 0 : i32
    %dma_wait3A_1360 = tpu.memref_slice %arg8[%dma_wait3A_1343, %dma_wait3A_1358, %dma_wait3A_1359] : memref<5x16x1024xf32, #tpu.memory_space<vmem>> -> memref<1x16x1024xf32, #tpu.memory_space<vmem>>
    %dma_wait3A_1361 = tpu.memref_squeeze %dma_wait3A_1360 : memref<1x16x1024xf32, #tpu.memory_space<vmem>> -> memref<16x1024xf32, #tpu.memory_space<vmem>>
    tpu.wait_dma2 semaphore(%dma_wait3A_1354 : memref<!tpu.dma_semaphore, #tpu.memory_space<semaphore_mem>>) src(%dma_wait3A_1361 : memref<16x1024xf32, #tpu.memory_space<vmem>>) dst(%dma_wait3A_1357 : memref<16x1024xf32, #tpu.memory_space<hbm>>)
    %dma_wait3A_1362 = arith.constant 4 : i32
    %dma_wait3A_1363 = arith.constant 2 : i32
    %dma_wait3A_1364 = arith.constant 4 : i32
    %dma_wait3A_1365 = arith.constant 0 : i32
    %dma_wait3A_1366 = arith.constant 0 : i32
    %dma_wait3A_1367 = tpu.memref_slice %arg8[%dma_wait3A_1362, %dma_wait3A_1365, %dma_wait3A_1366] : memref<5x16x1024xf32, #tpu.memory_space<vmem>> -> memref<1x16x1024xf32, #tpu.memory_space<vmem>>
    %dma_wait3A_1368 = tpu.memref_squeeze %dma_wait3A_1367 : memref<1x16x1024xf32, #tpu.memory_space<vmem>> -> memref<16x1024xf32, #tpu.memory_space<vmem>>
    %dma_wait3A_1369 = arith.constant 0 : i32
    %dma_wait3A_1370 = tpu.memref_slice %arg5[%dma_wait3A_1363, %add3A_1246, %dma_wait3A_1369] : memref<4x2048x1024xf32, #tpu.memory_space<hbm>> -> memref<1x16x1024xf32, #tpu.memory_space<hbm>>
    %dma_wait3A_1371 = tpu.memref_squeeze %dma_wait3A_1370 : memref<1x16x1024xf32, #tpu.memory_space<hbm>> -> memref<16x1024xf32, #tpu.memory_space<hbm>>
    %dma_wait3A_1372 = tpu.memref_slice %arg10[%dma_wait3A_1364] : memref<5x!tpu.dma_semaphore, #tpu.memory_space<semaphore_mem>> -> memref<1x!tpu.dma_semaphore, #tpu.memory_space<semaphore_mem>>
    %dma_wait3A_1373 = tpu.memref_squeeze %dma_wait3A_1372 : memref<1x!tpu.dma_semaphore, #tpu.memory_space<semaphore_mem>> -> memref<!tpu.dma_semaphore, #tpu.memory_space<semaphore_mem>>
    %dma_wait3A_1374 = arith.constant 0 : i32
    %dma_wait3A_1375 = tpu.memref_slice %arg5[%dma_wait3A_1363, %add3A_1246, %dma_wait3A_1374] : memref<4x2048x1024xf32, #tpu.memory_space<hbm>> -> memref<1x16x1024xf32, #tpu.memory_space<hbm>>
    %dma_wait3A_1376 = tpu.memref_squeeze %dma_wait3A_1375 : memref<1x16x1024xf32, #tpu.memory_space<hbm>> -> memref<16x1024xf32, #tpu.memory_space<hbm>>
    %dma_wait3A_1377 = arith.constant 0 : i32
    %dma_wait3A_1378 = arith.constant 0 : i32
    %dma_wait3A_1379 = tpu.memref_slice %arg8[%dma_wait3A_1362, %dma_wait3A_1377, %dma_wait3A_1378] : memref<5x16x1024xf32, #tpu.memory_space<vmem>> -> memref<1x16x1024xf32, #tpu.memory_space<vmem>>
    %dma_wait3A_1380 = tpu.memref_squeeze %dma_wait3A_1379 : memref<1x16x1024xf32, #tpu.memory_space<vmem>> -> memref<16x1024xf32, #tpu.memory_space<vmem>>
    tpu.wait_dma2 semaphore(%dma_wait3A_1373 : memref<!tpu.dma_semaphore, #tpu.memory_space<semaphore_mem>>) src(%dma_wait3A_1380 : memref<16x1024xf32, #tpu.memory_space<vmem>>) dst(%dma_wait3A_1376 : memref<16x1024xf32, #tpu.memory_space<hbm>>)
    %dma_wait3A_1381 = arith.constant 0 : i32
    %dma_wait3A_1382 = arith.constant 3 : i32
    %dma_wait3A_1383 = arith.constant 0 : i32
    %dma_wait3A_1384 = arith.constant 0 : i32
    %dma_wait3A_1385 = arith.constant 0 : i32
    %dma_wait3A_1386 = tpu.memref_slice %arg8[%dma_wait3A_1381, %dma_wait3A_1384, %dma_wait3A_1385] : memref<5x16x1024xf32, #tpu.memory_space<vmem>> -> memref<1x16x1024xf32, #tpu.memory_space<vmem>>
    %dma_wait3A_1387 = tpu.memref_squeeze %dma_wait3A_1386 : memref<1x16x1024xf32, #tpu.memory_space<vmem>> -> memref<16x1024xf32, #tpu.memory_space<vmem>>
    %dma_wait3A_1388 = arith.constant 0 : i32
    %dma_wait3A_1389 = tpu.memref_slice %arg5[%dma_wait3A_1382, %add3A_1285, %dma_wait3A_1388] : memref<4x2048x1024xf32, #tpu.memory_space<hbm>> -> memref<1x16x1024xf32, #tpu.memory_space<hbm>>
    %dma_wait3A_1390 = tpu.memref_squeeze %dma_wait3A_1389 : memref<1x16x1024xf32, #tpu.memory_space<hbm>> -> memref<16x1024xf32, #tpu.memory_space<hbm>>
    %dma_wait3A_1391 = tpu.memref_slice %arg10[%dma_wait3A_1383] : memref<5x!tpu.dma_semaphore, #tpu.memory_space<semaphore_mem>> -> memref<1x!tpu.dma_semaphore, #tpu.memory_space<semaphore_mem>>
    %dma_wait3A_1392 = tpu.memref_squeeze %dma_wait3A_1391 : memref<1x!tpu.dma_semaphore, #tpu.memory_space<semaphore_mem>> -> memref<!tpu.dma_semaphore, #tpu.memory_space<semaphore_mem>>
    %dma_wait3A_1393 = arith.constant 0 : i32
    %dma_wait3A_1394 = tpu.memref_slice %arg5[%dma_wait3A_1382, %add3A_1285, %dma_wait3A_1393] : memref<4x2048x1024xf32, #tpu.memory_space<hbm>> -> memref<1x16x1024xf32, #tpu.memory_space<hbm>>
    %dma_wait3A_1395 = tpu.memref_squeeze %dma_wait3A_1394 : memref<1x16x1024xf32, #tpu.memory_space<hbm>> -> memref<16x1024xf32, #tpu.memory_space<hbm>>
    %dma_wait3A_1396 = arith.constant 0 : i32
    %dma_wait3A_1397 = arith.constant 0 : i32
    %dma_wait3A_1398 = tpu.memref_slice %arg8[%dma_wait3A_1381, %dma_wait3A_1396, %dma_wait3A_1397] : memref<5x16x1024xf32, #tpu.memory_space<vmem>> -> memref<1x16x1024xf32, #tpu.memory_space<vmem>>
    %dma_wait3A_1399 = tpu.memref_squeeze %dma_wait3A_1398 : memref<1x16x1024xf32, #tpu.memory_space<vmem>> -> memref<16x1024xf32, #tpu.memory_space<vmem>>
    tpu.wait_dma2 semaphore(%dma_wait3A_1392 : memref<!tpu.dma_semaphore, #tpu.memory_space<semaphore_mem>>) src(%dma_wait3A_1399 : memref<16x1024xf32, #tpu.memory_space<vmem>>) dst(%dma_wait3A_1395 : memref<16x1024xf32, #tpu.memory_space<hbm>>)
    return
  }
}

</mosaic_0001>

<sc_bundles>
// kernel: _emb.3.cloned.1.call-start
scs
__scs_entry_jumppad:
0x0: {  	(pc) =	sbr.rel $0x88, $3  }
0x1: {  	(tag) =	ssettag $0x0;
	lr =	simm.s32 $0x1  }
0x2: {  	[smem:$0x3F9E] =	sst lr;
	_ =	strace $0xD0000000  }
0x3: {  	_ = 	snop  }
0x4: {  	_ = 	snop  }
0x5: {  	_ = 	snop  }
0x6: {  	_ = 	snop  }
0x7: {  	_ = 	snop  }
__scs_overlays_trampoline_lowered:
0x8: {  	[smem:$0x3FAD] =	sst s0  }
0x9: {  	[smem:$0x3FAE] =	sst s1  }
0xa: {  	[smem:$0x3FAF] =	sst s2  }
0xb: {  	[smem:$0x3FB0] =	sst s3  }
0xc: {  	[smem:$0x3FB1] =	sst s4  }
0xd: {  	[smem:$0x3FB2] =	sst s5  }
0xe: {  	[smem:$0x3FB3] =	sst s6  }
0xf: {  	[smem:$0x3FB4] =	sst s7  }
0x10: {  	[smem:$0x3FB5] =	sst s8  }
0x11: {  	[smem:$0x3FB6] =	sst s9;
	s0 =	simm.s32 @!p0 $0x0  }
0x12: {  	s1 =	sld [smem:$0x3F9C];
	s0 =	simm.s32 @p0 $0x1  }
0x13: {  	[smem:$0x3FB7] =	sst s0;
	s0 =	simm.s32 @!p1 $0x0  }
0x14: {  	s2 =	sld [smem:$0x3F9B];
	s0 =	simm.s32 @p1 $0x1  }
0x15: {  	[smem:$0x3FB8] =	sst s0;
	s0 =	simm.s32 @!p2 $0x0  }
0x16: {  	s3 =	sld [smem:$0x3FDB];
	s0 =	simm.s32 @p2 $0x1  }
0x17: {  	s4 =	simm.s32 $0x1BF5;
	[smem:$0x3FBA] =	sst s0  }
0x18: {  	s0 =	sld [smem:$0x3F9D];
	_ =	swait.ge [sflag:s4], $0x0  }
0x19: {  	s7 =	sld [smem:$0x3F9E]  }
0x1a: {  	s8 =	sadd.s32 $0xFFFFE003, lr  }
0x1b: {  	s9 =	sadd.s32 $0xFFFFFEF7, lr;
	s5 =	simm.s32 $0xFFFFFFFF;
	p2 =	slt.u32 s8, $0xFFFFF086  }
0x1c: {  	p1 =	slt.u32 s9, $0xF7A;
	s5 =	simm.s32 @!p2 $0x0  }
0x1d: {  	s5 =	simm.s32 @p1 $0x1;
	p0 =	seq.s32 s7, s2  }
0x1e: {  	s7 =	smul.u32 @!p0 $0xF7A, s2;
	p2 =	seq.s32 @!p0 s5, $0x0  }
0x1f: {  	s9 =	smul.u32 $0xF7A, s1;
	s8 =	simm.s32 @!p0 $0x1BF5;
	p2 =	por !p2, p0  }
0x20: {  	[sflag:s8] =	ssyncset.s32 @!p0 $0xFFFFF086;
	s6 =	sadd.s32 @!p0 s3, s7;
	s7 =	simm.s32 @!p0 $0x108  }
0x21: {  	s3 =	sadd.s32 s3, s9;
	s6 =	sadd.s32 @!p0 $0x88, s6;
	s7 =	simm.s32 @p2 $0x1082  }
0x22: {  	[simem:s7], [sflag:s8] =	dma.local @!p0 [hbm:s6], $0xF7A  }
0x23: {  	s9 =	sor.u32 $0xD0000000, s2;
	s6 =	simm.s32 $0x108;
	_ =	swait.ge @!p0 [sflag:s8], $0x0  }
0x24: {  	s3 =	sadd.s32 $0x88, s3;
	s6 =	simm.s32 @!p1 $0x1082;
	[sflag:s4] =	ssyncset.s32 $0xFFFFF086  }
0x25: {  	[simem:s6], [sflag:s4] =	dma.local [hbm:s3], $0xF7A  }
0x26: {  	[smem:$0x3F9E] =	sst s1;
	(tag) =	ssettag s2;
	_ =	strace s9  }
0x27: {  	s1 =	sld [smem:$0x3FAE]  }
0x28: {  	s2 =	sld [smem:$0x3FAF]  }
0x29: {  	s4 =	sld [smem:$0x3FB1]  }
0x2a: {  	p0 =	seq.s32 s5, $0x0;
	s5 =	sld [smem:$0x3FB2]  }
0x2b: {  	s6 =	sld [smem:$0x3FB3]  }
0x2c: {  	s7 =	sld [smem:$0x3FB4]  }
0x2d: {  	s3 =	simm.s32 $0x108;
	s8 =	sld [smem:$0x3FB5]  }
0x2e: {  	s3 =	simm.s32 @!p0 $0x1082;
	s9 =	sld [smem:$0x3FB6]  }
0x2f: {  	lr =	sadd.s32 s0, s3;
	s0 =	sld [smem:$0x3FAD]  }
0x30: {  	s3 =	sld [smem:$0x3FB0]  }
0x31: {  	[smem:$0x3FB9] =	sst s10  }
0x32: {  	s10 =	sld [smem:$0x3FB7];
	_ =	sdelay $0x3  }
0x33: {  	p0 =	seq.s32 s10, $0x1;
	s10 =	sld [smem:$0x3FB9];
	_ =	sdelay $0x3  }
0x34: {  	[smem:$0x3FB9] =	sst s10  }
0x35: {  	s10 =	sld [smem:$0x3FB8];
	_ =	sdelay $0x3  }
0x36: {  	p1 =	seq.s32 s10, $0x1;
	s10 =	sld [smem:$0x3FB9];
	_ =	sdelay $0x3  }
0x37: {  	[smem:$0x3FB9] =	sst s10  }
0x38: {  	s10 =	sld [smem:$0x3FBA]  }
0x39: {  	_ = 	snop;
	(pc) =	sbr.ind lr, $3  }
0x3a: {  	_ = 	snop  }
0x3b: {  	_ = 	snop  }
0x3c: {  	p2 =	seq.s32 s10, $0x1;
	s10 =	sld [smem:$0x3FB9]  }
0x3d: {  	_ =	shalt  }
0x3e: {  	_ =	shalt  }
0x3f: {  	_ =	shalt  }
0x40: {  	_ =	shalt  }
0x41: {  	_ =	shalt  }
0x42: {  	_ =	shalt  }
0x43: {  	_ =	shalt  }
0x44: {  	_ =	shalt  }
0x45: {  	_ =	shalt  }
0x46: {  	_ =	shalt  }
0x47: {  	_ =	shalt  }
0x48: {  	_ =	shalt  }
0x49: {  	_ =	shalt  }
0x4a: {  	_ =	shalt  }
0x4b: {  	_ =	shalt  }
0x4c: {  	_ =	shalt  }
0x4d: {  	_ =	shalt  }
0x4e: {  	_ =	shalt  }
0x4f: {  	_ =	shalt  }
0x50: {  	_ =	shalt  }
0x51: {  	_ =	shalt  }
0x52: {  	_ =	shalt  }
0x53: {  	_ =	shalt  }
0x54: {  	_ =	shalt  }
0x55: {  	_ =	shalt  }
0x56: {  	_ =	shalt  }
0x57: {  	_ =	shalt  }
0x58: {  	_ =	shalt  }
0x59: {  	_ =	shalt  }
0x5a: {  	_ =	shalt  }
0x5b: {  	_ =	shalt  }
0x5c: {  	_ =	shalt  }
0x5d: {  	_ =	shalt  }
0x5e: {  	_ =	shalt  }
0x5f: {  	_ =	shalt  }
0x60: {  	_ =	shalt  }
0x61: {  	_ =	shalt  }
0x62: {  	_ =	shalt  }
0x63: {  	_ =	shalt  }
0x64: {  	_ =	shalt  }
0x65: {  	_ =	shalt  }
0x66: {  	_ =	shalt  }
0x67: {  	_ =	shalt  }
0x68: {  	_ =	shalt  }
0x69: {  	_ =	shalt  }
0x6a: {  	_ =	shalt  }
0x6b: {  	_ =	shalt  }
0x6c: {  	_ =	shalt  }
0x6d: {  	_ =	shalt  }
0x6e: {  	_ =	shalt  }
0x6f: {  	_ =	shalt  }
0x70: {  	_ =	shalt  }
0x71: {  	_ =	shalt  }
0x72: {  	_ =	shalt  }
0x73: {  	_ =	shalt  }
0x74: {  	_ =	shalt  }
0x75: {  	_ =	shalt  }
0x76: {  	_ =	shalt  }
0x77: {  	_ =	shalt  }
0x78: {  	_ =	shalt  }
0x79: {  	_ =	shalt  }
0x7a: {  	_ =	shalt  }
0x7b: {  	_ =	shalt  }
0x7c: {  	_ =	shalt  }
0x7d: {  	_ =	shalt  }
0x7e: {  	_ =	shalt  }
0x7f: {  	_ =	shalt  }
0x80: {  	_ =	shalt  }
0x81: {  	_ =	shalt  }
0x82: {  	_ =	shalt  }
0x83: {  	_ =	shalt  }
0x84: {  	_ =	shalt  }
0x85: {  	_ =	shalt  }
0x86: {  	_ =	shalt  }
0x87: {  	_ =	shalt  }
.Lfunc_end0:
.L_simem_size_0:
called_computation_lowered:
.L_overlay_start_0:
0x88: {  	s2 =	sld [smem:$0x3FD9]  }
0x89: {  	s3 =	sld [smem:$0x3FFE];
	_ =	sdelay $0x1  }
0x8a: {  	s1 =	srdreg.scid  }
0x8b: {  	s0 =	sand.u32 $0x1, s1  }
0x8c: {  	s18 =	sshll.u32 s0, $0xA;
	s2 =	sadd.s32 s3, s2  }
0x8d: {  	s2 =	sadd.s32 s2, s18  }
0x8e: {  	[smem:$0x3FC5] =	sst s2  }
0x8f: {  	_ = 	snop  }
0x90: {  	s2 =	sld [smem:$0x3FC9]  }
0x91: {  	s19 =	sld [smem:$0x3FC8]  }
0x92: {  	s4 =	sld [smem:$0x3FC7]  }
0x93: {  	s5 =	sld [smem:$0x3FD0];
	(tm) =	ssettm $0x1  }
0x94: {  	s6 =	sld [smem:$0x3FFB];
	_ =	sdelay $0x3  }
0x95: {  	_ =	strace s6  }
0x96: {  	s6 =	sld [smem:$0x3FFC];
	_ =	sdelay $0x3  }
0x97: {  	_ =	strace s6  }
0x98: {  	s6 =	sld [smem:$0x3FFD];
	_ =	sdelay $0x3  }
0x99: {  	_ =	strace s6  }
0x9a: {  	_ =	strace $0x8FFFFFFF  }
0x9b: {  	s20 =	sld [smem:$0x3FDB];
	_ =	sdelay $0x1  }
0x9c: {  	s7 =	simm.s32 $_scs_section_size  }
0x9d: {  	s8 =	simm.s32 $_size__tile_overlayer_lowered;
	s9 =	simm.s32 $_tile_overlayer_lowered  }
0x9e: {  	s23 =	simm.s32 $0x1BFF;
	s22 =	sshll.u32 s9, $0x1;
	s6 =	sadd.s32 s7, s20  }
0x9f: {  	s10 =	simm.s32 $0x0;
	s21 =	sshll.u32 s8, $0x1;
	s8 =	sadd.s32 s22, s6  }
0xa0: {  	[timem:s10], [sflag:s23] =	dma.local [hbm:s8], s21  }
0xa1: {  	_ =	swait.ge [sflag:s23], s21  }
0xa2: {  	s7 =	ssub.s32 $0x0, s21;
	[sflag:s23] =	ssyncset.done $0x0  }
0xa3: {  	[sflag:s23] =	ssyncadd.s32 s7;
	_ =	sdelay $0x1  }
0xa4: {  	s24 =	simm.s32 $0x1B8B  }
0xa5: {  	_ =	swait.ge [sflag:s24], $0x1  }
0xa6: {  	[sflag:s24] =	ssyncset.done $0x0  }
0xa7: {  	s25 =	simm.s32 $0x1B8E;
	[sflag:s24] =	ssyncadd.s32 $0xFFFFFFFF  }
0xa8: {  	s26 =	simm.s32 $execute0_lowered;
	[smem:$0x3FD2] =	sst s25  }
0xa9: {  	s7 =	sshll.u32 s26, $0x1;
	_ =	strace $0x80000046;
	[dreg:$0x1] =	wrdreg $0xFFFFFFFF  }
0xaa: {  	s28 =	simm.s32 $_size_execute0_lowered;
	s6 =	sadd.s32 s6, s7;
	[dreg:$0x0] =	wrdreg $0x0  }
0xab: {  	s7 =	sshll.u32 s28, $0x1;
	[dreg:$0x2] =	wrdreg s6  }
0xac: {  	[dreg:$0x3] =	wrdreg s7  }
0xad: {  	[dreg:$0x4] =	wrdreg $0xC0  }
0xae: {  	_ =	task [dreg:s10], $0x5FFFF  }
0xaf: {  	[dreg:$0x1] =	wrdreg $0xFFFFFFFF  }
0xb0: {  	[dreg:$0x0] =	wrdreg $0x60  }
0xb1: {  	[dreg:$0x2] =	wrdreg s2  }
0xb2: {  	[dreg:$0x3] =	wrdreg s19  }
0xb3: {  	[dreg:$0x4] =	wrdreg s4  }
0xb4: {  	[dreg:$0x5] =	wrdreg s5  }
0xb5: {  	[dreg:$0x6] =	wrdreg $0x9  }
0xb6: {  	_ =	task.clear_ibuf [dreg:s10], $0x7FFFF;
	_ =	strace $0x90000046  }
0xb7: {  	s29 =	simm.s32 $0x9;
	_ =	strace $0x80000048  }
0xb8: {  	_ =	swait.ge [sflag:s29], $0x1  }
0xb9: {  	[sflag:s29] =	ssyncadd.s32 $0xFFFFFFFF  }
0xba: {  	_ =	strace $0x90000048  }
0xbb: {  	_ =	sfence  }
0xbc: {  	s30 =	sld [smem:$0x0];
	_ =	sdelay $0x2  }
0xbd: {  	s31 =	sshll.u32 s1, $0xD;
	s1 =	sshrl.u32 s1, $0x2  }
0xbe: {  	s3 =	sand.u32 $0x4000, s31;
	s1 =	sadd.s32 s1, s30  }
0xbf: {  	s0 =	sor.u32 s3, s0;
	s1 =	sshll.u32 s1, $0x11  }
0xc0: {  	s0 =	sor.u32 s1, s0  }
0xc1: {  	s0 =	sadd.s32 $0x8F2B, s0  }
0xc2: {  	[sflag:s0] =	ssyncadd.remote.s32 $0x1  }
0xc3: {  	_ =	sfence.sel $0xFFFF  }
0xc4: {  	[dreg:$0x0] =	wrdreg $0xFFFFFFFF;
	(pc) =	sbr.abs _section_cstart, $3  }
0xc5: {  	[dreg:$0x1] =	wrdreg $0xFFFFFFFF  }
0xc6: {  	_ =	task.clear_ibuf [dreg:s10], $0x2FFFF;
	_ =	strace $0x9FFFFFFF  }
0xc7: {  	(tm) =	ssettm $0x7FFFFFFF  }
tec
execute0_lowered:
.L_overlay_start_1:
0x0: {  	(tag) =	ssettag $0x1  }
0x1: {  	s0 =	rddreg [dreg:$0x0];
	s2 =	srdreg.scid  }
0x2: {  	s1 =	rddreg [dreg:$0x1];
	s3 =	stileid.u32;
	s2 =	sand.u32 $0x1, s2  }
0x3: {  	s4 =	rddreg [dreg:$0x2];
	s3 =	sshll.u32 s3, $0x7;
	s5 =	sshll.u32 s2, $0x6  }
0x4: {  	s6 =	rddreg [dreg:$0x3];
	s7 =	sor.u32 s5, s3;
	s3 =	simm.s32 $0x0  }
0x5: {  	s2 =	ssub.s32 $0x2, s2;
	s8 =	sshll.u32 s7, $0x2;
	[smem:$0x7FF] =	sst s3  }
0x6: {  	s7 =	sshll.u32 s7, $0x7;
	s9 =	sand.u32 $0x1E00, s8;
	_ =	strace $0x80000047  }
0x7: {  	s23 =	sadd.s32 s4, s7;
	s24 =	sor.u32 $0x800, s7;
	s26 =	sor.u32 $0x1000, s7  }
0x8: {  	s16 =	sor.u32 $0x1800, s7;
	[dreg:$0x9] =	wrdreg s23;
	s25 =	sadd.s32 s4, s24  }
0x9: {  	s9 =	sor.u32 s5, s9;
	s14 =	sadd.s32 s4, s26;
	[dreg:$0xa] =	wrdreg s25  }
0xa: {  	s5 =	sor.u32 s5, s8;
	s4 =	sadd.s32 s4, s16;
	[dreg:$0xe] =	wrdreg s14  }
0xb: {  	s19 =	sadd.s32 s6, s26;
	s9 =	sshrl.u32 s9, $0x3;
	[dreg:$0x13] =	wrdreg s4  }
0xc: {  	s5 =	sshrl.u32 s5, $0x3;
	[dreg:$0x14] =	wrdreg s19;
	s9 =	sadd.s32 s0, s9  }
0xd: {  	s22 =	sor.u32 $0x20, s5;
	[dreg:$0x5] =	wrdreg s9;
	s21 =	sadd.s32 $0x10, s9  }
0xe: {  	s5 =	sor.u32 $0x30, s5;
	s8 =	sadd.s32 s0, s22;
	[dreg:$0x6] =	wrdreg s21  }
0xf: {  	s20 =	sshrl.u32 s2, $0x1;
	s0 =	sadd.s32 s0, s5;
	[dreg:$0x7] =	wrdreg s8  }
0x10: {  	s2 =	ssub.s32 s2, s20;
	[dreg:$0x8] =	wrdreg s0;
	s0 =	sadd.s32 s6, s24  }
0x11: {  	s21 =	smax.u32 s2, $0x1;
	[dreg:$0x10] =	wrdreg s0  }
0x12: {  	s8 =	sadd.s32 s6, s7;
	[dreg:$0x17] =	wrdreg s21  }
0x13: {  	s29 =	sadd.s32 $0x40000, s8;
	[dreg:$0xb] =	wrdreg s8  }
0x14: {  	s13 =	sadd.s32 $0x80000, s8;
	[dreg:$0xc] =	wrdreg s29  }
0x15: {  	s15 =	sadd.s32 $0xC0000, s8;
	[dreg:$0xd] =	wrdreg s13  }
0x16: {  	s30 =	simm.s32 $0x8200;
	s17 =	sadd.s32 $0x40800, s8;
	[dreg:$0xf] =	wrdreg s15  }
0x17: {  	s31 =	simm.s32 $0x8A00;
	s18 =	sadd.s32 $0x80800, s8;
	[dreg:$0x11] =	wrdreg s17  }
0x18: {  	s28 =	simm.s32 $0x1;
	s0 =	sadd.s32 s6, s16;
	[dreg:$0x12] =	wrdreg s18  }
0x19: {  	s10 =	sadd.s32 $0x100, s1;
	s20 =	sadd.s32 $0xC0800, s8;
	[dreg:$0x15] =	wrdreg s0  }
0x1a: {  	s11 =	sadd.s32 $0x200, s1;
	s22 =	sadd.s32 $0x41000, s8;
	[dreg:$0x16] =	wrdreg s20  }
0x1b: {  	s12 =	sadd.s32 $0x300, s1;
	s23 =	sadd.s32 $0x81000, s8;
	[dreg:$0x18] =	wrdreg s22  }
0x1c: {  	s4 =	simm.s32 $0x5;
	s24 =	sadd.s32 $0xC1000, s8;
	[dreg:$0x19] =	wrdreg s23  }
0x1d: {  	s19 =	simm.s32 $0xA;
	s25 =	sadd.s32 $0x41800, s8;
	[dreg:$0x1a] =	wrdreg s24  }
0x1e: {  	v2 =	vlaneseq.u32;
	s26 =	sadd.s32 $0x81800, s8;
	s6 =	simm.s32 $0xD;
	[dreg:$0x1b] =	wrdreg s25  }
0x1f: {  	vm0 =	vmmov $0xffff;
	v1 =	vshrl.u32 v2, $0x3;
	[dreg:$0x1c] =	wrdreg s26;
	s29 =	sadd.s32 $0xC1800, s8;
	s22 =	simm.s32 $0x6  }
0x20: {  	v0 =	vand.u32 $0x7, v2;
	v2 =	vor.u32 $0x8, v2;
	v1 =	vmul.u32 $0x8, v1;
	s18 =	simm.s32 $0x9;
	s20 =	simm.s32 $0x0;
	[dreg:$0x1d] =	wrdreg s29  }
.LBB2_1:
0x21: {  	s0 =	rddreg [dreg:$0x5]  }
0x22: {  	[tilespmem:s3], [sflag:$0xD] =	stream.linear.gather [hbm4b:s0+s3], $0x40, $0x38;
	[tilespmem:$0x1C200] =	vst v63  }
0x23: {  	s15 =	rddreg [dreg:$0x6];
	s2 =	simm.s32 $0x80  }
0x24: {  	[tilespmem:s2], [sflag:$0xD] =	stream.linear.gather [hbm4b:s15+s3], $0x40, $0x38;
	[tilespmem:$0x1C200] =	vst v63  }
0x25: {  	s16 =	rddreg [dreg:$0x7];
	s17 =	simm.s32 $0x100  }
0x26: {  	[tilespmem:s17], [sflag:$0xD] =	stream.linear.gather [hbm4b:s16+s3], $0x40, $0x38;
	[tilespmem:$0x1C200] =	vst v63  }
0x27: {  	s21 =	rddreg [dreg:$0x8];
	s23 =	simm.s32 $0x180  }
0x28: {  	[tilespmem:s23], [sflag:$0xD] =	stream.linear.gather [hbm4b:s21+s3], $0x40, $0x38;
	[tilespmem:$0x1C200] =	vst v63  }
0x29: {  	s24 =	rddreg [dreg:$0x9];
	s25 =	simm.s32 $0x200  }
0x2a: {  	[tilespmem:s25], [sflag:$0xB] =	stream.linear.gather [hbm4b:s24+s3], $0x4000, $0x38;
	[tilespmem:$0x1C200] =	vst v63  }
0x2b: {  	s26 =	rddreg [dreg:$0xa];
	s29 =	simm.s32 $0x4200  }
0x2c: {  	[tilespmem:s29], [sflag:$0xC] =	stream.linear.gather [hbm4b:s26+s3], $0x4000, $0x38;
	[tilespmem:$0x1C200] =	vst v63  }
0x2d: {  	_ =	swait.ge [sflag:s6], $0x40  }
0x2e: {  	[sflag:s6] =	ssyncset.done $0x0  }
0x2f: {  	[sflag:s6] =	ssyncadd.s32 $0xFFFFFFC0  }
0x30: {  	v3 =	vld [tilespmem:$0x0];
	_ =	sdelay $0x4  }
0x31: {  	v4 =	vshll.u32 v3, $0x3  }
0x32: {  	v3 =	vand.u32 $0x7, v3;
	v4 =	vand.u32 $0xFFFFFFC0, v4  }
0x33: {  	v3 =	vor.u32 v3, v4  }
0x34: {  	v4 =	vperm.xlane v3, v0;
	_ =	sdelay $0x1  }
0x35: {  	v4 =	vadd.s32 v1, v4;
	_ =	sdelay $0x4  }
0x36: {  	[tilespmem:s30], [sflag:$0x1] =	stream.indirect_vreg.gather [hbm4b:s1+s3], $0x80, v4, vm0, $0xb8;
	[tilespmem:$0x1C200] =	vst v63  }
0x37: {  	v3 =	vperm.xlane v3, v2  }
0x38: {  	[tilespmem:s31], [sflag:$0x1] =	stream.indirect_vreg.gather [hbm4b:s10+s3], $0x80, v4, vm0, $0xb8;
	[tilespmem:$0x1C200] =	vst v63  }
0x39: {  	s5 =	simm.s32 $0x9200;
	v3 =	vadd.s32 v1, v3  }
0x3a: {  	[tilespmem:s5], [sflag:$0x1] =	stream.indirect_vreg.gather [hbm4b:s11+s3], $0x80, v4, vm0, $0xb8;
	[tilespmem:$0x1C200] =	vst v63  }
0x3b: {  	s7 =	simm.s32 $0x9A00  }
0x3c: {  	[tilespmem:s7], [sflag:$0x1] =	stream.indirect_vreg.gather [hbm4b:s12+s3], $0x80, v4, vm0, $0xb8;
	[tilespmem:$0x1C200] =	vst v63  }
0x3d: {  	s8 =	simm.s32 $0xA200  }
0x3e: {  	[tilespmem:s8], [sflag:$0x1] =	stream.indirect_vreg.gather [hbm4b:s1+s3], $0x80, v3, vm0, $0xb8;
	[tilespmem:$0x1C200] =	vst v63  }
0x3f: {  	s9 =	simm.s32 $0xAA00  }
0x40: {  	[tilespmem:s9], [sflag:$0x1] =	stream.indirect_vreg.gather [hbm4b:s10+s3], $0x80, v3, vm0, $0xb8;
	[tilespmem:$0x1C200] =	vst v63  }
0x41: {  	s13 =	simm.s32 $0xB200  }
0x42: {  	[tilespmem:s13], [sflag:$0x1] =	stream.indirect_vreg.gather [hbm4b:s11+s3], $0x80, v3, vm0, $0xb8;
	[tilespmem:$0x1C200] =	vst v63  }
0x43: {  	s14 =	simm.s32 $0xBA00  }
0x44: {  	[tilespmem:s14], [sflag:$0x1] =	stream.indirect_vreg.gather [hbm4b:s12+s3], $0x80, v3, vm0, $0xb8;
	[tilespmem:$0x1C200] =	vst v63  }
0x45: {  	_ =	swait.ge [sflag:s6], $0x40  }
0x46: {  	[sflag:s6] =	ssyncset.done $0x0  }
0x47: {  	[sflag:s6] =	ssyncadd.s32 $0xFFFFFFC0  }
0x48: {  	v3 =	vld [tilespmem:$0x80];
	_ =	sdelay $0x4  }
0x49: {  	v61 =	vshll.u32 v3, $0x3  }
0x4a: {  	v3 =	vand.u32 $0x7, v3;
	v4 =	vand.u32 $0xFFFFFFC0, v61  }
0x4b: {  	v3 =	vor.u32 v3, v4  }
0x4c: {  	v4 =	vperm.xlane v3, v0;
	_ =	sdelay $0x1  }
0x4d: {  	v4 =	vadd.s32 v1, v4;
	_ =	sdelay $0x3  }
0x4e: {  	s15 =	simm.s32 $0xC200  }
0x4f: {  	[tilespmem:s15], [sflag:$0x2] =	stream.indirect_vreg.gather [hbm4b:s1+s3], $0x80, v4, vm0, $0xb8;
	[tilespmem:$0x1C200] =	vst v63  }
0x50: {  	s16 =	simm.s32 $0xCA00;
	v3 =	vperm.xlane v3, v2  }
0x51: {  	[tilespmem:s16], [sflag:$0x2] =	stream.indirect_vreg.gather [hbm4b:s10+s3], $0x80, v4, vm0, $0xb8;
	[tilespmem:$0x1C200] =	vst v63  }
0x52: {  	s17 =	simm.s32 $0xD200;
	v3 =	vadd.s32 v1, v3  }
0x53: {  	[tilespmem:s17], [sflag:$0x2] =	stream.indirect_vreg.gather [hbm4b:s11+s3], $0x80, v4, vm0, $0xb8;
	[tilespmem:$0x1C200] =	vst v63  }
0x54: {  	s21 =	simm.s32 $0xDA00  }
0x55: {  	[tilespmem:s21], [sflag:$0x2] =	stream.indirect_vreg.gather [hbm4b:s12+s3], $0x80, v4, vm0, $0xb8;
	[tilespmem:$0x1C200] =	vst v63  }
0x56: {  	s23 =	simm.s32 $0xE200  }
0x57: {  	[tilespmem:s23], [sflag:$0x2] =	stream.indirect_vreg.gather [hbm4b:s1+s3], $0x80, v3, vm0, $0xb8;
	[tilespmem:$0x1C200] =	vst v63  }
0x58: {  	s24 =	simm.s32 $0xEA00  }
0x59: {  	[tilespmem:s24], [sflag:$0x2] =	stream.indirect_vreg.gather [hbm4b:s10+s3], $0x80, v3, vm0, $0xb8;
	[tilespmem:$0x1C200] =	vst v63  }
0x5a: {  	s25 =	simm.s32 $0xF200  }
0x5b: {  	[tilespmem:s25], [sflag:$0x2] =	stream.indirect_vreg.gather [hbm4b:s11+s3], $0x80, v3, vm0, $0xb8;
	[tilespmem:$0x1C200] =	vst v63  }
0x5c: {  	s26 =	simm.s32 $0xFA00  }
0x5d: {  	[tilespmem:s26], [sflag:$0x2] =	stream.indirect_vreg.gather [hbm4b:s12+s3], $0x80, v3, vm0, $0xb8;
	[tilespmem:$0x1C200] =	vst v63  }
0x5e: {  	_ =	swait.ge [sflag:s6], $0x40  }
0x5f: {  	[sflag:s6] =	ssyncset.done $0x0  }
0x60: {  	[sflag:s6] =	ssyncadd.s32 $0xFFFFFFC0  }
0x61: {  	v3 =	vld [tilespmem:$0x100];
	_ =	sdelay $0x4  }
0x62: {  	v62 =	vshll.u32 v3, $0x3  }
0x63: {  	v3 =	vand.u32 $0x7, v3;
	v4 =	vand.u32 $0xFFFFFFC0, v62  }
0x64: {  	v3 =	vor.u32 v3, v4  }
0x65: {  	v4 =	vperm.xlane v3, v0;
	_ =	sdelay $0x1  }
0x66: {  	v4 =	vadd.s32 v1, v4;
	_ =	sdelay $0x3  }
0x67: {  	s29 =	simm.s32 $0x10200  }
0x68: {  	[tilespmem:s29], [sflag:$0x3] =	stream.indirect_vreg.gather [hbm4b:s1+s3], $0x80, v4, vm0, $0xb8;
	[tilespmem:$0x1C200] =	vst v63  }
0x69: {  	s2 =	simm.s32 $0x10A00;
	v3 =	vperm.xlane v3, v2  }
0x6a: {  	[tilespmem:s2], [sflag:$0x3] =	stream.indirect_vreg.gather [hbm4b:s10+s3], $0x80, v4, vm0, $0xb8;
	[tilespmem:$0x1C200] =	vst v63  }
0x6b: {  	s5 =	simm.s32 $0x11200;
	v3 =	vadd.s32 v1, v3  }
0x6c: {  	[tilespmem:s5], [sflag:$0x3] =	stream.indirect_vreg.gather [hbm4b:s11+s3], $0x80, v4, vm0, $0xb8;
	[tilespmem:$0x1C200] =	vst v63  }
0x6d: {  	s7 =	simm.s32 $0x11A00  }
0x6e: {  	[tilespmem:s7], [sflag:$0x3] =	stream.indirect_vreg.gather [hbm4b:s12+s3], $0x80, v4, vm0, $0xb8;
	[tilespmem:$0x1C200] =	vst v63  }
0x6f: {  	s8 =	simm.s32 $0x12200  }
0x70: {  	[tilespmem:s8], [sflag:$0x3] =	stream.indirect_vreg.gather [hbm4b:s1+s3], $0x80, v3, vm0, $0xb8;
	[tilespmem:$0x1C200] =	vst v63  }
0x71: {  	s9 =	simm.s32 $0x12A00  }
0x72: {  	[tilespmem:s9], [sflag:$0x3] =	stream.indirect_vreg.gather [hbm4b:s10+s3], $0x80, v3, vm0, $0xb8;
	[tilespmem:$0x1C200] =	vst v63  }
0x73: {  	s13 =	simm.s32 $0x13200  }
0x74: {  	[tilespmem:s13], [sflag:$0x3] =	stream.indirect_vreg.gather [hbm4b:s11+s3], $0x80, v3, vm0, $0xb8;
	[tilespmem:$0x1C200] =	vst v63  }
0x75: {  	s14 =	simm.s32 $0x13A00  }
0x76: {  	[tilespmem:s14], [sflag:$0x3] =	stream.indirect_vreg.gather [hbm4b:s12+s3], $0x80, v3, vm0, $0xb8;
	[tilespmem:$0x1C200] =	vst v63  }
0x77: {  	_ =	swait.ge [sflag:s6], $0x40  }
0x78: {  	[sflag:s6] =	ssyncset.done $0x0  }
0x79: {  	[sflag:s6] =	ssyncadd.s32 $0xFFFFFFC0  }
0x7a: {  	v3 =	vld [tilespmem:$0x180];
	_ =	sdelay $0x4  }
0x7b: {  	v63 =	vshll.u32 v3, $0x3  }
0x7c: {  	v3 =	vand.u32 $0x7, v3;
	v4 =	vand.u32 $0xFFFFFFC0, v63  }
0x7d: {  	v3 =	vor.u32 v3, v4  }
0x7e: {  	v4 =	vperm.xlane v3, v0;
	_ =	sdelay $0x1  }
0x7f: {  	v4 =	vadd.s32 v1, v4;
	_ =	sdelay $0x3  }
0x80: {  	s15 =	simm.s32 $0x14200  }
0x81: {  	[tilespmem:s15], [sflag:$0x4] =	stream.indirect_vreg.gather [hbm4b:s1+s3], $0x80, v4, vm0, $0xb8;
	[tilespmem:$0x1C200] =	vst v63  }
0x82: {  	s16 =	simm.s32 $0x14A00;
	v3 =	vperm.xlane v3, v2  }
0x83: {  	[tilespmem:s16], [sflag:$0x4] =	stream.indirect_vreg.gather [hbm4b:s10+s3], $0x80, v4, vm0, $0xb8;
	[tilespmem:$0x1C200] =	vst v63  }
0x84: {  	s17 =	simm.s32 $0x15200;
	v3 =	vadd.s32 v1, v3  }
0x85: {  	[tilespmem:s17], [sflag:$0x4] =	stream.indirect_vreg.gather [hbm4b:s11+s3], $0x80, v4, vm0, $0xb8;
	[tilespmem:$0x1C200] =	vst v63  }
0x86: {  	s21 =	simm.s32 $0x15A00  }
0x87: {  	[tilespmem:s21], [sflag:$0x4] =	stream.indirect_vreg.gather [hbm4b:s12+s3], $0x80, v4, vm0, $0xb8;
	[tilespmem:$0x1C200] =	vst v63  }
0x88: {  	s23 =	simm.s32 $0x16200  }
0x89: {  	[tilespmem:s23], [sflag:$0x4] =	stream.indirect_vreg.gather [hbm4b:s1+s3], $0x80, v3, vm0, $0xb8;
	[tilespmem:$0x1C200] =	vst v63  }
0x8a: {  	s24 =	simm.s32 $0x16A00  }
0x8b: {  	[tilespmem:s24], [sflag:$0x4] =	stream.indirect_vreg.gather [hbm4b:s10+s3], $0x80, v3, vm0, $0xb8;
	[tilespmem:$0x1C200] =	vst v63  }
0x8c: {  	s25 =	simm.s32 $0x17200  }
0x8d: {  	[tilespmem:s25], [sflag:$0x4] =	stream.indirect_vreg.gather [hbm4b:s11+s3], $0x80, v3, vm0, $0xb8;
	[tilespmem:$0x1C200] =	vst v63  }
0x8e: {  	s26 =	simm.s32 $0x17A00;
	s29 =	simm.s32 $0xB  }
0x8f: {  	[tilespmem:s26], [sflag:$0x4] =	stream.indirect_vreg.gather [hbm4b:s12+s3], $0x80, v3, vm0, $0xb8;
	[tilespmem:$0x1C200] =	vst v63  }
0x90: {  	_ =	swait.ge [sflag:s29], $0x4000  }
0x91: {  	[sflag:s29] =	ssyncset.done $0x0  }
0x92: {  	[sflag:s29] =	ssyncadd.s32 $0xFFFFC000  }
0x93: {  	_ =	swait.ge [sflag:s28], $0x4000  }
0x94: {  	[sflag:s28] =	ssyncset.done $0x0  }
0x95: {  	s5 =	simm.s32 $0x0;
	[sflag:s28] =	ssyncadd.s32 $0xFFFFC000  }
.LBB2_2:
0x96: {  	s7 =	sshll.u32 s5, $0xA;
	s8 =	sshll.u32 s5, $0x7  }
0x97: {  	s9 =	simm.s32 $0x0;
	s7 =	sand.u32 $0x2000, s7;
	s8 =	sand.u32 $0x380, s8  }
0x98: {  	s29 =	simm.s32 $0x0;
	s9 =	sand.u32 $0x40, s9;
	s7 =	sor.u32 s7, s8  }
0x99: {  	s8 =	sand.u32 $0x1C00, s29;
	s9 =	sor.u32 s9, s7  }
0x9a: {  	s8 =	sor.u32 s8, s9  }
0x9b: {  	s9 =	simm.s32 $0x40;
	v3 =	vld [tilespmem:s8+$0x230]  }
0x9c: {  	s14 =	simm.s32 $0x200;
	v4 =	vld [tilespmem:s8+$0x200];
	s13 =	sand.u32 $0x40, s9  }
0x9d: {  	s15 =	sand.u32 $0x1C00, s14;
	v6 =	vld [tilespmem:s8+$0x210];
	s13 =	sor.u32 s13, s7  }
0x9e: {  	v5 =	vld [tilespmem:s8+$0x220];
	s15 =	sor.u32 s15, s13  }
0x9f: {  	v7 =	vld [tilespmem:s15+$0x230]  }
0xa0: {  	[tilespmem:s8+$0x8230] =	vst.add.f32.msk $0xffff, v3  }
0xa1: {  	[tilespmem:s8+$0x8200] =	vst.add.f32.msk $0xffff, v4  }
0xa2: {  	[tilespmem:s8+$0x8210] =	vst.add.f32.msk $0xffff, v6  }
0xa3: {  	v6 =	vld [tilespmem:s15+$0x200]  }
0xa4: {  	v4 =	vld [tilespmem:s15+$0x210]  }
0xa5: {  	v3 =	vld [tilespmem:s15+$0x220]  }
.LBB2_3:
0xa6: {  	s9 =	sadd.s32 $0x40, s9;
	[tilespmem:s8+$0x8220] =	vst.add.f32.msk $0xffff, v5;
	s8 =	smov.u32 s15  }
0xa7: {  	s14 =	sadd.s32 $0x200, s14;
	s13 =	sand.u32 $0x40, s9;
	p0 =	slt.u32 s9, $0x3C0;
	[tilespmem:s8+$0x8230] =	vst.add.f32.msk $0xffff, v7  }
0xa8: {  	s15 =	sand.u32 $0x1C00, s14;
	s13 =	sor.u32 s13, s7;
	[tilespmem:s8+$0x8200] =	vst.add.f32.msk $0xffff, v6  }
.Ltmp0:
0xa9: {  	s15 =	sor.u32 s15, s13;
	[tilespmem:s8+$0x8210] =	vst.add.f32.msk $0xffff, v4;
	(pc) =	sbr.rel @p0 .LBB2_3-.Ltmp0, $4  }
0xaa: {  	v7 =	vld [tilespmem:s15+$0x230];
	v5 =	vmov v3  }
0xab: {  	v6 =	vld [tilespmem:s15+$0x200]  }
0xac: {  	v4 =	vld [tilespmem:s15+$0x210]  }
0xad: {  	v3 =	vld [tilespmem:s15+$0x220]  }
0xae: {  	s5 =	sadd.s32 $0x1, s5  }
0xaf: {  	p0 =	sne.s32 s5, $0x10  }
.Ltmp1:
0xb0: {  	[tilespmem:s8+$0x8220] =	vst.add.f32.msk $0xffff, v5;
	(pc) =	sbr.rel @p0 .LBB2_2-.Ltmp1, $4  }
0xb1: {  	[tilespmem:s15+$0x8230] =	vst.add.f32.msk $0xffff, v7  }
0xb2: {  	[tilespmem:s15+$0x8200] =	vst.add.f32.msk $0xffff, v6  }
0xb3: {  	[tilespmem:s15+$0x8210] =	vst.add.f32.msk $0xffff, v4  }
0xb4: {  	[tilespmem:s15+$0x8220] =	vst.add.f32.msk $0xffff, v3  }
0xb5: {  	s7 =	simm.s32 $0x0;
	s0 =	rddreg [dreg:$0xb]  }
0xb6: {  	[hbm4b:s0+s7] =	stream.linear.scatter [tilespmem:s30], [sflag:$0x6], $0x4000, $0x38;
	[tilespmem:$0x1C200] =	vst v63  }
0xb7: {  	v3 =	vld [tilespmem:$0x10];
	_ =	sdelay $0x4  }
0xb8: {  	v4 =	vshll.u32 v3, $0x3  }
0xb9: {  	v3 =	vand.u32 $0x7, v3;
	v4 =	vand.u32 $0xFFFFFFC0, v4  }
0xba: {  	v3 =	vor.u32 v3, v4  }
0xbb: {  	v4 =	vperm.xlane v3, v0;
	_ =	sdelay $0x1  }
0xbc: {  	v4 =	vadd.s32 v1, v4;
	_ =	sdelay $0x3  }
0xbd: {  	s15 =	simm.s32 $0x18200  }
0xbe: {  	[tilespmem:s15], [sflag:$0x5] =	stream.indirect_vreg.gather [hbm4b:s1+s7], $0x80, v4, vm0, $0xb8;
	[tilespmem:$0x1C200] =	vst v63  }
0xbf: {  	s16 =	simm.s32 $0x18A00;
	v3 =	vperm.xlane v3, v2  }
0xc0: {  	[tilespmem:s16], [sflag:$0x5] =	stream.indirect_vreg.gather [hbm4b:s10+s7], $0x80, v4, vm0, $0xb8;
	[tilespmem:$0x1C200] =	vst v63  }
0xc1: {  	s17 =	simm.s32 $0x19200;
	v3 =	vadd.s32 v1, v3  }
0xc2: {  	[tilespmem:s17], [sflag:$0x5] =	stream.indirect_vreg.gather [hbm4b:s11+s7], $0x80, v4, vm0, $0xb8;
	[tilespmem:$0x1C200] =	vst v63  }
0xc3: {  	s21 =	simm.s32 $0x19A00  }
0xc4: {  	[tilespmem:s21], [sflag:$0x5] =	stream.indirect_vreg.gather [hbm4b:s12+s7], $0x80, v4, vm0, $0xb8;
	[tilespmem:$0x1C200] =	vst v63  }
0xc5: {  	s23 =	simm.s32 $0x1A200  }
0xc6: {  	[tilespmem:s23], [sflag:$0x5] =	stream.indirect_vreg.gather [hbm4b:s1+s7], $0x80, v3, vm0, $0xb8;
	[tilespmem:$0x1C200] =	vst v63  }
0xc7: {  	s24 =	simm.s32 $0x1AA00  }
0xc8: {  	[tilespmem:s24], [sflag:$0x5] =	stream.indirect_vreg.gather [hbm4b:s10+s7], $0x80, v3, vm0, $0xb8;
	[tilespmem:$0x1C200] =	vst v63  }
0xc9: {  	s25 =	simm.s32 $0x1B200  }
0xca: {  	[tilespmem:s25], [sflag:$0x5] =	stream.indirect_vreg.gather [hbm4b:s11+s7], $0x80, v3, vm0, $0xb8;
	[tilespmem:$0x1C200] =	vst v63  }
0xcb: {  	s26 =	simm.s32 $0x1BA00;
	s29 =	simm.s32 $0x2  }
0xcc: {  	[tilespmem:s26], [sflag:$0x5] =	stream.indirect_vreg.gather [hbm4b:s12+s7], $0x80, v3, vm0, $0xb8;
	[tilespmem:$0x1C200] =	vst v63  }
0xcd: {  	_ =	swait.ge [sflag:s29], $0x4000  }
0xce: {  	[sflag:s29] =	ssyncset.done $0x0  }
0xcf: {  	s5 =	simm.s32 $0x0;
	[sflag:s29] =	ssyncadd.s32 $0xFFFFC000  }
.LBB2_6:
0xd0: {  	s8 =	sshll.u32 s5, $0xA;
	s9 =	sshll.u32 s5, $0x7  }
0xd1: {  	s8 =	sand.u32 $0x2000, s8;
	s9 =	sand.u32 $0x380, s9  }
0xd2: {  	s13 =	simm.s32 $0x0;
	s9 =	sor.u32 s9, s8  }
0xd3: {  	s14 =	sand.u32 $0x1C00, s7;
	s13 =	sand.u32 $0x40, s13;
	s8 =	sadd.s32 $0x200, s9  }
0xd4: {  	s16 =	sor.u32 $0x10, s13;
	s15 =	sadd.s32 s14, s8  }
0xd5: {  	s25 =	sor.u32 $0x20, s13;
	s17 =	sadd.s32 s16, s15  }
0xd6: {  	s26 =	sor.u32 $0x30, s13;
	s2 =	sadd.s32 s25, s15;
	v4 =	vld [tilespmem:s17+$0x0]  }
0xd7: {  	s21 =	sadd.s32 s26, s15;
	v5 =	vld [tilespmem:s2+$0x0]  }
0xd8: {  	s9 =	sadd.s32 $0xC200, s9;
	v6 =	vld [tilespmem:s21+$0x0]  }
0xd9: {  	s15 =	sadd.s32 s13, s15;
	s17 =	sadd.s32 s14, s9  }
0xda: {  	v3 =	vld [tilespmem:s15+$0x0];
	s14 =	simm.s32 $0x40;
	s15 =	simm.s32 $0x200;
	s16 =	sadd.s32 s16, s17  }
0xdb: {  	s25 =	sadd.s32 s25, s17;
	s29 =	sand.u32 $0x40, s14;
	s2 =	sand.u32 $0x1C00, s15;
	[tilespmem:s16+$0x0] =	vst.add.f32.msk $0xffff, v4  }
0xdc: {  	s23 =	sadd.s32 s26, s17;
	s26 =	sadd.s32 s2, s8;
	s0 =	sor.u32 $0x10, s29;
	[tilespmem:s25+$0x0] =	vst.add.f32.msk $0xffff, v5  }
0xdd: {  	s21 =	sor.u32 $0x20, s29;
	s24 =	sadd.s32 s0, s26;
	[tilespmem:s23+$0x0] =	vst.add.f32.msk $0xffff, v6  }
0xde: {  	s23 =	sor.u32 $0x30, s29;
	v4 =	vld [tilespmem:s24+$0x0];
	s25 =	sadd.s32 s21, s26  }
0xdf: {  	s2 =	sadd.s32 s2, s9;
	v5 =	vld [tilespmem:s25+$0x0];
	s25 =	sadd.s32 s23, s26  }
0xe0: {  	s16 =	sadd.s32 s13, s17;
	s24 =	sadd.s32 s29, s26;
	s13 =	sadd.s32 s0, s2;
	v7 =	vld [tilespmem:s25+$0x0]  }
0xe1: {  	s17 =	sadd.s32 s21, s2;
	s26 =	sadd.s32 s29, s2;
	v6 =	vld [tilespmem:s24+$0x0];
	s25 =	sadd.s32 s23, s2  }
.LBB2_7:
0xe2: {  	s14 =	sadd.s32 $0x40, s14;
	s15 =	sadd.s32 $0x200, s15;
	[tilespmem:s16+$0x0] =	vst.add.f32.msk $0xffff, v3;
	s16 =	smov.u32 s26  }
0xe3: {  	s0 =	sand.u32 $0x40, s14;
	s2 =	sand.u32 $0x1C00, s15;
	p0 =	slt.u32 s14, $0x3C0;
	[tilespmem:s13+$0x0] =	vst.add.f32.msk $0xffff, v4  }
0xe4: {  	s21 =	sadd.s32 s2, s8;
	s13 =	sor.u32 $0x10, s0;
	s23 =	sor.u32 $0x30, s0;
	[tilespmem:s17+$0x0] =	vst.add.f32.msk $0xffff, v5  }
.Ltmp2:
0xe5: {  	s24 =	sor.u32 $0x20, s0;
	s17 =	sadd.s32 s13, s21;
	[tilespmem:s25+$0x0] =	vst.add.f32.msk $0xffff, v7;
	(pc) =	sbr.rel @p0 .LBB2_7-.Ltmp2, $4  }
0xe6: {  	s2 =	sadd.s32 s2, s9;
	s29 =	sadd.s32 s0, s21;
	v4 =	vld [tilespmem:s17+$0x0];
	s17 =	sadd.s32 s24, s21;
	v3 =	vmov v6  }
0xe7: {  	s13 =	sadd.s32 s13, s2;
	s21 =	sadd.s32 s23, s21;
	v5 =	vld [tilespmem:s17+$0x0];
	s17 =	sadd.s32 s24, s2  }
0xe8: {  	s26 =	sadd.s32 s0, s2;
	s25 =	sadd.s32 s23, s2;
	v7 =	vld [tilespmem:s21+$0x0]  }
0xe9: {  	v6 =	vld [tilespmem:s29+$0x0]  }
0xea: {  	s5 =	sadd.s32 $0x1, s5  }
0xeb: {  	p0 =	sne.s32 s5, $0x10  }
.Ltmp3:
0xec: {  	[tilespmem:s16+$0x0] =	vst.add.f32.msk $0xffff, v3;
	(pc) =	sbr.rel @p0 .LBB2_6-.Ltmp3, $4  }
0xed: {  	[tilespmem:s13+$0x0] =	vst.add.f32.msk $0xffff, v4  }
0xee: {  	[tilespmem:s17+$0x0] =	vst.add.f32.msk $0xffff, v5  }
0xef: {  	[tilespmem:s25+$0x0] =	vst.add.f32.msk $0xffff, v7  }
0xf0: {  	[tilespmem:s26+$0x0] =	vst.add.f32.msk $0xffff, v6  }
0xf1: {  	s7 =	simm.s32 $0x0;
	s0 =	rddreg [dreg:$0xc];
	s2 =	simm.s32 $0xC200  }
0xf2: {  	[hbm4b:s0+s7] =	stream.linear.scatter [tilespmem:s2], [sflag:$0x7], $0x4000, $0x38;
	[tilespmem:$0x1C200] =	vst v63  }
0xf3: {  	_ =	swait.ge [sflag:s22], $0x4000  }
0xf4: {  	[sflag:s22] =	ssyncset.done $0x0  }
0xf5: {  	[sflag:s22] =	ssyncadd.s32 $0xFFFFC000  }
0xf6: {  	v3 =	vld [tilespmem:$0x90];
	_ =	sdelay $0x4  }
0xf7: {  	v4 =	vshll.u32 v3, $0x3  }
0xf8: {  	v3 =	vand.u32 $0x7, v3;
	v4 =	vand.u32 $0xFFFFFFC0, v4  }
0xf9: {  	v3 =	vor.u32 v3, v4  }
0xfa: {  	v4 =	vperm.xlane v3, v0;
	_ =	sdelay $0x1  }
0xfb: {  	v4 =	vadd.s32 v1, v4;
	_ =	sdelay $0x4  }
0xfc: {  	[tilespmem:s30], [sflag:$0x1] =	stream.indirect_vreg.gather [hbm4b:s1+s7], $0x80, v4, vm0, $0xb8;
	[tilespmem:$0x1C200] =	vst v63  }
0xfd: {  	v3 =	vperm.xlane v3, v2  }
0xfe: {  	[tilespmem:s31], [sflag:$0x1] =	stream.indirect_vreg.gather [hbm4b:s10+s7], $0x80, v4, vm0, $0xb8;
	[tilespmem:$0x1C200] =	vst v63  }
0xff: {  	s21 =	simm.s32 $0x9200;
	v3 =	vadd.s32 v1, v3  }
0x100: {  	[tilespmem:s21], [sflag:$0x1] =	stream.indirect_vreg.gather [hbm4b:s11+s7], $0x80, v4, vm0, $0xb8;
	[tilespmem:$0x1C200] =	vst v63  }
0x101: {  	s23 =	simm.s32 $0x9A00  }
0x102: {  	[tilespmem:s23], [sflag:$0x1] =	stream.indirect_vreg.gather [hbm4b:s12+s7], $0x80, v4, vm0, $0xb8;
	[tilespmem:$0x1C200] =	vst v63  }
0x103: {  	s24 =	simm.s32 $0xA200  }
0x104: {  	[tilespmem:s24], [sflag:$0x1] =	stream.indirect_vreg.gather [hbm4b:s1+s7], $0x80, v3, vm0, $0xb8;
	[tilespmem:$0x1C200] =	vst v63  }
0x105: {  	s25 =	simm.s32 $0xAA00  }
0x106: {  	[tilespmem:s25], [sflag:$0x1] =	stream.indirect_vreg.gather [hbm4b:s10+s7], $0x80, v3, vm0, $0xb8;
	[tilespmem:$0x1C200] =	vst v63  }
0x107: {  	s26 =	simm.s32 $0xB200  }
0x108: {  	[tilespmem:s26], [sflag:$0x1] =	stream.indirect_vreg.gather [hbm4b:s11+s7], $0x80, v3, vm0, $0xb8;
	[tilespmem:$0x1C200] =	vst v63  }
0x109: {  	s29 =	simm.s32 $0xBA00;
	s30 =	simm.s32 $0x3  }
0x10a: {  	[tilespmem:s29], [sflag:$0x1] =	stream.indirect_vreg.gather [hbm4b:s12+s7], $0x80, v3, vm0, $0xb8;
	[tilespmem:$0x1C200] =	vst v63  }
0x10b: {  	_ =	swait.ge [sflag:s30], $0x4000  }
0x10c: {  	[sflag:s30] =	ssyncset.done $0x0  }
0x10d: {  	s5 =	simm.s32 $0x0;
	[sflag:s30] =	ssyncadd.s32 $0xFFFFC000  }
.LBB2_10:
0x10e: {  	s0 =	sshll.u32 s5, $0xA;
	s2 =	sshll.u32 s5, $0x7  }
0x10f: {  	s0 =	sand.u32 $0x2000, s0;
	s2 =	sand.u32 $0x380, s2  }
0x110: {  	s23 =	simm.s32 $0x0;
	s0 =	sor.u32 s2, s0  }
0x111: {  	s13 =	sand.u32 $0x1C00, s7;
	s2 =	sand.u32 $0x40, s23;
	s8 =	sadd.s32 $0x200, s0  }
0x112: {  	s15 =	sor.u32 $0x10, s2;
	s14 =	sadd.s32 s13, s8  }
0x113: {  	s16 =	sor.u32 $0x20, s2;
	s9 =	sadd.s32 s15, s14  }
0x114: {  	s17 =	sor.u32 $0x30, s2;
	s24 =	sadd.s32 s16, s14;
	v4 =	vld [tilespmem:s9+$0x0]  }
0x115: {  	s21 =	sadd.s32 s17, s14;
	v5 =	vld [tilespmem:s24+$0x0]  }
0x116: {  	s9 =	sadd.s32 $0x10200, s0;
	v6 =	vld [tilespmem:s21+$0x0]  }
0x117: {  	s25 =	sadd.s32 s2, s14;
	s13 =	sadd.s32 s13, s9  }
0x118: {  	s14 =	simm.s32 $0x40;
	v3 =	vld [tilespmem:s25+$0x0];
	s26 =	sadd.s32 s15, s13;
	s15 =	simm.s32 $0x200  }
0x119: {  	s23 =	sand.u32 $0x40, s14;
	s29 =	sadd.s32 s16, s13;
	s16 =	sand.u32 $0x1C00, s15;
	[tilespmem:s26+$0x0] =	vst.add.f32.msk $0xffff, v4  }
0x11a: {  	s24 =	sor.u32 $0x10, s23;
	s17 =	sadd.s32 s17, s13;
	s21 =	sadd.s32 s16, s8;
	[tilespmem:s29+$0x0] =	vst.add.f32.msk $0xffff, v5  }
0x11b: {  	s25 =	sor.u32 $0x20, s23;
	s30 =	sadd.s32 s24, s21;
	[tilespmem:s17+$0x0] =	vst.add.f32.msk $0xffff, v6  }
0x11c: {  	s29 =	sor.u32 $0x30, s23;
	s26 =	sadd.s32 s25, s21;
	v4 =	vld [tilespmem:s30+$0x0]  }
0x11d: {  	s30 =	sadd.s32 s16, s9;
	v5 =	vld [tilespmem:s26+$0x0];
	s17 =	sadd.s32 s29, s21  }
0x11e: {  	s16 =	sadd.s32 s2, s13;
	s21 =	sadd.s32 s23, s21;
	s13 =	sadd.s32 s24, s30;
	v7 =	vld [tilespmem:s17+$0x0]  }
0x11f: {  	s17 =	sadd.s32 s25, s30;
	s26 =	sadd.s32 s23, s30;
	s25 =	sadd.s32 s29, s30;
	v6 =	vld [tilespmem:s21+$0x0]  }
.LBB2_11:
0x120: {  	s14 =	sadd.s32 $0x40, s14;
	s15 =	sadd.s32 $0x200, s15;
	[tilespmem:s16+$0x0] =	vst.add.f32.msk $0xffff, v3;
	s16 =	smov.u32 s26  }
0x121: {  	s0 =	sand.u32 $0x40, s14;
	s2 =	sand.u32 $0x1C00, s15;
	p0 =	slt.u32 s14, $0x3C0;
	[tilespmem:s13+$0x0] =	vst.add.f32.msk $0xffff, v4  }
0x122: {  	s21 =	sadd.s32 s2, s8;
	s13 =	sor.u32 $0x10, s0;
	s23 =	sor.u32 $0x30, s0;
	[tilespmem:s17+$0x0] =	vst.add.f32.msk $0xffff, v5  }
.Ltmp4:
0x123: {  	s24 =	sor.u32 $0x20, s0;
	s17 =	sadd.s32 s13, s21;
	[tilespmem:s25+$0x0] =	vst.add.f32.msk $0xffff, v7;
	(pc) =	sbr.rel @p0 .LBB2_11-.Ltmp4, $4  }
0x124: {  	s2 =	sadd.s32 s2, s9;
	s29 =	sadd.s32 s0, s21;
	v4 =	vld [tilespmem:s17+$0x0];
	s17 =	sadd.s32 s24, s21;
	v3 =	vmov v6  }
0x125: {  	s13 =	sadd.s32 s13, s2;
	s21 =	sadd.s32 s23, s21;
	v5 =	vld [tilespmem:s17+$0x0];
	s17 =	sadd.s32 s24, s2  }
0x126: {  	s26 =	sadd.s32 s0, s2;
	s25 =	sadd.s32 s23, s2;
	v7 =	vld [tilespmem:s21+$0x0]  }
0x127: {  	v6 =	vld [tilespmem:s29+$0x0]  }
0x128: {  	s5 =	sadd.s32 $0x1, s5  }
0x129: {  	p0 =	sne.s32 s5, $0x10  }
.Ltmp5:
0x12a: {  	[tilespmem:s16+$0x0] =	vst.add.f32.msk $0xffff, v3;
	(pc) =	sbr.rel @p0 .LBB2_10-.Ltmp5, $4  }
0x12b: {  	[tilespmem:s13+$0x0] =	vst.add.f32.msk $0xffff, v4  }
0x12c: {  	[tilespmem:s17+$0x0] =	vst.add.f32.msk $0xffff, v5  }
0x12d: {  	[tilespmem:s25+$0x0] =	vst.add.f32.msk $0xffff, v7  }
0x12e: {  	[tilespmem:s26+$0x0] =	vst.add.f32.msk $0xffff, v6  }
0x12f: {  	s7 =	simm.s32 $0x0  }
0x130: {  	s0 =	rddreg [dreg:$0xd];
	s2 =	simm.s32 $0x10200;
	s15 =	simm.s32 $0x7  }
0x131: {  	[hbm4b:s0+s7] =	stream.linear.scatter [tilespmem:s2], [sflag:$0x8], $0x4000, $0x38;
	[tilespmem:$0x1C200] =	vst v63  }
0x132: {  	_ =	swait.ge [sflag:s15], $0x4000  }
0x133: {  	[sflag:s15] =	ssyncset.done $0x0  }
0x134: {  	[sflag:s15] =	ssyncadd.s32 $0xFFFFC000  }
0x135: {  	v3 =	vld [tilespmem:$0x110];
	_ =	sdelay $0x4  }
0x136: {  	v4 =	vshll.u32 v3, $0x3  }
0x137: {  	v3 =	vand.u32 $0x7, v3;
	v4 =	vand.u32 $0xFFFFFFC0, v4  }
0x138: {  	v3 =	vor.u32 v3, v4  }
0x139: {  	v4 =	vperm.xlane v3, v0;
	_ =	sdelay $0x1  }
0x13a: {  	v4 =	vadd.s32 v1, v4;
	_ =	sdelay $0x3  }
0x13b: {  	s16 =	simm.s32 $0xC200  }
0x13c: {  	[tilespmem:s16], [sflag:$0x2] =	stream.indirect_vreg.gather [hbm4b:s1+s7], $0x80, v4, vm0, $0xb8;
	[tilespmem:$0x1C200] =	vst v63  }
0x13d: {  	s17 =	simm.s32 $0xCA00;
	v3 =	vperm.xlane v3, v2  }
0x13e: {  	[tilespmem:s17], [sflag:$0x2] =	stream.indirect_vreg.gather [hbm4b:s10+s7], $0x80, v4, vm0, $0xb8;
	[tilespmem:$0x1C200] =	vst v63  }
0x13f: {  	s21 =	simm.s32 $0xD200;
	v3 =	vadd.s32 v1, v3  }
0x140: {  	[tilespmem:s21], [sflag:$0x2] =	stream.indirect_vreg.gather [hbm4b:s11+s7], $0x80, v4, vm0, $0xb8;
	[tilespmem:$0x1C200] =	vst v63  }
0x141: {  	s23 =	simm.s32 $0xDA00  }
0x142: {  	[tilespmem:s23], [sflag:$0x2] =	stream.indirect_vreg.gather [hbm4b:s12+s7], $0x80, v4, vm0, $0xb8;
	[tilespmem:$0x1C200] =	vst v63  }
0x143: {  	s24 =	simm.s32 $0xE200  }
0x144: {  	[tilespmem:s24], [sflag:$0x2] =	stream.indirect_vreg.gather [hbm4b:s1+s7], $0x80, v3, vm0, $0xb8;
	[tilespmem:$0x1C200] =	vst v63  }
0x145: {  	s25 =	simm.s32 $0xEA00  }
0x146: {  	[tilespmem:s25], [sflag:$0x2] =	stream.indirect_vreg.gather [hbm4b:s10+s7], $0x80, v3, vm0, $0xb8;
	[tilespmem:$0x1C200] =	vst v63  }
0x147: {  	s26 =	simm.s32 $0xF200  }
0x148: {  	[tilespmem:s26], [sflag:$0x2] =	stream.indirect_vreg.gather [hbm4b:s11+s7], $0x80, v3, vm0, $0xb8;
	[tilespmem:$0x1C200] =	vst v63  }
0x149: {  	s29 =	simm.s32 $0xFA00;
	s30 =	simm.s32 $0x4  }
0x14a: {  	[tilespmem:s29], [sflag:$0x2] =	stream.indirect_vreg.gather [hbm4b:s12+s7], $0x80, v3, vm0, $0xb8;
	[tilespmem:$0x1C200] =	vst v63  }
0x14b: {  	_ =	swait.ge [sflag:s30], $0x4000  }
0x14c: {  	[sflag:s30] =	ssyncset.done $0x0  }
0x14d: {  	s5 =	simm.s32 $0x0;
	[sflag:s30] =	ssyncadd.s32 $0xFFFFC000  }
.LBB2_14:
0x14e: {  	s0 =	sshll.u32 s5, $0xA;
	s2 =	sshll.u32 s5, $0x7  }
0x14f: {  	s0 =	sand.u32 $0x2000, s0;
	s2 =	sand.u32 $0x380, s2  }
0x150: {  	s23 =	simm.s32 $0x0;
	s0 =	sor.u32 s2, s0  }
0x151: {  	s13 =	sand.u32 $0x1C00, s7;
	s2 =	sand.u32 $0x40, s23;
	s8 =	sadd.s32 $0x200, s0  }
0x152: {  	s15 =	sor.u32 $0x10, s2;
	s14 =	sadd.s32 s13, s8  }
0x153: {  	s16 =	sor.u32 $0x20, s2;
	s9 =	sadd.s32 s15, s14  }
0x154: {  	s17 =	sor.u32 $0x30, s2;
	s24 =	sadd.s32 s16, s14;
	v4 =	vld [tilespmem:s9+$0x0]  }
0x155: {  	s21 =	sadd.s32 s17, s14;
	v5 =	vld [tilespmem:s24+$0x0]  }
0x156: {  	s9 =	sadd.s32 $0x14200, s0;
	v6 =	vld [tilespmem:s21+$0x0]  }
0x157: {  	s25 =	sadd.s32 s2, s14;
	s13 =	sadd.s32 s13, s9  }
0x158: {  	s14 =	simm.s32 $0x40;
	v3 =	vld [tilespmem:s25+$0x0];
	s26 =	sadd.s32 s15, s13;
	s15 =	simm.s32 $0x200  }
0x159: {  	s23 =	sand.u32 $0x40, s14;
	s29 =	sadd.s32 s16, s13;
	s16 =	sand.u32 $0x1C00, s15;
	[tilespmem:s26+$0x0] =	vst.add.f32.msk $0xffff, v4  }
0x15a: {  	s24 =	sor.u32 $0x10, s23;
	s17 =	sadd.s32 s17, s13;
	s21 =	sadd.s32 s16, s8;
	[tilespmem:s29+$0x0] =	vst.add.f32.msk $0xffff, v5  }
0x15b: {  	s25 =	sor.u32 $0x20, s23;
	s30 =	sadd.s32 s24, s21;
	[tilespmem:s17+$0x0] =	vst.add.f32.msk $0xffff, v6  }
0x15c: {  	s29 =	sor.u32 $0x30, s23;
	s26 =	sadd.s32 s25, s21;
	v4 =	vld [tilespmem:s30+$0x0]  }
0x15d: {  	s30 =	sadd.s32 s16, s9;
	v5 =	vld [tilespmem:s26+$0x0];
	s17 =	sadd.s32 s29, s21  }
0x15e: {  	s16 =	sadd.s32 s2, s13;
	s21 =	sadd.s32 s23, s21;
	s13 =	sadd.s32 s24, s30;
	v7 =	vld [tilespmem:s17+$0x0]  }
0x15f: {  	s17 =	sadd.s32 s25, s30;
	s26 =	sadd.s32 s23, s30;
	s25 =	sadd.s32 s29, s30;
	v6 =	vld [tilespmem:s21+$0x0]  }
.LBB2_15:
0x160: {  	s14 =	sadd.s32 $0x40, s14;
	s15 =	sadd.s32 $0x200, s15;
	[tilespmem:s16+$0x0] =	vst.add.f32.msk $0xffff, v3;
	s16 =	smov.u32 s26  }
0x161: {  	s0 =	sand.u32 $0x40, s14;
	s2 =	sand.u32 $0x1C00, s15;
	p0 =	slt.u32 s14, $0x3C0;
	[tilespmem:s13+$0x0] =	vst.add.f32.msk $0xffff, v4  }
0x162: {  	s21 =	sadd.s32 s2, s8;
	s13 =	sor.u32 $0x10, s0;
	s23 =	sor.u32 $0x30, s0;
	[tilespmem:s17+$0x0] =	vst.add.f32.msk $0xffff, v5  }
.Ltmp6:
0x163: {  	s24 =	sor.u32 $0x20, s0;
	s17 =	sadd.s32 s13, s21;
	[tilespmem:s25+$0x0] =	vst.add.f32.msk $0xffff, v7;
	(pc) =	sbr.rel @p0 .LBB2_15-.Ltmp6, $4  }
0x164: {  	s2 =	sadd.s32 s2, s9;
	s29 =	sadd.s32 s0, s21;
	v4 =	vld [tilespmem:s17+$0x0];
	s17 =	sadd.s32 s24, s21;
	v3 =	vmov v6  }
0x165: {  	s13 =	sadd.s32 s13, s2;
	s21 =	sadd.s32 s23, s21;
	v5 =	vld [tilespmem:s17+$0x0];
	s17 =	sadd.s32 s24, s2  }
0x166: {  	s26 =	sadd.s32 s0, s2;
	s25 =	sadd.s32 s23, s2;
	v7 =	vld [tilespmem:s21+$0x0]  }
0x167: {  	v6 =	vld [tilespmem:s29+$0x0]  }
0x168: {  	s5 =	sadd.s32 $0x1, s5  }
0x169: {  	p0 =	sne.s32 s5, $0x10  }
.Ltmp7:
0x16a: {  	[tilespmem:s16+$0x0] =	vst.add.f32.msk $0xffff, v3;
	(pc) =	sbr.rel @p0 .LBB2_14-.Ltmp7, $4  }
0x16b: {  	[tilespmem:s13+$0x0] =	vst.add.f32.msk $0xffff, v4  }
0x16c: {  	[tilespmem:s17+$0x0] =	vst.add.f32.msk $0xffff, v5  }
0x16d: {  	[tilespmem:s25+$0x0] =	vst.add.f32.msk $0xffff, v7  }
0x16e: {  	[tilespmem:s26+$0x0] =	vst.add.f32.msk $0xffff, v6  }
0x16f: {  	s7 =	simm.s32 $0x0;
	s0 =	rddreg [dreg:$0xe];
	s2 =	simm.s32 $0x200  }
0x170: {  	[tilespmem:s2], [sflag:$0xB] =	stream.linear.gather [hbm4b:s0+s7], $0x4000, $0x38;
	[tilespmem:$0x1C200] =	vst v63  }
0x171: {  	s13 =	rddreg [dreg:$0xf];
	s14 =	simm.s32 $0x14200;
	s15 =	simm.s32 $0x8  }
0x172: {  	[hbm4b:s13+s7] =	stream.linear.scatter [tilespmem:s14], [sflag:$0x9], $0x4000, $0x38;
	[tilespmem:$0x1C200] =	vst v63  }
0x173: {  	_ =	swait.ge [sflag:s15], $0x4000  }
0x174: {  	[sflag:s15] =	ssyncset.done $0x0  }
0x175: {  	[sflag:s15] =	ssyncadd.s32 $0xFFFFC000  }
0x176: {  	v3 =	vld [tilespmem:$0x190];
	_ =	sdelay $0x4  }
0x177: {  	v4 =	vshll.u32 v3, $0x3  }
0x178: {  	v3 =	vand.u32 $0x7, v3;
	v4 =	vand.u32 $0xFFFFFFC0, v4  }
0x179: {  	v3 =	vor.u32 v3, v4  }
0x17a: {  	v4 =	vperm.xlane v3, v0;
	_ =	sdelay $0x1  }
0x17b: {  	v4 =	vadd.s32 v1, v4;
	_ =	sdelay $0x3  }
0x17c: {  	s16 =	simm.s32 $0x10200  }
0x17d: {  	[tilespmem:s16], [sflag:$0x3] =	stream.indirect_vreg.gather [hbm4b:s1+s7], $0x80, v4, vm0, $0xb8;
	[tilespmem:$0x1C200] =	vst v63  }
0x17e: {  	s17 =	simm.s32 $0x10A00;
	v3 =	vperm.xlane v3, v2  }
0x17f: {  	[tilespmem:s17], [sflag:$0x3] =	stream.indirect_vreg.gather [hbm4b:s10+s7], $0x80, v4, vm0, $0xb8;
	[tilespmem:$0x1C200] =	vst v63  }
0x180: {  	s21 =	simm.s32 $0x11200;
	v3 =	vadd.s32 v1, v3  }
0x181: {  	[tilespmem:s21], [sflag:$0x3] =	stream.indirect_vreg.gather [hbm4b:s11+s7], $0x80, v4, vm0, $0xb8;
	[tilespmem:$0x1C200] =	vst v63  }
0x182: {  	s23 =	simm.s32 $0x11A00  }
0x183: {  	[tilespmem:s23], [sflag:$0x3] =	stream.indirect_vreg.gather [hbm4b:s12+s7], $0x80, v4, vm0, $0xb8;
	[tilespmem:$0x1C200] =	vst v63  }
0x184: {  	s24 =	simm.s32 $0x12200  }
0x185: {  	[tilespmem:s24], [sflag:$0x3] =	stream.indirect_vreg.gather [hbm4b:s1+s7], $0x80, v3, vm0, $0xb8;
	[tilespmem:$0x1C200] =	vst v63  }
0x186: {  	s25 =	simm.s32 $0x12A00  }
0x187: {  	[tilespmem:s25], [sflag:$0x3] =	stream.indirect_vreg.gather [hbm4b:s10+s7], $0x80, v3, vm0, $0xb8;
	[tilespmem:$0x1C200] =	vst v63  }
0x188: {  	s26 =	simm.s32 $0x13200  }
0x189: {  	[tilespmem:s26], [sflag:$0x3] =	stream.indirect_vreg.gather [hbm4b:s11+s7], $0x80, v3, vm0, $0xb8;
	[tilespmem:$0x1C200] =	vst v63  }
0x18a: {  	s29 =	simm.s32 $0x13A00;
	s30 =	simm.s32 $0xC  }
0x18b: {  	[tilespmem:s29], [sflag:$0x3] =	stream.indirect_vreg.gather [hbm4b:s12+s7], $0x80, v3, vm0, $0xb8;
	[tilespmem:$0x1C200] =	vst v63  }
0x18c: {  	_ =	swait.ge [sflag:s30], $0x4000  }
0x18d: {  	[sflag:s30] =	ssyncset.done $0x0  }
0x18e: {  	[sflag:s30] =	ssyncadd.s32 $0xFFFFC000  }
0x18f: {  	_ =	swait.ge [sflag:s4], $0x4000  }
0x190: {  	[sflag:s4] =	ssyncset.done $0x0  }
0x191: {  	s5 =	simm.s32 $0x0;
	[sflag:s4] =	ssyncadd.s32 $0xFFFFC000  }
.LBB2_18:
0x192: {  	s0 =	sshll.u32 s5, $0xA;
	s2 =	sshll.u32 s5, $0x7  }
0x193: {  	s0 =	sand.u32 $0x2000, s0;
	s2 =	sand.u32 $0x380, s2  }
0x194: {  	s23 =	simm.s32 $0x0;
	s0 =	sor.u32 s2, s0  }
0x195: {  	s13 =	sand.u32 $0x1C00, s7;
	s2 =	sand.u32 $0x40, s23;
	s8 =	sadd.s32 $0x4200, s0  }
0x196: {  	s15 =	sor.u32 $0x10, s2;
	s14 =	sadd.s32 s13, s8  }
0x197: {  	s16 =	sor.u32 $0x20, s2;
	s9 =	sadd.s32 s15, s14  }
0x198: {  	s17 =	sor.u32 $0x30, s2;
	s24 =	sadd.s32 s16, s14;
	v4 =	vld [tilespmem:s9+$0x0]  }
0x199: {  	s21 =	sadd.s32 s17, s14;
	v5 =	vld [tilespmem:s24+$0x0]  }
0x19a: {  	s9 =	sadd.s32 $0x18200, s0;
	v6 =	vld [tilespmem:s21+$0x0]  }
0x19b: {  	s25 =	sadd.s32 s2, s14;
	s13 =	sadd.s32 s13, s9  }
0x19c: {  	s14 =	simm.s32 $0x40;
	v3 =	vld [tilespmem:s25+$0x0];
	s26 =	sadd.s32 s15, s13;
	s15 =	simm.s32 $0x200  }
0x19d: {  	s23 =	sand.u32 $0x40, s14;
	s29 =	sadd.s32 s16, s13;
	s16 =	sand.u32 $0x1C00, s15;
	[tilespmem:s26+$0x0] =	vst.add.f32.msk $0xffff, v4  }
0x19e: {  	s24 =	sor.u32 $0x10, s23;
	s17 =	sadd.s32 s17, s13;
	s21 =	sadd.s32 s16, s8;
	[tilespmem:s29+$0x0] =	vst.add.f32.msk $0xffff, v5  }
0x19f: {  	s25 =	sor.u32 $0x20, s23;
	s30 =	sadd.s32 s24, s21;
	[tilespmem:s17+$0x0] =	vst.add.f32.msk $0xffff, v6  }
0x1a0: {  	s29 =	sor.u32 $0x30, s23;
	s26 =	sadd.s32 s25, s21;
	v4 =	vld [tilespmem:s30+$0x0]  }
0x1a1: {  	s30 =	sadd.s32 s16, s9;
	v5 =	vld [tilespmem:s26+$0x0];
	s17 =	sadd.s32 s29, s21  }
0x1a2: {  	s16 =	sadd.s32 s2, s13;
	s21 =	sadd.s32 s23, s21;
	s13 =	sadd.s32 s24, s30;
	v7 =	vld [tilespmem:s17+$0x0]  }
0x1a3: {  	s17 =	sadd.s32 s25, s30;
	s26 =	sadd.s32 s23, s30;
	s25 =	sadd.s32 s29, s30;
	v6 =	vld [tilespmem:s21+$0x0]  }
.LBB2_19:
0x1a4: {  	s14 =	sadd.s32 $0x40, s14;
	s15 =	sadd.s32 $0x200, s15;
	[tilespmem:s16+$0x0] =	vst.add.f32.msk $0xffff, v3;
	s16 =	smov.u32 s26  }
0x1a5: {  	s0 =	sand.u32 $0x40, s14;
	s2 =	sand.u32 $0x1C00, s15;
	p0 =	slt.u32 s14, $0x3C0;
	[tilespmem:s13+$0x0] =	vst.add.f32.msk $0xffff, v4  }
0x1a6: {  	s21 =	sadd.s32 s2, s8;
	s13 =	sor.u32 $0x10, s0;
	s23 =	sor.u32 $0x30, s0;
	[tilespmem:s17+$0x0] =	vst.add.f32.msk $0xffff, v5  }
.Ltmp8:
0x1a7: {  	s24 =	sor.u32 $0x20, s0;
	s17 =	sadd.s32 s13, s21;
	[tilespmem:s25+$0x0] =	vst.add.f32.msk $0xffff, v7;
	(pc) =	sbr.rel @p0 .LBB2_19-.Ltmp8, $4  }
0x1a8: {  	s2 =	sadd.s32 s2, s9;
	s29 =	sadd.s32 s0, s21;
	v4 =	vld [tilespmem:s17+$0x0];
	s17 =	sadd.s32 s24, s21;
	v3 =	vmov v6  }
0x1a9: {  	s13 =	sadd.s32 s13, s2;
	s21 =	sadd.s32 s23, s21;
	v5 =	vld [tilespmem:s17+$0x0];
	s17 =	sadd.s32 s24, s2  }
0x1aa: {  	s26 =	sadd.s32 s0, s2;
	s25 =	sadd.s32 s23, s2;
	v7 =	vld [tilespmem:s21+$0x0]  }
0x1ab: {  	v6 =	vld [tilespmem:s29+$0x0]  }
0x1ac: {  	s5 =	sadd.s32 $0x1, s5  }
0x1ad: {  	p0 =	sne.s32 s5, $0x10  }
.Ltmp9:
0x1ae: {  	[tilespmem:s16+$0x0] =	vst.add.f32.msk $0xffff, v3;
	(pc) =	sbr.rel @p0 .LBB2_18-.Ltmp9, $4  }
0x1af: {  	[tilespmem:s13+$0x0] =	vst.add.f32.msk $0xffff, v4  }
0x1b0: {  	[tilespmem:s17+$0x0] =	vst.add.f32.msk $0xffff, v5  }
0x1b1: {  	[tilespmem:s25+$0x0] =	vst.add.f32.msk $0xffff, v7  }
0x1b2: {  	[tilespmem:s26+$0x0] =	vst.add.f32.msk $0xffff, v6  }
0x1b3: {  	s7 =	simm.s32 $0x0;
	s0 =	rddreg [dreg:$0x10];
	s2 =	simm.s32 $0x18200  }
0x1b4: {  	[hbm4b:s0+s7] =	stream.linear.scatter [tilespmem:s2], [sflag:$0xA], $0x4000, $0x38;
	[tilespmem:$0x1C200] =	vst v63  }
0x1b5: {  	_ =	swait.ge [sflag:s18], $0x4000  }
0x1b6: {  	[sflag:s18] =	ssyncset.done $0x0  }
0x1b7: {  	[sflag:s18] =	ssyncadd.s32 $0xFFFFC000  }
0x1b8: {  	v3 =	vld [tilespmem:$0x20];
	_ =	sdelay $0x4  }
0x1b9: {  	v4 =	vshll.u32 v3, $0x3  }
0x1ba: {  	v3 =	vand.u32 $0x7, v3;
	v4 =	vand.u32 $0xFFFFFFC0, v4  }
0x1bb: {  	v3 =	vor.u32 v3, v4  }
0x1bc: {  	v4 =	vperm.xlane v3, v0;
	_ =	sdelay $0x1  }
0x1bd: {  	v4 =	vadd.s32 v1, v4;
	_ =	sdelay $0x3  }
0x1be: {  	s17 =	simm.s32 $0x14200  }
0x1bf: {  	[tilespmem:s17], [sflag:$0x4] =	stream.indirect_vreg.gather [hbm4b:s1+s7], $0x80, v4, vm0, $0xb8;
	[tilespmem:$0x1C200] =	vst v63  }
0x1c0: {  	s21 =	simm.s32 $0x14A00;
	v3 =	vperm.xlane v3, v2  }
0x1c1: {  	[tilespmem:s21], [sflag:$0x4] =	stream.indirect_vreg.gather [hbm4b:s10+s7], $0x80, v4, vm0, $0xb8;
	[tilespmem:$0x1C200] =	vst v63  }
0x1c2: {  	s23 =	simm.s32 $0x15200;
	v3 =	vadd.s32 v1, v3  }
0x1c3: {  	[tilespmem:s23], [sflag:$0x4] =	stream.indirect_vreg.gather [hbm4b:s11+s7], $0x80, v4, vm0, $0xb8;
	[tilespmem:$0x1C200] =	vst v63  }
0x1c4: {  	s24 =	simm.s32 $0x15A00  }
0x1c5: {  	[tilespmem:s24], [sflag:$0x4] =	stream.indirect_vreg.gather [hbm4b:s12+s7], $0x80, v4, vm0, $0xb8;
	[tilespmem:$0x1C200] =	vst v63  }
0x1c6: {  	s25 =	simm.s32 $0x16200  }
0x1c7: {  	[tilespmem:s25], [sflag:$0x4] =	stream.indirect_vreg.gather [hbm4b:s1+s7], $0x80, v3, vm0, $0xb8;
	[tilespmem:$0x1C200] =	vst v63  }
0x1c8: {  	s26 =	simm.s32 $0x16A00  }
0x1c9: {  	[tilespmem:s26], [sflag:$0x4] =	stream.indirect_vreg.gather [hbm4b:s10+s7], $0x80, v3, vm0, $0xb8;
	[tilespmem:$0x1C200] =	vst v63  }
0x1ca: {  	s29 =	simm.s32 $0x17200  }
0x1cb: {  	[tilespmem:s29], [sflag:$0x4] =	stream.indirect_vreg.gather [hbm4b:s11+s7], $0x80, v3, vm0, $0xb8;
	[tilespmem:$0x1C200] =	vst v63  }
0x1cc: {  	s30 =	simm.s32 $0x17A00  }
0x1cd: {  	[tilespmem:s30], [sflag:$0x4] =	stream.indirect_vreg.gather [hbm4b:s12+s7], $0x80, v3, vm0, $0xb8;
	[tilespmem:$0x1C200] =	vst v63  }
0x1ce: {  	_ =	swait.ge [sflag:s28], $0x4000  }
0x1cf: {  	[sflag:s28] =	ssyncset.done $0x0  }
0x1d0: {  	s5 =	simm.s32 $0x0;
	[sflag:s28] =	ssyncadd.s32 $0xFFFFC000  }
.LBB2_22:
0x1d1: {  	s0 =	sshll.u32 s5, $0xA;
	s2 =	sshll.u32 s5, $0x7  }
0x1d2: {  	s0 =	sand.u32 $0x2000, s0;
	s2 =	sand.u32 $0x380, s2  }
0x1d3: {  	s23 =	simm.s32 $0x0;
	s0 =	sor.u32 s2, s0  }
0x1d4: {  	s13 =	sand.u32 $0x1C00, s7;
	s2 =	sand.u32 $0x40, s23;
	s8 =	sadd.s32 $0x4200, s0  }
0x1d5: {  	s15 =	sor.u32 $0x10, s2;
	s14 =	sadd.s32 s13, s8  }
0x1d6: {  	s16 =	sor.u32 $0x20, s2;
	s9 =	sadd.s32 s15, s14  }
0x1d7: {  	s17 =	sor.u32 $0x30, s2;
	s24 =	sadd.s32 s16, s14;
	v4 =	vld [tilespmem:s9+$0x0]  }
0x1d8: {  	s21 =	sadd.s32 s17, s14;
	v5 =	vld [tilespmem:s24+$0x0]  }
0x1d9: {  	s9 =	sadd.s32 $0x8200, s0;
	v6 =	vld [tilespmem:s21+$0x0]  }
0x1da: {  	s25 =	sadd.s32 s2, s14;
	s13 =	sadd.s32 s13, s9  }
0x1db: {  	s14 =	simm.s32 $0x40;
	v3 =	vld [tilespmem:s25+$0x0];
	s26 =	sadd.s32 s15, s13;
	s15 =	simm.s32 $0x200  }
0x1dc: {  	s23 =	sand.u32 $0x40, s14;
	s29 =	sadd.s32 s16, s13;
	s16 =	sand.u32 $0x1C00, s15;
	[tilespmem:s26+$0x0] =	vst.add.f32.msk $0xffff, v4  }
0x1dd: {  	s24 =	sor.u32 $0x10, s23;
	s17 =	sadd.s32 s17, s13;
	s21 =	sadd.s32 s16, s8;
	[tilespmem:s29+$0x0] =	vst.add.f32.msk $0xffff, v5  }
0x1de: {  	s25 =	sor.u32 $0x20, s23;
	s30 =	sadd.s32 s24, s21;
	[tilespmem:s17+$0x0] =	vst.add.f32.msk $0xffff, v6  }
0x1df: {  	s29 =	sor.u32 $0x30, s23;
	s26 =	sadd.s32 s25, s21;
	v4 =	vld [tilespmem:s30+$0x0]  }
0x1e0: {  	s30 =	sadd.s32 s16, s9;
	v5 =	vld [tilespmem:s26+$0x0];
	s17 =	sadd.s32 s29, s21  }
0x1e1: {  	s16 =	sadd.s32 s2, s13;
	s21 =	sadd.s32 s23, s21;
	s13 =	sadd.s32 s24, s30;
	v7 =	vld [tilespmem:s17+$0x0]  }
0x1e2: {  	s17 =	sadd.s32 s25, s30;
	s26 =	sadd.s32 s23, s30;
	s25 =	sadd.s32 s29, s30;
	v6 =	vld [tilespmem:s21+$0x0]  }
.LBB2_23:
0x1e3: {  	s14 =	sadd.s32 $0x40, s14;
	s15 =	sadd.s32 $0x200, s15;
	[tilespmem:s16+$0x0] =	vst.add.f32.msk $0xffff, v3;
	s16 =	smov.u32 s26  }
0x1e4: {  	s0 =	sand.u32 $0x40, s14;
	s2 =	sand.u32 $0x1C00, s15;
	p0 =	slt.u32 s14, $0x3C0;
	[tilespmem:s13+$0x0] =	vst.add.f32.msk $0xffff, v4  }
0x1e5: {  	s21 =	sadd.s32 s2, s8;
	s13 =	sor.u32 $0x10, s0;
	s23 =	sor.u32 $0x30, s0;
	[tilespmem:s17+$0x0] =	vst.add.f32.msk $0xffff, v5  }
.Ltmp10:
0x1e6: {  	s24 =	sor.u32 $0x20, s0;
	s17 =	sadd.s32 s13, s21;
	[tilespmem:s25+$0x0] =	vst.add.f32.msk $0xffff, v7;
	(pc) =	sbr.rel @p0 .LBB2_23-.Ltmp10, $4  }
0x1e7: {  	s2 =	sadd.s32 s2, s9;
	s29 =	sadd.s32 s0, s21;
	v4 =	vld [tilespmem:s17+$0x0];
	s17 =	sadd.s32 s24, s21;
	v3 =	vmov v6  }
0x1e8: {  	s13 =	sadd.s32 s13, s2;
	s21 =	sadd.s32 s23, s21;
	v5 =	vld [tilespmem:s17+$0x0];
	s17 =	sadd.s32 s24, s2  }
0x1e9: {  	s26 =	sadd.s32 s0, s2;
	s25 =	sadd.s32 s23, s2;
	v7 =	vld [tilespmem:s21+$0x0]  }
0x1ea: {  	v6 =	vld [tilespmem:s29+$0x0]  }
0x1eb: {  	s5 =	sadd.s32 $0x1, s5  }
0x1ec: {  	p0 =	sne.s32 s5, $0x10  }
.Ltmp11:
0x1ed: {  	[tilespmem:s16+$0x0] =	vst.add.f32.msk $0xffff, v3;
	(pc) =	sbr.rel @p0 .LBB2_22-.Ltmp11, $4  }
0x1ee: {  	[tilespmem:s13+$0x0] =	vst.add.f32.msk $0xffff, v4  }
0x1ef: {  	[tilespmem:s17+$0x0] =	vst.add.f32.msk $0xffff, v5  }
0x1f0: {  	[tilespmem:s25+$0x0] =	vst.add.f32.msk $0xffff, v7  }
0x1f1: {  	[tilespmem:s26+$0x0] =	vst.add.f32.msk $0xffff, v6  }
0x1f2: {  	s5 =	simm.s32 $0x0;
	s0 =	rddreg [dreg:$0x11];
	s16 =	simm.s32 $0x8200  }
0x1f3: {  	[hbm4b:s0+s5] =	stream.linear.scatter [tilespmem:s16], [sflag:$0x6], $0x4000, $0x38;
	[tilespmem:$0x1C200] =	vst v63  }
0x1f4: {  	_ =	swait.ge [sflag:s19], $0x4000  }
0x1f5: {  	[sflag:s19] =	ssyncset.done $0x0  }
0x1f6: {  	[sflag:s19] =	ssyncadd.s32 $0xFFFFC000  }
0x1f7: {  	v3 =	vld [tilespmem:$0xA0];
	_ =	sdelay $0x4  }
0x1f8: {  	v4 =	vshll.u32 v3, $0x3  }
0x1f9: {  	v3 =	vand.u32 $0x7, v3;
	v4 =	vand.u32 $0xFFFFFFC0, v4  }
0x1fa: {  	v3 =	vor.u32 v3, v4  }
0x1fb: {  	v4 =	vperm.xlane v3, v0;
	_ =	sdelay $0x1  }
0x1fc: {  	v4 =	vadd.s32 v1, v4;
	_ =	sdelay $0x3  }
0x1fd: {  	s15 =	simm.s32 $0x18200  }
0x1fe: {  	[tilespmem:s15], [sflag:$0x5] =	stream.indirect_vreg.gather [hbm4b:s1+s5], $0x80, v4, vm0, $0xb8;
	[tilespmem:$0x1C200] =	vst v63  }
0x1ff: {  	s17 =	simm.s32 $0x18A00;
	v3 =	vperm.xlane v3, v2  }
0x200: {  	[tilespmem:s17], [sflag:$0x5] =	stream.indirect_vreg.gather [hbm4b:s10+s5], $0x80, v4, vm0, $0xb8;
	[tilespmem:$0x1C200] =	vst v63  }
0x201: {  	s21 =	simm.s32 $0x19200;
	v3 =	vadd.s32 v1, v3  }
0x202: {  	[tilespmem:s21], [sflag:$0x5] =	stream.indirect_vreg.gather [hbm4b:s11+s5], $0x80, v4, vm0, $0xb8;
	[tilespmem:$0x1C200] =	vst v63  }
0x203: {  	s23 =	simm.s32 $0x19A00  }
0x204: {  	[tilespmem:s23], [sflag:$0x5] =	stream.indirect_vreg.gather [hbm4b:s12+s5], $0x80, v4, vm0, $0xb8;
	[tilespmem:$0x1C200] =	vst v63  }
0x205: {  	s24 =	simm.s32 $0x1A200  }
0x206: {  	[tilespmem:s24], [sflag:$0x5] =	stream.indirect_vreg.gather [hbm4b:s1+s5], $0x80, v3, vm0, $0xb8;
	[tilespmem:$0x1C200] =	vst v63  }
0x207: {  	s25 =	simm.s32 $0x1AA00  }
0x208: {  	[tilespmem:s25], [sflag:$0x5] =	stream.indirect_vreg.gather [hbm4b:s10+s5], $0x80, v3, vm0, $0xb8;
	[tilespmem:$0x1C200] =	vst v63  }
0x209: {  	s26 =	simm.s32 $0x1B200  }
0x20a: {  	[tilespmem:s26], [sflag:$0x5] =	stream.indirect_vreg.gather [hbm4b:s11+s5], $0x80, v3, vm0, $0xb8;
	[tilespmem:$0x1C200] =	vst v63  }
0x20b: {  	s29 =	simm.s32 $0x1BA00;
	s30 =	simm.s32 $0x2  }
0x20c: {  	[tilespmem:s29], [sflag:$0x5] =	stream.indirect_vreg.gather [hbm4b:s12+s5], $0x80, v3, vm0, $0xb8;
	[tilespmem:$0x1C200] =	vst v63  }
0x20d: {  	_ =	swait.ge [sflag:s30], $0x4000  }
0x20e: {  	[sflag:s30] =	ssyncset.done $0x0  }
0x20f: {  	s7 =	simm.s32 $0x0;
	[sflag:s30] =	ssyncadd.s32 $0xFFFFC000  }
.LBB2_26:
0x210: {  	s0 =	sshll.u32 s7, $0xA;
	s2 =	sshll.u32 s7, $0x7  }
0x211: {  	s9 =	simm.s32 $0x0;
	s0 =	sand.u32 $0x2000, s0;
	s2 =	sand.u32 $0x380, s2  }
0x212: {  	s25 =	sand.u32 $0x40, s9;
	s8 =	sor.u32 s2, s0  }
0x213: {  	s26 =	sand.u32 $0x1C00, s5;
	s0 =	sor.u32 s25, s8  }
0x214: {  	s9 =	sor.u32 s26, s0  }
0x215: {  	s14 =	simm.s32 $0x40;
	v3 =	vld [tilespmem:s9+$0x4230]  }
0x216: {  	s15 =	simm.s32 $0x200;
	s29 =	sand.u32 $0x40, s14;
	v4 =	vld [tilespmem:s9+$0x4200]  }
0x217: {  	s30 =	sand.u32 $0x1C00, s15;
	s0 =	sor.u32 s29, s8;
	v6 =	vld [tilespmem:s9+$0x4210]  }
0x218: {  	v5 =	vld [tilespmem:s9+$0x4220];
	s13 =	sor.u32 s30, s0  }
0x219: {  	v7 =	vld [tilespmem:s13+$0x4230]  }
0x21a: {  	[tilespmem:s9+$0xC230] =	vst.add.f32.msk $0xffff, v3  }
0x21b: {  	[tilespmem:s9+$0xC200] =	vst.add.f32.msk $0xffff, v4  }
0x21c: {  	[tilespmem:s9+$0xC210] =	vst.add.f32.msk $0xffff, v6  }
0x21d: {  	v6 =	vld [tilespmem:s13+$0x4200]  }
0x21e: {  	v4 =	vld [tilespmem:s13+$0x4210]  }
0x21f: {  	v3 =	vld [tilespmem:s13+$0x4220]  }
.LBB2_27:
0x220: {  	s14 =	sadd.s32 $0x40, s14;
	[tilespmem:s9+$0xC220] =	vst.add.f32.msk $0xffff, v5;
	s9 =	smov.u32 s13  }
0x221: {  	s15 =	sadd.s32 $0x200, s15;
	s0 =	sand.u32 $0x40, s14;
	p0 =	slt.u32 s14, $0x3C0;
	[tilespmem:s9+$0xC230] =	vst.add.f32.msk $0xffff, v7  }
0x222: {  	s2 =	sand.u32 $0x1C00, s15;
	s0 =	sor.u32 s0, s8;
	[tilespmem:s9+$0xC200] =	vst.add.f32.msk $0xffff, v6  }
.Ltmp12:
0x223: {  	s13 =	sor.u32 s2, s0;
	[tilespmem:s9+$0xC210] =	vst.add.f32.msk $0xffff, v4;
	(pc) =	sbr.rel @p0 .LBB2_27-.Ltmp12, $4  }
0x224: {  	v7 =	vld [tilespmem:s13+$0x4230];
	v5 =	vmov v3  }
0x225: {  	v6 =	vld [tilespmem:s13+$0x4200]  }
0x226: {  	v4 =	vld [tilespmem:s13+$0x4210]  }
0x227: {  	v3 =	vld [tilespmem:s13+$0x4220]  }
0x228: {  	s7 =	sadd.s32 $0x1, s7  }
0x229: {  	p0 =	sne.s32 s7, $0x10  }
.Ltmp13:
0x22a: {  	[tilespmem:s9+$0xC220] =	vst.add.f32.msk $0xffff, v5;
	(pc) =	sbr.rel @p0 .LBB2_26-.Ltmp13, $4  }
0x22b: {  	[tilespmem:s13+$0xC230] =	vst.add.f32.msk $0xffff, v7  }
0x22c: {  	[tilespmem:s13+$0xC200] =	vst.add.f32.msk $0xffff, v6  }
0x22d: {  	[tilespmem:s13+$0xC210] =	vst.add.f32.msk $0xffff, v4  }
0x22e: {  	[tilespmem:s13+$0xC220] =	vst.add.f32.msk $0xffff, v3  }
0x22f: {  	s7 =	simm.s32 $0x0;
	s0 =	rddreg [dreg:$0x12];
	s2 =	simm.s32 $0xC200  }
0x230: {  	[hbm4b:s0+s7] =	stream.linear.scatter [tilespmem:s2], [sflag:$0x7], $0x4000, $0x38;
	[tilespmem:$0x1C200] =	vst v63  }
0x231: {  	_ =	swait.ge [sflag:s22], $0x4000  }
0x232: {  	[sflag:s22] =	ssyncset.done $0x0  }
0x233: {  	[sflag:s22] =	ssyncadd.s32 $0xFFFFC000  }
0x234: {  	v3 =	vld [tilespmem:$0x120];
	_ =	sdelay $0x4  }
0x235: {  	v4 =	vshll.u32 v3, $0x3  }
0x236: {  	v3 =	vand.u32 $0x7, v3;
	v4 =	vand.u32 $0xFFFFFFC0, v4  }
0x237: {  	v3 =	vor.u32 v3, v4  }
0x238: {  	v4 =	vperm.xlane v3, v0;
	_ =	sdelay $0x1  }
0x239: {  	v4 =	vadd.s32 v1, v4;
	_ =	sdelay $0x4  }
0x23a: {  	[tilespmem:s16], [sflag:$0x1] =	stream.indirect_vreg.gather [hbm4b:s1+s7], $0x80, v4, vm0, $0xb8;
	[tilespmem:$0x1C200] =	vst v63  }
0x23b: {  	v3 =	vperm.xlane v3, v2  }
0x23c: {  	[tilespmem:s31], [sflag:$0x1] =	stream.indirect_vreg.gather [hbm4b:s10+s7], $0x80, v4, vm0, $0xb8;
	[tilespmem:$0x1C200] =	vst v63  }
0x23d: {  	s23 =	simm.s32 $0x9200;
	v3 =	vadd.s32 v1, v3  }
0x23e: {  	[tilespmem:s23], [sflag:$0x1] =	stream.indirect_vreg.gather [hbm4b:s11+s7], $0x80, v4, vm0, $0xb8;
	[tilespmem:$0x1C200] =	vst v63  }
0x23f: {  	s24 =	simm.s32 $0x9A00  }
0x240: {  	[tilespmem:s24], [sflag:$0x1] =	stream.indirect_vreg.gather [hbm4b:s12+s7], $0x80, v4, vm0, $0xb8;
	[tilespmem:$0x1C200] =	vst v63  }
0x241: {  	s25 =	simm.s32 $0xA200  }
0x242: {  	[tilespmem:s25], [sflag:$0x1] =	stream.indirect_vreg.gather [hbm4b:s1+s7], $0x80, v3, vm0, $0xb8;
	[tilespmem:$0x1C200] =	vst v63  }
0x243: {  	s26 =	simm.s32 $0xAA00  }
0x244: {  	[tilespmem:s26], [sflag:$0x1] =	stream.indirect_vreg.gather [hbm4b:s10+s7], $0x80, v3, vm0, $0xb8;
	[tilespmem:$0x1C200] =	vst v63  }
0x245: {  	s29 =	simm.s32 $0xB200  }
0x246: {  	[tilespmem:s29], [sflag:$0x1] =	stream.indirect_vreg.gather [hbm4b:s11+s7], $0x80, v3, vm0, $0xb8;
	[tilespmem:$0x1C200] =	vst v63  }
0x247: {  	s30 =	simm.s32 $0xBA00;
	s31 =	simm.s32 $0x3  }
0x248: {  	[tilespmem:s30], [sflag:$0x1] =	stream.indirect_vreg.gather [hbm4b:s12+s7], $0x80, v3, vm0, $0xb8;
	[tilespmem:$0x1C200] =	vst v63  }
0x249: {  	_ =	swait.ge [sflag:s31], $0x4000  }
0x24a: {  	[sflag:s31] =	ssyncset.done $0x0  }
0x24b: {  	s5 =	simm.s32 $0x0;
	[sflag:s31] =	ssyncadd.s32 $0xFFFFC000  }
.LBB2_30:
0x24c: {  	s0 =	sshll.u32 s5, $0xA;
	s2 =	sshll.u32 s5, $0x7  }
0x24d: {  	s0 =	sand.u32 $0x2000, s0;
	s2 =	sand.u32 $0x380, s2  }
0x24e: {  	s23 =	simm.s32 $0x0;
	s0 =	sor.u32 s2, s0  }
0x24f: {  	s13 =	sand.u32 $0x1C00, s7;
	s2 =	sand.u32 $0x40, s23;
	s8 =	sadd.s32 $0x4200, s0  }
0x250: {  	s15 =	sor.u32 $0x10, s2;
	s14 =	sadd.s32 s13, s8  }
0x251: {  	s16 =	sor.u32 $0x20, s2;
	s9 =	sadd.s32 s15, s14  }
0x252: {  	s17 =	sor.u32 $0x30, s2;
	s24 =	sadd.s32 s16, s14;
	v4 =	vld [tilespmem:s9+$0x0]  }
0x253: {  	s21 =	sadd.s32 s17, s14;
	v5 =	vld [tilespmem:s24+$0x0]  }
0x254: {  	s9 =	sadd.s32 $0x10200, s0;
	v6 =	vld [tilespmem:s21+$0x0]  }
0x255: {  	s25 =	sadd.s32 s2, s14;
	s13 =	sadd.s32 s13, s9  }
0x256: {  	s14 =	simm.s32 $0x40;
	v3 =	vld [tilespmem:s25+$0x0];
	s26 =	sadd.s32 s15, s13;
	s15 =	simm.s32 $0x200  }
0x257: {  	s23 =	sand.u32 $0x40, s14;
	s29 =	sadd.s32 s16, s13;
	s30 =	sand.u32 $0x1C00, s15;
	[tilespmem:s26+$0x0] =	vst.add.f32.msk $0xffff, v4  }
0x258: {  	s24 =	sor.u32 $0x10, s23;
	s17 =	sadd.s32 s17, s13;
	s21 =	sadd.s32 s30, s8;
	[tilespmem:s29+$0x0] =	vst.add.f32.msk $0xffff, v5  }
0x259: {  	s25 =	sor.u32 $0x20, s23;
	s31 =	sadd.s32 s24, s21;
	[tilespmem:s17+$0x0] =	vst.add.f32.msk $0xffff, v6  }
0x25a: {  	s29 =	sor.u32 $0x30, s23;
	s17 =	sadd.s32 s25, s21;
	v4 =	vld [tilespmem:s31+$0x0]  }
0x25b: {  	s30 =	sadd.s32 s30, s9;
	v5 =	vld [tilespmem:s17+$0x0];
	s26 =	sadd.s32 s29, s21  }
0x25c: {  	s16 =	sadd.s32 s2, s13;
	s13 =	sadd.s32 s24, s30;
	s31 =	sadd.s32 s23, s21;
	v7 =	vld [tilespmem:s26+$0x0]  }
0x25d: {  	s17 =	sadd.s32 s25, s30;
	s25 =	sadd.s32 s29, s30;
	s26 =	sadd.s32 s23, s30;
	v6 =	vld [tilespmem:s31+$0x0]  }
.LBB2_31:
0x25e: {  	s14 =	sadd.s32 $0x40, s14;
	s15 =	sadd.s32 $0x200, s15;
	[tilespmem:s16+$0x0] =	vst.add.f32.msk $0xffff, v3;
	s16 =	smov.u32 s26  }
0x25f: {  	s0 =	sand.u32 $0x40, s14;
	s2 =	sand.u32 $0x1C00, s15;
	p0 =	slt.u32 s14, $0x3C0;
	[tilespmem:s13+$0x0] =	vst.add.f32.msk $0xffff, v4  }
0x260: {  	s21 =	sadd.s32 s2, s8;
	s13 =	sor.u32 $0x10, s0;
	s23 =	sor.u32 $0x30, s0;
	[tilespmem:s17+$0x0] =	vst.add.f32.msk $0xffff, v5  }
.Ltmp14:
0x261: {  	s24 =	sor.u32 $0x20, s0;
	s17 =	sadd.s32 s13, s21;
	[tilespmem:s25+$0x0] =	vst.add.f32.msk $0xffff, v7;
	(pc) =	sbr.rel @p0 .LBB2_31-.Ltmp14, $4  }
0x262: {  	s2 =	sadd.s32 s2, s9;
	s29 =	sadd.s32 s0, s21;
	v4 =	vld [tilespmem:s17+$0x0];
	s17 =	sadd.s32 s24, s21;
	v3 =	vmov v6  }
0x263: {  	s13 =	sadd.s32 s13, s2;
	s21 =	sadd.s32 s23, s21;
	v5 =	vld [tilespmem:s17+$0x0];
	s17 =	sadd.s32 s24, s2  }
0x264: {  	s26 =	sadd.s32 s0, s2;
	s25 =	sadd.s32 s23, s2;
	v7 =	vld [tilespmem:s21+$0x0]  }
0x265: {  	v6 =	vld [tilespmem:s29+$0x0]  }
0x266: {  	s5 =	sadd.s32 $0x1, s5  }
0x267: {  	p0 =	sne.s32 s5, $0x10  }
.Ltmp15:
0x268: {  	[tilespmem:s16+$0x0] =	vst.add.f32.msk $0xffff, v3;
	(pc) =	sbr.rel @p0 .LBB2_30-.Ltmp15, $4  }
0x269: {  	[tilespmem:s13+$0x0] =	vst.add.f32.msk $0xffff, v4  }
0x26a: {  	[tilespmem:s17+$0x0] =	vst.add.f32.msk $0xffff, v5  }
0x26b: {  	[tilespmem:s25+$0x0] =	vst.add.f32.msk $0xffff, v7  }
0x26c: {  	[tilespmem:s26+$0x0] =	vst.add.f32.msk $0xffff, v6  }
0x26d: {  	s7 =	simm.s32 $0x0;
	s0 =	rddreg [dreg:$0x13];
	s2 =	simm.s32 $0x4200  }
0x26e: {  	[tilespmem:s2], [sflag:$0xC] =	stream.linear.gather [hbm4b:s0+s7], $0x4000, $0x38;
	[tilespmem:$0x1C200] =	vst v63  }
0x26f: {  	s13 =	rddreg [dreg:$0x16];
	s14 =	simm.s32 $0x10200;
	s15 =	simm.s32 $0x7  }
0x270: {  	[hbm4b:s13+s7] =	stream.linear.scatter [tilespmem:s14], [sflag:$0x8], $0x4000, $0x38;
	[tilespmem:$0x1C200] =	vst v63  }
0x271: {  	_ =	swait.ge [sflag:s15], $0x4000  }
0x272: {  	[sflag:s15] =	ssyncset.done $0x0  }
0x273: {  	[sflag:s15] =	ssyncadd.s32 $0xFFFFC000  }
0x274: {  	v3 =	vld [tilespmem:$0x1A0];
	_ =	sdelay $0x4  }
0x275: {  	v4 =	vshll.u32 v3, $0x3  }
0x276: {  	v3 =	vand.u32 $0x7, v3;
	v4 =	vand.u32 $0xFFFFFFC0, v4  }
0x277: {  	v3 =	vor.u32 v3, v4  }
0x278: {  	v4 =	vperm.xlane v3, v0;
	_ =	sdelay $0x1  }
0x279: {  	v4 =	vadd.s32 v1, v4;
	_ =	sdelay $0x3  }
0x27a: {  	s16 =	simm.s32 $0xC200  }
0x27b: {  	[tilespmem:s16], [sflag:$0x2] =	stream.indirect_vreg.gather [hbm4b:s1+s7], $0x80, v4, vm0, $0xb8;
	[tilespmem:$0x1C200] =	vst v63  }
0x27c: {  	s17 =	simm.s32 $0xCA00;
	v3 =	vperm.xlane v3, v2  }
0x27d: {  	[tilespmem:s17], [sflag:$0x2] =	stream.indirect_vreg.gather [hbm4b:s10+s7], $0x80, v4, vm0, $0xb8;
	[tilespmem:$0x1C200] =	vst v63  }
0x27e: {  	s21 =	simm.s32 $0xD200;
	v3 =	vadd.s32 v1, v3  }
0x27f: {  	[tilespmem:s21], [sflag:$0x2] =	stream.indirect_vreg.gather [hbm4b:s11+s7], $0x80, v4, vm0, $0xb8;
	[tilespmem:$0x1C200] =	vst v63  }
0x280: {  	s23 =	simm.s32 $0xDA00  }
0x281: {  	[tilespmem:s23], [sflag:$0x2] =	stream.indirect_vreg.gather [hbm4b:s12+s7], $0x80, v4, vm0, $0xb8;
	[tilespmem:$0x1C200] =	vst v63  }
0x282: {  	s24 =	simm.s32 $0xE200  }
0x283: {  	[tilespmem:s24], [sflag:$0x2] =	stream.indirect_vreg.gather [hbm4b:s1+s7], $0x80, v3, vm0, $0xb8;
	[tilespmem:$0x1C200] =	vst v63  }
0x284: {  	s25 =	simm.s32 $0xEA00  }
0x285: {  	[tilespmem:s25], [sflag:$0x2] =	stream.indirect_vreg.gather [hbm4b:s10+s7], $0x80, v3, vm0, $0xb8;
	[tilespmem:$0x1C200] =	vst v63  }
0x286: {  	s26 =	simm.s32 $0xF200  }
0x287: {  	[tilespmem:s26], [sflag:$0x2] =	stream.indirect_vreg.gather [hbm4b:s11+s7], $0x80, v3, vm0, $0xb8;
	[tilespmem:$0x1C200] =	vst v63  }
0x288: {  	s29 =	simm.s32 $0xFA00;
	s30 =	simm.s32 $0xB  }
0x289: {  	[tilespmem:s29], [sflag:$0x2] =	stream.indirect_vreg.gather [hbm4b:s12+s7], $0x80, v3, vm0, $0xb8;
	[tilespmem:$0x1C200] =	vst v63  }
0x28a: {  	_ =	swait.ge [sflag:s30], $0x4000  }
0x28b: {  	[sflag:s30] =	ssyncset.done $0x0  }
0x28c: {  	s31 =	simm.s32 $0x4;
	[sflag:s30] =	ssyncadd.s32 $0xFFFFC000  }
0x28d: {  	_ =	swait.ge [sflag:s31], $0x4000  }
0x28e: {  	[sflag:s31] =	ssyncset.done $0x0  }
0x28f: {  	s5 =	simm.s32 $0x0;
	[sflag:s31] =	ssyncadd.s32 $0xFFFFC000  }
.LBB2_34:
0x290: {  	s0 =	sshll.u32 s5, $0xA;
	s2 =	sshll.u32 s5, $0x7  }
0x291: {  	s0 =	sand.u32 $0x2000, s0;
	s2 =	sand.u32 $0x380, s2  }
0x292: {  	s23 =	simm.s32 $0x0;
	s0 =	sor.u32 s2, s0  }
0x293: {  	s13 =	sand.u32 $0x1C00, s7;
	s2 =	sand.u32 $0x40, s23;
	s8 =	sadd.s32 $0x200, s0  }
0x294: {  	s15 =	sor.u32 $0x10, s2;
	s14 =	sadd.s32 s13, s8  }
0x295: {  	s16 =	sor.u32 $0x20, s2;
	s9 =	sadd.s32 s15, s14  }
0x296: {  	s17 =	sor.u32 $0x30, s2;
	s24 =	sadd.s32 s16, s14;
	v4 =	vld [tilespmem:s9+$0x0]  }
0x297: {  	s21 =	sadd.s32 s17, s14;
	v5 =	vld [tilespmem:s24+$0x0]  }
0x298: {  	s9 =	sadd.s32 $0x14200, s0;
	v6 =	vld [tilespmem:s21+$0x0]  }
0x299: {  	s25 =	sadd.s32 s2, s14;
	s13 =	sadd.s32 s13, s9  }
0x29a: {  	s14 =	simm.s32 $0x40;
	v3 =	vld [tilespmem:s25+$0x0];
	s26 =	sadd.s32 s15, s13;
	s15 =	simm.s32 $0x200  }
0x29b: {  	s23 =	sand.u32 $0x40, s14;
	s29 =	sadd.s32 s16, s13;
	s30 =	sand.u32 $0x1C00, s15;
	[tilespmem:s26+$0x0] =	vst.add.f32.msk $0xffff, v4  }
0x29c: {  	s24 =	sor.u32 $0x10, s23;
	s17 =	sadd.s32 s17, s13;
	s21 =	sadd.s32 s30, s8;
	[tilespmem:s29+$0x0] =	vst.add.f32.msk $0xffff, v5  }
0x29d: {  	s25 =	sor.u32 $0x20, s23;
	s31 =	sadd.s32 s24, s21;
	[tilespmem:s17+$0x0] =	vst.add.f32.msk $0xffff, v6  }
0x29e: {  	s29 =	sor.u32 $0x30, s23;
	s17 =	sadd.s32 s25, s21;
	v4 =	vld [tilespmem:s31+$0x0]  }
0x29f: {  	s30 =	sadd.s32 s30, s9;
	v5 =	vld [tilespmem:s17+$0x0];
	s26 =	sadd.s32 s29, s21  }
0x2a0: {  	s16 =	sadd.s32 s2, s13;
	s13 =	sadd.s32 s24, s30;
	s31 =	sadd.s32 s23, s21;
	v7 =	vld [tilespmem:s26+$0x0]  }
0x2a1: {  	s17 =	sadd.s32 s25, s30;
	s25 =	sadd.s32 s29, s30;
	s26 =	sadd.s32 s23, s30;
	v6 =	vld [tilespmem:s31+$0x0]  }
.LBB2_35:
0x2a2: {  	s14 =	sadd.s32 $0x40, s14;
	s15 =	sadd.s32 $0x200, s15;
	[tilespmem:s16+$0x0] =	vst.add.f32.msk $0xffff, v3;
	s16 =	smov.u32 s26  }
0x2a3: {  	s0 =	sand.u32 $0x40, s14;
	s2 =	sand.u32 $0x1C00, s15;
	p0 =	slt.u32 s14, $0x3C0;
	[tilespmem:s13+$0x0] =	vst.add.f32.msk $0xffff, v4  }
0x2a4: {  	s21 =	sadd.s32 s2, s8;
	s13 =	sor.u32 $0x10, s0;
	s23 =	sor.u32 $0x30, s0;
	[tilespmem:s17+$0x0] =	vst.add.f32.msk $0xffff, v5  }
.Ltmp16:
0x2a5: {  	s24 =	sor.u32 $0x20, s0;
	s17 =	sadd.s32 s13, s21;
	[tilespmem:s25+$0x0] =	vst.add.f32.msk $0xffff, v7;
	(pc) =	sbr.rel @p0 .LBB2_35-.Ltmp16, $4  }
0x2a6: {  	s2 =	sadd.s32 s2, s9;
	s29 =	sadd.s32 s0, s21;
	v4 =	vld [tilespmem:s17+$0x0];
	s17 =	sadd.s32 s24, s21;
	v3 =	vmov v6  }
0x2a7: {  	s13 =	sadd.s32 s13, s2;
	s21 =	sadd.s32 s23, s21;
	v5 =	vld [tilespmem:s17+$0x0];
	s17 =	sadd.s32 s24, s2  }
0x2a8: {  	s26 =	sadd.s32 s0, s2;
	s25 =	sadd.s32 s23, s2;
	v7 =	vld [tilespmem:s21+$0x0]  }
0x2a9: {  	v6 =	vld [tilespmem:s29+$0x0]  }
0x2aa: {  	s5 =	sadd.s32 $0x1, s5  }
0x2ab: {  	p0 =	sne.s32 s5, $0x10  }
.Ltmp17:
0x2ac: {  	[tilespmem:s16+$0x0] =	vst.add.f32.msk $0xffff, v3;
	(pc) =	sbr.rel @p0 .LBB2_34-.Ltmp17, $4  }
0x2ad: {  	[tilespmem:s13+$0x0] =	vst.add.f32.msk $0xffff, v4  }
0x2ae: {  	[tilespmem:s17+$0x0] =	vst.add.f32.msk $0xffff, v5  }
0x2af: {  	[tilespmem:s25+$0x0] =	vst.add.f32.msk $0xffff, v7  }
0x2b0: {  	[tilespmem:s26+$0x0] =	vst.add.f32.msk $0xffff, v6  }
0x2b1: {  	s7 =	simm.s32 $0x0  }
0x2b2: {  	s0 =	rddreg [dreg:$0x14];
	s2 =	simm.s32 $0x14200;
	s17 =	simm.s32 $0x8  }
0x2b3: {  	[hbm4b:s0+s7] =	stream.linear.scatter [tilespmem:s2], [sflag:$0x9], $0x4000, $0x38;
	[tilespmem:$0x1C200] =	vst v63  }
0x2b4: {  	_ =	swait.ge [sflag:s17], $0x4000  }
0x2b5: {  	[sflag:s17] =	ssyncset.done $0x0  }
0x2b6: {  	[sflag:s17] =	ssyncadd.s32 $0xFFFFC000  }
0x2b7: {  	v3 =	vld [tilespmem:$0x30];
	_ =	sdelay $0x4  }
0x2b8: {  	v4 =	vshll.u32 v3, $0x3  }
0x2b9: {  	v3 =	vand.u32 $0x7, v3;
	v4 =	vand.u32 $0xFFFFFFC0, v4  }
0x2ba: {  	v3 =	vor.u32 v3, v4  }
0x2bb: {  	v4 =	vperm.xlane v3, v0;
	_ =	sdelay $0x1  }
0x2bc: {  	v4 =	vadd.s32 v1, v4;
	_ =	sdelay $0x3  }
0x2bd: {  	s21 =	simm.s32 $0x10200  }
0x2be: {  	[tilespmem:s21], [sflag:$0x3] =	stream.indirect_vreg.gather [hbm4b:s1+s7], $0x80, v4, vm0, $0xb8;
	[tilespmem:$0x1C200] =	vst v63  }
0x2bf: {  	s23 =	simm.s32 $0x10A00;
	v3 =	vperm.xlane v3, v2  }
0x2c0: {  	[tilespmem:s23], [sflag:$0x3] =	stream.indirect_vreg.gather [hbm4b:s10+s7], $0x80, v4, vm0, $0xb8;
	[tilespmem:$0x1C200] =	vst v63  }
0x2c1: {  	s24 =	simm.s32 $0x11200;
	v3 =	vadd.s32 v1, v3  }
0x2c2: {  	[tilespmem:s24], [sflag:$0x3] =	stream.indirect_vreg.gather [hbm4b:s11+s7], $0x80, v4, vm0, $0xb8;
	[tilespmem:$0x1C200] =	vst v63  }
0x2c3: {  	s25 =	simm.s32 $0x11A00  }
0x2c4: {  	[tilespmem:s25], [sflag:$0x3] =	stream.indirect_vreg.gather [hbm4b:s12+s7], $0x80, v4, vm0, $0xb8;
	[tilespmem:$0x1C200] =	vst v63  }
0x2c5: {  	s26 =	simm.s32 $0x12200  }
0x2c6: {  	[tilespmem:s26], [sflag:$0x3] =	stream.indirect_vreg.gather [hbm4b:s1+s7], $0x80, v3, vm0, $0xb8;
	[tilespmem:$0x1C200] =	vst v63  }
0x2c7: {  	s29 =	simm.s32 $0x12A00  }
0x2c8: {  	[tilespmem:s29], [sflag:$0x3] =	stream.indirect_vreg.gather [hbm4b:s10+s7], $0x80, v3, vm0, $0xb8;
	[tilespmem:$0x1C200] =	vst v63  }
0x2c9: {  	s30 =	simm.s32 $0x13200  }
0x2ca: {  	[tilespmem:s30], [sflag:$0x3] =	stream.indirect_vreg.gather [hbm4b:s11+s7], $0x80, v3, vm0, $0xb8;
	[tilespmem:$0x1C200] =	vst v63  }
0x2cb: {  	s31 =	simm.s32 $0x13A00  }
0x2cc: {  	[tilespmem:s31], [sflag:$0x3] =	stream.indirect_vreg.gather [hbm4b:s12+s7], $0x80, v3, vm0, $0xb8;
	[tilespmem:$0x1C200] =	vst v63  }
0x2cd: {  	_ =	swait.ge [sflag:s4], $0x4000  }
0x2ce: {  	[sflag:s4] =	ssyncset.done $0x0  }
0x2cf: {  	s5 =	simm.s32 $0x0;
	[sflag:s4] =	ssyncadd.s32 $0xFFFFC000  }
.LBB2_38:
0x2d0: {  	s0 =	sshll.u32 s5, $0xA;
	s2 =	sshll.u32 s5, $0x7  }
0x2d1: {  	s0 =	sand.u32 $0x2000, s0;
	s2 =	sand.u32 $0x380, s2  }
0x2d2: {  	s23 =	simm.s32 $0x0;
	s0 =	sor.u32 s2, s0  }
0x2d3: {  	s13 =	sand.u32 $0x1C00, s7;
	s2 =	sand.u32 $0x40, s23;
	s8 =	sadd.s32 $0x200, s0  }
0x2d4: {  	s15 =	sor.u32 $0x10, s2;
	s14 =	sadd.s32 s13, s8  }
0x2d5: {  	s16 =	sor.u32 $0x20, s2;
	s9 =	sadd.s32 s15, s14  }
0x2d6: {  	s17 =	sor.u32 $0x30, s2;
	s24 =	sadd.s32 s16, s14;
	v4 =	vld [tilespmem:s9+$0x0]  }
0x2d7: {  	s21 =	sadd.s32 s17, s14;
	v5 =	vld [tilespmem:s24+$0x0]  }
0x2d8: {  	s9 =	sadd.s32 $0x18200, s0;
	v6 =	vld [tilespmem:s21+$0x0]  }
0x2d9: {  	s25 =	sadd.s32 s2, s14;
	s13 =	sadd.s32 s13, s9  }
0x2da: {  	s14 =	simm.s32 $0x40;
	v3 =	vld [tilespmem:s25+$0x0];
	s26 =	sadd.s32 s15, s13;
	s15 =	simm.s32 $0x200  }
0x2db: {  	s23 =	sand.u32 $0x40, s14;
	s29 =	sadd.s32 s16, s13;
	s30 =	sand.u32 $0x1C00, s15;
	[tilespmem:s26+$0x0] =	vst.add.f32.msk $0xffff, v4  }
0x2dc: {  	s24 =	sor.u32 $0x10, s23;
	s17 =	sadd.s32 s17, s13;
	s21 =	sadd.s32 s30, s8;
	[tilespmem:s29+$0x0] =	vst.add.f32.msk $0xffff, v5  }
0x2dd: {  	s25 =	sor.u32 $0x20, s23;
	s31 =	sadd.s32 s24, s21;
	[tilespmem:s17+$0x0] =	vst.add.f32.msk $0xffff, v6  }
0x2de: {  	s29 =	sor.u32 $0x30, s23;
	s17 =	sadd.s32 s25, s21;
	v4 =	vld [tilespmem:s31+$0x0]  }
0x2df: {  	s30 =	sadd.s32 s30, s9;
	v5 =	vld [tilespmem:s17+$0x0];
	s26 =	sadd.s32 s29, s21  }
0x2e0: {  	s16 =	sadd.s32 s2, s13;
	s13 =	sadd.s32 s24, s30;
	s31 =	sadd.s32 s23, s21;
	v7 =	vld [tilespmem:s26+$0x0]  }
0x2e1: {  	s17 =	sadd.s32 s25, s30;
	s25 =	sadd.s32 s29, s30;
	s26 =	sadd.s32 s23, s30;
	v6 =	vld [tilespmem:s31+$0x0]  }
.LBB2_39:
0x2e2: {  	s14 =	sadd.s32 $0x40, s14;
	s15 =	sadd.s32 $0x200, s15;
	[tilespmem:s16+$0x0] =	vst.add.f32.msk $0xffff, v3;
	s16 =	smov.u32 s26  }
0x2e3: {  	s0 =	sand.u32 $0x40, s14;
	s2 =	sand.u32 $0x1C00, s15;
	p0 =	slt.u32 s14, $0x3C0;
	[tilespmem:s13+$0x0] =	vst.add.f32.msk $0xffff, v4  }
0x2e4: {  	s21 =	sadd.s32 s2, s8;
	s13 =	sor.u32 $0x10, s0;
	s23 =	sor.u32 $0x30, s0;
	[tilespmem:s17+$0x0] =	vst.add.f32.msk $0xffff, v5  }
.Ltmp18:
0x2e5: {  	s24 =	sor.u32 $0x20, s0;
	s17 =	sadd.s32 s13, s21;
	[tilespmem:s25+$0x0] =	vst.add.f32.msk $0xffff, v7;
	(pc) =	sbr.rel @p0 .LBB2_39-.Ltmp18, $4  }
0x2e6: {  	s2 =	sadd.s32 s2, s9;
	s29 =	sadd.s32 s0, s21;
	v4 =	vld [tilespmem:s17+$0x0];
	s17 =	sadd.s32 s24, s21;
	v3 =	vmov v6  }
0x2e7: {  	s13 =	sadd.s32 s13, s2;
	s21 =	sadd.s32 s23, s21;
	v5 =	vld [tilespmem:s17+$0x0];
	s17 =	sadd.s32 s24, s2  }
0x2e8: {  	s26 =	sadd.s32 s0, s2;
	s25 =	sadd.s32 s23, s2;
	v7 =	vld [tilespmem:s21+$0x0]  }
0x2e9: {  	v6 =	vld [tilespmem:s29+$0x0]  }
0x2ea: {  	s5 =	sadd.s32 $0x1, s5  }
0x2eb: {  	p0 =	sne.s32 s5, $0x10  }
.Ltmp19:
0x2ec: {  	[tilespmem:s16+$0x0] =	vst.add.f32.msk $0xffff, v3;
	(pc) =	sbr.rel @p0 .LBB2_38-.Ltmp19, $4  }
0x2ed: {  	[tilespmem:s13+$0x0] =	vst.add.f32.msk $0xffff, v4  }
0x2ee: {  	[tilespmem:s17+$0x0] =	vst.add.f32.msk $0xffff, v5  }
0x2ef: {  	[tilespmem:s25+$0x0] =	vst.add.f32.msk $0xffff, v7  }
0x2f0: {  	[tilespmem:s26+$0x0] =	vst.add.f32.msk $0xffff, v6  }
0x2f1: {  	s5 =	simm.s32 $0x0;
	s0 =	rddreg [dreg:$0x18];
	s2 =	simm.s32 $0x18200  }
0x2f2: {  	[hbm4b:s0+s5] =	stream.linear.scatter [tilespmem:s2], [sflag:$0xA], $0x4000, $0x38;
	[tilespmem:$0x1C200] =	vst v63  }
0x2f3: {  	_ =	swait.ge [sflag:s18], $0x4000  }
0x2f4: {  	[sflag:s18] =	ssyncset.done $0x0  }
0x2f5: {  	[sflag:s18] =	ssyncadd.s32 $0xFFFFC000  }
0x2f6: {  	v3 =	vld [tilespmem:$0xB0];
	_ =	sdelay $0x4  }
0x2f7: {  	v4 =	vshll.u32 v3, $0x3  }
0x2f8: {  	v3 =	vand.u32 $0x7, v3;
	v4 =	vand.u32 $0xFFFFFFC0, v4  }
0x2f9: {  	v3 =	vor.u32 v3, v4  }
0x2fa: {  	v4 =	vperm.xlane v3, v0;
	_ =	sdelay $0x1  }
0x2fb: {  	v4 =	vadd.s32 v1, v4;
	_ =	sdelay $0x3  }
0x2fc: {  	s21 =	simm.s32 $0x14200  }
0x2fd: {  	[tilespmem:s21], [sflag:$0x4] =	stream.indirect_vreg.gather [hbm4b:s1+s5], $0x80, v4, vm0, $0xb8;
	[tilespmem:$0x1C200] =	vst v63  }
0x2fe: {  	s23 =	simm.s32 $0x14A00;
	v3 =	vperm.xlane v3, v2  }
0x2ff: {  	[tilespmem:s23], [sflag:$0x4] =	stream.indirect_vreg.gather [hbm4b:s10+s5], $0x80, v4, vm0, $0xb8;
	[tilespmem:$0x1C200] =	vst v63  }
0x300: {  	s24 =	simm.s32 $0x15200;
	v3 =	vadd.s32 v1, v3  }
0x301: {  	[tilespmem:s24], [sflag:$0x4] =	stream.indirect_vreg.gather [hbm4b:s11+s5], $0x80, v4, vm0, $0xb8;
	[tilespmem:$0x1C200] =	vst v63  }
0x302: {  	s25 =	simm.s32 $0x15A00  }
0x303: {  	[tilespmem:s25], [sflag:$0x4] =	stream.indirect_vreg.gather [hbm4b:s12+s5], $0x80, v4, vm0, $0xb8;
	[tilespmem:$0x1C200] =	vst v63  }
0x304: {  	s26 =	simm.s32 $0x16200  }
0x305: {  	[tilespmem:s26], [sflag:$0x4] =	stream.indirect_vreg.gather [hbm4b:s1+s5], $0x80, v3, vm0, $0xb8;
	[tilespmem:$0x1C200] =	vst v63  }
0x306: {  	s29 =	simm.s32 $0x16A00  }
0x307: {  	[tilespmem:s29], [sflag:$0x4] =	stream.indirect_vreg.gather [hbm4b:s10+s5], $0x80, v3, vm0, $0xb8;
	[tilespmem:$0x1C200] =	vst v63  }
0x308: {  	s30 =	simm.s32 $0x17200  }
0x309: {  	[tilespmem:s30], [sflag:$0x4] =	stream.indirect_vreg.gather [hbm4b:s11+s5], $0x80, v3, vm0, $0xb8;
	[tilespmem:$0x1C200] =	vst v63  }
0x30a: {  	s31 =	simm.s32 $0x17A00  }
0x30b: {  	[tilespmem:s31], [sflag:$0x4] =	stream.indirect_vreg.gather [hbm4b:s12+s5], $0x80, v3, vm0, $0xb8;
	[tilespmem:$0x1C200] =	vst v63  }
0x30c: {  	_ =	swait.ge [sflag:s28], $0x4000  }
0x30d: {  	[sflag:s28] =	ssyncset.done $0x0  }
0x30e: {  	s7 =	simm.s32 $0x0;
	s16 =	simm.s32 $0x8200;
	[sflag:s28] =	ssyncadd.s32 $0xFFFFC000  }
.LBB2_42:
0x30f: {  	s0 =	sshll.u32 s7, $0xA;
	s2 =	sshll.u32 s7, $0x7  }
0x310: {  	s9 =	simm.s32 $0x0;
	s0 =	sand.u32 $0x2000, s0;
	s2 =	sand.u32 $0x380, s2  }
0x311: {  	s26 =	sand.u32 $0x40, s9;
	s8 =	sor.u32 s0, s2  }
0x312: {  	s29 =	sand.u32 $0x1C00, s5;
	s0 =	sor.u32 s26, s8  }
0x313: {  	s9 =	sor.u32 s29, s0  }
0x314: {  	s14 =	simm.s32 $0x40;
	v3 =	vld [tilespmem:s9+$0x230]  }
0x315: {  	s15 =	simm.s32 $0x200;
	s30 =	sand.u32 $0x40, s14;
	v4 =	vld [tilespmem:s9+$0x200]  }
0x316: {  	s31 =	sand.u32 $0x1C00, s15;
	s0 =	sor.u32 s30, s8;
	v6 =	vld [tilespmem:s9+$0x210]  }
0x317: {  	v5 =	vld [tilespmem:s9+$0x220];
	s13 =	sor.u32 s31, s0  }
0x318: {  	v7 =	vld [tilespmem:s13+$0x230]  }
0x319: {  	[tilespmem:s9+$0x8230] =	vst.add.f32.msk $0xffff, v3  }
0x31a: {  	[tilespmem:s9+$0x8200] =	vst.add.f32.msk $0xffff, v4  }
0x31b: {  	[tilespmem:s9+$0x8210] =	vst.add.f32.msk $0xffff, v6  }
0x31c: {  	v6 =	vld [tilespmem:s13+$0x200]  }
0x31d: {  	v4 =	vld [tilespmem:s13+$0x210]  }
0x31e: {  	v3 =	vld [tilespmem:s13+$0x220]  }
.LBB2_43:
0x31f: {  	s14 =	sadd.s32 $0x40, s14;
	[tilespmem:s9+$0x8220] =	vst.add.f32.msk $0xffff, v5;
	s9 =	smov.u32 s13  }
0x320: {  	s15 =	sadd.s32 $0x200, s15;
	s0 =	sand.u32 $0x40, s14;
	p0 =	slt.u32 s14, $0x3C0;
	[tilespmem:s9+$0x8230] =	vst.add.f32.msk $0xffff, v7  }
0x321: {  	s2 =	sand.u32 $0x1C00, s15;
	s0 =	sor.u32 s0, s8;
	[tilespmem:s9+$0x8200] =	vst.add.f32.msk $0xffff, v6  }
.Ltmp20:
0x322: {  	s13 =	sor.u32 s2, s0;
	[tilespmem:s9+$0x8210] =	vst.add.f32.msk $0xffff, v4;
	(pc) =	sbr.rel @p0 .LBB2_43-.Ltmp20, $4  }
0x323: {  	v7 =	vld [tilespmem:s13+$0x230];
	v5 =	vmov v3  }
0x324: {  	v6 =	vld [tilespmem:s13+$0x200]  }
0x325: {  	v4 =	vld [tilespmem:s13+$0x210]  }
0x326: {  	v3 =	vld [tilespmem:s13+$0x220]  }
0x327: {  	s7 =	sadd.s32 $0x1, s7  }
0x328: {  	p0 =	sne.s32 s7, $0x10  }
.Ltmp21:
0x329: {  	[tilespmem:s9+$0x8220] =	vst.add.f32.msk $0xffff, v5;
	(pc) =	sbr.rel @p0 .LBB2_42-.Ltmp21, $4  }
0x32a: {  	[tilespmem:s13+$0x8230] =	vst.add.f32.msk $0xffff, v7  }
0x32b: {  	[tilespmem:s13+$0x8200] =	vst.add.f32.msk $0xffff, v6  }
0x32c: {  	[tilespmem:s13+$0x8210] =	vst.add.f32.msk $0xffff, v4  }
0x32d: {  	[tilespmem:s13+$0x8220] =	vst.add.f32.msk $0xffff, v3  }
0x32e: {  	s7 =	simm.s32 $0x0;
	s0 =	rddreg [dreg:$0x19]  }
0x32f: {  	[hbm4b:s0+s7] =	stream.linear.scatter [tilespmem:s16], [sflag:$0x6], $0x4000, $0x38;
	[tilespmem:$0x1C200] =	vst v63  }
0x330: {  	_ =	swait.ge [sflag:s19], $0x4000  }
0x331: {  	[sflag:s19] =	ssyncset.done $0x0  }
0x332: {  	[sflag:s19] =	ssyncadd.s32 $0xFFFFC000  }
0x333: {  	v3 =	vld [tilespmem:$0x130];
	_ =	sdelay $0x4  }
0x334: {  	v4 =	vshll.u32 v3, $0x3  }
0x335: {  	v3 =	vand.u32 $0x7, v3;
	v4 =	vand.u32 $0xFFFFFFC0, v4  }
0x336: {  	v3 =	vor.u32 v3, v4  }
0x337: {  	v4 =	vperm.xlane v3, v0;
	_ =	sdelay $0x1  }
0x338: {  	v4 =	vadd.s32 v1, v4;
	_ =	sdelay $0x3  }
0x339: {  	s16 =	simm.s32 $0x18200  }
0x33a: {  	[tilespmem:s16], [sflag:$0x5] =	stream.indirect_vreg.gather [hbm4b:s1+s7], $0x80, v4, vm0, $0xb8;
	[tilespmem:$0x1C200] =	vst v63  }
0x33b: {  	s17 =	simm.s32 $0x18A00;
	v3 =	vperm.xlane v3, v2  }
0x33c: {  	[tilespmem:s17], [sflag:$0x5] =	stream.indirect_vreg.gather [hbm4b:s10+s7], $0x80, v4, vm0, $0xb8;
	[tilespmem:$0x1C200] =	vst v63  }
0x33d: {  	s21 =	simm.s32 $0x19200;
	v3 =	vadd.s32 v1, v3  }
0x33e: {  	[tilespmem:s21], [sflag:$0x5] =	stream.indirect_vreg.gather [hbm4b:s11+s7], $0x80, v4, vm0, $0xb8;
	[tilespmem:$0x1C200] =	vst v63  }
0x33f: {  	s23 =	simm.s32 $0x19A00  }
0x340: {  	[tilespmem:s23], [sflag:$0x5] =	stream.indirect_vreg.gather [hbm4b:s12+s7], $0x80, v4, vm0, $0xb8;
	[tilespmem:$0x1C200] =	vst v63  }
0x341: {  	s24 =	simm.s32 $0x1A200  }
0x342: {  	[tilespmem:s24], [sflag:$0x5] =	stream.indirect_vreg.gather [hbm4b:s1+s7], $0x80, v3, vm0, $0xb8;
	[tilespmem:$0x1C200] =	vst v63  }
0x343: {  	s25 =	simm.s32 $0x1AA00  }
0x344: {  	[tilespmem:s25], [sflag:$0x5] =	stream.indirect_vreg.gather [hbm4b:s10+s7], $0x80, v3, vm0, $0xb8;
	[tilespmem:$0x1C200] =	vst v63  }
0x345: {  	s26 =	simm.s32 $0x1B200  }
0x346: {  	[tilespmem:s26], [sflag:$0x5] =	stream.indirect_vreg.gather [hbm4b:s11+s7], $0x80, v3, vm0, $0xb8;
	[tilespmem:$0x1C200] =	vst v63  }
0x347: {  	s29 =	simm.s32 $0x1BA00;
	s30 =	simm.s32 $0x2  }
0x348: {  	[tilespmem:s29], [sflag:$0x5] =	stream.indirect_vreg.gather [hbm4b:s12+s7], $0x80, v3, vm0, $0xb8;
	[tilespmem:$0x1C200] =	vst v63  }
0x349: {  	_ =	swait.ge [sflag:s30], $0x4000  }
0x34a: {  	[sflag:s30] =	ssyncset.done $0x0  }
0x34b: {  	s31 =	simm.s32 $0x8200;
	s5 =	simm.s32 $0x0;
	[sflag:s30] =	ssyncadd.s32 $0xFFFFC000  }
.LBB2_46:
0x34c: {  	s0 =	sshll.u32 s5, $0xA;
	s2 =	sshll.u32 s5, $0x7  }
0x34d: {  	s0 =	sand.u32 $0x2000, s0;
	s2 =	sand.u32 $0x380, s2  }
0x34e: {  	s23 =	simm.s32 $0x0;
	s0 =	sor.u32 s2, s0  }
0x34f: {  	s13 =	sand.u32 $0x1C00, s7;
	s2 =	sand.u32 $0x40, s23;
	s8 =	sadd.s32 $0x200, s0  }
0x350: {  	s15 =	sor.u32 $0x10, s2;
	s14 =	sadd.s32 s13, s8  }
0x351: {  	s16 =	sor.u32 $0x20, s2;
	s9 =	sadd.s32 s15, s14  }
0x352: {  	s17 =	sor.u32 $0x30, s2;
	s24 =	sadd.s32 s16, s14;
	v4 =	vld [tilespmem:s9+$0x0]  }
0x353: {  	s21 =	sadd.s32 s17, s14;
	v5 =	vld [tilespmem:s24+$0x0]  }
0x354: {  	s9 =	sadd.s32 $0xC200, s0;
	v6 =	vld [tilespmem:s21+$0x0]  }
0x355: {  	s25 =	sadd.s32 s2, s14;
	s13 =	sadd.s32 s13, s9  }
0x356: {  	s14 =	simm.s32 $0x40;
	v3 =	vld [tilespmem:s25+$0x0];
	s26 =	sadd.s32 s15, s13;
	s15 =	simm.s32 $0x200  }
0x357: {  	s23 =	sand.u32 $0x40, s14;
	s29 =	sadd.s32 s16, s13;
	s16 =	sand.u32 $0x1C00, s15;
	[tilespmem:s26+$0x0] =	vst.add.f32.msk $0xffff, v4  }
0x358: {  	s24 =	sor.u32 $0x10, s23;
	s17 =	sadd.s32 s17, s13;
	s21 =	sadd.s32 s16, s8;
	[tilespmem:s29+$0x0] =	vst.add.f32.msk $0xffff, v5  }
0x359: {  	s25 =	sor.u32 $0x20, s23;
	s30 =	sadd.s32 s24, s21;
	[tilespmem:s17+$0x0] =	vst.add.f32.msk $0xffff, v6  }
0x35a: {  	s29 =	sor.u32 $0x30, s23;
	s26 =	sadd.s32 s25, s21;
	v4 =	vld [tilespmem:s30+$0x0]  }
0x35b: {  	s30 =	sadd.s32 s16, s9;
	v5 =	vld [tilespmem:s26+$0x0];
	s17 =	sadd.s32 s29, s21  }
0x35c: {  	s16 =	sadd.s32 s2, s13;
	s21 =	sadd.s32 s23, s21;
	s13 =	sadd.s32 s24, s30;
	v7 =	vld [tilespmem:s17+$0x0]  }
0x35d: {  	s17 =	sadd.s32 s25, s30;
	s26 =	sadd.s32 s23, s30;
	s25 =	sadd.s32 s29, s30;
	v6 =	vld [tilespmem:s21+$0x0]  }
.LBB2_47:
0x35e: {  	s14 =	sadd.s32 $0x40, s14;
	s15 =	sadd.s32 $0x200, s15;
	[tilespmem:s16+$0x0] =	vst.add.f32.msk $0xffff, v3;
	s16 =	smov.u32 s26  }
0x35f: {  	s0 =	sand.u32 $0x40, s14;
	s2 =	sand.u32 $0x1C00, s15;
	p0 =	slt.u32 s14, $0x3C0;
	[tilespmem:s13+$0x0] =	vst.add.f32.msk $0xffff, v4  }
0x360: {  	s21 =	sadd.s32 s2, s8;
	s13 =	sor.u32 $0x10, s0;
	s23 =	sor.u32 $0x30, s0;
	[tilespmem:s17+$0x0] =	vst.add.f32.msk $0xffff, v5  }
.Ltmp22:
0x361: {  	s24 =	sor.u32 $0x20, s0;
	s17 =	sadd.s32 s13, s21;
	[tilespmem:s25+$0x0] =	vst.add.f32.msk $0xffff, v7;
	(pc) =	sbr.rel @p0 .LBB2_47-.Ltmp22, $4  }
0x362: {  	s2 =	sadd.s32 s2, s9;
	s29 =	sadd.s32 s0, s21;
	v4 =	vld [tilespmem:s17+$0x0];
	s17 =	sadd.s32 s24, s21;
	v3 =	vmov v6  }
0x363: {  	s13 =	sadd.s32 s13, s2;
	s21 =	sadd.s32 s23, s21;
	v5 =	vld [tilespmem:s17+$0x0];
	s17 =	sadd.s32 s24, s2  }
0x364: {  	s26 =	sadd.s32 s0, s2;
	s25 =	sadd.s32 s23, s2;
	v7 =	vld [tilespmem:s21+$0x0]  }
0x365: {  	v6 =	vld [tilespmem:s29+$0x0]  }
0x366: {  	s5 =	sadd.s32 $0x1, s5  }
0x367: {  	p0 =	sne.s32 s5, $0x10  }
.Ltmp23:
0x368: {  	[tilespmem:s16+$0x0] =	vst.add.f32.msk $0xffff, v3;
	(pc) =	sbr.rel @p0 .LBB2_46-.Ltmp23, $4  }
0x369: {  	[tilespmem:s13+$0x0] =	vst.add.f32.msk $0xffff, v4  }
0x36a: {  	[tilespmem:s17+$0x0] =	vst.add.f32.msk $0xffff, v5  }
0x36b: {  	[tilespmem:s25+$0x0] =	vst.add.f32.msk $0xffff, v7  }
0x36c: {  	[tilespmem:s26+$0x0] =	vst.add.f32.msk $0xffff, v6  }
0x36d: {  	s7 =	simm.s32 $0x0;
	s0 =	rddreg [dreg:$0x1a];
	s2 =	simm.s32 $0xC200  }
0x36e: {  	[hbm4b:s0+s7] =	stream.linear.scatter [tilespmem:s2], [sflag:$0x7], $0x4000, $0x38;
	[tilespmem:$0x1C200] =	vst v63  }
0x36f: {  	_ =	swait.ge [sflag:s22], $0x4000  }
0x370: {  	[sflag:s22] =	ssyncset.done $0x0  }
0x371: {  	[sflag:s22] =	ssyncadd.s32 $0xFFFFC000  }
0x372: {  	v3 =	vld [tilespmem:$0x1B0];
	_ =	sdelay $0x4  }
0x373: {  	v4 =	vshll.u32 v3, $0x3  }
0x374: {  	v3 =	vand.u32 $0x7, v3;
	v4 =	vand.u32 $0xFFFFFFC0, v4  }
0x375: {  	v3 =	vor.u32 v3, v4  }
0x376: {  	v4 =	vperm.xlane v3, v0;
	_ =	sdelay $0x1  }
0x377: {  	v4 =	vadd.s32 v1, v4;
	_ =	sdelay $0x4  }
0x378: {  	[tilespmem:s31], [sflag:$0x1] =	stream.indirect_vreg.gather [hbm4b:s1+s7], $0x80, v4, vm0, $0xb8;
	[tilespmem:$0x1C200] =	vst v63  }
0x379: {  	v3 =	vperm.xlane v3, v2;
	s31 =	simm.s32 $0x8A00  }
0x37a: {  	[tilespmem:s31], [sflag:$0x1] =	stream.indirect_vreg.gather [hbm4b:s10+s7], $0x80, v4, vm0, $0xb8;
	[tilespmem:$0x1C200] =	vst v63  }
0x37b: {  	s17 =	simm.s32 $0x9200;
	v3 =	vadd.s32 v1, v3  }
0x37c: {  	[tilespmem:s17], [sflag:$0x1] =	stream.indirect_vreg.gather [hbm4b:s11+s7], $0x80, v4, vm0, $0xb8;
	[tilespmem:$0x1C200] =	vst v63  }
0x37d: {  	s21 =	simm.s32 $0x9A00  }
0x37e: {  	[tilespmem:s21], [sflag:$0x1] =	stream.indirect_vreg.gather [hbm4b:s12+s7], $0x80, v4, vm0, $0xb8;
	[tilespmem:$0x1C200] =	vst v63  }
0x37f: {  	s23 =	simm.s32 $0xA200  }
0x380: {  	[tilespmem:s23], [sflag:$0x1] =	stream.indirect_vreg.gather [hbm4b:s1+s7], $0x80, v3, vm0, $0xb8;
	[tilespmem:$0x1C200] =	vst v63  }
0x381: {  	s24 =	simm.s32 $0xAA00  }
0x382: {  	[tilespmem:s24], [sflag:$0x1] =	stream.indirect_vreg.gather [hbm4b:s10+s7], $0x80, v3, vm0, $0xb8;
	[tilespmem:$0x1C200] =	vst v63  }
0x383: {  	s25 =	simm.s32 $0xB200  }
0x384: {  	[tilespmem:s25], [sflag:$0x1] =	stream.indirect_vreg.gather [hbm4b:s11+s7], $0x80, v3, vm0, $0xb8;
	[tilespmem:$0x1C200] =	vst v63  }
0x385: {  	s26 =	simm.s32 $0xBA00;
	s29 =	simm.s32 $0xC  }
0x386: {  	[tilespmem:s26], [sflag:$0x1] =	stream.indirect_vreg.gather [hbm4b:s12+s7], $0x80, v3, vm0, $0xb8;
	[tilespmem:$0x1C200] =	vst v63  }
0x387: {  	_ =	swait.ge [sflag:s29], $0x4000  }
0x388: {  	[sflag:s29] =	ssyncset.done $0x0  }
0x389: {  	s30 =	simm.s32 $0x3;
	[sflag:s29] =	ssyncadd.s32 $0xFFFFC000  }
0x38a: {  	_ =	swait.ge [sflag:s30], $0x4000  }
0x38b: {  	[sflag:s30] =	ssyncset.done $0x0  }
0x38c: {  	s5 =	simm.s32 $0x0;
	[sflag:s30] =	ssyncadd.s32 $0xFFFFC000  }
.LBB2_50:
0x38d: {  	s0 =	sshll.u32 s5, $0xA;
	s2 =	sshll.u32 s5, $0x7  }
0x38e: {  	s0 =	sand.u32 $0x2000, s0;
	s2 =	sand.u32 $0x380, s2  }
0x38f: {  	s23 =	simm.s32 $0x0;
	s0 =	sor.u32 s2, s0  }
0x390: {  	s13 =	sand.u32 $0x1C00, s7;
	s2 =	sand.u32 $0x40, s23;
	s8 =	sadd.s32 $0x4200, s0  }
0x391: {  	s15 =	sor.u32 $0x10, s2;
	s14 =	sadd.s32 s13, s8  }
0x392: {  	s16 =	sor.u32 $0x20, s2;
	s9 =	sadd.s32 s15, s14  }
0x393: {  	s17 =	sor.u32 $0x30, s2;
	s24 =	sadd.s32 s16, s14;
	v4 =	vld [tilespmem:s9+$0x0]  }
0x394: {  	s21 =	sadd.s32 s17, s14;
	v5 =	vld [tilespmem:s24+$0x0]  }
0x395: {  	s9 =	sadd.s32 $0x10200, s0;
	v6 =	vld [tilespmem:s21+$0x0]  }
0x396: {  	s25 =	sadd.s32 s2, s14;
	s13 =	sadd.s32 s13, s9  }
0x397: {  	s14 =	simm.s32 $0x40;
	v3 =	vld [tilespmem:s25+$0x0];
	s26 =	sadd.s32 s15, s13;
	s15 =	simm.s32 $0x200  }
0x398: {  	s23 =	sand.u32 $0x40, s14;
	s29 =	sadd.s32 s16, s13;
	s16 =	sand.u32 $0x1C00, s15;
	[tilespmem:s26+$0x0] =	vst.add.f32.msk $0xffff, v4  }
0x399: {  	s24 =	sor.u32 $0x10, s23;
	s17 =	sadd.s32 s17, s13;
	s21 =	sadd.s32 s16, s8;
	[tilespmem:s29+$0x0] =	vst.add.f32.msk $0xffff, v5  }
0x39a: {  	s25 =	sor.u32 $0x20, s23;
	s30 =	sadd.s32 s24, s21;
	[tilespmem:s17+$0x0] =	vst.add.f32.msk $0xffff, v6  }
0x39b: {  	s29 =	sor.u32 $0x30, s23;
	s26 =	sadd.s32 s25, s21;
	v4 =	vld [tilespmem:s30+$0x0]  }
0x39c: {  	s30 =	sadd.s32 s16, s9;
	v5 =	vld [tilespmem:s26+$0x0];
	s17 =	sadd.s32 s29, s21  }
0x39d: {  	s16 =	sadd.s32 s2, s13;
	s21 =	sadd.s32 s23, s21;
	s13 =	sadd.s32 s24, s30;
	v7 =	vld [tilespmem:s17+$0x0]  }
0x39e: {  	s17 =	sadd.s32 s25, s30;
	s26 =	sadd.s32 s23, s30;
	s25 =	sadd.s32 s29, s30;
	v6 =	vld [tilespmem:s21+$0x0]  }
.LBB2_51:
0x39f: {  	s14 =	sadd.s32 $0x40, s14;
	s15 =	sadd.s32 $0x200, s15;
	[tilespmem:s16+$0x0] =	vst.add.f32.msk $0xffff, v3;
	s16 =	smov.u32 s26  }
0x3a0: {  	s0 =	sand.u32 $0x40, s14;
	s2 =	sand.u32 $0x1C00, s15;
	p0 =	slt.u32 s14, $0x3C0;
	[tilespmem:s13+$0x0] =	vst.add.f32.msk $0xffff, v4  }
0x3a1: {  	s21 =	sadd.s32 s2, s8;
	s13 =	sor.u32 $0x10, s0;
	s23 =	sor.u32 $0x30, s0;
	[tilespmem:s17+$0x0] =	vst.add.f32.msk $0xffff, v5  }
.Ltmp24:
0x3a2: {  	s24 =	sor.u32 $0x20, s0;
	s17 =	sadd.s32 s13, s21;
	[tilespmem:s25+$0x0] =	vst.add.f32.msk $0xffff, v7;
	(pc) =	sbr.rel @p0 .LBB2_51-.Ltmp24, $4  }
0x3a3: {  	s2 =	sadd.s32 s2, s9;
	s29 =	sadd.s32 s0, s21;
	v4 =	vld [tilespmem:s17+$0x0];
	s17 =	sadd.s32 s24, s21;
	v3 =	vmov v6  }
0x3a4: {  	s13 =	sadd.s32 s13, s2;
	s21 =	sadd.s32 s23, s21;
	v5 =	vld [tilespmem:s17+$0x0];
	s17 =	sadd.s32 s24, s2  }
0x3a5: {  	s26 =	sadd.s32 s0, s2;
	s25 =	sadd.s32 s23, s2;
	v7 =	vld [tilespmem:s21+$0x0]  }
0x3a6: {  	v6 =	vld [tilespmem:s29+$0x0]  }
0x3a7: {  	s5 =	sadd.s32 $0x1, s5  }
0x3a8: {  	p0 =	sne.s32 s5, $0x10  }
.Ltmp25:
0x3a9: {  	[tilespmem:s16+$0x0] =	vst.add.f32.msk $0xffff, v3;
	(pc) =	sbr.rel @p0 .LBB2_50-.Ltmp25, $4  }
0x3aa: {  	[tilespmem:s13+$0x0] =	vst.add.f32.msk $0xffff, v4  }
0x3ab: {  	[tilespmem:s17+$0x0] =	vst.add.f32.msk $0xffff, v5  }
0x3ac: {  	[tilespmem:s25+$0x0] =	vst.add.f32.msk $0xffff, v7  }
0x3ad: {  	[tilespmem:s26+$0x0] =	vst.add.f32.msk $0xffff, v6  }
0x3ae: {  	s7 =	simm.s32 $0x0  }
0x3af: {  	s0 =	rddreg [dreg:$0x15];
	s2 =	simm.s32 $0x10200;
	s30 =	simm.s32 $0x4  }
0x3b0: {  	[hbm4b:s0+s7] =	stream.linear.scatter [tilespmem:s2], [sflag:$0x8], $0x4000, $0x38;
	[tilespmem:$0x1C200] =	vst v63  }
0x3b1: {  	_ =	swait.ge [sflag:s30], $0x4000  }
0x3b2: {  	[sflag:s30] =	ssyncset.done $0x0  }
0x3b3: {  	s5 =	simm.s32 $0x0;
	[sflag:s30] =	ssyncadd.s32 $0xFFFFC000  }
.LBB2_54:
0x3b4: {  	s0 =	sshll.u32 s5, $0xA;
	s2 =	sshll.u32 s5, $0x7  }
0x3b5: {  	s0 =	sand.u32 $0x2000, s0;
	s2 =	sand.u32 $0x380, s2  }
0x3b6: {  	s23 =	simm.s32 $0x0;
	s0 =	sor.u32 s2, s0  }
0x3b7: {  	s13 =	sand.u32 $0x1C00, s7;
	s2 =	sand.u32 $0x40, s23;
	s8 =	sadd.s32 $0x4200, s0  }
0x3b8: {  	s15 =	sor.u32 $0x10, s2;
	s14 =	sadd.s32 s13, s8  }
0x3b9: {  	s16 =	sor.u32 $0x20, s2;
	s9 =	sadd.s32 s15, s14  }
0x3ba: {  	s17 =	sor.u32 $0x30, s2;
	s24 =	sadd.s32 s16, s14;
	v4 =	vld [tilespmem:s9+$0x0]  }
0x3bb: {  	s21 =	sadd.s32 s17, s14;
	v5 =	vld [tilespmem:s24+$0x0]  }
0x3bc: {  	s9 =	sadd.s32 $0x14200, s0;
	v6 =	vld [tilespmem:s21+$0x0]  }
0x3bd: {  	s25 =	sadd.s32 s2, s14;
	s13 =	sadd.s32 s13, s9  }
0x3be: {  	s14 =	simm.s32 $0x40;
	v3 =	vld [tilespmem:s25+$0x0];
	s26 =	sadd.s32 s15, s13;
	s15 =	simm.s32 $0x200  }
0x3bf: {  	s23 =	sand.u32 $0x40, s14;
	s29 =	sadd.s32 s16, s13;
	s16 =	sand.u32 $0x1C00, s15;
	[tilespmem:s26+$0x0] =	vst.add.f32.msk $0xffff, v4  }
0x3c0: {  	s24 =	sor.u32 $0x10, s23;
	s17 =	sadd.s32 s17, s13;
	s21 =	sadd.s32 s16, s8;
	[tilespmem:s29+$0x0] =	vst.add.f32.msk $0xffff, v5  }
0x3c1: {  	s25 =	sor.u32 $0x20, s23;
	s30 =	sadd.s32 s24, s21;
	[tilespmem:s17+$0x0] =	vst.add.f32.msk $0xffff, v6  }
0x3c2: {  	s29 =	sor.u32 $0x30, s23;
	s26 =	sadd.s32 s25, s21;
	v4 =	vld [tilespmem:s30+$0x0]  }
0x3c3: {  	s30 =	sadd.s32 s16, s9;
	v5 =	vld [tilespmem:s26+$0x0];
	s17 =	sadd.s32 s29, s21  }
0x3c4: {  	s16 =	sadd.s32 s2, s13;
	s21 =	sadd.s32 s23, s21;
	s13 =	sadd.s32 s24, s30;
	v7 =	vld [tilespmem:s17+$0x0]  }
0x3c5: {  	s17 =	sadd.s32 s25, s30;
	s26 =	sadd.s32 s23, s30;
	s25 =	sadd.s32 s29, s30;
	v6 =	vld [tilespmem:s21+$0x0]  }
.LBB2_55:
0x3c6: {  	s14 =	sadd.s32 $0x40, s14;
	s15 =	sadd.s32 $0x200, s15;
	[tilespmem:s16+$0x0] =	vst.add.f32.msk $0xffff, v3;
	s16 =	smov.u32 s26  }
0x3c7: {  	s0 =	sand.u32 $0x40, s14;
	s2 =	sand.u32 $0x1C00, s15;
	p0 =	slt.u32 s14, $0x3C0;
	[tilespmem:s13+$0x0] =	vst.add.f32.msk $0xffff, v4  }
0x3c8: {  	s21 =	sadd.s32 s2, s8;
	s13 =	sor.u32 $0x10, s0;
	s23 =	sor.u32 $0x30, s0;
	[tilespmem:s17+$0x0] =	vst.add.f32.msk $0xffff, v5  }
.Ltmp26:
0x3c9: {  	s24 =	sor.u32 $0x20, s0;
	s17 =	sadd.s32 s13, s21;
	[tilespmem:s25+$0x0] =	vst.add.f32.msk $0xffff, v7;
	(pc) =	sbr.rel @p0 .LBB2_55-.Ltmp26, $4  }
0x3ca: {  	s2 =	sadd.s32 s2, s9;
	s29 =	sadd.s32 s0, s21;
	v4 =	vld [tilespmem:s17+$0x0];
	s17 =	sadd.s32 s24, s21;
	v3 =	vmov v6  }
0x3cb: {  	s13 =	sadd.s32 s13, s2;
	s21 =	sadd.s32 s23, s21;
	v5 =	vld [tilespmem:s17+$0x0];
	s17 =	sadd.s32 s24, s2  }
0x3cc: {  	s26 =	sadd.s32 s0, s2;
	s25 =	sadd.s32 s23, s2;
	v7 =	vld [tilespmem:s21+$0x0]  }
0x3cd: {  	v6 =	vld [tilespmem:s29+$0x0]  }
0x3ce: {  	s5 =	sadd.s32 $0x1, s5  }
0x3cf: {  	p0 =	sne.s32 s5, $0x10  }
.Ltmp27:
0x3d0: {  	[tilespmem:s16+$0x0] =	vst.add.f32.msk $0xffff, v3;
	(pc) =	sbr.rel @p0 .LBB2_54-.Ltmp27, $4  }
0x3d1: {  	[tilespmem:s13+$0x0] =	vst.add.f32.msk $0xffff, v4  }
0x3d2: {  	[tilespmem:s17+$0x0] =	vst.add.f32.msk $0xffff, v5  }
0x3d3: {  	[tilespmem:s25+$0x0] =	vst.add.f32.msk $0xffff, v7  }
0x3d4: {  	[tilespmem:s26+$0x0] =	vst.add.f32.msk $0xffff, v6  }
0x3d5: {  	s7 =	simm.s32 $0x0;
	s0 =	rddreg [dreg:$0x1b];
	s2 =	simm.s32 $0x14200  }
0x3d6: {  	[hbm4b:s0+s7] =	stream.linear.scatter [tilespmem:s2], [sflag:$0x9], $0x4000, $0x38;
	[tilespmem:$0x1C200] =	vst v63  }
0x3d7: {  	_ =	swait.ge [sflag:s4], $0x4000  }
0x3d8: {  	[sflag:s4] =	ssyncset.done $0x0  }
0x3d9: {  	s5 =	simm.s32 $0x0;
	[sflag:s4] =	ssyncadd.s32 $0xFFFFC000  }
.LBB2_58:
0x3da: {  	s0 =	sshll.u32 s5, $0xA;
	s2 =	sshll.u32 s5, $0x7  }
0x3db: {  	s0 =	sand.u32 $0x2000, s0;
	s2 =	sand.u32 $0x380, s2  }
0x3dc: {  	s23 =	simm.s32 $0x0;
	s0 =	sor.u32 s2, s0  }
0x3dd: {  	s13 =	sand.u32 $0x1C00, s7;
	s2 =	sand.u32 $0x40, s23;
	s8 =	sadd.s32 $0x4200, s0  }
0x3de: {  	s15 =	sor.u32 $0x10, s2;
	s14 =	sadd.s32 s13, s8  }
0x3df: {  	s16 =	sor.u32 $0x20, s2;
	s9 =	sadd.s32 s15, s14  }
0x3e0: {  	s17 =	sor.u32 $0x30, s2;
	s24 =	sadd.s32 s16, s14;
	v4 =	vld [tilespmem:s9+$0x0]  }
0x3e1: {  	s21 =	sadd.s32 s17, s14;
	v5 =	vld [tilespmem:s24+$0x0]  }
0x3e2: {  	s9 =	sadd.s32 $0x18200, s0;
	v6 =	vld [tilespmem:s21+$0x0]  }
0x3e3: {  	s25 =	sadd.s32 s2, s14;
	s13 =	sadd.s32 s13, s9  }
0x3e4: {  	s14 =	simm.s32 $0x40;
	v3 =	vld [tilespmem:s25+$0x0];
	s26 =	sadd.s32 s15, s13;
	s15 =	simm.s32 $0x200  }
0x3e5: {  	s23 =	sand.u32 $0x40, s14;
	s29 =	sadd.s32 s16, s13;
	s16 =	sand.u32 $0x1C00, s15;
	[tilespmem:s26+$0x0] =	vst.add.f32.msk $0xffff, v4  }
0x3e6: {  	s24 =	sor.u32 $0x10, s23;
	s17 =	sadd.s32 s17, s13;
	s21 =	sadd.s32 s16, s8;
	[tilespmem:s29+$0x0] =	vst.add.f32.msk $0xffff, v5  }
0x3e7: {  	s25 =	sor.u32 $0x20, s23;
	s30 =	sadd.s32 s24, s21;
	[tilespmem:s17+$0x0] =	vst.add.f32.msk $0xffff, v6  }
0x3e8: {  	s29 =	sor.u32 $0x30, s23;
	s26 =	sadd.s32 s25, s21;
	v4 =	vld [tilespmem:s30+$0x0]  }
0x3e9: {  	s30 =	sadd.s32 s16, s9;
	v5 =	vld [tilespmem:s26+$0x0];
	s17 =	sadd.s32 s29, s21  }
0x3ea: {  	s16 =	sadd.s32 s2, s13;
	s21 =	sadd.s32 s23, s21;
	s13 =	sadd.s32 s24, s30;
	v7 =	vld [tilespmem:s17+$0x0]  }
0x3eb: {  	s17 =	sadd.s32 s25, s30;
	s26 =	sadd.s32 s23, s30;
	s25 =	sadd.s32 s29, s30;
	v6 =	vld [tilespmem:s21+$0x0]  }
.LBB2_59:
0x3ec: {  	s14 =	sadd.s32 $0x40, s14;
	s15 =	sadd.s32 $0x200, s15;
	[tilespmem:s16+$0x0] =	vst.add.f32.msk $0xffff, v3;
	s16 =	smov.u32 s26  }
0x3ed: {  	s0 =	sand.u32 $0x40, s14;
	s2 =	sand.u32 $0x1C00, s15;
	p0 =	slt.u32 s14, $0x3C0;
	[tilespmem:s13+$0x0] =	vst.add.f32.msk $0xffff, v4  }
0x3ee: {  	s21 =	sadd.s32 s2, s8;
	s13 =	sor.u32 $0x10, s0;
	s23 =	sor.u32 $0x30, s0;
	[tilespmem:s17+$0x0] =	vst.add.f32.msk $0xffff, v5  }
.Ltmp28:
0x3ef: {  	s24 =	sor.u32 $0x20, s0;
	s17 =	sadd.s32 s13, s21;
	[tilespmem:s25+$0x0] =	vst.add.f32.msk $0xffff, v7;
	(pc) =	sbr.rel @p0 .LBB2_59-.Ltmp28, $4  }
0x3f0: {  	s2 =	sadd.s32 s2, s9;
	s29 =	sadd.s32 s0, s21;
	v4 =	vld [tilespmem:s17+$0x0];
	s17 =	sadd.s32 s24, s21;
	v3 =	vmov v6  }
0x3f1: {  	s13 =	sadd.s32 s13, s2;
	s21 =	sadd.s32 s23, s21;
	v5 =	vld [tilespmem:s17+$0x0];
	s17 =	sadd.s32 s24, s2  }
0x3f2: {  	s26 =	sadd.s32 s0, s2;
	s25 =	sadd.s32 s23, s2;
	v7 =	vld [tilespmem:s21+$0x0]  }
0x3f3: {  	v6 =	vld [tilespmem:s29+$0x0]  }
0x3f4: {  	s5 =	sadd.s32 $0x1, s5  }
0x3f5: {  	p0 =	sne.s32 s5, $0x10  }
.Ltmp29:
0x3f6: {  	[tilespmem:s16+$0x0] =	vst.add.f32.msk $0xffff, v3;
	(pc) =	sbr.rel @p0 .LBB2_58-.Ltmp29, $4  }
0x3f7: {  	[tilespmem:s13+$0x0] =	vst.add.f32.msk $0xffff, v4  }
0x3f8: {  	[tilespmem:s17+$0x0] =	vst.add.f32.msk $0xffff, v5  }
0x3f9: {  	[tilespmem:s25+$0x0] =	vst.add.f32.msk $0xffff, v7  }
0x3fa: {  	[tilespmem:s26+$0x0] =	vst.add.f32.msk $0xffff, v6  }
0x3fb: {  	s7 =	simm.s32 $0x0;
	s0 =	rddreg [dreg:$0x1c];
	s2 =	simm.s32 $0x18200  }
0x3fc: {  	[hbm4b:s0+s7] =	stream.linear.scatter [tilespmem:s2], [sflag:$0xA], $0x4000, $0x38;
	[tilespmem:$0x1C200] =	vst v63  }
0x3fd: {  	_ =	swait.ge [sflag:s28], $0x4000  }
0x3fe: {  	[sflag:s28] =	ssyncset.done $0x0  }
0x3ff: {  	s5 =	simm.s32 $0x0;
	[sflag:s28] =	ssyncadd.s32 $0xFFFFC000  }
.LBB2_62:
0x400: {  	s0 =	sshll.u32 s5, $0xA;
	s2 =	sshll.u32 s5, $0x7  }
0x401: {  	s0 =	sand.u32 $0x2000, s0;
	s2 =	sand.u32 $0x380, s2  }
0x402: {  	s23 =	simm.s32 $0x0;
	s0 =	sor.u32 s2, s0  }
0x403: {  	s13 =	sand.u32 $0x1C00, s7;
	s2 =	sand.u32 $0x40, s23;
	s8 =	sadd.s32 $0x4200, s0  }
0x404: {  	s15 =	sor.u32 $0x10, s2;
	s14 =	sadd.s32 s13, s8  }
0x405: {  	s16 =	sor.u32 $0x20, s2;
	s9 =	sadd.s32 s15, s14  }
0x406: {  	s17 =	sor.u32 $0x30, s2;
	s24 =	sadd.s32 s16, s14;
	v4 =	vld [tilespmem:s9+$0x0]  }
0x407: {  	s21 =	sadd.s32 s17, s14;
	v5 =	vld [tilespmem:s24+$0x0]  }
0x408: {  	s9 =	sadd.s32 $0x8200, s0;
	v6 =	vld [tilespmem:s21+$0x0]  }
0x409: {  	s25 =	sadd.s32 s2, s14;
	s13 =	sadd.s32 s13, s9  }
0x40a: {  	s14 =	simm.s32 $0x40;
	v3 =	vld [tilespmem:s25+$0x0];
	s26 =	sadd.s32 s15, s13;
	s15 =	simm.s32 $0x200  }
0x40b: {  	s23 =	sand.u32 $0x40, s14;
	s29 =	sadd.s32 s16, s13;
	s16 =	sand.u32 $0x1C00, s15;
	[tilespmem:s26+$0x0] =	vst.add.f32.msk $0xffff, v4  }
0x40c: {  	s24 =	sor.u32 $0x10, s23;
	s17 =	sadd.s32 s17, s13;
	s21 =	sadd.s32 s16, s8;
	[tilespmem:s29+$0x0] =	vst.add.f32.msk $0xffff, v5  }
0x40d: {  	s25 =	sor.u32 $0x20, s23;
	s30 =	sadd.s32 s24, s21;
	[tilespmem:s17+$0x0] =	vst.add.f32.msk $0xffff, v6  }
0x40e: {  	s29 =	sor.u32 $0x30, s23;
	s26 =	sadd.s32 s25, s21;
	v4 =	vld [tilespmem:s30+$0x0]  }
0x40f: {  	s30 =	sadd.s32 s16, s9;
	v5 =	vld [tilespmem:s26+$0x0];
	s17 =	sadd.s32 s29, s21  }
0x410: {  	s16 =	sadd.s32 s2, s13;
	s21 =	sadd.s32 s23, s21;
	s13 =	sadd.s32 s24, s30;
	v7 =	vld [tilespmem:s17+$0x0]  }
0x411: {  	s17 =	sadd.s32 s25, s30;
	s26 =	sadd.s32 s23, s30;
	s25 =	sadd.s32 s29, s30;
	v6 =	vld [tilespmem:s21+$0x0]  }
.LBB2_63:
0x412: {  	s14 =	sadd.s32 $0x40, s14;
	s15 =	sadd.s32 $0x200, s15;
	[tilespmem:s16+$0x0] =	vst.add.f32.msk $0xffff, v3;
	s16 =	smov.u32 s26  }
0x413: {  	s0 =	sand.u32 $0x40, s14;
	s2 =	sand.u32 $0x1C00, s15;
	p0 =	slt.u32 s14, $0x3C0;
	[tilespmem:s13+$0x0] =	vst.add.f32.msk $0xffff, v4  }
0x414: {  	s21 =	sadd.s32 s2, s8;
	s13 =	sor.u32 $0x10, s0;
	s23 =	sor.u32 $0x30, s0;
	[tilespmem:s17+$0x0] =	vst.add.f32.msk $0xffff, v5  }
.Ltmp30:
0x415: {  	s24 =	sor.u32 $0x20, s0;
	s17 =	sadd.s32 s13, s21;
	[tilespmem:s25+$0x0] =	vst.add.f32.msk $0xffff, v7;
	(pc) =	sbr.rel @p0 .LBB2_63-.Ltmp30, $4  }
0x416: {  	s2 =	sadd.s32 s2, s9;
	s29 =	sadd.s32 s0, s21;
	v4 =	vld [tilespmem:s17+$0x0];
	s17 =	sadd.s32 s24, s21;
	v3 =	vmov v6  }
0x417: {  	s13 =	sadd.s32 s13, s2;
	s21 =	sadd.s32 s23, s21;
	v5 =	vld [tilespmem:s17+$0x0];
	s17 =	sadd.s32 s24, s2  }
0x418: {  	s26 =	sadd.s32 s0, s2;
	s25 =	sadd.s32 s23, s2;
	v7 =	vld [tilespmem:s21+$0x0]  }
0x419: {  	v6 =	vld [tilespmem:s29+$0x0]  }
0x41a: {  	s5 =	sadd.s32 $0x1, s5  }
0x41b: {  	p0 =	sne.s32 s5, $0x10  }
.Ltmp31:
0x41c: {  	[tilespmem:s16+$0x0] =	vst.add.f32.msk $0xffff, v3;
	(pc) =	sbr.rel @p0 .LBB2_62-.Ltmp31, $4  }
0x41d: {  	[tilespmem:s13+$0x0] =	vst.add.f32.msk $0xffff, v4  }
0x41e: {  	[tilespmem:s17+$0x0] =	vst.add.f32.msk $0xffff, v5  }
0x41f: {  	[tilespmem:s25+$0x0] =	vst.add.f32.msk $0xffff, v7  }
0x420: {  	[tilespmem:s26+$0x0] =	vst.add.f32.msk $0xffff, v6  }
0x421: {  	s0 =	rddreg [dreg:$0x1d];
	s30 =	simm.s32 $0x8200;
	s25 =	simm.s32 $0x7  }
0x422: {  	[hbm4b:s0+s3] =	stream.linear.scatter [tilespmem:s30], [sflag:$0x6], $0x4000, $0x38;
	[tilespmem:$0x1C200] =	vst v63  }
0x423: {  	_ =	swait.ge [sflag:s25], $0x4000  }
0x424: {  	[sflag:s25] =	ssyncset.done $0x0  }
0x425: {  	s26 =	simm.s32 $0x8;
	[sflag:s25] =	ssyncadd.s32 $0xFFFFC000  }
0x426: {  	_ =	swait.ge [sflag:s26], $0x4000  }
0x427: {  	[sflag:s26] =	ssyncset.done $0x0  }
0x428: {  	[sflag:s26] =	ssyncadd.s32 $0xFFFFC000  }
0x429: {  	_ =	swait.ge [sflag:s18], $0x4000  }
0x42a: {  	[sflag:s18] =	ssyncset.done $0x0  }
0x42b: {  	[sflag:s18] =	ssyncadd.s32 $0xFFFFC000  }
0x42c: {  	_ =	swait.ge [sflag:s19], $0x4000  }
0x42d: {  	[sflag:s19] =	ssyncset.done $0x0  }
0x42e: {  	[sflag:s19] =	ssyncadd.s32 $0xFFFFC000  }
0x42f: {  	_ =	swait.ge [sflag:s22], $0x4000  }
0x430: {  	s20 =	sadd.s32 $0x1, s20;
	s29 =	rddreg [dreg:$0x17]  }
0x431: {  	p0 =	sne.s32 s20, s29  }
.Ltmp32:
0x432: {  	_ = 	snop;
	(pc) =	sbr.rel @p0 .LBB2_1-.Ltmp32, $3  }
0x433: {  	_ =	sdelay $0x1  }
0x434: {  	[sflag:s22] =	ssyncset.done $0x0  }
0x435: {  	[sflag:s22] =	ssyncadd.s32 $0xFFFFC000  }
0x436: {  	_ =	sfence.sel $0x180000  }
0x437: {  	[bflag:$0x0] =	sbarrier.arrive $0xFFFF  }
0x438: {  	_ =	strace $0x90000047  }
0x439: {  	s0 =	stileid.u32;
	[bflag:$0x2] =	sbarrier.arrive $0xFFFF  }
0x43a: {  	p0 =	sne.s32 s0, $0x0;
	s0 =	rddreg [dreg:$0x4]  }
0x43b: {  	s0 =	sadd.s32 @!p0 $0x100000, s0  }
0x43c: {  	[sflag:s0] =	ssyncadd.tile.s32 @!p0 $0x1;
	_ =	shalt  }
.Lfunc_end2:
_tile_overlayer_lowered:
.L_overlay_start_2:
0x43d: {  	(tag) =	ssettag $0x2  }
0x43e: {  	s0 =	rddreg [dreg:$0x0];
	s2 =	stileid.u32  }
0x43f: {  	s1 =	rddreg [dreg:$0x1];
	p0 =	sne.s32 s2, $0x0  }
0x440: {  	s3 =	rddreg [dreg:$0x2];
	[bflag:$0x3] =	sbarrier.arrive $0xFFFF;
	s2 =	simm.s32 @!p0 $0x1C0E  }
0x441: {  	[timem:s3], [sflag:s2] =	dma.local @!p0 [hbm:s0], s1  }
0x442: {  	s0 =	simm.s32 @!p0 $0xE  }
0x443: {  	_ =	swait.ge @!p0 [sflag:s0], s1  }
0x444: {  	s1 =	ssub.s32 @!p0 $0x0, s1;
	[sflag:s0] =	ssyncset.done @!p0 $0x0  }
0x445: {  	[sflag:s0] =	ssyncadd.s32 @!p0 s1  }
0x446: {  	[bflag:$0x3] =	sbarrier.arrive $0xFFFF  }
0x447: {  	_ =	shalt  }

</sc_bundles>
